<compile_context>
chip_gen: v7x
topology: tpu7x:2x2x1
jax: 0.10.2.dev20260603
libtpu: 0.0.44.dev20260713+nightly
codegen_flags: <defaults>
</compile_context>

<pallas_src>
import functools

import jax
import jax.numpy as jnp
from jax import lax
from jax.experimental import pallas as pl
from jax.experimental.pallas import tpu as pltpu
from jax.experimental.pallas import tpu_sc as plsc

N = 10000
E = 320000
D = 128
LN_EPS = 1e-5

_BLK = 1000
_C = 40
_NW = 32
_EPT = E // _NW
_NCHUNK = _EPT // _C
_NZC = N // _C
_PLEN = 144


def _prep_body(x_ref, w1_ref, b1_ref, g1_ref, bb1_ref, we1t_ref, we1b_ref,
               be1_ref, ah_ref, b_ref):
    h0 = jnp.dot(x_ref[...], w1_ref[...],
                 preferred_element_type=jnp.float32) + b1_ref[...]
    m = jnp.mean(h0, axis=-1, keepdims=True)
    v = jnp.mean((h0 - m) ** 2, axis=-1, keepdims=True)
    h = jnp.maximum(
        (h0 - m) / jnp.sqrt(v + LN_EPS) * g1_ref[...] + bb1_ref[...], 0.0)
    ah_ref[:, 0:D] = jnp.dot(h, we1t_ref[...],
                             preferred_element_type=jnp.float32)
    ah_ref[:, D:2 * D] = h
    b_ref[...] = jnp.dot(h, we1b_ref[...],
                         preferred_element_type=jnp.float32) + be1_ref[...]


def _final_body(ah_ref, p_ref, wgt_ref, wgb_ref, bg_ref, gf_ref, bf_ref,
                o_ref):
    h = ah_ref[:, D:2 * D]
    aggr = p_ref[0] + p_ref[1]
    g = (jnp.dot(h, wgt_ref[...], preferred_element_type=jnp.float32)
         + jnp.dot(aggr, wgb_ref[...], preferred_element_type=jnp.float32)
         + bg_ref[...])
    gate = 1.0 / (1.0 + jnp.exp(-g))
    hn = gate * aggr + (1.0 - gate) * h
    m = jnp.mean(hn, axis=-1, keepdims=True)
    v = jnp.mean((hn - m) ** 2, axis=-1, keepdims=True)
    o_ref[...] = (hn - m) / jnp.sqrt(v + LN_EPS) * gf_ref[...] + bf_ref[...]


@functools.partial(
    pl.kernel,
    mesh=plsc.VectorSubcoreMesh(core_axis_name="c", subcore_axis_name="s"),
    out_type=jax.ShapeDtypeStruct((2, N, D), jnp.float32),
    scratch_types=[
        pltpu.VMEM((2, _C), jnp.int32),
        pltpu.VMEM((2, _C), jnp.int32),
        pltpu.VMEM((2, _C), jnp.int32),
        pltpu.VMEM((_C, 2 * D), jnp.float32),
        pltpu.VMEM((_C, 2 * D), jnp.float32),
        pltpu.VMEM((_C, D), jnp.float32),
        pltpu.VMEM((_C, D), jnp.float32),
        pltpu.VMEM((_C, D), jnp.float32),
        pltpu.VMEM((_C, D), jnp.float32),
        pltpu.VMEM((_PLEN,), jnp.float32),
        pltpu.VMEM_SHARED((N, D), jnp.float32),
        pltpu.SemaphoreType.DMA,
        pltpu.SemaphoreType.DMA,
        pltpu.SemaphoreType.DMA,
        pltpu.SemaphoreType.DMA,
        pltpu.SemaphoreType.DMA,
        pltpu.SemaphoreType.DMA,
        pltpu.SemaphoreType.DMA,
        pltpu.SemaphoreType.DMA,
        pltpu.SemaphoreType.DMA,
        pltpu.SemaphoreType.DMA,
    ],
)
def _edge_kernel(row_hbm, col_hbm, ah_hbm, b_hbm, par_hbm, out_hbm,
                 rowv, colv, scol, ah0, ah1, bb0, bb1, sc0, sc1, par_buf,
                 aggr, ga0, ga1, gb0, gb1, ss0, ss1, ia0, ia1, ib0, ib1):
    cid = lax.axis_index("c")
    sid = lax.axis_index("s")
    wid = cid * 16 + sid
    ah = (ah0, ah1)
    bb = (bb0, bb1)
    sc = (sc0, sc1)
    ga = (ga0, ga1)
    gb = (gb0, gb1)
    ss = (ss0, ss1)
    ia = (ia0, ia1)
    ib = (ib0, ib1)

    pltpu.sync_copy(par_hbm, par_buf)

    zv = jnp.zeros((16,), jnp.float32)

    def _zrow(r, carry):
        for j in range(D // 16):
            sc0[r, pl.ds(16 * j, 16)] = zv
        return carry

    lax.fori_loop(0, _C, _zrow, 0)
    for k in range((_NZC + 15) // 16):
        ci = sid + 16 * k

        @pl.when(ci < _NZC)
        def _():
            pltpu.sync_copy(sc0, aggr.at[pl.ds(ci * _C, _C)])

    plsc.subcore_barrier()

    e0 = wid * _EPT

    def _issue_gather(p, kk):
        base = e0 + kk * _C
        pltpu.sync_copy(row_hbm.at[pl.ds(base, _C)], rowv.at[p])
        pltpu.sync_copy(col_hbm.at[pl.ds(base, _C)], colv.at[p])
        pltpu.async_copy(ah_hbm.at[rowv.at[p]], ah[p], ga[p])
        pltpu.async_copy(b_hbm.at[colv.at[p]], bb[p], gb[p])

    def _compute(p):
        ahp, bbp, scp = ah[p], bb[p], sc[p]
        lanes = lax.iota(jnp.int32, 16)

        @plsc.parallel_loop(0, _C, unroll=20)
        def _edge(e):
            acc = par_buf[pl.ds(D, 16)]
            for j in range(D // 16):
                a = ahp[e, pl.ds(16 * j, 16)]
                b = bbp[e, pl.ds(16 * j, 16)]
                t = jnp.maximum(a + b, 0.0)
                acc = acc + t * par_buf[pl.ds(16 * j, 16)]
            for sh in (8, 4, 2, 1):
                acc = acc + acc.at[lanes ^ sh].get(mode="promise_in_bounds")
            wv = 1.0 / (1.0 + jnp.exp(-acc))
            for j in range(D // 16):
                scp[e, pl.ds(16 * j, 16)] = (
                    ahp[e, pl.ds(D + 16 * j, 16)] * wv)

    _issue_gather(0, 0)
    _issue_gather(1, 1)

    def _outer(i, carry):
        for p in (0, 1):
            k = 2 * i + p

            @pl.when(k >= 2)
            def _():
                pltpu.make_async_copy(sc[p], aggr.at[scol.at[p]],
                                      ss[p]).wait()

            pltpu.make_async_copy(ah_hbm.at[rowv.at[p]], ah[p], ga[p]).wait()
            pltpu.make_async_copy(b_hbm.at[colv.at[p]], bb[p], gb[p]).wait()
            for off in (0, 16, 24):
                scol[p, pl.ds(off, 16)] = colv[p, pl.ds(off, 16)]

            @pl.when(k + 2 < _NCHUNK)
            def _():
                base = e0 + (k + 2) * _C
                pltpu.async_copy(row_hbm.at[pl.ds(base, _C)], rowv.at[p],
                                 ia[p])
                pltpu.async_copy(col_hbm.at[pl.ds(base, _C)], colv.at[p],
                                 ib[p])

            _compute(p)
            pltpu.async_copy(sc[p], aggr.at[scol.at[p]], ss[p], add=True)

            @pl.when(k + 2 < _NCHUNK)
            def _():
                base = e0 + (k + 2) * _C
                pltpu.make_async_copy(row_hbm.at[pl.ds(base, _C)],
                                      rowv.at[p], ia[p]).wait()
                pltpu.make_async_copy(col_hbm.at[pl.ds(base, _C)],
                                      colv.at[p], ib[p]).wait()
                pltpu.async_copy(ah_hbm.at[rowv.at[p]], ah[p], ga[p])
                pltpu.async_copy(b_hbm.at[colv.at[p]], bb[p], gb[p])
        return carry

    lax.fori_loop(0, _NCHUNK // 2, _outer, 0)
    for p in (0, 1):
        pltpu.make_async_copy(sc[p], aggr.at[scol.at[p]], ss[p]).wait()

    plsc.subcore_barrier()
    for k in range((_NZC + 15) // 16):
        ci = sid + 16 * k

        @pl.when(ci < _NZC)
        def _():
            r0 = ci * _C
            pltpu.sync_copy(aggr.at[pl.ds(r0, _C)],
                            out_hbm.at[cid, pl.ds(r0, _C)])


def kernel(x, edge_index, W1, b1, g1, bb1, We1, be1, We2, be2,
           Wn1, bn1, Wn2, bn2, Wg, bg, gf, bf):
    row = edge_index[0].astype(jnp.int32)
    col = edge_index[1].astype(jnp.int32)
    r1 = lambda a: a.reshape(1, D)

    ah, bt = pl.pallas_call(
        _prep_body,
        grid=(N // _BLK,),
        in_specs=[
            pl.BlockSpec((_BLK, D), lambda i: (i, 0)),
            pl.BlockSpec((D, D), lambda i: (0, 0)),
            pl.BlockSpec((1, D), lambda i: (0, 0)),
            pl.BlockSpec((1, D), lambda i: (0, 0)),
            pl.BlockSpec((1, D), lambda i: (0, 0)),
            pl.BlockSpec((D, D), lambda i: (0, 0)),
            pl.BlockSpec((D, D), lambda i: (0, 0)),
            pl.BlockSpec((1, D), lambda i: (0, 0)),
        ],
        out_specs=[
            pl.BlockSpec((_BLK, 2 * D), lambda i: (i, 0)),
            pl.BlockSpec((_BLK, D), lambda i: (i, 0)),
        ],
        out_shape=[
            jax.ShapeDtypeStruct((N, 2 * D), jnp.float32),
            jax.ShapeDtypeStruct((N, D), jnp.float32),
        ],
    )(x, W1, r1(b1), r1(g1), r1(bb1), We1[:D], We1[D:], r1(be1))

    params = jnp.concatenate(
        [We2[:, 0], be2, jnp.zeros((_PLEN - D - 1,), jnp.float32)])

    partials = _edge_kernel(row, col, ah, bt, params)

    out = pl.pallas_call(
        _final_body,
        grid=(N // _BLK,),
        in_specs=[
            pl.BlockSpec((_BLK, 2 * D), lambda i: (i, 0)),
            pl.BlockSpec((2, _BLK, D), lambda i: (0, i, 0)),
            pl.BlockSpec((D, D), lambda i: (0, 0)),
            pl.BlockSpec((D, D), lambda i: (0, 0)),
            pl.BlockSpec((1, D), lambda i: (0, 0)),
            pl.BlockSpec((1, D), lambda i: (0, 0)),
            pl.BlockSpec((1, D), lambda i: (0, 0)),
        ],
        out_specs=pl.BlockSpec((_BLK, D), lambda i: (i, 0)),
        out_shape=jax.ShapeDtypeStruct((N, D), jnp.float32),
    )(ah, partials, Wg[:D], Wg[D:], r1(bg), r1(gf), r1(bf))
    return out

# --- scband reference (transcript-rebuilt; emitter-appended) ---
"""Pipeline reference for scband-adaptive-graph-conv-32839319945340 (READ-ONLY COPY).

The authoritative reference and input builder live on the scoring server;
editing this copy changes nothing except your own understanding.
"""

import jax, jax.numpy as jnp
import numpy as np

N = 10000
E = 320000
D = 128


def _ln(x, g, b, eps=1e-5):
    m = jnp.mean(x, axis=-1, keepdims=True)
    v = jnp.mean((x - m) ** 2, axis=-1, keepdims=True)
    return (x - m) / jnp.sqrt(v + eps) * g + b


def setup_inputs(seed: int = 0) -> dict:
    key = jax.random.key(seed)
    ks = jax.random.split(key, 20)
    s = 1.0 / np.sqrt(D)
    x = jax.random.normal(ks[0], (N, D), jnp.float32)
    edge_index = jax.random.randint(ks[1], (2, E), 0, N)
    W1 = jax.random.normal(ks[2], (D, D), jnp.float32) * s
    b1 = jnp.zeros((D,), jnp.float32)
    g1 = jnp.ones((D,), jnp.float32)
    bb1 = jnp.zeros((D,), jnp.float32)
    We1 = jax.random.normal(ks[3], (2 * D, D), jnp.float32) * (1.0 / np.sqrt(2 * D))
    be1 = jnp.zeros((D,), jnp.float32)
    We2 = jax.random.normal(ks[4], (D, 1), jnp.float32) * s
    be2 = jnp.zeros((1,), jnp.float32)
    Wn1 = jax.random.normal(ks[5], (D, D), jnp.float32) * s
    bn1 = jnp.zeros((D,), jnp.float32)
    Wn2 = jax.random.normal(ks[6], (D, 1), jnp.float32) * s
    bn2 = jnp.zeros((1,), jnp.float32)
    Wg = jax.random.normal(ks[7], (2 * D, D), jnp.float32) * (1.0 / np.sqrt(2 * D))
    bg = jnp.zeros((D,), jnp.float32)
    gf = jnp.ones((D,), jnp.float32)
    bf = jnp.zeros((D,), jnp.float32)
    return {"x": x, "edge_index": edge_index, "W1": W1, "b1": b1, "g1": g1, "bb1": bb1,
            "We1": We1, "be1": be1, "We2": We2, "be2": be2,
            "Wn1": Wn1, "bn1": bn1, "Wn2": Wn2, "bn2": bn2,
            "Wg": Wg, "bg": bg, "gf": gf, "bf": bf}


def reference(x, edge_index, W1, b1, g1, bb1, We1, be1, We2, be2, Wn1, bn1, Wn2, bn2, Wg, bg, gf, bf):
    # transform: Linear -> LayerNorm -> ReLU (Dropout is identity in eval mode)
    h = jax.nn.relu(_ln(x @ W1 + b1, g1, bb1))
    row = edge_index[0]
    col = edge_index[1]
    # edge attention
    edge_features = jnp.concatenate([h[row], h[col]], axis=1)
    edge_weights = jax.nn.sigmoid(jax.nn.relu(edge_features @ We1 + be1) @ We2 + be2)[:, 0]
    # node attention (computed but unused downstream, as in original forward)
    node_weights = jax.nn.sigmoid(jax.nn.relu(h @ Wn1 + bn1) @ Wn2 + bn2)[:, 0]
    # scatter-add aggregation: aggr[dst] += edge_weights[i] * h[src]
    aggr = jnp.zeros_like(h).at[col].add(edge_weights[:, None] * h[row])
    gate_input = jnp.concatenate([h, aggr], axis=-1)
    update_gate = jax.nn.sigmoid(gate_input @ Wg + bg)
    h_new = update_gate * aggr + (1.0 - update_gate) * h
    h_new = _ln(h_new, gf, bf)
    return h_new

if __name__ == "__main__":
    import jax
    _d = setup_inputs()
    print(jax.jit(kernel)(*tuple(_d.values())))

</pallas_src>

<mosaic_0001>
#map = affine_map<(d0, d1) -> (0)>
#map1 = affine_map<(d0, d1) -> (0, 0)>
#map2 = affine_map<(d0, d1) -> (0, 0, 0)>
module attributes {stable_mosaic.version = 14 : i64} {
  func.func @_edge_kernel(%arg0: i32, %arg1: i32, %arg2: memref<320000xi32, #tpu.memory_space<hbm>>, %arg3: memref<320000xi32, #tpu.memory_space<hbm>>, %arg4: memref<10000x256xf32, #tpu.memory_space<hbm>>, %arg5: memref<10000x128xf32, #tpu.memory_space<hbm>>, %arg6: memref<144xf32, #tpu.memory_space<hbm>>, %arg7: memref<2x10000x128xf32, #tpu.memory_space<hbm>>, %arg8: memref<2x40xi32, #tpu.memory_space<vmem>>, %arg9: memref<2x40xi32, #tpu.memory_space<vmem>>, %arg10: memref<2x40xi32, #tpu.memory_space<vmem>>, %arg11: memref<40x256xf32, #tpu.memory_space<vmem>>, %arg12: memref<40x256xf32, #tpu.memory_space<vmem>>, %arg13: memref<40x128xf32, #tpu.memory_space<vmem>>, %arg14: memref<40x128xf32, #tpu.memory_space<vmem>>, %arg15: memref<40x128xf32, #tpu.memory_space<vmem>>, %arg16: memref<40x128xf32, #tpu.memory_space<vmem>>, %arg17: memref<144xf32, #tpu.memory_space<vmem>>, %arg18: memref<10000x128xf32, #tpu.memory_space<vmem_shared>>, %arg19: memref<!tpu.dma_semaphore, #tpu.memory_space<semaphore_mem>>, %arg20: memref<!tpu.dma_semaphore, #tpu.memory_space<semaphore_mem>>, %arg21: memref<!tpu.dma_semaphore, #tpu.memory_space<semaphore_mem>>, %arg22: memref<!tpu.dma_semaphore, #tpu.memory_space<semaphore_mem>>, %arg23: memref<!tpu.dma_semaphore, #tpu.memory_space<semaphore_mem>>, %arg24: memref<!tpu.dma_semaphore, #tpu.memory_space<semaphore_mem>>, %arg25: memref<!tpu.dma_semaphore, #tpu.memory_space<semaphore_mem>>, %arg26: memref<!tpu.dma_semaphore, #tpu.memory_space<semaphore_mem>>, %arg27: memref<!tpu.dma_semaphore, #tpu.memory_space<semaphore_mem>>, %arg28: memref<!tpu.dma_semaphore, #tpu.memory_space<semaphore_mem>>) attributes {dimension_semantics = [#tpu.dimension_semantics<core_parallel>, #tpu.dimension_semantics<subcore_parallel>], iteration_bounds = array<i64: 2, 16>, scalar_prefetch = 0 : i64, scratch_operands = 21 : i64, tpu.core_type = #tpu.core_type<sc_vector_subcore>, window_params = [{transform_indices = #map}, {transform_indices = #map}, {transform_indices = #map1}, {transform_indices = #map1}, {transform_indices = #map}, {transform_indices = #map2}]} {
    %mul3A = arith.constant 16 : i32
    %mul3A_0 = arith.muli %arg0, %mul3A : i32
    %add3A = arith.addi %mul3A_0, %arg1 : i32
    "tpu.region"() ({
      %run_scoped3A_284 = tpu.sem_alloc : memref<!tpu.dma_semaphore, #tpu.memory_space<semaphore_mem>>
      tpu.enqueue_dma source(%arg6 : memref<144xf32, #tpu.memory_space<hbm>>) target(%arg17 : memref<144xf32, #tpu.memory_space<vmem>>) target_semaphore(%run_scoped3A_284 : memref<!tpu.dma_semaphore, #tpu.memory_space<semaphore_mem>>)
      tpu.wait_dma2 semaphore(%run_scoped3A_284 : memref<!tpu.dma_semaphore, #tpu.memory_space<semaphore_mem>>) src(%arg6 : memref<144xf32, #tpu.memory_space<hbm>>) dst(%arg17 : memref<144xf32, #tpu.memory_space<vmem>>)
      tpu.yield
    }) : () -> ()
    %broadcast_in_dim3A = arith.constant 0.000000e+00 : f32
    %broadcast_in_dim3A_1 = vector.broadcast %broadcast_in_dim3A : f32 to vector<16xf32>
    %scan3A = arith.constant 0 : i32
    %scan3A_2 = arith.constant 0 : i32
    %scan3A_3 = arith.constant 40 : i32
    %scan3A_4 = arith.addi %scan3A_2, %scan3A_3 : i32
    %scan3A_5 = arith.constant 1 : i32
    scf.for %scan3A_284 = %scan3A_2 to %scan3A_4 step %scan3A_5  : i32 {
      %swap3A = arith.index_cast %scan3A_284 : i32 to index
      %swap3A_285 = arith.constant 0 : index
      %swap3A_286 = tpu.vector_load %arg15[%swap3A, %swap3A_285] {strides = array<i32>} : memref<40x128xf32, #tpu.memory_space<vmem>>, vector<1x16xf32>,
      %swap3A_287 = vector.shape_cast %swap3A_286 : vector<1x16xf32> to vector<16xf32>
      %swap3A_288 = vector.shape_cast %broadcast_in_dim3A_1 : vector<16xf32> to vector<1x16xf32>
      tpu.vector_store %arg15[%swap3A, %swap3A_285], %swap3A_288 {strides = array<i32>} : memref<40x128xf32, #tpu.memory_space<vmem>>, vector<1x16xf32>,
      %swap3A_289 = arith.index_cast %scan3A_284 : i32 to index
      %swap3A_290 = arith.constant 16 : index
      %swap3A_291 = tpu.vector_load %arg15[%swap3A_289, %swap3A_290] {strides = array<i32>} : memref<40x128xf32, #tpu.memory_space<vmem>>, vector<1x16xf32>,
      %swap3A_292 = vector.shape_cast %swap3A_291 : vector<1x16xf32> to vector<16xf32>
      %swap3A_293 = vector.shape_cast %broadcast_in_dim3A_1 : vector<16xf32> to vector<1x16xf32>
      tpu.vector_store %arg15[%swap3A_289, %swap3A_290], %swap3A_293 {strides = array<i32>} : memref<40x128xf32, #tpu.memory_space<vmem>>, vector<1x16xf32>,
      %swap3A_294 = arith.index_cast %scan3A_284 : i32 to index
      %swap3A_295 = arith.constant 32 : index
      %swap3A_296 = tpu.vector_load %arg15[%swap3A_294, %swap3A_295] {strides = array<i32>} : memref<40x128xf32, #tpu.memory_space<vmem>>, vector<1x16xf32>,
      %swap3A_297 = vector.shape_cast %swap3A_296 : vector<1x16xf32> to vector<16xf32>
      %swap3A_298 = vector.shape_cast %broadcast_in_dim3A_1 : vector<16xf32> to vector<1x16xf32>
      tpu.vector_store %arg15[%swap3A_294, %swap3A_295], %swap3A_298 {strides = array<i32>} : memref<40x128xf32, #tpu.memory_space<vmem>>, vector<1x16xf32>,
      %swap3A_299 = arith.index_cast %scan3A_284 : i32 to index
      %swap3A_300 = arith.constant 48 : index
      %swap3A_301 = tpu.vector_load %arg15[%swap3A_299, %swap3A_300] {strides = array<i32>} : memref<40x128xf32, #tpu.memory_space<vmem>>, vector<1x16xf32>,
      %swap3A_302 = vector.shape_cast %swap3A_301 : vector<1x16xf32> to vector<16xf32>
      %swap3A_303 = vector.shape_cast %broadcast_in_dim3A_1 : vector<16xf32> to vector<1x16xf32>
      tpu.vector_store %arg15[%swap3A_299, %swap3A_300], %swap3A_303 {strides = array<i32>} : memref<40x128xf32, #tpu.memory_space<vmem>>, vector<1x16xf32>,
      %swap3A_304 = arith.index_cast %scan3A_284 : i32 to index
      %swap3A_305 = arith.constant 64 : index
      %swap3A_306 = tpu.vector_load %arg15[%swap3A_304, %swap3A_305] {strides = array<i32>} : memref<40x128xf32, #tpu.memory_space<vmem>>, vector<1x16xf32>,
      %swap3A_307 = vector.shape_cast %swap3A_306 : vector<1x16xf32> to vector<16xf32>
      %swap3A_308 = vector.shape_cast %broadcast_in_dim3A_1 : vector<16xf32> to vector<1x16xf32>
      tpu.vector_store %arg15[%swap3A_304, %swap3A_305], %swap3A_308 {strides = array<i32>} : memref<40x128xf32, #tpu.memory_space<vmem>>, vector<1x16xf32>,
      %swap3A_309 = arith.index_cast %scan3A_284 : i32 to index
      %swap3A_310 = arith.constant 80 : index
      %swap3A_311 = tpu.vector_load %arg15[%swap3A_309, %swap3A_310] {strides = array<i32>} : memref<40x128xf32, #tpu.memory_space<vmem>>, vector<1x16xf32>,
      %swap3A_312 = vector.shape_cast %swap3A_311 : vector<1x16xf32> to vector<16xf32>
      %swap3A_313 = vector.shape_cast %broadcast_in_dim3A_1 : vector<16xf32> to vector<1x16xf32>
      tpu.vector_store %arg15[%swap3A_309, %swap3A_310], %swap3A_313 {strides = array<i32>} : memref<40x128xf32, #tpu.memory_space<vmem>>, vector<1x16xf32>,
      %swap3A_314 = arith.index_cast %scan3A_284 : i32 to index
      %swap3A_315 = arith.constant 96 : index
      %swap3A_316 = tpu.vector_load %arg15[%swap3A_314, %swap3A_315] {strides = array<i32>} : memref<40x128xf32, #tpu.memory_space<vmem>>, vector<1x16xf32>,
      %swap3A_317 = vector.shape_cast %swap3A_316 : vector<1x16xf32> to vector<16xf32>
      %swap3A_318 = vector.shape_cast %broadcast_in_dim3A_1 : vector<16xf32> to vector<1x16xf32>
      tpu.vector_store %arg15[%swap3A_314, %swap3A_315], %swap3A_318 {strides = array<i32>} : memref<40x128xf32, #tpu.memory_space<vmem>>, vector<1x16xf32>,
      %swap3A_319 = arith.index_cast %scan3A_284 : i32 to index
      %swap3A_320 = arith.constant 112 : index
      %swap3A_321 = tpu.vector_load %arg15[%swap3A_319, %swap3A_320] {strides = array<i32>} : memref<40x128xf32, #tpu.memory_space<vmem>>, vector<1x16xf32>,
      %swap3A_322 = vector.shape_cast %swap3A_321 : vector<1x16xf32> to vector<16xf32>
      %swap3A_323 = vector.shape_cast %broadcast_in_dim3A_1 : vector<16xf32> to vector<1x16xf32>
      tpu.vector_store %arg15[%swap3A_319, %swap3A_320], %swap3A_323 {strides = array<i32>} : memref<40x128xf32, #tpu.memory_space<vmem>>, vector<1x16xf32>,
    }
    %scan3A_6 = arith.constant 40 : i32
    %add3A_7 = arith.constant 0 : i32
    %add3A_8 = arith.addi %arg1, %add3A_7 : i32
    %lt3A = arith.constant 250 : i32
    %lt3A_9 = arith.cmpi slt, %add3A_8, %lt3A : i32
    %convert_element_type3A = arith.extui %lt3A_9 : i1 to i32
    %cond3A = arith.constant 0 : i32
    %cond3A_10 = arith.cmpi ne, %convert_element_type3A, %cond3A : i32
    scf.if %cond3A_10 {
      %mul3A_284 = arith.constant 40 : i32
      %mul3A_285 = arith.muli %add3A_8, %mul3A_284 : i32
      "tpu.region"() ({
        %run_scoped3A_286 = tpu.sem_alloc : memref<!tpu.dma_semaphore, #tpu.memory_space<semaphore_mem>>
        %dma_start3A_287 = arith.constant 0 : i32
        %dma_start3A_288 = tpu.memref_slice %arg18[%mul3A_285, %dma_start3A_287] : memref<10000x128xf32, #tpu.memory_space<vmem_shared>> -> memref<40x128xf32, #tpu.memory_space<vmem_shared>>
        %dma_start3A_289 = arith.constant 0 : i32
        %dma_start3A_290 = tpu.memref_slice %arg18[%mul3A_285, %dma_start3A_289] : memref<10000x128xf32, #tpu.memory_space<vmem_shared>> -> memref<40x128xf32, #tpu.memory_space<vmem_shared>>
        tpu.enqueue_dma source(%arg15 : memref<40x128xf32, #tpu.memory_space<vmem>>) target(%dma_start3A_290 : memref<40x128xf32, #tpu.memory_space<vmem_shared>>) target_semaphore(%run_scoped3A_286 : memref<!tpu.dma_semaphore, #tpu.memory_space<semaphore_mem>>)
        %dma_wait3A_291 = arith.constant 0 : i32
        %dma_wait3A_292 = tpu.memref_slice %arg18[%mul3A_285, %dma_wait3A_291] : memref<10000x128xf32, #tpu.memory_space<vmem_shared>> -> memref<40x128xf32, #tpu.memory_space<vmem_shared>>
        %dma_wait3A_293 = arith.constant 0 : i32
        %dma_wait3A_294 = tpu.memref_slice %arg18[%mul3A_285, %dma_wait3A_293] : memref<10000x128xf32, #tpu.memory_space<vmem_shared>> -> memref<40x128xf32, #tpu.memory_space<vmem_shared>>
        tpu.wait_dma2 semaphore(%run_scoped3A_286 : memref<!tpu.dma_semaphore, #tpu.memory_space<semaphore_mem>>) src(%arg15 : memref<40x128xf32, #tpu.memory_space<vmem>>) dst(%dma_wait3A_294 : memref<40x128xf32, #tpu.memory_space<vmem_shared>>)
        tpu.yield
      }) : () -> ()
    } else {
    }
    %add3A_11 = arith.constant 16 : i32
    %add3A_12 = arith.addi %arg1, %add3A_11 : i32
    %lt3A_13 = arith.constant 250 : i32
    %lt3A_14 = arith.cmpi slt, %add3A_12, %lt3A_13 : i32
    %convert_element_type3A_15 = arith.extui %lt3A_14 : i1 to i32
    %cond3A_16 = arith.constant 0 : i32
    %cond3A_17 = arith.cmpi ne, %convert_element_type3A_15, %cond3A_16 : i32
    scf.if %cond3A_17 {
      %mul3A_284 = arith.constant 40 : i32
      %mul3A_285 = arith.muli %add3A_12, %mul3A_284 : i32
      "tpu.region"() ({
        %run_scoped3A_286 = tpu.sem_alloc : memref<!tpu.dma_semaphore, #tpu.memory_space<semaphore_mem>>
        %dma_start3A_287 = arith.constant 0 : i32
        %dma_start3A_288 = tpu.memref_slice %arg18[%mul3A_285, %dma_start3A_287] : memref<10000x128xf32, #tpu.memory_space<vmem_shared>> -> memref<40x128xf32, #tpu.memory_space<vmem_shared>>
        %dma_start3A_289 = arith.constant 0 : i32
        %dma_start3A_290 = tpu.memref_slice %arg18[%mul3A_285, %dma_start3A_289] : memref<10000x128xf32, #tpu.memory_space<vmem_shared>> -> memref<40x128xf32, #tpu.memory_space<vmem_shared>>
        tpu.enqueue_dma source(%arg15 : memref<40x128xf32, #tpu.memory_space<vmem>>) target(%dma_start3A_290 : memref<40x128xf32, #tpu.memory_space<vmem_shared>>) target_semaphore(%run_scoped3A_286 : memref<!tpu.dma_semaphore, #tpu.memory_space<semaphore_mem>>)
        %dma_wait3A_291 = arith.constant 0 : i32
        %dma_wait3A_292 = tpu.memref_slice %arg18[%mul3A_285, %dma_wait3A_291] : memref<10000x128xf32, #tpu.memory_space<vmem_shared>> -> memref<40x128xf32, #tpu.memory_space<vmem_shared>>
        %dma_wait3A_293 = arith.constant 0 : i32
        %dma_wait3A_294 = tpu.memref_slice %arg18[%mul3A_285, %dma_wait3A_293] : memref<10000x128xf32, #tpu.memory_space<vmem_shared>> -> memref<40x128xf32, #tpu.memory_space<vmem_shared>>
        tpu.wait_dma2 semaphore(%run_scoped3A_286 : memref<!tpu.dma_semaphore, #tpu.memory_space<semaphore_mem>>) src(%arg15 : memref<40x128xf32, #tpu.memory_space<vmem>>) dst(%dma_wait3A_294 : memref<40x128xf32, #tpu.memory_space<vmem_shared>>)
        tpu.yield
      }) : () -> ()
    } else {
    }
    %add3A_18 = arith.constant 32 : i32
    %add3A_19 = arith.addi %arg1, %add3A_18 : i32
    %lt3A_20 = arith.constant 250 : i32
    %lt3A_21 = arith.cmpi slt, %add3A_19, %lt3A_20 : i32
    %convert_element_type3A_22 = arith.extui %lt3A_21 : i1 to i32
    %cond3A_23 = arith.constant 0 : i32
    %cond3A_24 = arith.cmpi ne, %convert_element_type3A_22, %cond3A_23 : i32
    scf.if %cond3A_24 {
      %mul3A_284 = arith.constant 40 : i32
      %mul3A_285 = arith.muli %add3A_19, %mul3A_284 : i32
      "tpu.region"() ({
        %run_scoped3A_286 = tpu.sem_alloc : memref<!tpu.dma_semaphore, #tpu.memory_space<semaphore_mem>>
        %dma_start3A_287 = arith.constant 0 : i32
        %dma_start3A_288 = tpu.memref_slice %arg18[%mul3A_285, %dma_start3A_287] : memref<10000x128xf32, #tpu.memory_space<vmem_shared>> -> memref<40x128xf32, #tpu.memory_space<vmem_shared>>
        %dma_start3A_289 = arith.constant 0 : i32
        %dma_start3A_290 = tpu.memref_slice %arg18[%mul3A_285, %dma_start3A_289] : memref<10000x128xf32, #tpu.memory_space<vmem_shared>> -> memref<40x128xf32, #tpu.memory_space<vmem_shared>>
        tpu.enqueue_dma source(%arg15 : memref<40x128xf32, #tpu.memory_space<vmem>>) target(%dma_start3A_290 : memref<40x128xf32, #tpu.memory_space<vmem_shared>>) target_semaphore(%run_scoped3A_286 : memref<!tpu.dma_semaphore, #tpu.memory_space<semaphore_mem>>)
        %dma_wait3A_291 = arith.constant 0 : i32
        %dma_wait3A_292 = tpu.memref_slice %arg18[%mul3A_285, %dma_wait3A_291] : memref<10000x128xf32, #tpu.memory_space<vmem_shared>> -> memref<40x128xf32, #tpu.memory_space<vmem_shared>>
        %dma_wait3A_293 = arith.constant 0 : i32
        %dma_wait3A_294 = tpu.memref_slice %arg18[%mul3A_285, %dma_wait3A_293] : memref<10000x128xf32, #tpu.memory_space<vmem_shared>> -> memref<40x128xf32, #tpu.memory_space<vmem_shared>>
        tpu.wait_dma2 semaphore(%run_scoped3A_286 : memref<!tpu.dma_semaphore, #tpu.memory_space<semaphore_mem>>) src(%arg15 : memref<40x128xf32, #tpu.memory_space<vmem>>) dst(%dma_wait3A_294 : memref<40x128xf32, #tpu.memory_space<vmem_shared>>)
        tpu.yield
      }) : () -> ()
    } else {
    }
    %add3A_25 = arith.constant 48 : i32
    %add3A_26 = arith.addi %arg1, %add3A_25 : i32
    %lt3A_27 = arith.constant 250 : i32
    %lt3A_28 = arith.cmpi slt, %add3A_26, %lt3A_27 : i32
    %convert_element_type3A_29 = arith.extui %lt3A_28 : i1 to i32
    %cond3A_30 = arith.constant 0 : i32
    %cond3A_31 = arith.cmpi ne, %convert_element_type3A_29, %cond3A_30 : i32
    scf.if %cond3A_31 {
      %mul3A_284 = arith.constant 40 : i32
      %mul3A_285 = arith.muli %add3A_26, %mul3A_284 : i32
      "tpu.region"() ({
        %run_scoped3A_286 = tpu.sem_alloc : memref<!tpu.dma_semaphore, #tpu.memory_space<semaphore_mem>>
        %dma_start3A_287 = arith.constant 0 : i32
        %dma_start3A_288 = tpu.memref_slice %arg18[%mul3A_285, %dma_start3A_287] : memref<10000x128xf32, #tpu.memory_space<vmem_shared>> -> memref<40x128xf32, #tpu.memory_space<vmem_shared>>
        %dma_start3A_289 = arith.constant 0 : i32
        %dma_start3A_290 = tpu.memref_slice %arg18[%mul3A_285, %dma_start3A_289] : memref<10000x128xf32, #tpu.memory_space<vmem_shared>> -> memref<40x128xf32, #tpu.memory_space<vmem_shared>>
        tpu.enqueue_dma source(%arg15 : memref<40x128xf32, #tpu.memory_space<vmem>>) target(%dma_start3A_290 : memref<40x128xf32, #tpu.memory_space<vmem_shared>>) target_semaphore(%run_scoped3A_286 : memref<!tpu.dma_semaphore, #tpu.memory_space<semaphore_mem>>)
        %dma_wait3A_291 = arith.constant 0 : i32
        %dma_wait3A_292 = tpu.memref_slice %arg18[%mul3A_285, %dma_wait3A_291] : memref<10000x128xf32, #tpu.memory_space<vmem_shared>> -> memref<40x128xf32, #tpu.memory_space<vmem_shared>>
        %dma_wait3A_293 = arith.constant 0 : i32
        %dma_wait3A_294 = tpu.memref_slice %arg18[%mul3A_285, %dma_wait3A_293] : memref<10000x128xf32, #tpu.memory_space<vmem_shared>> -> memref<40x128xf32, #tpu.memory_space<vmem_shared>>
        tpu.wait_dma2 semaphore(%run_scoped3A_286 : memref<!tpu.dma_semaphore, #tpu.memory_space<semaphore_mem>>) src(%arg15 : memref<40x128xf32, #tpu.memory_space<vmem>>) dst(%dma_wait3A_294 : memref<40x128xf32, #tpu.memory_space<vmem_shared>>)
        tpu.yield
      }) : () -> ()
    } else {
    }
    %add3A_32 = arith.constant 64 : i32
    %add3A_33 = arith.addi %arg1, %add3A_32 : i32
    %lt3A_34 = arith.constant 250 : i32
    %lt3A_35 = arith.cmpi slt, %add3A_33, %lt3A_34 : i32
    %convert_element_type3A_36 = arith.extui %lt3A_35 : i1 to i32
    %cond3A_37 = arith.constant 0 : i32
    %cond3A_38 = arith.cmpi ne, %convert_element_type3A_36, %cond3A_37 : i32
    scf.if %cond3A_38 {
      %mul3A_284 = arith.constant 40 : i32
      %mul3A_285 = arith.muli %add3A_33, %mul3A_284 : i32
      "tpu.region"() ({
        %run_scoped3A_286 = tpu.sem_alloc : memref<!tpu.dma_semaphore, #tpu.memory_space<semaphore_mem>>
        %dma_start3A_287 = arith.constant 0 : i32
        %dma_start3A_288 = tpu.memref_slice %arg18[%mul3A_285, %dma_start3A_287] : memref<10000x128xf32, #tpu.memory_space<vmem_shared>> -> memref<40x128xf32, #tpu.memory_space<vmem_shared>>
        %dma_start3A_289 = arith.constant 0 : i32
        %dma_start3A_290 = tpu.memref_slice %arg18[%mul3A_285, %dma_start3A_289] : memref<10000x128xf32, #tpu.memory_space<vmem_shared>> -> memref<40x128xf32, #tpu.memory_space<vmem_shared>>
        tpu.enqueue_dma source(%arg15 : memref<40x128xf32, #tpu.memory_space<vmem>>) target(%dma_start3A_290 : memref<40x128xf32, #tpu.memory_space<vmem_shared>>) target_semaphore(%run_scoped3A_286 : memref<!tpu.dma_semaphore, #tpu.memory_space<semaphore_mem>>)
        %dma_wait3A_291 = arith.constant 0 : i32
        %dma_wait3A_292 = tpu.memref_slice %arg18[%mul3A_285, %dma_wait3A_291] : memref<10000x128xf32, #tpu.memory_space<vmem_shared>> -> memref<40x128xf32, #tpu.memory_space<vmem_shared>>
        %dma_wait3A_293 = arith.constant 0 : i32
        %dma_wait3A_294 = tpu.memref_slice %arg18[%mul3A_285, %dma_wait3A_293] : memref<10000x128xf32, #tpu.memory_space<vmem_shared>> -> memref<40x128xf32, #tpu.memory_space<vmem_shared>>
        tpu.wait_dma2 semaphore(%run_scoped3A_286 : memref<!tpu.dma_semaphore, #tpu.memory_space<semaphore_mem>>) src(%arg15 : memref<40x128xf32, #tpu.memory_space<vmem>>) dst(%dma_wait3A_294 : memref<40x128xf32, #tpu.memory_space<vmem_shared>>)
        tpu.yield
      }) : () -> ()
    } else {
    }
    %add3A_39 = arith.constant 80 : i32
    %add3A_40 = arith.addi %arg1, %add3A_39 : i32
    %lt3A_41 = arith.constant 250 : i32
    %lt3A_42 = arith.cmpi slt, %add3A_40, %lt3A_41 : i32
    %convert_element_type3A_43 = arith.extui %lt3A_42 : i1 to i32
    %cond3A_44 = arith.constant 0 : i32
    %cond3A_45 = arith.cmpi ne, %convert_element_type3A_43, %cond3A_44 : i32
    scf.if %cond3A_45 {
      %mul3A_284 = arith.constant 40 : i32
      %mul3A_285 = arith.muli %add3A_40, %mul3A_284 : i32
      "tpu.region"() ({
        %run_scoped3A_286 = tpu.sem_alloc : memref<!tpu.dma_semaphore, #tpu.memory_space<semaphore_mem>>
        %dma_start3A_287 = arith.constant 0 : i32
        %dma_start3A_288 = tpu.memref_slice %arg18[%mul3A_285, %dma_start3A_287] : memref<10000x128xf32, #tpu.memory_space<vmem_shared>> -> memref<40x128xf32, #tpu.memory_space<vmem_shared>>
        %dma_start3A_289 = arith.constant 0 : i32
        %dma_start3A_290 = tpu.memref_slice %arg18[%mul3A_285, %dma_start3A_289] : memref<10000x128xf32, #tpu.memory_space<vmem_shared>> -> memref<40x128xf32, #tpu.memory_space<vmem_shared>>
        tpu.enqueue_dma source(%arg15 : memref<40x128xf32, #tpu.memory_space<vmem>>) target(%dma_start3A_290 : memref<40x128xf32, #tpu.memory_space<vmem_shared>>) target_semaphore(%run_scoped3A_286 : memref<!tpu.dma_semaphore, #tpu.memory_space<semaphore_mem>>)
        %dma_wait3A_291 = arith.constant 0 : i32
        %dma_wait3A_292 = tpu.memref_slice %arg18[%mul3A_285, %dma_wait3A_291] : memref<10000x128xf32, #tpu.memory_space<vmem_shared>> -> memref<40x128xf32, #tpu.memory_space<vmem_shared>>
        %dma_wait3A_293 = arith.constant 0 : i32
        %dma_wait3A_294 = tpu.memref_slice %arg18[%mul3A_285, %dma_wait3A_293] : memref<10000x128xf32, #tpu.memory_space<vmem_shared>> -> memref<40x128xf32, #tpu.memory_space<vmem_shared>>
        tpu.wait_dma2 semaphore(%run_scoped3A_286 : memref<!tpu.dma_semaphore, #tpu.memory_space<semaphore_mem>>) src(%arg15 : memref<40x128xf32, #tpu.memory_space<vmem>>) dst(%dma_wait3A_294 : memref<40x128xf32, #tpu.memory_space<vmem_shared>>)
        tpu.yield
      }) : () -> ()
    } else {
    }
    %add3A_46 = arith.constant 96 : i32
    %add3A_47 = arith.addi %arg1, %add3A_46 : i32
    %lt3A_48 = arith.constant 250 : i32
    %lt3A_49 = arith.cmpi slt, %add3A_47, %lt3A_48 : i32
    %convert_element_type3A_50 = arith.extui %lt3A_49 : i1 to i32
    %cond3A_51 = arith.constant 0 : i32
    %cond3A_52 = arith.cmpi ne, %convert_element_type3A_50, %cond3A_51 : i32
    scf.if %cond3A_52 {
      %mul3A_284 = arith.constant 40 : i32
      %mul3A_285 = arith.muli %add3A_47, %mul3A_284 : i32
      "tpu.region"() ({
        %run_scoped3A_286 = tpu.sem_alloc : memref<!tpu.dma_semaphore, #tpu.memory_space<semaphore_mem>>
        %dma_start3A_287 = arith.constant 0 : i32
        %dma_start3A_288 = tpu.memref_slice %arg18[%mul3A_285, %dma_start3A_287] : memref<10000x128xf32, #tpu.memory_space<vmem_shared>> -> memref<40x128xf32, #tpu.memory_space<vmem_shared>>
        %dma_start3A_289 = arith.constant 0 : i32
        %dma_start3A_290 = tpu.memref_slice %arg18[%mul3A_285, %dma_start3A_289] : memref<10000x128xf32, #tpu.memory_space<vmem_shared>> -> memref<40x128xf32, #tpu.memory_space<vmem_shared>>
        tpu.enqueue_dma source(%arg15 : memref<40x128xf32, #tpu.memory_space<vmem>>) target(%dma_start3A_290 : memref<40x128xf32, #tpu.memory_space<vmem_shared>>) target_semaphore(%run_scoped3A_286 : memref<!tpu.dma_semaphore, #tpu.memory_space<semaphore_mem>>)
        %dma_wait3A_291 = arith.constant 0 : i32
        %dma_wait3A_292 = tpu.memref_slice %arg18[%mul3A_285, %dma_wait3A_291] : memref<10000x128xf32, #tpu.memory_space<vmem_shared>> -> memref<40x128xf32, #tpu.memory_space<vmem_shared>>
        %dma_wait3A_293 = arith.constant 0 : i32
        %dma_wait3A_294 = tpu.memref_slice %arg18[%mul3A_285, %dma_wait3A_293] : memref<10000x128xf32, #tpu.memory_space<vmem_shared>> -> memref<40x128xf32, #tpu.memory_space<vmem_shared>>
        tpu.wait_dma2 semaphore(%run_scoped3A_286 : memref<!tpu.dma_semaphore, #tpu.memory_space<semaphore_mem>>) src(%arg15 : memref<40x128xf32, #tpu.memory_space<vmem>>) dst(%dma_wait3A_294 : memref<40x128xf32, #tpu.memory_space<vmem_shared>>)
        tpu.yield
      }) : () -> ()
    } else {
    }
    %add3A_53 = arith.constant 112 : i32
    %add3A_54 = arith.addi %arg1, %add3A_53 : i32
    %lt3A_55 = arith.constant 250 : i32
    %lt3A_56 = arith.cmpi slt, %add3A_54, %lt3A_55 : i32
    %convert_element_type3A_57 = arith.extui %lt3A_56 : i1 to i32
    %cond3A_58 = arith.constant 0 : i32
    %cond3A_59 = arith.cmpi ne, %convert_element_type3A_57, %cond3A_58 : i32
    scf.if %cond3A_59 {
      %mul3A_284 = arith.constant 40 : i32
      %mul3A_285 = arith.muli %add3A_54, %mul3A_284 : i32
      "tpu.region"() ({
        %run_scoped3A_286 = tpu.sem_alloc : memref<!tpu.dma_semaphore, #tpu.memory_space<semaphore_mem>>
        %dma_start3A_287 = arith.constant 0 : i32
        %dma_start3A_288 = tpu.memref_slice %arg18[%mul3A_285, %dma_start3A_287] : memref<10000x128xf32, #tpu.memory_space<vmem_shared>> -> memref<40x128xf32, #tpu.memory_space<vmem_shared>>
        %dma_start3A_289 = arith.constant 0 : i32
        %dma_start3A_290 = tpu.memref_slice %arg18[%mul3A_285, %dma_start3A_289] : memref<10000x128xf32, #tpu.memory_space<vmem_shared>> -> memref<40x128xf32, #tpu.memory_space<vmem_shared>>
        tpu.enqueue_dma source(%arg15 : memref<40x128xf32, #tpu.memory_space<vmem>>) target(%dma_start3A_290 : memref<40x128xf32, #tpu.memory_space<vmem_shared>>) target_semaphore(%run_scoped3A_286 : memref<!tpu.dma_semaphore, #tpu.memory_space<semaphore_mem>>)
        %dma_wait3A_291 = arith.constant 0 : i32
        %dma_wait3A_292 = tpu.memref_slice %arg18[%mul3A_285, %dma_wait3A_291] : memref<10000x128xf32, #tpu.memory_space<vmem_shared>> -> memref<40x128xf32, #tpu.memory_space<vmem_shared>>
        %dma_wait3A_293 = arith.constant 0 : i32
        %dma_wait3A_294 = tpu.memref_slice %arg18[%mul3A_285, %dma_wait3A_293] : memref<10000x128xf32, #tpu.memory_space<vmem_shared>> -> memref<40x128xf32, #tpu.memory_space<vmem_shared>>
        tpu.wait_dma2 semaphore(%run_scoped3A_286 : memref<!tpu.dma_semaphore, #tpu.memory_space<semaphore_mem>>) src(%arg15 : memref<40x128xf32, #tpu.memory_space<vmem>>) dst(%dma_wait3A_294 : memref<40x128xf32, #tpu.memory_space<vmem_shared>>)
        tpu.yield
      }) : () -> ()
    } else {
    }
    %add3A_60 = arith.constant 128 : i32
    %add3A_61 = arith.addi %arg1, %add3A_60 : i32
    %lt3A_62 = arith.constant 250 : i32
    %lt3A_63 = arith.cmpi slt, %add3A_61, %lt3A_62 : i32
    %convert_element_type3A_64 = arith.extui %lt3A_63 : i1 to i32
    %cond3A_65 = arith.constant 0 : i32
    %cond3A_66 = arith.cmpi ne, %convert_element_type3A_64, %cond3A_65 : i32
    scf.if %cond3A_66 {
      %mul3A_284 = arith.constant 40 : i32
      %mul3A_285 = arith.muli %add3A_61, %mul3A_284 : i32
      "tpu.region"() ({
        %run_scoped3A_286 = tpu.sem_alloc : memref<!tpu.dma_semaphore, #tpu.memory_space<semaphore_mem>>
        %dma_start3A_287 = arith.constant 0 : i32
        %dma_start3A_288 = tpu.memref_slice %arg18[%mul3A_285, %dma_start3A_287] : memref<10000x128xf32, #tpu.memory_space<vmem_shared>> -> memref<40x128xf32, #tpu.memory_space<vmem_shared>>
        %dma_start3A_289 = arith.constant 0 : i32
        %dma_start3A_290 = tpu.memref_slice %arg18[%mul3A_285, %dma_start3A_289] : memref<10000x128xf32, #tpu.memory_space<vmem_shared>> -> memref<40x128xf32, #tpu.memory_space<vmem_shared>>
        tpu.enqueue_dma source(%arg15 : memref<40x128xf32, #tpu.memory_space<vmem>>) target(%dma_start3A_290 : memref<40x128xf32, #tpu.memory_space<vmem_shared>>) target_semaphore(%run_scoped3A_286 : memref<!tpu.dma_semaphore, #tpu.memory_space<semaphore_mem>>)
        %dma_wait3A_291 = arith.constant 0 : i32
        %dma_wait3A_292 = tpu.memref_slice %arg18[%mul3A_285, %dma_wait3A_291] : memref<10000x128xf32, #tpu.memory_space<vmem_shared>> -> memref<40x128xf32, #tpu.memory_space<vmem_shared>>
        %dma_wait3A_293 = arith.constant 0 : i32
        %dma_wait3A_294 = tpu.memref_slice %arg18[%mul3A_285, %dma_wait3A_293] : memref<10000x128xf32, #tpu.memory_space<vmem_shared>> -> memref<40x128xf32, #tpu.memory_space<vmem_shared>>
        tpu.wait_dma2 semaphore(%run_scoped3A_286 : memref<!tpu.dma_semaphore, #tpu.memory_space<semaphore_mem>>) src(%arg15 : memref<40x128xf32, #tpu.memory_space<vmem>>) dst(%dma_wait3A_294 : memref<40x128xf32, #tpu.memory_space<vmem_shared>>)
        tpu.yield
      }) : () -> ()
    } else {
    }
    %add3A_67 = arith.constant 144 : i32
    %add3A_68 = arith.addi %arg1, %add3A_67 : i32
    %lt3A_69 = arith.constant 250 : i32
    %lt3A_70 = arith.cmpi slt, %add3A_68, %lt3A_69 : i32
    %convert_element_type3A_71 = arith.extui %lt3A_70 : i1 to i32
    %cond3A_72 = arith.constant 0 : i32
    %cond3A_73 = arith.cmpi ne, %convert_element_type3A_71, %cond3A_72 : i32
    scf.if %cond3A_73 {
      %mul3A_284 = arith.constant 40 : i32
      %mul3A_285 = arith.muli %add3A_68, %mul3A_284 : i32
      "tpu.region"() ({
        %run_scoped3A_286 = tpu.sem_alloc : memref<!tpu.dma_semaphore, #tpu.memory_space<semaphore_mem>>
        %dma_start3A_287 = arith.constant 0 : i32
        %dma_start3A_288 = tpu.memref_slice %arg18[%mul3A_285, %dma_start3A_287] : memref<10000x128xf32, #tpu.memory_space<vmem_shared>> -> memref<40x128xf32, #tpu.memory_space<vmem_shared>>
        %dma_start3A_289 = arith.constant 0 : i32
        %dma_start3A_290 = tpu.memref_slice %arg18[%mul3A_285, %dma_start3A_289] : memref<10000x128xf32, #tpu.memory_space<vmem_shared>> -> memref<40x128xf32, #tpu.memory_space<vmem_shared>>
        tpu.enqueue_dma source(%arg15 : memref<40x128xf32, #tpu.memory_space<vmem>>) target(%dma_start3A_290 : memref<40x128xf32, #tpu.memory_space<vmem_shared>>) target_semaphore(%run_scoped3A_286 : memref<!tpu.dma_semaphore, #tpu.memory_space<semaphore_mem>>)
        %dma_wait3A_291 = arith.constant 0 : i32
        %dma_wait3A_292 = tpu.memref_slice %arg18[%mul3A_285, %dma_wait3A_291] : memref<10000x128xf32, #tpu.memory_space<vmem_shared>> -> memref<40x128xf32, #tpu.memory_space<vmem_shared>>
        %dma_wait3A_293 = arith.constant 0 : i32
        %dma_wait3A_294 = tpu.memref_slice %arg18[%mul3A_285, %dma_wait3A_293] : memref<10000x128xf32, #tpu.memory_space<vmem_shared>> -> memref<40x128xf32, #tpu.memory_space<vmem_shared>>
        tpu.wait_dma2 semaphore(%run_scoped3A_286 : memref<!tpu.dma_semaphore, #tpu.memory_space<semaphore_mem>>) src(%arg15 : memref<40x128xf32, #tpu.memory_space<vmem>>) dst(%dma_wait3A_294 : memref<40x128xf32, #tpu.memory_space<vmem_shared>>)
        tpu.yield
      }) : () -> ()
    } else {
    }
    %add3A_74 = arith.constant 160 : i32
    %add3A_75 = arith.addi %arg1, %add3A_74 : i32
    %lt3A_76 = arith.constant 250 : i32
    %lt3A_77 = arith.cmpi slt, %add3A_75, %lt3A_76 : i32
    %convert_element_type3A_78 = arith.extui %lt3A_77 : i1 to i32
    %cond3A_79 = arith.constant 0 : i32
    %cond3A_80 = arith.cmpi ne, %convert_element_type3A_78, %cond3A_79 : i32
    scf.if %cond3A_80 {
      %mul3A_284 = arith.constant 40 : i32
      %mul3A_285 = arith.muli %add3A_75, %mul3A_284 : i32
      "tpu.region"() ({
        %run_scoped3A_286 = tpu.sem_alloc : memref<!tpu.dma_semaphore, #tpu.memory_space<semaphore_mem>>
        %dma_start3A_287 = arith.constant 0 : i32
        %dma_start3A_288 = tpu.memref_slice %arg18[%mul3A_285, %dma_start3A_287] : memref<10000x128xf32, #tpu.memory_space<vmem_shared>> -> memref<40x128xf32, #tpu.memory_space<vmem_shared>>
        %dma_start3A_289 = arith.constant 0 : i32
        %dma_start3A_290 = tpu.memref_slice %arg18[%mul3A_285, %dma_start3A_289] : memref<10000x128xf32, #tpu.memory_space<vmem_shared>> -> memref<40x128xf32, #tpu.memory_space<vmem_shared>>
        tpu.enqueue_dma source(%arg15 : memref<40x128xf32, #tpu.memory_space<vmem>>) target(%dma_start3A_290 : memref<40x128xf32, #tpu.memory_space<vmem_shared>>) target_semaphore(%run_scoped3A_286 : memref<!tpu.dma_semaphore, #tpu.memory_space<semaphore_mem>>)
        %dma_wait3A_291 = arith.constant 0 : i32
        %dma_wait3A_292 = tpu.memref_slice %arg18[%mul3A_285, %dma_wait3A_291] : memref<10000x128xf32, #tpu.memory_space<vmem_shared>> -> memref<40x128xf32, #tpu.memory_space<vmem_shared>>
        %dma_wait3A_293 = arith.constant 0 : i32
        %dma_wait3A_294 = tpu.memref_slice %arg18[%mul3A_285, %dma_wait3A_293] : memref<10000x128xf32, #tpu.memory_space<vmem_shared>> -> memref<40x128xf32, #tpu.memory_space<vmem_shared>>
        tpu.wait_dma2 semaphore(%run_scoped3A_286 : memref<!tpu.dma_semaphore, #tpu.memory_space<semaphore_mem>>) src(%arg15 : memref<40x128xf32, #tpu.memory_space<vmem>>) dst(%dma_wait3A_294 : memref<40x128xf32, #tpu.memory_space<vmem_shared>>)
        tpu.yield
      }) : () -> ()
    } else {
    }
    %add3A_81 = arith.constant 176 : i32
    %add3A_82 = arith.addi %arg1, %add3A_81 : i32
    %lt3A_83 = arith.constant 250 : i32
    %lt3A_84 = arith.cmpi slt, %add3A_82, %lt3A_83 : i32
    %convert_element_type3A_85 = arith.extui %lt3A_84 : i1 to i32
    %cond3A_86 = arith.constant 0 : i32
    %cond3A_87 = arith.cmpi ne, %convert_element_type3A_85, %cond3A_86 : i32
    scf.if %cond3A_87 {
      %mul3A_284 = arith.constant 40 : i32
      %mul3A_285 = arith.muli %add3A_82, %mul3A_284 : i32
      "tpu.region"() ({
        %run_scoped3A_286 = tpu.sem_alloc : memref<!tpu.dma_semaphore, #tpu.memory_space<semaphore_mem>>
        %dma_start3A_287 = arith.constant 0 : i32
        %dma_start3A_288 = tpu.memref_slice %arg18[%mul3A_285, %dma_start3A_287] : memref<10000x128xf32, #tpu.memory_space<vmem_shared>> -> memref<40x128xf32, #tpu.memory_space<vmem_shared>>
        %dma_start3A_289 = arith.constant 0 : i32
        %dma_start3A_290 = tpu.memref_slice %arg18[%mul3A_285, %dma_start3A_289] : memref<10000x128xf32, #tpu.memory_space<vmem_shared>> -> memref<40x128xf32, #tpu.memory_space<vmem_shared>>
        tpu.enqueue_dma source(%arg15 : memref<40x128xf32, #tpu.memory_space<vmem>>) target(%dma_start3A_290 : memref<40x128xf32, #tpu.memory_space<vmem_shared>>) target_semaphore(%run_scoped3A_286 : memref<!tpu.dma_semaphore, #tpu.memory_space<semaphore_mem>>)
        %dma_wait3A_291 = arith.constant 0 : i32
        %dma_wait3A_292 = tpu.memref_slice %arg18[%mul3A_285, %dma_wait3A_291] : memref<10000x128xf32, #tpu.memory_space<vmem_shared>> -> memref<40x128xf32, #tpu.memory_space<vmem_shared>>
        %dma_wait3A_293 = arith.constant 0 : i32
        %dma_wait3A_294 = tpu.memref_slice %arg18[%mul3A_285, %dma_wait3A_293] : memref<10000x128xf32, #tpu.memory_space<vmem_shared>> -> memref<40x128xf32, #tpu.memory_space<vmem_shared>>
        tpu.wait_dma2 semaphore(%run_scoped3A_286 : memref<!tpu.dma_semaphore, #tpu.memory_space<semaphore_mem>>) src(%arg15 : memref<40x128xf32, #tpu.memory_space<vmem>>) dst(%dma_wait3A_294 : memref<40x128xf32, #tpu.memory_space<vmem_shared>>)
        tpu.yield
      }) : () -> ()
    } else {
    }
    %add3A_88 = arith.constant 192 : i32
    %add3A_89 = arith.addi %arg1, %add3A_88 : i32
    %lt3A_90 = arith.constant 250 : i32
    %lt3A_91 = arith.cmpi slt, %add3A_89, %lt3A_90 : i32
    %convert_element_type3A_92 = arith.extui %lt3A_91 : i1 to i32
    %cond3A_93 = arith.constant 0 : i32
    %cond3A_94 = arith.cmpi ne, %convert_element_type3A_92, %cond3A_93 : i32
    scf.if %cond3A_94 {
      %mul3A_284 = arith.constant 40 : i32
      %mul3A_285 = arith.muli %add3A_89, %mul3A_284 : i32
      "tpu.region"() ({
        %run_scoped3A_286 = tpu.sem_alloc : memref<!tpu.dma_semaphore, #tpu.memory_space<semaphore_mem>>
        %dma_start3A_287 = arith.constant 0 : i32
        %dma_start3A_288 = tpu.memref_slice %arg18[%mul3A_285, %dma_start3A_287] : memref<10000x128xf32, #tpu.memory_space<vmem_shared>> -> memref<40x128xf32, #tpu.memory_space<vmem_shared>>
        %dma_start3A_289 = arith.constant 0 : i32
        %dma_start3A_290 = tpu.memref_slice %arg18[%mul3A_285, %dma_start3A_289] : memref<10000x128xf32, #tpu.memory_space<vmem_shared>> -> memref<40x128xf32, #tpu.memory_space<vmem_shared>>
        tpu.enqueue_dma source(%arg15 : memref<40x128xf32, #tpu.memory_space<vmem>>) target(%dma_start3A_290 : memref<40x128xf32, #tpu.memory_space<vmem_shared>>) target_semaphore(%run_scoped3A_286 : memref<!tpu.dma_semaphore, #tpu.memory_space<semaphore_mem>>)
        %dma_wait3A_291 = arith.constant 0 : i32
        %dma_wait3A_292 = tpu.memref_slice %arg18[%mul3A_285, %dma_wait3A_291] : memref<10000x128xf32, #tpu.memory_space<vmem_shared>> -> memref<40x128xf32, #tpu.memory_space<vmem_shared>>
        %dma_wait3A_293 = arith.constant 0 : i32
        %dma_wait3A_294 = tpu.memref_slice %arg18[%mul3A_285, %dma_wait3A_293] : memref<10000x128xf32, #tpu.memory_space<vmem_shared>> -> memref<40x128xf32, #tpu.memory_space<vmem_shared>>
        tpu.wait_dma2 semaphore(%run_scoped3A_286 : memref<!tpu.dma_semaphore, #tpu.memory_space<semaphore_mem>>) src(%arg15 : memref<40x128xf32, #tpu.memory_space<vmem>>) dst(%dma_wait3A_294 : memref<40x128xf32, #tpu.memory_space<vmem_shared>>)
        tpu.yield
      }) : () -> ()
    } else {
    }
    %add3A_95 = arith.constant 208 : i32
    %add3A_96 = arith.addi %arg1, %add3A_95 : i32
    %lt3A_97 = arith.constant 250 : i32
    %lt3A_98 = arith.cmpi slt, %add3A_96, %lt3A_97 : i32
    %convert_element_type3A_99 = arith.extui %lt3A_98 : i1 to i32
    %cond3A_100 = arith.constant 0 : i32
    %cond3A_101 = arith.cmpi ne, %convert_element_type3A_99, %cond3A_100 : i32
    scf.if %cond3A_101 {
      %mul3A_284 = arith.constant 40 : i32
      %mul3A_285 = arith.muli %add3A_96, %mul3A_284 : i32
      "tpu.region"() ({
        %run_scoped3A_286 = tpu.sem_alloc : memref<!tpu.dma_semaphore, #tpu.memory_space<semaphore_mem>>
        %dma_start3A_287 = arith.constant 0 : i32
        %dma_start3A_288 = tpu.memref_slice %arg18[%mul3A_285, %dma_start3A_287] : memref<10000x128xf32, #tpu.memory_space<vmem_shared>> -> memref<40x128xf32, #tpu.memory_space<vmem_shared>>
        %dma_start3A_289 = arith.constant 0 : i32
        %dma_start3A_290 = tpu.memref_slice %arg18[%mul3A_285, %dma_start3A_289] : memref<10000x128xf32, #tpu.memory_space<vmem_shared>> -> memref<40x128xf32, #tpu.memory_space<vmem_shared>>
        tpu.enqueue_dma source(%arg15 : memref<40x128xf32, #tpu.memory_space<vmem>>) target(%dma_start3A_290 : memref<40x128xf32, #tpu.memory_space<vmem_shared>>) target_semaphore(%run_scoped3A_286 : memref<!tpu.dma_semaphore, #tpu.memory_space<semaphore_mem>>)
        %dma_wait3A_291 = arith.constant 0 : i32
        %dma_wait3A_292 = tpu.memref_slice %arg18[%mul3A_285, %dma_wait3A_291] : memref<10000x128xf32, #tpu.memory_space<vmem_shared>> -> memref<40x128xf32, #tpu.memory_space<vmem_shared>>
        %dma_wait3A_293 = arith.constant 0 : i32
        %dma_wait3A_294 = tpu.memref_slice %arg18[%mul3A_285, %dma_wait3A_293] : memref<10000x128xf32, #tpu.memory_space<vmem_shared>> -> memref<40x128xf32, #tpu.memory_space<vmem_shared>>
        tpu.wait_dma2 semaphore(%run_scoped3A_286 : memref<!tpu.dma_semaphore, #tpu.memory_space<semaphore_mem>>) src(%arg15 : memref<40x128xf32, #tpu.memory_space<vmem>>) dst(%dma_wait3A_294 : memref<40x128xf32, #tpu.memory_space<vmem_shared>>)
        tpu.yield
      }) : () -> ()
    } else {
    }
    %add3A_102 = arith.constant 224 : i32
    %add3A_103 = arith.addi %arg1, %add3A_102 : i32
    %lt3A_104 = arith.constant 250 : i32
    %lt3A_105 = arith.cmpi slt, %add3A_103, %lt3A_104 : i32
    %convert_element_type3A_106 = arith.extui %lt3A_105 : i1 to i32
    %cond3A_107 = arith.constant 0 : i32
    %cond3A_108 = arith.cmpi ne, %convert_element_type3A_106, %cond3A_107 : i32
    scf.if %cond3A_108 {
      %mul3A_284 = arith.constant 40 : i32
      %mul3A_285 = arith.muli %add3A_103, %mul3A_284 : i32
      "tpu.region"() ({
        %run_scoped3A_286 = tpu.sem_alloc : memref<!tpu.dma_semaphore, #tpu.memory_space<semaphore_mem>>
        %dma_start3A_287 = arith.constant 0 : i32
        %dma_start3A_288 = tpu.memref_slice %arg18[%mul3A_285, %dma_start3A_287] : memref<10000x128xf32, #tpu.memory_space<vmem_shared>> -> memref<40x128xf32, #tpu.memory_space<vmem_shared>>
        %dma_start3A_289 = arith.constant 0 : i32
        %dma_start3A_290 = tpu.memref_slice %arg18[%mul3A_285, %dma_start3A_289] : memref<10000x128xf32, #tpu.memory_space<vmem_shared>> -> memref<40x128xf32, #tpu.memory_space<vmem_shared>>
        tpu.enqueue_dma source(%arg15 : memref<40x128xf32, #tpu.memory_space<vmem>>) target(%dma_start3A_290 : memref<40x128xf32, #tpu.memory_space<vmem_shared>>) target_semaphore(%run_scoped3A_286 : memref<!tpu.dma_semaphore, #tpu.memory_space<semaphore_mem>>)
        %dma_wait3A_291 = arith.constant 0 : i32
        %dma_wait3A_292 = tpu.memref_slice %arg18[%mul3A_285, %dma_wait3A_291] : memref<10000x128xf32, #tpu.memory_space<vmem_shared>> -> memref<40x128xf32, #tpu.memory_space<vmem_shared>>
        %dma_wait3A_293 = arith.constant 0 : i32
        %dma_wait3A_294 = tpu.memref_slice %arg18[%mul3A_285, %dma_wait3A_293] : memref<10000x128xf32, #tpu.memory_space<vmem_shared>> -> memref<40x128xf32, #tpu.memory_space<vmem_shared>>
        tpu.wait_dma2 semaphore(%run_scoped3A_286 : memref<!tpu.dma_semaphore, #tpu.memory_space<semaphore_mem>>) src(%arg15 : memref<40x128xf32, #tpu.memory_space<vmem>>) dst(%dma_wait3A_294 : memref<40x128xf32, #tpu.memory_space<vmem_shared>>)
        tpu.yield
      }) : () -> ()
    } else {
    }
    %add3A_109 = arith.constant 240 : i32
    %add3A_110 = arith.addi %arg1, %add3A_109 : i32
    %lt3A_111 = arith.constant 250 : i32
    %lt3A_112 = arith.cmpi slt, %add3A_110, %lt3A_111 : i32
    %convert_element_type3A_113 = arith.extui %lt3A_112 : i1 to i32
    %cond3A_114 = arith.constant 0 : i32
    %cond3A_115 = arith.cmpi ne, %convert_element_type3A_113, %cond3A_114 : i32
    scf.if %cond3A_115 {
      %mul3A_284 = arith.constant 40 : i32
      %mul3A_285 = arith.muli %add3A_110, %mul3A_284 : i32
      "tpu.region"() ({
        %run_scoped3A_286 = tpu.sem_alloc : memref<!tpu.dma_semaphore, #tpu.memory_space<semaphore_mem>>
        %dma_start3A_287 = arith.constant 0 : i32
        %dma_start3A_288 = tpu.memref_slice %arg18[%mul3A_285, %dma_start3A_287] : memref<10000x128xf32, #tpu.memory_space<vmem_shared>> -> memref<40x128xf32, #tpu.memory_space<vmem_shared>>
        %dma_start3A_289 = arith.constant 0 : i32
        %dma_start3A_290 = tpu.memref_slice %arg18[%mul3A_285, %dma_start3A_289] : memref<10000x128xf32, #tpu.memory_space<vmem_shared>> -> memref<40x128xf32, #tpu.memory_space<vmem_shared>>
        tpu.enqueue_dma source(%arg15 : memref<40x128xf32, #tpu.memory_space<vmem>>) target(%dma_start3A_290 : memref<40x128xf32, #tpu.memory_space<vmem_shared>>) target_semaphore(%run_scoped3A_286 : memref<!tpu.dma_semaphore, #tpu.memory_space<semaphore_mem>>)
        %dma_wait3A_291 = arith.constant 0 : i32
        %dma_wait3A_292 = tpu.memref_slice %arg18[%mul3A_285, %dma_wait3A_291] : memref<10000x128xf32, #tpu.memory_space<vmem_shared>> -> memref<40x128xf32, #tpu.memory_space<vmem_shared>>
        %dma_wait3A_293 = arith.constant 0 : i32
        %dma_wait3A_294 = tpu.memref_slice %arg18[%mul3A_285, %dma_wait3A_293] : memref<10000x128xf32, #tpu.memory_space<vmem_shared>> -> memref<40x128xf32, #tpu.memory_space<vmem_shared>>
        tpu.wait_dma2 semaphore(%run_scoped3A_286 : memref<!tpu.dma_semaphore, #tpu.memory_space<semaphore_mem>>) src(%arg15 : memref<40x128xf32, #tpu.memory_space<vmem>>) dst(%dma_wait3A_294 : memref<40x128xf32, #tpu.memory_space<vmem_shared>>)
        tpu.yield
      }) : () -> ()
    } else {
    }
    %barrier3A = arith.constant 0 : index
    tpu.barrier barrier_id(%barrier3A)
    %mul3A_116 = arith.constant 10000 : i32
    %mul3A_117 = arith.muli %add3A, %mul3A_116 : i32
    %add3A_118 = arith.constant 0 : i32
    %add3A_119 = arith.addi %mul3A_117, %add3A_118 : i32
    %run_scoped3A = arith.constant 0 : i32
    "tpu.region"() ({
      %run_scoped3A_284 = tpu.sem_alloc : memref<!tpu.dma_semaphore, #tpu.memory_space<semaphore_mem>>
      %dma_start3A_285 = arith.constant 0 : i32
      %dma_start3A_286 = tpu.memref_slice %arg8[%run_scoped3A, %dma_start3A_285] : memref<2x40xi32, #tpu.memory_space<vmem>> -> memref<1x40xi32, #tpu.memory_space<vmem>>
      %dma_start3A_287 = tpu.memref_squeeze %dma_start3A_286 : memref<1x40xi32, #tpu.memory_space<vmem>> -> memref<40xi32, #tpu.memory_space<vmem>>
      %dma_start3A_288 = tpu.memref_slice %arg2[%add3A_119] : memref<320000xi32, #tpu.memory_space<hbm>> -> memref<40xi32, #tpu.memory_space<hbm>>
      %dma_start3A_289 = arith.constant 0 : i32
      %dma_start3A_290 = tpu.memref_slice %arg8[%run_scoped3A, %dma_start3A_289] : memref<2x40xi32, #tpu.memory_space<vmem>> -> memref<1x40xi32, #tpu.memory_space<vmem>>
      %dma_start3A_291 = tpu.memref_squeeze %dma_start3A_290 : memref<1x40xi32, #tpu.memory_space<vmem>> -> memref<40xi32, #tpu.memory_space<vmem>>
      %dma_start3A_292 = tpu.memref_slice %arg2[%add3A_119] : memref<320000xi32, #tpu.memory_space<hbm>> -> memref<40xi32, #tpu.memory_space<hbm>>
      tpu.enqueue_dma source(%dma_start3A_292 : memref<40xi32, #tpu.memory_space<hbm>>) target(%dma_start3A_291 : memref<40xi32, #tpu.memory_space<vmem>>) target_semaphore(%run_scoped3A_284 : memref<!tpu.dma_semaphore, #tpu.memory_space<semaphore_mem>>)
      %dma_wait3A_293 = arith.constant 0 : i32
      %dma_wait3A_294 = tpu.memref_slice %arg8[%run_scoped3A, %dma_wait3A_293] : memref<2x40xi32, #tpu.memory_space<vmem>> -> memref<1x40xi32, #tpu.memory_space<vmem>>
      %dma_wait3A_295 = tpu.memref_squeeze %dma_wait3A_294 : memref<1x40xi32, #tpu.memory_space<vmem>> -> memref<40xi32, #tpu.memory_space<vmem>>
      %dma_wait3A_296 = tpu.memref_slice %arg2[%add3A_119] : memref<320000xi32, #tpu.memory_space<hbm>> -> memref<40xi32, #tpu.memory_space<hbm>>
      %dma_wait3A_297 = arith.constant 0 : i32
      %dma_wait3A_298 = tpu.memref_slice %arg8[%run_scoped3A, %dma_wait3A_297] : memref<2x40xi32, #tpu.memory_space<vmem>> -> memref<1x40xi32, #tpu.memory_space<vmem>>
      %dma_wait3A_299 = tpu.memref_squeeze %dma_wait3A_298 : memref<1x40xi32, #tpu.memory_space<vmem>> -> memref<40xi32, #tpu.memory_space<vmem>>
      %dma_wait3A_300 = tpu.memref_slice %arg2[%add3A_119] : memref<320000xi32, #tpu.memory_space<hbm>> -> memref<40xi32, #tpu.memory_space<hbm>>
      tpu.wait_dma2 semaphore(%run_scoped3A_284 : memref<!tpu.dma_semaphore, #tpu.memory_space<semaphore_mem>>) src(%dma_wait3A_300 : memref<40xi32, #tpu.memory_space<hbm>>) dst(%dma_wait3A_299 : memref<40xi32, #tpu.memory_space<vmem>>)
      tpu.yield
    }) : () -> ()
    %run_scoped3A_120 = arith.constant 0 : i32
    "tpu.region"() ({
      %run_scoped3A_284 = tpu.sem_alloc : memref<!tpu.dma_semaphore, #tpu.memory_space<semaphore_mem>>
      %dma_start3A_285 = arith.constant 0 : i32
      %dma_start3A_286 = tpu.memref_slice %arg9[%run_scoped3A_120, %dma_start3A_285] : memref<2x40xi32, #tpu.memory_space<vmem>> -> memref<1x40xi32, #tpu.memory_space<vmem>>
      %dma_start3A_287 = tpu.memref_squeeze %dma_start3A_286 : memref<1x40xi32, #tpu.memory_space<vmem>> -> memref<40xi32, #tpu.memory_space<vmem>>
      %dma_start3A_288 = tpu.memref_slice %arg3[%add3A_119] : memref<320000xi32, #tpu.memory_space<hbm>> -> memref<40xi32, #tpu.memory_space<hbm>>
      %dma_start3A_289 = arith.constant 0 : i32
      %dma_start3A_290 = tpu.memref_slice %arg9[%run_scoped3A_120, %dma_start3A_289] : memref<2x40xi32, #tpu.memory_space<vmem>> -> memref<1x40xi32, #tpu.memory_space<vmem>>
      %dma_start3A_291 = tpu.memref_squeeze %dma_start3A_290 : memref<1x40xi32, #tpu.memory_space<vmem>> -> memref<40xi32, #tpu.memory_space<vmem>>
      %dma_start3A_292 = tpu.memref_slice %arg3[%add3A_119] : memref<320000xi32, #tpu.memory_space<hbm>> -> memref<40xi32, #tpu.memory_space<hbm>>
      tpu.enqueue_dma source(%dma_start3A_292 : memref<40xi32, #tpu.memory_space<hbm>>) target(%dma_start3A_291 : memref<40xi32, #tpu.memory_space<vmem>>) target_semaphore(%run_scoped3A_284 : memref<!tpu.dma_semaphore, #tpu.memory_space<semaphore_mem>>)
      %dma_wait3A_293 = arith.constant 0 : i32
      %dma_wait3A_294 = tpu.memref_slice %arg9[%run_scoped3A_120, %dma_wait3A_293] : memref<2x40xi32, #tpu.memory_space<vmem>> -> memref<1x40xi32, #tpu.memory_space<vmem>>
      %dma_wait3A_295 = tpu.memref_squeeze %dma_wait3A_294 : memref<1x40xi32, #tpu.memory_space<vmem>> -> memref<40xi32, #tpu.memory_space<vmem>>
      %dma_wait3A_296 = tpu.memref_slice %arg3[%add3A_119] : memref<320000xi32, #tpu.memory_space<hbm>> -> memref<40xi32, #tpu.memory_space<hbm>>
      %dma_wait3A_297 = arith.constant 0 : i32
      %dma_wait3A_298 = tpu.memref_slice %arg9[%run_scoped3A_120, %dma_wait3A_297] : memref<2x40xi32, #tpu.memory_space<vmem>> -> memref<1x40xi32, #tpu.memory_space<vmem>>
      %dma_wait3A_299 = tpu.memref_squeeze %dma_wait3A_298 : memref<1x40xi32, #tpu.memory_space<vmem>> -> memref<40xi32, #tpu.memory_space<vmem>>
      %dma_wait3A_300 = tpu.memref_slice %arg3[%add3A_119] : memref<320000xi32, #tpu.memory_space<hbm>> -> memref<40xi32, #tpu.memory_space<hbm>>
      tpu.wait_dma2 semaphore(%run_scoped3A_284 : memref<!tpu.dma_semaphore, #tpu.memory_space<semaphore_mem>>) src(%dma_wait3A_300 : memref<40xi32, #tpu.memory_space<hbm>>) dst(%dma_wait3A_299 : memref<40xi32, #tpu.memory_space<vmem>>)
      tpu.yield
    }) : () -> ()
    %dma_start3A = arith.constant 0 : i32
    %dma_start3A_121 = arith.constant 0 : i32
    %dma_start3A_122 = tpu.memref_slice %arg8[%dma_start3A, %dma_start3A_121] : memref<2x40xi32, #tpu.memory_space<vmem>> -> memref<1x40xi32, #tpu.memory_space<vmem>>
    %dma_start3A_123 = tpu.memref_squeeze %dma_start3A_122 : memref<1x40xi32, #tpu.memory_space<vmem>> -> memref<40xi32, #tpu.memory_space<vmem>>
    %dma_start3A_124 = arith.constant 0 : i32
    %dma_start3A_125 = arith.constant 0 : i32
    %dma_start3A_126 = tpu.memref_slice %arg4[%dma_start3A_124, %dma_start3A_125] : memref<10000x256xf32, #tpu.memory_space<hbm>> -> memref<10000x256xf32, #tpu.memory_space<hbm>>
    tpu.enqueue_indirect_dma source(%dma_start3A_126 : memref<10000x256xf32, #tpu.memory_space<hbm>>) target(%arg11 : memref<40x256xf32, #tpu.memory_space<vmem>>) offsets(%dma_start3A_123 : memref<40xi32, #tpu.memory_space<vmem>>) semaphore(%arg19 : memref<!tpu.dma_semaphore, #tpu.memory_space<semaphore_mem>>)
    %dma_start3A_127 = arith.constant 0 : i32
    %dma_start3A_128 = arith.constant 0 : i32
    %dma_start3A_129 = tpu.memref_slice %arg9[%dma_start3A_127, %dma_start3A_128] : memref<2x40xi32, #tpu.memory_space<vmem>> -> memref<1x40xi32, #tpu.memory_space<vmem>>
    %dma_start3A_130 = tpu.memref_squeeze %dma_start3A_129 : memref<1x40xi32, #tpu.memory_space<vmem>> -> memref<40xi32, #tpu.memory_space<vmem>>
    %dma_start3A_131 = arith.constant 0 : i32
    %dma_start3A_132 = arith.constant 0 : i32
    %dma_start3A_133 = tpu.memref_slice %arg5[%dma_start3A_131, %dma_start3A_132] : memref<10000x128xf32, #tpu.memory_space<hbm>> -> memref<10000x128xf32, #tpu.memory_space<hbm>>
    tpu.enqueue_indirect_dma source(%dma_start3A_133 : memref<10000x128xf32, #tpu.memory_space<hbm>>) target(%arg13 : memref<40x128xf32, #tpu.memory_space<vmem>>) offsets(%dma_start3A_130 : memref<40xi32, #tpu.memory_space<vmem>>) semaphore(%arg21 : memref<!tpu.dma_semaphore, #tpu.memory_space<semaphore_mem>>)
    %add3A_134 = arith.constant 40 : i32
    %add3A_135 = arith.addi %mul3A_117, %add3A_134 : i32
    %run_scoped3A_136 = arith.constant 1 : i32
    "tpu.region"() ({
      %run_scoped3A_284 = tpu.sem_alloc : memref<!tpu.dma_semaphore, #tpu.memory_space<semaphore_mem>>
      %dma_start3A_285 = arith.constant 0 : i32
      %dma_start3A_286 = tpu.memref_slice %arg8[%run_scoped3A_136, %dma_start3A_285] : memref<2x40xi32, #tpu.memory_space<vmem>> -> memref<1x40xi32, #tpu.memory_space<vmem>>
      %dma_start3A_287 = tpu.memref_squeeze %dma_start3A_286 : memref<1x40xi32, #tpu.memory_space<vmem>> -> memref<40xi32, #tpu.memory_space<vmem>>
      %dma_start3A_288 = tpu.memref_slice %arg2[%add3A_135] : memref<320000xi32, #tpu.memory_space<hbm>> -> memref<40xi32, #tpu.memory_space<hbm>>
      %dma_start3A_289 = arith.constant 0 : i32
      %dma_start3A_290 = tpu.memref_slice %arg8[%run_scoped3A_136, %dma_start3A_289] : memref<2x40xi32, #tpu.memory_space<vmem>> -> memref<1x40xi32, #tpu.memory_space<vmem>>
      %dma_start3A_291 = tpu.memref_squeeze %dma_start3A_290 : memref<1x40xi32, #tpu.memory_space<vmem>> -> memref<40xi32, #tpu.memory_space<vmem>>
      %dma_start3A_292 = tpu.memref_slice %arg2[%add3A_135] : memref<320000xi32, #tpu.memory_space<hbm>> -> memref<40xi32, #tpu.memory_space<hbm>>
      tpu.enqueue_dma source(%dma_start3A_292 : memref<40xi32, #tpu.memory_space<hbm>>) target(%dma_start3A_291 : memref<40xi32, #tpu.memory_space<vmem>>) target_semaphore(%run_scoped3A_284 : memref<!tpu.dma_semaphore, #tpu.memory_space<semaphore_mem>>)
      %dma_wait3A_293 = arith.constant 0 : i32
      %dma_wait3A_294 = tpu.memref_slice %arg8[%run_scoped3A_136, %dma_wait3A_293] : memref<2x40xi32, #tpu.memory_space<vmem>> -> memref<1x40xi32, #tpu.memory_space<vmem>>
      %dma_wait3A_295 = tpu.memref_squeeze %dma_wait3A_294 : memref<1x40xi32, #tpu.memory_space<vmem>> -> memref<40xi32, #tpu.memory_space<vmem>>
      %dma_wait3A_296 = tpu.memref_slice %arg2[%add3A_135] : memref<320000xi32, #tpu.memory_space<hbm>> -> memref<40xi32, #tpu.memory_space<hbm>>
      %dma_wait3A_297 = arith.constant 0 : i32
      %dma_wait3A_298 = tpu.memref_slice %arg8[%run_scoped3A_136, %dma_wait3A_297] : memref<2x40xi32, #tpu.memory_space<vmem>> -> memref<1x40xi32, #tpu.memory_space<vmem>>
      %dma_wait3A_299 = tpu.memref_squeeze %dma_wait3A_298 : memref<1x40xi32, #tpu.memory_space<vmem>> -> memref<40xi32, #tpu.memory_space<vmem>>
      %dma_wait3A_300 = tpu.memref_slice %arg2[%add3A_135] : memref<320000xi32, #tpu.memory_space<hbm>> -> memref<40xi32, #tpu.memory_space<hbm>>
      tpu.wait_dma2 semaphore(%run_scoped3A_284 : memref<!tpu.dma_semaphore, #tpu.memory_space<semaphore_mem>>) src(%dma_wait3A_300 : memref<40xi32, #tpu.memory_space<hbm>>) dst(%dma_wait3A_299 : memref<40xi32, #tpu.memory_space<vmem>>)
      tpu.yield
    }) : () -> ()
    %run_scoped3A_137 = arith.constant 1 : i32
    "tpu.region"() ({
      %run_scoped3A_284 = tpu.sem_alloc : memref<!tpu.dma_semaphore, #tpu.memory_space<semaphore_mem>>
      %dma_start3A_285 = arith.constant 0 : i32
      %dma_start3A_286 = tpu.memref_slice %arg9[%run_scoped3A_137, %dma_start3A_285] : memref<2x40xi32, #tpu.memory_space<vmem>> -> memref<1x40xi32, #tpu.memory_space<vmem>>
      %dma_start3A_287 = tpu.memref_squeeze %dma_start3A_286 : memref<1x40xi32, #tpu.memory_space<vmem>> -> memref<40xi32, #tpu.memory_space<vmem>>
      %dma_start3A_288 = tpu.memref_slice %arg3[%add3A_135] : memref<320000xi32, #tpu.memory_space<hbm>> -> memref<40xi32, #tpu.memory_space<hbm>>
      %dma_start3A_289 = arith.constant 0 : i32
      %dma_start3A_290 = tpu.memref_slice %arg9[%run_scoped3A_137, %dma_start3A_289] : memref<2x40xi32, #tpu.memory_space<vmem>> -> memref<1x40xi32, #tpu.memory_space<vmem>>
      %dma_start3A_291 = tpu.memref_squeeze %dma_start3A_290 : memref<1x40xi32, #tpu.memory_space<vmem>> -> memref<40xi32, #tpu.memory_space<vmem>>
      %dma_start3A_292 = tpu.memref_slice %arg3[%add3A_135] : memref<320000xi32, #tpu.memory_space<hbm>> -> memref<40xi32, #tpu.memory_space<hbm>>
      tpu.enqueue_dma source(%dma_start3A_292 : memref<40xi32, #tpu.memory_space<hbm>>) target(%dma_start3A_291 : memref<40xi32, #tpu.memory_space<vmem>>) target_semaphore(%run_scoped3A_284 : memref<!tpu.dma_semaphore, #tpu.memory_space<semaphore_mem>>)
      %dma_wait3A_293 = arith.constant 0 : i32
      %dma_wait3A_294 = tpu.memref_slice %arg9[%run_scoped3A_137, %dma_wait3A_293] : memref<2x40xi32, #tpu.memory_space<vmem>> -> memref<1x40xi32, #tpu.memory_space<vmem>>
      %dma_wait3A_295 = tpu.memref_squeeze %dma_wait3A_294 : memref<1x40xi32, #tpu.memory_space<vmem>> -> memref<40xi32, #tpu.memory_space<vmem>>
      %dma_wait3A_296 = tpu.memref_slice %arg3[%add3A_135] : memref<320000xi32, #tpu.memory_space<hbm>> -> memref<40xi32, #tpu.memory_space<hbm>>
      %dma_wait3A_297 = arith.constant 0 : i32
      %dma_wait3A_298 = tpu.memref_slice %arg9[%run_scoped3A_137, %dma_wait3A_297] : memref<2x40xi32, #tpu.memory_space<vmem>> -> memref<1x40xi32, #tpu.memory_space<vmem>>
      %dma_wait3A_299 = tpu.memref_squeeze %dma_wait3A_298 : memref<1x40xi32, #tpu.memory_space<vmem>> -> memref<40xi32, #tpu.memory_space<vmem>>
      %dma_wait3A_300 = tpu.memref_slice %arg3[%add3A_135] : memref<320000xi32, #tpu.memory_space<hbm>> -> memref<40xi32, #tpu.memory_space<hbm>>
      tpu.wait_dma2 semaphore(%run_scoped3A_284 : memref<!tpu.dma_semaphore, #tpu.memory_space<semaphore_mem>>) src(%dma_wait3A_300 : memref<40xi32, #tpu.memory_space<hbm>>) dst(%dma_wait3A_299 : memref<40xi32, #tpu.memory_space<vmem>>)
      tpu.yield
    }) : () -> ()
    %dma_start3A_138 = arith.constant 1 : i32
    %dma_start3A_139 = arith.constant 0 : i32
    %dma_start3A_140 = tpu.memref_slice %arg8[%dma_start3A_138, %dma_start3A_139] : memref<2x40xi32, #tpu.memory_space<vmem>> -> memref<1x40xi32, #tpu.memory_space<vmem>>
    %dma_start3A_141 = tpu.memref_squeeze %dma_start3A_140 : memref<1x40xi32, #tpu.memory_space<vmem>> -> memref<40xi32, #tpu.memory_space<vmem>>
    %dma_start3A_142 = arith.constant 0 : i32
    %dma_start3A_143 = arith.constant 0 : i32
    %dma_start3A_144 = tpu.memref_slice %arg4[%dma_start3A_142, %dma_start3A_143] : memref<10000x256xf32, #tpu.memory_space<hbm>> -> memref<10000x256xf32, #tpu.memory_space<hbm>>
    tpu.enqueue_indirect_dma source(%dma_start3A_144 : memref<10000x256xf32, #tpu.memory_space<hbm>>) target(%arg12 : memref<40x256xf32, #tpu.memory_space<vmem>>) offsets(%dma_start3A_141 : memref<40xi32, #tpu.memory_space<vmem>>) semaphore(%arg20 : memref<!tpu.dma_semaphore, #tpu.memory_space<semaphore_mem>>)
    %dma_start3A_145 = arith.constant 1 : i32
    %dma_start3A_146 = arith.constant 0 : i32
    %dma_start3A_147 = tpu.memref_slice %arg9[%dma_start3A_145, %dma_start3A_146] : memref<2x40xi32, #tpu.memory_space<vmem>> -> memref<1x40xi32, #tpu.memory_space<vmem>>
    %dma_start3A_148 = tpu.memref_squeeze %dma_start3A_147 : memref<1x40xi32, #tpu.memory_space<vmem>> -> memref<40xi32, #tpu.memory_space<vmem>>
    %dma_start3A_149 = arith.constant 0 : i32
    %dma_start3A_150 = arith.constant 0 : i32
    %dma_start3A_151 = tpu.memref_slice %arg5[%dma_start3A_149, %dma_start3A_150] : memref<10000x128xf32, #tpu.memory_space<hbm>> -> memref<10000x128xf32, #tpu.memory_space<hbm>>
    tpu.enqueue_indirect_dma source(%dma_start3A_151 : memref<10000x128xf32, #tpu.memory_space<hbm>>) target(%arg14 : memref<40x128xf32, #tpu.memory_space<vmem>>) offsets(%dma_start3A_148 : memref<40xi32, #tpu.memory_space<vmem>>) semaphore(%arg22 : memref<!tpu.dma_semaphore, #tpu.memory_space<semaphore_mem>>)
    %scan3A_152 = arith.constant 0 : i32
    %scan3A_153 = arith.constant 0 : i32
    %scan3A_154 = arith.constant 125 : i32
    %scan3A_155 = arith.addi %scan3A_153, %scan3A_154 : i32
    %scan3A_156 = arith.constant 1 : i32
    scf.for %scan3A_284 = %scan3A_153 to %scan3A_155 step %scan3A_156  : i32 {
      %mul3A_285 = arith.constant 2 : i32
      %mul3A_286 = arith.muli %mul3A_285, %scan3A_284 : i32
      %add3A_287 = arith.constant 0 : i32
      %add3A_288 = arith.addi %mul3A_286, %add3A_287 : i32
      %ge3A = arith.constant 2 : i32
      %ge3A_289 = arith.cmpi sge, %add3A_288, %ge3A : i32
      %convert_element_type3A_290 = arith.extui %ge3A_289 : i1 to i32
      %cond3A_291 = arith.constant 0 : i32
      %cond3A_292 = arith.cmpi ne, %convert_element_type3A_290, %cond3A_291 : i32
      scf.if %cond3A_292 {
        %dma_wait3A_442 = arith.constant 0 : i32
        %dma_wait3A_443 = arith.constant 0 : i32
        %dma_wait3A_444 = tpu.memref_slice %arg10[%dma_wait3A_442, %dma_wait3A_443] : memref<2x40xi32, #tpu.memory_space<vmem>> -> memref<1x40xi32, #tpu.memory_space<vmem>>
        %dma_wait3A_445 = tpu.memref_squeeze %dma_wait3A_444 : memref<1x40xi32, #tpu.memory_space<vmem>> -> memref<40xi32, #tpu.memory_space<vmem>>
        %dma_wait3A_446 = arith.constant 0 : i32
        %dma_wait3A_447 = arith.constant 0 : i32
        %dma_wait3A_448 = tpu.memref_slice %arg18[%dma_wait3A_446, %dma_wait3A_447] : memref<10000x128xf32, #tpu.memory_space<vmem_shared>> -> memref<10000x128xf32, #tpu.memory_space<vmem_shared>>
        tpu.wait_indirect_dma semaphore(%arg23 : memref<!tpu.dma_semaphore, #tpu.memory_space<semaphore_mem>>) src(%arg15 : memref<40x128xf32, #tpu.memory_space<vmem>>) dst(%dma_wait3A_448 : memref<10000x128xf32, #tpu.memory_space<vmem_shared>>)
      } else {
      }
      %dma_wait3A_293 = arith.constant 0 : i32
      %dma_wait3A_294 = arith.constant 0 : i32
      %dma_wait3A_295 = tpu.memref_slice %arg8[%dma_wait3A_293, %dma_wait3A_294] : memref<2x40xi32, #tpu.memory_space<vmem>> -> memref<1x40xi32, #tpu.memory_space<vmem>>
      %dma_wait3A_296 = tpu.memref_squeeze %dma_wait3A_295 : memref<1x40xi32, #tpu.memory_space<vmem>> -> memref<40xi32, #tpu.memory_space<vmem>>
      %dma_wait3A_297 = arith.constant 0 : i32
      %dma_wait3A_298 = arith.constant 0 : i32
      %dma_wait3A_299 = tpu.memref_slice %arg4[%dma_wait3A_297, %dma_wait3A_298] : memref<10000x256xf32, #tpu.memory_space<hbm>> -> memref<10000x256xf32, #tpu.memory_space<hbm>>
      tpu.wait_indirect_dma semaphore(%arg19 : memref<!tpu.dma_semaphore, #tpu.memory_space<semaphore_mem>>) src(%dma_wait3A_299 : memref<10000x256xf32, #tpu.memory_space<hbm>>) dst(%arg11 : memref<40x256xf32, #tpu.memory_space<vmem>>)
      %dma_wait3A_300 = arith.constant 0 : i32
      %dma_wait3A_301 = arith.constant 0 : i32
      %dma_wait3A_302 = tpu.memref_slice %arg9[%dma_wait3A_300, %dma_wait3A_301] : memref<2x40xi32, #tpu.memory_space<vmem>> -> memref<1x40xi32, #tpu.memory_space<vmem>>
      %dma_wait3A_303 = tpu.memref_squeeze %dma_wait3A_302 : memref<1x40xi32, #tpu.memory_space<vmem>> -> memref<40xi32, #tpu.memory_space<vmem>>
      %dma_wait3A_304 = arith.constant 0 : i32
      %dma_wait3A_305 = arith.constant 0 : i32
      %dma_wait3A_306 = tpu.memref_slice %arg5[%dma_wait3A_304, %dma_wait3A_305] : memref<10000x128xf32, #tpu.memory_space<hbm>> -> memref<10000x128xf32, #tpu.memory_space<hbm>>
      tpu.wait_indirect_dma semaphore(%arg21 : memref<!tpu.dma_semaphore, #tpu.memory_space<semaphore_mem>>) src(%dma_wait3A_306 : memref<10000x128xf32, #tpu.memory_space<hbm>>) dst(%arg13 : memref<40x128xf32, #tpu.memory_space<vmem>>)
      %get3A = arith.constant 0 : i32
      %get3A_307 = arith.index_cast %get3A : i32 to index
      %get3A_308 = arith.constant 0 : index
      %get3A_309 = tpu.vector_load %arg9[%get3A_307, %get3A_308] {strides = array<i32>} : memref<2x40xi32, #tpu.memory_space<vmem>>, vector<1x16xi32>,
      %get3A_310 = vector.shape_cast %get3A_309 : vector<1x16xi32> to vector<16xi32>
      %swap3A = arith.constant 0 : i32
      %swap3A_311 = arith.index_cast %swap3A : i32 to index
      %swap3A_312 = arith.constant 0 : index
      %swap3A_313 = tpu.vector_load %arg10[%swap3A_311, %swap3A_312] {strides = array<i32>} : memref<2x40xi32, #tpu.memory_space<vmem>>, vector<1x16xi32>,
      %swap3A_314 = vector.shape_cast %swap3A_313 : vector<1x16xi32> to vector<16xi32>
      %swap3A_315 = vector.shape_cast %get3A_310 : vector<16xi32> to vector<1x16xi32>
      tpu.vector_store %arg10[%swap3A_311, %swap3A_312], %swap3A_315 {strides = array<i32>} : memref<2x40xi32, #tpu.memory_space<vmem>>, vector<1x16xi32>,
      %get3A_316 = arith.constant 0 : i32
      %get3A_317 = arith.index_cast %get3A_316 : i32 to index
      %get3A_318 = arith.constant 16 : index
      %get3A_319 = tpu.vector_load %arg9[%get3A_317, %get3A_318] {strides = array<i32>} : memref<2x40xi32, #tpu.memory_space<vmem>>, vector<1x16xi32>,
      %get3A_320 = vector.shape_cast %get3A_319 : vector<1x16xi32> to vector<16xi32>
      %swap3A_321 = arith.constant 0 : i32
      %swap3A_322 = arith.index_cast %swap3A_321 : i32 to index
      %swap3A_323 = arith.constant 16 : index
      %swap3A_324 = tpu.vector_load %arg10[%swap3A_322, %swap3A_323] {strides = array<i32>} : memref<2x40xi32, #tpu.memory_space<vmem>>, vector<1x16xi32>,
      %swap3A_325 = vector.shape_cast %swap3A_324 : vector<1x16xi32> to vector<16xi32>
      %swap3A_326 = vector.shape_cast %get3A_320 : vector<16xi32> to vector<1x16xi32>
      tpu.vector_store %arg10[%swap3A_322, %swap3A_323], %swap3A_326 {strides = array<i32>} : memref<2x40xi32, #tpu.memory_space<vmem>>, vector<1x16xi32>,
      %get3A_327 = arith.constant 0 : i32
      %get3A_328 = arith.index_cast %get3A_327 : i32 to index
      %get3A_329 = arith.constant 24 : index
      %get3A_330 = tpu.vector_load %arg9[%get3A_328, %get3A_329] {strides = array<i32>} : memref<2x40xi32, #tpu.memory_space<vmem>>, vector<1x16xi32>,
      %get3A_331 = vector.shape_cast %get3A_330 : vector<1x16xi32> to vector<16xi32>
      %swap3A_332 = arith.constant 0 : i32
      %swap3A_333 = arith.index_cast %swap3A_332 : i32 to index
      %swap3A_334 = arith.constant 24 : index
      %swap3A_335 = tpu.vector_load %arg10[%swap3A_333, %swap3A_334] {strides = array<i32>} : memref<2x40xi32, #tpu.memory_space<vmem>>, vector<1x16xi32>,
      %swap3A_336 = vector.shape_cast %swap3A_335 : vector<1x16xi32> to vector<16xi32>
      %swap3A_337 = vector.shape_cast %get3A_331 : vector<16xi32> to vector<1x16xi32>
      tpu.vector_store %arg10[%swap3A_333, %swap3A_334], %swap3A_337 {strides = array<i32>} : memref<2x40xi32, #tpu.memory_space<vmem>>, vector<1x16xi32>,
      %add3A_338 = arith.constant 2 : i32
      %add3A_339 = arith.addi %add3A_288, %add3A_338 : i32
      %lt3A_340 = arith.constant 250 : i32
      %lt3A_341 = arith.cmpi slt, %add3A_339, %lt3A_340 : i32
      %convert_element_type3A_342 = arith.extui %lt3A_341 : i1 to i32
      %cond3A_343 = arith.constant 0 : i32
      %cond3A_344 = arith.cmpi ne, %convert_element_type3A_342, %cond3A_343 : i32
      scf.if %cond3A_344 {
        %add3A_442 = arith.constant 2 : i32
        %add3A_443 = arith.addi %add3A_288, %add3A_442 : i32
        %mul3A_444 = arith.constant 40 : i32
        %mul3A_445 = arith.muli %add3A_443, %mul3A_444 : i32
        %add3A_446 = arith.addi %mul3A_117, %mul3A_445 : i32
        %dma_start3A_447 = arith.constant 0 : i32
        %dma_start3A_448 = arith.constant 0 : i32
        %dma_start3A_449 = tpu.memref_slice %arg8[%dma_start3A_447, %dma_start3A_448] : memref<2x40xi32, #tpu.memory_space<vmem>> -> memref<1x40xi32, #tpu.memory_space<vmem>>
        %dma_start3A_450 = tpu.memref_squeeze %dma_start3A_449 : memref<1x40xi32, #tpu.memory_space<vmem>> -> memref<40xi32, #tpu.memory_space<vmem>>
        %dma_start3A_451 = tpu.memref_slice %arg2[%add3A_446] : memref<320000xi32, #tpu.memory_space<hbm>> -> memref<40xi32, #tpu.memory_space<hbm>>
        %dma_start3A_452 = arith.constant 0 : i32
        %dma_start3A_453 = tpu.memref_slice %arg8[%dma_start3A_447, %dma_start3A_452] : memref<2x40xi32, #tpu.memory_space<vmem>> -> memref<1x40xi32, #tpu.memory_space<vmem>>
        %dma_start3A_454 = tpu.memref_squeeze %dma_start3A_453 : memref<1x40xi32, #tpu.memory_space<vmem>> -> memref<40xi32, #tpu.memory_space<vmem>>
        %dma_start3A_455 = tpu.memref_slice %arg2[%add3A_446] : memref<320000xi32, #tpu.memory_space<hbm>> -> memref<40xi32, #tpu.memory_space<hbm>>
        tpu.enqueue_dma source(%dma_start3A_455 : memref<40xi32, #tpu.memory_space<hbm>>) target(%dma_start3A_454 : memref<40xi32, #tpu.memory_space<vmem>>) target_semaphore(%arg25 : memref<!tpu.dma_semaphore, #tpu.memory_space<semaphore_mem>>)
        %dma_start3A_456 = arith.constant 0 : i32
        %dma_start3A_457 = arith.constant 0 : i32
        %dma_start3A_458 = tpu.memref_slice %arg9[%dma_start3A_456, %dma_start3A_457] : memref<2x40xi32, #tpu.memory_space<vmem>> -> memref<1x40xi32, #tpu.memory_space<vmem>>
        %dma_start3A_459 = tpu.memref_squeeze %dma_start3A_458 : memref<1x40xi32, #tpu.memory_space<vmem>> -> memref<40xi32, #tpu.memory_space<vmem>>
        %dma_start3A_460 = tpu.memref_slice %arg3[%add3A_446] : memref<320000xi32, #tpu.memory_space<hbm>> -> memref<40xi32, #tpu.memory_space<hbm>>
        %dma_start3A_461 = arith.constant 0 : i32
        %dma_start3A_462 = tpu.memref_slice %arg9[%dma_start3A_456, %dma_start3A_461] : memref<2x40xi32, #tpu.memory_space<vmem>> -> memref<1x40xi32, #tpu.memory_space<vmem>>
        %dma_start3A_463 = tpu.memref_squeeze %dma_start3A_462 : memref<1x40xi32, #tpu.memory_space<vmem>> -> memref<40xi32, #tpu.memory_space<vmem>>
        %dma_start3A_464 = tpu.memref_slice %arg3[%add3A_446] : memref<320000xi32, #tpu.memory_space<hbm>> -> memref<40xi32, #tpu.memory_space<hbm>>
        tpu.enqueue_dma source(%dma_start3A_464 : memref<40xi32, #tpu.memory_space<hbm>>) target(%dma_start3A_463 : memref<40xi32, #tpu.memory_space<vmem>>) target_semaphore(%arg27 : memref<!tpu.dma_semaphore, #tpu.memory_space<semaphore_mem>>)
      } else {
      }
      %iota3A = tpu.iota {dimensions = array<i32: 0>} : vector<16xi32>
      %parallel_loop3A = arith.constant 0 : i32
      %parallel_loop3A_345 = arith.constant 40 : i32
      %parallel_loop3A_346 = arith.constant 1 : i32
      scf.for %parallel_loop3A_442 = %parallel_loop3A to %parallel_loop3A_345 step %parallel_loop3A_346  : i32 {
        %parallel_loop3A_443 = arith.constant 128 : index
        %parallel_loop3A_444 = tpu.vector_load %arg17[%parallel_loop3A_443] {strides = array<i32>} : memref<144xf32, #tpu.memory_space<vmem>>, vector<16xf32>,
        %parallel_loop3A_445 = vector.shape_cast %parallel_loop3A_444 : vector<16xf32> to vector<16xf32>
        %parallel_loop3A_446 = arith.index_cast %parallel_loop3A_442 : i32 to index
        %parallel_loop3A_447 = arith.constant 0 : index
        %parallel_loop3A_448 = tpu.vector_load %arg11[%parallel_loop3A_446, %parallel_loop3A_447] {strides = array<i32>} : memref<40x256xf32, #tpu.memory_space<vmem>>, vector<1x16xf32>,
        %parallel_loop3A_449 = vector.shape_cast %parallel_loop3A_448 : vector<1x16xf32> to vector<16xf32>
        %parallel_loop3A_450 = arith.index_cast %parallel_loop3A_442 : i32 to index
        %parallel_loop3A_451 = arith.constant 0 : index
        %parallel_loop3A_452 = tpu.vector_load %arg13[%parallel_loop3A_450, %parallel_loop3A_451] {strides = array<i32>} : memref<40x128xf32, #tpu.memory_space<vmem>>, vector<1x16xf32>,
        %parallel_loop3A_453 = vector.shape_cast %parallel_loop3A_452 : vector<1x16xf32> to vector<16xf32>
        %parallel_loop3A_454 = arith.addf %parallel_loop3A_449, %parallel_loop3A_453 : vector<16xf32>
        %parallel_loop3A_455 = arith.constant 0.000000e+00 : f32
        %parallel_loop3A_456 = vector.broadcast %parallel_loop3A_455 : f32 to vector<16xf32>
        %parallel_loop3A_457 = arith.maximumf %parallel_loop3A_454, %parallel_loop3A_456 : vector<16xf32>
        %parallel_loop3A_458 = arith.constant 0 : index
        %parallel_loop3A_459 = tpu.vector_load %arg17[%parallel_loop3A_458] {strides = array<i32>} : memref<144xf32, #tpu.memory_space<vmem>>, vector<16xf32>,
        %parallel_loop3A_460 = vector.shape_cast %parallel_loop3A_459 : vector<16xf32> to vector<16xf32>
        %parallel_loop3A_461 = arith.mulf %parallel_loop3A_457, %parallel_loop3A_460 : vector<16xf32>
        %parallel_loop3A_462 = arith.addf %parallel_loop3A_445, %parallel_loop3A_461 : vector<16xf32>
        %parallel_loop3A_463 = arith.index_cast %parallel_loop3A_442 : i32 to index
        %parallel_loop3A_464 = arith.constant 16 : index
        %parallel_loop3A_465 = tpu.vector_load %arg11[%parallel_loop3A_463, %parallel_loop3A_464] {strides = array<i32>} : memref<40x256xf32, #tpu.memory_space<vmem>>, vector<1x16xf32>,
        %parallel_loop3A_466 = vector.shape_cast %parallel_loop3A_465 : vector<1x16xf32> to vector<16xf32>
        %parallel_loop3A_467 = arith.index_cast %parallel_loop3A_442 : i32 to index
        %parallel_loop3A_468 = arith.constant 16 : index
        %parallel_loop3A_469 = tpu.vector_load %arg13[%parallel_loop3A_467, %parallel_loop3A_468] {strides = array<i32>} : memref<40x128xf32, #tpu.memory_space<vmem>>, vector<1x16xf32>,
        %parallel_loop3A_470 = vector.shape_cast %parallel_loop3A_469 : vector<1x16xf32> to vector<16xf32>
        %parallel_loop3A_471 = arith.addf %parallel_loop3A_466, %parallel_loop3A_470 : vector<16xf32>
        %parallel_loop3A_472 = arith.constant 0.000000e+00 : f32
        %parallel_loop3A_473 = vector.broadcast %parallel_loop3A_472 : f32 to vector<16xf32>
        %parallel_loop3A_474 = arith.maximumf %parallel_loop3A_471, %parallel_loop3A_473 : vector<16xf32>
        %parallel_loop3A_475 = arith.constant 16 : index
        %parallel_loop3A_476 = tpu.vector_load %arg17[%parallel_loop3A_475] {strides = array<i32>} : memref<144xf32, #tpu.memory_space<vmem>>, vector<16xf32>,
        %parallel_loop3A_477 = vector.shape_cast %parallel_loop3A_476 : vector<16xf32> to vector<16xf32>
        %parallel_loop3A_478 = arith.mulf %parallel_loop3A_474, %parallel_loop3A_477 : vector<16xf32>
        %parallel_loop3A_479 = arith.addf %parallel_loop3A_462, %parallel_loop3A_478 : vector<16xf32>
        %parallel_loop3A_480 = arith.index_cast %parallel_loop3A_442 : i32 to index
        %parallel_loop3A_481 = arith.constant 32 : index
        %parallel_loop3A_482 = tpu.vector_load %arg11[%parallel_loop3A_480, %parallel_loop3A_481] {strides = array<i32>} : memref<40x256xf32, #tpu.memory_space<vmem>>, vector<1x16xf32>,
        %parallel_loop3A_483 = vector.shape_cast %parallel_loop3A_482 : vector<1x16xf32> to vector<16xf32>
        %parallel_loop3A_484 = arith.index_cast %parallel_loop3A_442 : i32 to index
        %parallel_loop3A_485 = arith.constant 32 : index
        %parallel_loop3A_486 = tpu.vector_load %arg13[%parallel_loop3A_484, %parallel_loop3A_485] {strides = array<i32>} : memref<40x128xf32, #tpu.memory_space<vmem>>, vector<1x16xf32>,
        %parallel_loop3A_487 = vector.shape_cast %parallel_loop3A_486 : vector<1x16xf32> to vector<16xf32>
        %parallel_loop3A_488 = arith.addf %parallel_loop3A_483, %parallel_loop3A_487 : vector<16xf32>
        %parallel_loop3A_489 = arith.constant 0.000000e+00 : f32
        %parallel_loop3A_490 = vector.broadcast %parallel_loop3A_489 : f32 to vector<16xf32>
        %parallel_loop3A_491 = arith.maximumf %parallel_loop3A_488, %parallel_loop3A_490 : vector<16xf32>
        %parallel_loop3A_492 = arith.constant 32 : index
        %parallel_loop3A_493 = tpu.vector_load %arg17[%parallel_loop3A_492] {strides = array<i32>} : memref<144xf32, #tpu.memory_space<vmem>>, vector<16xf32>,
        %parallel_loop3A_494 = vector.shape_cast %parallel_loop3A_493 : vector<16xf32> to vector<16xf32>
        %parallel_loop3A_495 = arith.mulf %parallel_loop3A_491, %parallel_loop3A_494 : vector<16xf32>
        %parallel_loop3A_496 = arith.addf %parallel_loop3A_479, %parallel_loop3A_495 : vector<16xf32>
        %parallel_loop3A_497 = arith.index_cast %parallel_loop3A_442 : i32 to index
        %parallel_loop3A_498 = arith.constant 48 : index
        %parallel_loop3A_499 = tpu.vector_load %arg11[%parallel_loop3A_497, %parallel_loop3A_498] {strides = array<i32>} : memref<40x256xf32, #tpu.memory_space<vmem>>, vector<1x16xf32>,
        %parallel_loop3A_500 = vector.shape_cast %parallel_loop3A_499 : vector<1x16xf32> to vector<16xf32>
        %parallel_loop3A_501 = arith.index_cast %parallel_loop3A_442 : i32 to index
        %parallel_loop3A_502 = arith.constant 48 : index
        %parallel_loop3A_503 = tpu.vector_load %arg13[%parallel_loop3A_501, %parallel_loop3A_502] {strides = array<i32>} : memref<40x128xf32, #tpu.memory_space<vmem>>, vector<1x16xf32>,
        %parallel_loop3A_504 = vector.shape_cast %parallel_loop3A_503 : vector<1x16xf32> to vector<16xf32>
        %parallel_loop3A_505 = arith.addf %parallel_loop3A_500, %parallel_loop3A_504 : vector<16xf32>
        %parallel_loop3A_506 = arith.constant 0.000000e+00 : f32
        %parallel_loop3A_507 = vector.broadcast %parallel_loop3A_506 : f32 to vector<16xf32>
        %parallel_loop3A_508 = arith.maximumf %parallel_loop3A_505, %parallel_loop3A_507 : vector<16xf32>
        %parallel_loop3A_509 = arith.constant 48 : index
        %parallel_loop3A_510 = tpu.vector_load %arg17[%parallel_loop3A_509] {strides = array<i32>} : memref<144xf32, #tpu.memory_space<vmem>>, vector<16xf32>,
        %parallel_loop3A_511 = vector.shape_cast %parallel_loop3A_510 : vector<16xf32> to vector<16xf32>
        %parallel_loop3A_512 = arith.mulf %parallel_loop3A_508, %parallel_loop3A_511 : vector<16xf32>
        %parallel_loop3A_513 = arith.addf %parallel_loop3A_496, %parallel_loop3A_512 : vector<16xf32>
        %parallel_loop3A_514 = arith.index_cast %parallel_loop3A_442 : i32 to index
        %parallel_loop3A_515 = arith.constant 64 : index
        %parallel_loop3A_516 = tpu.vector_load %arg11[%parallel_loop3A_514, %parallel_loop3A_515] {strides = array<i32>} : memref<40x256xf32, #tpu.memory_space<vmem>>, vector<1x16xf32>,
        %parallel_loop3A_517 = vector.shape_cast %parallel_loop3A_516 : vector<1x16xf32> to vector<16xf32>
        %parallel_loop3A_518 = arith.index_cast %parallel_loop3A_442 : i32 to index
        %parallel_loop3A_519 = arith.constant 64 : index
        %parallel_loop3A_520 = tpu.vector_load %arg13[%parallel_loop3A_518, %parallel_loop3A_519] {strides = array<i32>} : memref<40x128xf32, #tpu.memory_space<vmem>>, vector<1x16xf32>,
        %parallel_loop3A_521 = vector.shape_cast %parallel_loop3A_520 : vector<1x16xf32> to vector<16xf32>
        %parallel_loop3A_522 = arith.addf %parallel_loop3A_517, %parallel_loop3A_521 : vector<16xf32>
        %parallel_loop3A_523 = arith.constant 0.000000e+00 : f32
        %parallel_loop3A_524 = vector.broadcast %parallel_loop3A_523 : f32 to vector<16xf32>
        %parallel_loop3A_525 = arith.maximumf %parallel_loop3A_522, %parallel_loop3A_524 : vector<16xf32>
        %parallel_loop3A_526 = arith.constant 64 : index
        %parallel_loop3A_527 = tpu.vector_load %arg17[%parallel_loop3A_526] {strides = array<i32>} : memref<144xf32, #tpu.memory_space<vmem>>, vector<16xf32>,
        %parallel_loop3A_528 = vector.shape_cast %parallel_loop3A_527 : vector<16xf32> to vector<16xf32>
        %parallel_loop3A_529 = arith.mulf %parallel_loop3A_525, %parallel_loop3A_528 : vector<16xf32>
        %parallel_loop3A_530 = arith.addf %parallel_loop3A_513, %parallel_loop3A_529 : vector<16xf32>
        %parallel_loop3A_531 = arith.index_cast %parallel_loop3A_442 : i32 to index
        %parallel_loop3A_532 = arith.constant 80 : index
        %parallel_loop3A_533 = tpu.vector_load %arg11[%parallel_loop3A_531, %parallel_loop3A_532] {strides = array<i32>} : memref<40x256xf32, #tpu.memory_space<vmem>>, vector<1x16xf32>,
        %parallel_loop3A_534 = vector.shape_cast %parallel_loop3A_533 : vector<1x16xf32> to vector<16xf32>
        %parallel_loop3A_535 = arith.index_cast %parallel_loop3A_442 : i32 to index
        %parallel_loop3A_536 = arith.constant 80 : index
        %parallel_loop3A_537 = tpu.vector_load %arg13[%parallel_loop3A_535, %parallel_loop3A_536] {strides = array<i32>} : memref<40x128xf32, #tpu.memory_space<vmem>>, vector<1x16xf32>,
        %parallel_loop3A_538 = vector.shape_cast %parallel_loop3A_537 : vector<1x16xf32> to vector<16xf32>
        %parallel_loop3A_539 = arith.addf %parallel_loop3A_534, %parallel_loop3A_538 : vector<16xf32>
        %parallel_loop3A_540 = arith.constant 0.000000e+00 : f32
        %parallel_loop3A_541 = vector.broadcast %parallel_loop3A_540 : f32 to vector<16xf32>
        %parallel_loop3A_542 = arith.maximumf %parallel_loop3A_539, %parallel_loop3A_541 : vector<16xf32>
        %parallel_loop3A_543 = arith.constant 80 : index
        %parallel_loop3A_544 = tpu.vector_load %arg17[%parallel_loop3A_543] {strides = array<i32>} : memref<144xf32, #tpu.memory_space<vmem>>, vector<16xf32>,
        %parallel_loop3A_545 = vector.shape_cast %parallel_loop3A_544 : vector<16xf32> to vector<16xf32>
        %parallel_loop3A_546 = arith.mulf %parallel_loop3A_542, %parallel_loop3A_545 : vector<16xf32>
        %parallel_loop3A_547 = arith.addf %parallel_loop3A_530, %parallel_loop3A_546 : vector<16xf32>
        %parallel_loop3A_548 = arith.index_cast %parallel_loop3A_442 : i32 to index
        %parallel_loop3A_549 = arith.constant 96 : index
        %parallel_loop3A_550 = tpu.vector_load %arg11[%parallel_loop3A_548, %parallel_loop3A_549] {strides = array<i32>} : memref<40x256xf32, #tpu.memory_space<vmem>>, vector<1x16xf32>,
        %parallel_loop3A_551 = vector.shape_cast %parallel_loop3A_550 : vector<1x16xf32> to vector<16xf32>
        %parallel_loop3A_552 = arith.index_cast %parallel_loop3A_442 : i32 to index
        %parallel_loop3A_553 = arith.constant 96 : index
        %parallel_loop3A_554 = tpu.vector_load %arg13[%parallel_loop3A_552, %parallel_loop3A_553] {strides = array<i32>} : memref<40x128xf32, #tpu.memory_space<vmem>>, vector<1x16xf32>,
        %parallel_loop3A_555 = vector.shape_cast %parallel_loop3A_554 : vector<1x16xf32> to vector<16xf32>
        %parallel_loop3A_556 = arith.addf %parallel_loop3A_551, %parallel_loop3A_555 : vector<16xf32>
        %parallel_loop3A_557 = arith.constant 0.000000e+00 : f32
        %parallel_loop3A_558 = vector.broadcast %parallel_loop3A_557 : f32 to vector<16xf32>
        %parallel_loop3A_559 = arith.maximumf %parallel_loop3A_556, %parallel_loop3A_558 : vector<16xf32>
        %parallel_loop3A_560 = arith.constant 96 : index
        %parallel_loop3A_561 = tpu.vector_load %arg17[%parallel_loop3A_560] {strides = array<i32>} : memref<144xf32, #tpu.memory_space<vmem>>, vector<16xf32>,
        %parallel_loop3A_562 = vector.shape_cast %parallel_loop3A_561 : vector<16xf32> to vector<16xf32>
        %parallel_loop3A_563 = arith.mulf %parallel_loop3A_559, %parallel_loop3A_562 : vector<16xf32>
        %parallel_loop3A_564 = arith.addf %parallel_loop3A_547, %parallel_loop3A_563 : vector<16xf32>
        %parallel_loop3A_565 = arith.index_cast %parallel_loop3A_442 : i32 to index
        %parallel_loop3A_566 = arith.constant 112 : index
        %parallel_loop3A_567 = tpu.vector_load %arg11[%parallel_loop3A_565, %parallel_loop3A_566] {strides = array<i32>} : memref<40x256xf32, #tpu.memory_space<vmem>>, vector<1x16xf32>,
        %parallel_loop3A_568 = vector.shape_cast %parallel_loop3A_567 : vector<1x16xf32> to vector<16xf32>
        %parallel_loop3A_569 = arith.index_cast %parallel_loop3A_442 : i32 to index
        %parallel_loop3A_570 = arith.constant 112 : index
        %parallel_loop3A_571 = tpu.vector_load %arg13[%parallel_loop3A_569, %parallel_loop3A_570] {strides = array<i32>} : memref<40x128xf32, #tpu.memory_space<vmem>>, vector<1x16xf32>,
        %parallel_loop3A_572 = vector.shape_cast %parallel_loop3A_571 : vector<1x16xf32> to vector<16xf32>
        %parallel_loop3A_573 = arith.addf %parallel_loop3A_568, %parallel_loop3A_572 : vector<16xf32>
        %parallel_loop3A_574 = arith.constant 0.000000e+00 : f32
        %parallel_loop3A_575 = vector.broadcast %parallel_loop3A_574 : f32 to vector<16xf32>
        %parallel_loop3A_576 = arith.maximumf %parallel_loop3A_573, %parallel_loop3A_575 : vector<16xf32>
        %parallel_loop3A_577 = arith.constant 112 : index
        %parallel_loop3A_578 = tpu.vector_load %arg17[%parallel_loop3A_577] {strides = array<i32>} : memref<144xf32, #tpu.memory_space<vmem>>, vector<16xf32>,
        %parallel_loop3A_579 = vector.shape_cast %parallel_loop3A_578 : vector<16xf32> to vector<16xf32>
        %parallel_loop3A_580 = arith.mulf %parallel_loop3A_576, %parallel_loop3A_579 : vector<16xf32>
        %parallel_loop3A_581 = arith.addf %parallel_loop3A_564, %parallel_loop3A_580 : vector<16xf32>
        %parallel_loop3A_582 = arith.constant 8 : i32
        %parallel_loop3A_583 = vector.broadcast %parallel_loop3A_582 : i32 to vector<16xi32>
        %parallel_loop3A_584 = arith.xori %iota3A, %parallel_loop3A_583 : vector<16xi32>
        %parallel_loop3A_585 = arith.constant 0 : i32
        %parallel_loop3A_586 = vector.broadcast %parallel_loop3A_585 : i32 to vector<16xi32>
        %parallel_loop3A_587 = arith.cmpi slt, %parallel_loop3A_584, %parallel_loop3A_586 : vector<16xi32>
        %parallel_loop3A_588 = arith.constant 16 : i32
        %parallel_loop3A_589 = vector.broadcast %parallel_loop3A_588 : i32 to vector<16xi32>
        %parallel_loop3A_590 = arith.addi %parallel_loop3A_584, %parallel_loop3A_589 : vector<16xi32>
        %parallel_loop3A_591 = arith.select %parallel_loop3A_587, %parallel_loop3A_590, %parallel_loop3A_584 : vector<16xi1>, vector<16xi32>
        %parallel_loop3A_592 = vector.shape_cast %parallel_loop3A_591 : vector<16xi32> to vector<16x1xi32>
        %parallel_loop3A_593 = vector.shape_cast %parallel_loop3A_592 : vector<16x1xi32> to vector<16xi32>
        %parallel_loop3A_594 = tpu.dynamic_gather %parallel_loop3A_581[%parallel_loop3A_593] in [0] : vector<16xf32>, vector<16xi32> -> vector<16xf32>
        %parallel_loop3A_595 = arith.addf %parallel_loop3A_581, %parallel_loop3A_594 : vector<16xf32>
        %parallel_loop3A_596 = arith.constant 4 : i32
        %parallel_loop3A_597 = vector.broadcast %parallel_loop3A_596 : i32 to vector<16xi32>
        %parallel_loop3A_598 = arith.xori %iota3A, %parallel_loop3A_597 : vector<16xi32>
        %parallel_loop3A_599 = arith.constant 0 : i32
        %parallel_loop3A_600 = vector.broadcast %parallel_loop3A_599 : i32 to vector<16xi32>
        %parallel_loop3A_601 = arith.cmpi slt, %parallel_loop3A_598, %parallel_loop3A_600 : vector<16xi32>
        %parallel_loop3A_602 = arith.constant 16 : i32
        %parallel_loop3A_603 = vector.broadcast %parallel_loop3A_602 : i32 to vector<16xi32>
        %parallel_loop3A_604 = arith.addi %parallel_loop3A_598, %parallel_loop3A_603 : vector<16xi32>
        %parallel_loop3A_605 = arith.select %parallel_loop3A_601, %parallel_loop3A_604, %parallel_loop3A_598 : vector<16xi1>, vector<16xi32>
        %parallel_loop3A_606 = vector.shape_cast %parallel_loop3A_605 : vector<16xi32> to vector<16x1xi32>
        %parallel_loop3A_607 = vector.shape_cast %parallel_loop3A_606 : vector<16x1xi32> to vector<16xi32>
        %parallel_loop3A_608 = tpu.dynamic_gather %parallel_loop3A_595[%parallel_loop3A_607] in [0] : vector<16xf32>, vector<16xi32> -> vector<16xf32>
        %parallel_loop3A_609 = arith.addf %parallel_loop3A_595, %parallel_loop3A_608 : vector<16xf32>
        %parallel_loop3A_610 = arith.constant 2 : i32
        %parallel_loop3A_611 = vector.broadcast %parallel_loop3A_610 : i32 to vector<16xi32>
        %parallel_loop3A_612 = arith.xori %iota3A, %parallel_loop3A_611 : vector<16xi32>
        %parallel_loop3A_613 = arith.constant 0 : i32
        %parallel_loop3A_614 = vector.broadcast %parallel_loop3A_613 : i32 to vector<16xi32>
        %parallel_loop3A_615 = arith.cmpi slt, %parallel_loop3A_612, %parallel_loop3A_614 : vector<16xi32>
        %parallel_loop3A_616 = arith.constant 16 : i32
        %parallel_loop3A_617 = vector.broadcast %parallel_loop3A_616 : i32 to vector<16xi32>
        %parallel_loop3A_618 = arith.addi %parallel_loop3A_612, %parallel_loop3A_617 : vector<16xi32>
        %parallel_loop3A_619 = arith.select %parallel_loop3A_615, %parallel_loop3A_618, %parallel_loop3A_612 : vector<16xi1>, vector<16xi32>
        %parallel_loop3A_620 = vector.shape_cast %parallel_loop3A_619 : vector<16xi32> to vector<16x1xi32>
        %parallel_loop3A_621 = vector.shape_cast %parallel_loop3A_620 : vector<16x1xi32> to vector<16xi32>
        %parallel_loop3A_622 = tpu.dynamic_gather %parallel_loop3A_609[%parallel_loop3A_621] in [0] : vector<16xf32>, vector<16xi32> -> vector<16xf32>
        %parallel_loop3A_623 = arith.addf %parallel_loop3A_609, %parallel_loop3A_622 : vector<16xf32>
        %parallel_loop3A_624 = arith.constant 1 : i32
        %parallel_loop3A_625 = vector.broadcast %parallel_loop3A_624 : i32 to vector<16xi32>
        %parallel_loop3A_626 = arith.xori %iota3A, %parallel_loop3A_625 : vector<16xi32>
        %parallel_loop3A_627 = arith.constant 0 : i32
        %parallel_loop3A_628 = vector.broadcast %parallel_loop3A_627 : i32 to vector<16xi32>
        %parallel_loop3A_629 = arith.cmpi slt, %parallel_loop3A_626, %parallel_loop3A_628 : vector<16xi32>
        %parallel_loop3A_630 = arith.constant 16 : i32
        %parallel_loop3A_631 = vector.broadcast %parallel_loop3A_630 : i32 to vector<16xi32>
        %parallel_loop3A_632 = arith.addi %parallel_loop3A_626, %parallel_loop3A_631 : vector<16xi32>
        %parallel_loop3A_633 = arith.select %parallel_loop3A_629, %parallel_loop3A_632, %parallel_loop3A_626 : vector<16xi1>, vector<16xi32>
        %parallel_loop3A_634 = vector.shape_cast %parallel_loop3A_633 : vector<16xi32> to vector<16x1xi32>
        %parallel_loop3A_635 = vector.shape_cast %parallel_loop3A_634 : vector<16x1xi32> to vector<16xi32>
        %parallel_loop3A_636 = tpu.dynamic_gather %parallel_loop3A_623[%parallel_loop3A_635] in [0] : vector<16xf32>, vector<16xi32> -> vector<16xf32>
        %parallel_loop3A_637 = arith.addf %parallel_loop3A_623, %parallel_loop3A_636 : vector<16xf32>
        %parallel_loop3A_638 = arith.constant 0.000000e+00 : f32
        %parallel_loop3A_639 = vector.broadcast %parallel_loop3A_638 : f32 to vector<16xf32>
        %parallel_loop3A_640 = arith.subf %parallel_loop3A_639, %parallel_loop3A_637 : vector<16xf32>
        %parallel_loop3A_641 = math.exp %parallel_loop3A_640 : vector<16xf32>
        %parallel_loop3A_642 = arith.constant 1.000000e+00 : f32
        %parallel_loop3A_643 = vector.broadcast %parallel_loop3A_642 : f32 to vector<16xf32>
        %parallel_loop3A_644 = arith.addf %parallel_loop3A_643, %parallel_loop3A_641 : vector<16xf32>
        %parallel_loop3A_645 = arith.constant 1.000000e+00 : f32
        %parallel_loop3A_646 = vector.broadcast %parallel_loop3A_645 : f32 to vector<16xf32>
        %parallel_loop3A_647 = arith.divf %parallel_loop3A_646, %parallel_loop3A_644 : vector<16xf32>
        %parallel_loop3A_648 = arith.index_cast %parallel_loop3A_442 : i32 to index
        %parallel_loop3A_649 = arith.constant 128 : index
        %parallel_loop3A_650 = tpu.vector_load %arg11[%parallel_loop3A_648, %parallel_loop3A_649] {strides = array<i32>} : memref<40x256xf32, #tpu.memory_space<vmem>>, vector<1x16xf32>,
        %parallel_loop3A_651 = vector.shape_cast %parallel_loop3A_650 : vector<1x16xf32> to vector<16xf32>
        %parallel_loop3A_652 = arith.mulf %parallel_loop3A_651, %parallel_loop3A_647 : vector<16xf32>
        %parallel_loop3A_653 = arith.index_cast %parallel_loop3A_442 : i32 to index
        %parallel_loop3A_654 = arith.constant 0 : index
        %parallel_loop3A_655 = tpu.vector_load %arg15[%parallel_loop3A_653, %parallel_loop3A_654] {strides = array<i32>} : memref<40x128xf32, #tpu.memory_space<vmem>>, vector<1x16xf32>,
        %parallel_loop3A_656 = vector.shape_cast %parallel_loop3A_655 : vector<1x16xf32> to vector<16xf32>
        %parallel_loop3A_657 = vector.shape_cast %parallel_loop3A_652 : vector<16xf32> to vector<1x16xf32>
        tpu.vector_store %arg15[%parallel_loop3A_653, %parallel_loop3A_654], %parallel_loop3A_657 {strides = array<i32>} : memref<40x128xf32, #tpu.memory_space<vmem>>, vector<1x16xf32>,
        %parallel_loop3A_658 = arith.index_cast %parallel_loop3A_442 : i32 to index
        %parallel_loop3A_659 = arith.constant 144 : index
        %parallel_loop3A_660 = tpu.vector_load %arg11[%parallel_loop3A_658, %parallel_loop3A_659] {strides = array<i32>} : memref<40x256xf32, #tpu.memory_space<vmem>>, vector<1x16xf32>,
        %parallel_loop3A_661 = vector.shape_cast %parallel_loop3A_660 : vector<1x16xf32> to vector<16xf32>
        %parallel_loop3A_662 = arith.mulf %parallel_loop3A_661, %parallel_loop3A_647 : vector<16xf32>
        %parallel_loop3A_663 = arith.index_cast %parallel_loop3A_442 : i32 to index
        %parallel_loop3A_664 = arith.constant 16 : index
        %parallel_loop3A_665 = tpu.vector_load %arg15[%parallel_loop3A_663, %parallel_loop3A_664] {strides = array<i32>} : memref<40x128xf32, #tpu.memory_space<vmem>>, vector<1x16xf32>,
        %parallel_loop3A_666 = vector.shape_cast %parallel_loop3A_665 : vector<1x16xf32> to vector<16xf32>
        %parallel_loop3A_667 = vector.shape_cast %parallel_loop3A_662 : vector<16xf32> to vector<1x16xf32>
        tpu.vector_store %arg15[%parallel_loop3A_663, %parallel_loop3A_664], %parallel_loop3A_667 {strides = array<i32>} : memref<40x128xf32, #tpu.memory_space<vmem>>, vector<1x16xf32>,
        %parallel_loop3A_668 = arith.index_cast %parallel_loop3A_442 : i32 to index
        %parallel_loop3A_669 = arith.constant 160 : index
        %parallel_loop3A_670 = tpu.vector_load %arg11[%parallel_loop3A_668, %parallel_loop3A_669] {strides = array<i32>} : memref<40x256xf32, #tpu.memory_space<vmem>>, vector<1x16xf32>,
        %parallel_loop3A_671 = vector.shape_cast %parallel_loop3A_670 : vector<1x16xf32> to vector<16xf32>
        %parallel_loop3A_672 = arith.mulf %parallel_loop3A_671, %parallel_loop3A_647 : vector<16xf32>
        %parallel_loop3A_673 = arith.index_cast %parallel_loop3A_442 : i32 to index
        %parallel_loop3A_674 = arith.constant 32 : index
        %parallel_loop3A_675 = tpu.vector_load %arg15[%parallel_loop3A_673, %parallel_loop3A_674] {strides = array<i32>} : memref<40x128xf32, #tpu.memory_space<vmem>>, vector<1x16xf32>,
        %parallel_loop3A_676 = vector.shape_cast %parallel_loop3A_675 : vector<1x16xf32> to vector<16xf32>
        %parallel_loop3A_677 = vector.shape_cast %parallel_loop3A_672 : vector<16xf32> to vector<1x16xf32>
        tpu.vector_store %arg15[%parallel_loop3A_673, %parallel_loop3A_674], %parallel_loop3A_677 {strides = array<i32>} : memref<40x128xf32, #tpu.memory_space<vmem>>, vector<1x16xf32>,
        %parallel_loop3A_678 = arith.index_cast %parallel_loop3A_442 : i32 to index
        %parallel_loop3A_679 = arith.constant 176 : index
        %parallel_loop3A_680 = tpu.vector_load %arg11[%parallel_loop3A_678, %parallel_loop3A_679] {strides = array<i32>} : memref<40x256xf32, #tpu.memory_space<vmem>>, vector<1x16xf32>,
        %parallel_loop3A_681 = vector.shape_cast %parallel_loop3A_680 : vector<1x16xf32> to vector<16xf32>
        %parallel_loop3A_682 = arith.mulf %parallel_loop3A_681, %parallel_loop3A_647 : vector<16xf32>
        %parallel_loop3A_683 = arith.index_cast %parallel_loop3A_442 : i32 to index
        %parallel_loop3A_684 = arith.constant 48 : index
        %parallel_loop3A_685 = tpu.vector_load %arg15[%parallel_loop3A_683, %parallel_loop3A_684] {strides = array<i32>} : memref<40x128xf32, #tpu.memory_space<vmem>>, vector<1x16xf32>,
        %parallel_loop3A_686 = vector.shape_cast %parallel_loop3A_685 : vector<1x16xf32> to vector<16xf32>
        %parallel_loop3A_687 = vector.shape_cast %parallel_loop3A_682 : vector<16xf32> to vector<1x16xf32>
        tpu.vector_store %arg15[%parallel_loop3A_683, %parallel_loop3A_684], %parallel_loop3A_687 {strides = array<i32>} : memref<40x128xf32, #tpu.memory_space<vmem>>, vector<1x16xf32>,
        %parallel_loop3A_688 = arith.index_cast %parallel_loop3A_442 : i32 to index
        %parallel_loop3A_689 = arith.constant 192 : index
        %parallel_loop3A_690 = tpu.vector_load %arg11[%parallel_loop3A_688, %parallel_loop3A_689] {strides = array<i32>} : memref<40x256xf32, #tpu.memory_space<vmem>>, vector<1x16xf32>,
        %parallel_loop3A_691 = vector.shape_cast %parallel_loop3A_690 : vector<1x16xf32> to vector<16xf32>
        %parallel_loop3A_692 = arith.mulf %parallel_loop3A_691, %parallel_loop3A_647 : vector<16xf32>
        %parallel_loop3A_693 = arith.index_cast %parallel_loop3A_442 : i32 to index
        %parallel_loop3A_694 = arith.constant 64 : index
        %parallel_loop3A_695 = tpu.vector_load %arg15[%parallel_loop3A_693, %parallel_loop3A_694] {strides = array<i32>} : memref<40x128xf32, #tpu.memory_space<vmem>>, vector<1x16xf32>,
        %parallel_loop3A_696 = vector.shape_cast %parallel_loop3A_695 : vector<1x16xf32> to vector<16xf32>
        %parallel_loop3A_697 = vector.shape_cast %parallel_loop3A_692 : vector<16xf32> to vector<1x16xf32>
        tpu.vector_store %arg15[%parallel_loop3A_693, %parallel_loop3A_694], %parallel_loop3A_697 {strides = array<i32>} : memref<40x128xf32, #tpu.memory_space<vmem>>, vector<1x16xf32>,
        %parallel_loop3A_698 = arith.index_cast %parallel_loop3A_442 : i32 to index
        %parallel_loop3A_699 = arith.constant 208 : index
        %parallel_loop3A_700 = tpu.vector_load %arg11[%parallel_loop3A_698, %parallel_loop3A_699] {strides = array<i32>} : memref<40x256xf32, #tpu.memory_space<vmem>>, vector<1x16xf32>,
        %parallel_loop3A_701 = vector.shape_cast %parallel_loop3A_700 : vector<1x16xf32> to vector<16xf32>
        %parallel_loop3A_702 = arith.mulf %parallel_loop3A_701, %parallel_loop3A_647 : vector<16xf32>
        %parallel_loop3A_703 = arith.index_cast %parallel_loop3A_442 : i32 to index
        %parallel_loop3A_704 = arith.constant 80 : index
        %parallel_loop3A_705 = tpu.vector_load %arg15[%parallel_loop3A_703, %parallel_loop3A_704] {strides = array<i32>} : memref<40x128xf32, #tpu.memory_space<vmem>>, vector<1x16xf32>,
        %parallel_loop3A_706 = vector.shape_cast %parallel_loop3A_705 : vector<1x16xf32> to vector<16xf32>
        %parallel_loop3A_707 = vector.shape_cast %parallel_loop3A_702 : vector<16xf32> to vector<1x16xf32>
        tpu.vector_store %arg15[%parallel_loop3A_703, %parallel_loop3A_704], %parallel_loop3A_707 {strides = array<i32>} : memref<40x128xf32, #tpu.memory_space<vmem>>, vector<1x16xf32>,
        %parallel_loop3A_708 = arith.index_cast %parallel_loop3A_442 : i32 to index
        %parallel_loop3A_709 = arith.constant 224 : index
        %parallel_loop3A_710 = tpu.vector_load %arg11[%parallel_loop3A_708, %parallel_loop3A_709] {strides = array<i32>} : memref<40x256xf32, #tpu.memory_space<vmem>>, vector<1x16xf32>,
        %parallel_loop3A_711 = vector.shape_cast %parallel_loop3A_710 : vector<1x16xf32> to vector<16xf32>
        %parallel_loop3A_712 = arith.mulf %parallel_loop3A_711, %parallel_loop3A_647 : vector<16xf32>
        %parallel_loop3A_713 = arith.index_cast %parallel_loop3A_442 : i32 to index
        %parallel_loop3A_714 = arith.constant 96 : index
        %parallel_loop3A_715 = tpu.vector_load %arg15[%parallel_loop3A_713, %parallel_loop3A_714] {strides = array<i32>} : memref<40x128xf32, #tpu.memory_space<vmem>>, vector<1x16xf32>,
        %parallel_loop3A_716 = vector.shape_cast %parallel_loop3A_715 : vector<1x16xf32> to vector<16xf32>
        %parallel_loop3A_717 = vector.shape_cast %parallel_loop3A_712 : vector<16xf32> to vector<1x16xf32>
        tpu.vector_store %arg15[%parallel_loop3A_713, %parallel_loop3A_714], %parallel_loop3A_717 {strides = array<i32>} : memref<40x128xf32, #tpu.memory_space<vmem>>, vector<1x16xf32>,
        %parallel_loop3A_718 = arith.index_cast %parallel_loop3A_442 : i32 to index
        %parallel_loop3A_719 = arith.constant 240 : index
        %parallel_loop3A_720 = tpu.vector_load %arg11[%parallel_loop3A_718, %parallel_loop3A_719] {strides = array<i32>} : memref<40x256xf32, #tpu.memory_space<vmem>>, vector<1x16xf32>,
        %parallel_loop3A_721 = vector.shape_cast %parallel_loop3A_720 : vector<1x16xf32> to vector<16xf32>
        %parallel_loop3A_722 = arith.mulf %parallel_loop3A_721, %parallel_loop3A_647 : vector<16xf32>
        %parallel_loop3A_723 = arith.index_cast %parallel_loop3A_442 : i32 to index
        %parallel_loop3A_724 = arith.constant 112 : index
        %parallel_loop3A_725 = tpu.vector_load %arg15[%parallel_loop3A_723, %parallel_loop3A_724] {strides = array<i32>} : memref<40x128xf32, #tpu.memory_space<vmem>>, vector<1x16xf32>,
        %parallel_loop3A_726 = vector.shape_cast %parallel_loop3A_725 : vector<1x16xf32> to vector<16xf32>
        %parallel_loop3A_727 = vector.shape_cast %parallel_loop3A_722 : vector<16xf32> to vector<1x16xf32>
        tpu.vector_store %arg15[%parallel_loop3A_723, %parallel_loop3A_724], %parallel_loop3A_727 {strides = array<i32>} : memref<40x128xf32, #tpu.memory_space<vmem>>, vector<1x16xf32>,
      } {sc.loop_unroll_factor = 20 : i64, sc.parallel_access}
      %dma_start3A_347 = arith.constant 0 : i32
      %dma_start3A_348 = arith.constant 0 : i32
      %dma_start3A_349 = tpu.memref_slice %arg10[%dma_start3A_347, %dma_start3A_348] : memref<2x40xi32, #tpu.memory_space<vmem>> -> memref<1x40xi32, #tpu.memory_space<vmem>>
      %dma_start3A_350 = tpu.memref_squeeze %dma_start3A_349 : memref<1x40xi32, #tpu.memory_space<vmem>> -> memref<40xi32, #tpu.memory_space<vmem>>
      %dma_start3A_351 = arith.constant 0 : i32
      %dma_start3A_352 = arith.constant 0 : i32
      %dma_start3A_353 = tpu.memref_slice %arg18[%dma_start3A_351, %dma_start3A_352] : memref<10000x128xf32, #tpu.memory_space<vmem_shared>> -> memref<10000x128xf32, #tpu.memory_space<vmem_shared>>
      tpu.enqueue_indirect_dma source(%arg15 : memref<40x128xf32, #tpu.memory_space<vmem>>) target(%dma_start3A_353 : memref<10000x128xf32, #tpu.memory_space<vmem_shared>>) offsets(%dma_start3A_350 : memref<40xi32, #tpu.memory_space<vmem>>) semaphore(%arg23 : memref<!tpu.dma_semaphore, #tpu.memory_space<semaphore_mem>>) {add = true}
      %add3A_354 = arith.constant 2 : i32
      %add3A_355 = arith.addi %add3A_288, %add3A_354 : i32
      %lt3A_356 = arith.constant 250 : i32
      %lt3A_357 = arith.cmpi slt, %add3A_355, %lt3A_356 : i32
      %convert_element_type3A_358 = arith.extui %lt3A_357 : i1 to i32
      %cond3A_359 = arith.constant 0 : i32
      %cond3A_360 = arith.cmpi ne, %convert_element_type3A_358, %cond3A_359 : i32
      scf.if %cond3A_360 {
        %add3A_442 = arith.constant 2 : i32
        %add3A_443 = arith.addi %add3A_288, %add3A_442 : i32
        %mul3A_444 = arith.constant 40 : i32
        %mul3A_445 = arith.muli %add3A_443, %mul3A_444 : i32
        %add3A_446 = arith.addi %mul3A_117, %mul3A_445 : i32
        %dma_wait3A_447 = arith.constant 0 : i32
        %dma_wait3A_448 = arith.constant 0 : i32
        %dma_wait3A_449 = tpu.memref_slice %arg8[%dma_wait3A_447, %dma_wait3A_448] : memref<2x40xi32, #tpu.memory_space<vmem>> -> memref<1x40xi32, #tpu.memory_space<vmem>>
        %dma_wait3A_450 = tpu.memref_squeeze %dma_wait3A_449 : memref<1x40xi32, #tpu.memory_space<vmem>> -> memref<40xi32, #tpu.memory_space<vmem>>
        %dma_wait3A_451 = tpu.memref_slice %arg2[%add3A_446] : memref<320000xi32, #tpu.memory_space<hbm>> -> memref<40xi32, #tpu.memory_space<hbm>>
        %dma_wait3A_452 = arith.constant 0 : i32
        %dma_wait3A_453 = tpu.memref_slice %arg8[%dma_wait3A_447, %dma_wait3A_452] : memref<2x40xi32, #tpu.memory_space<vmem>> -> memref<1x40xi32, #tpu.memory_space<vmem>>
        %dma_wait3A_454 = tpu.memref_squeeze %dma_wait3A_453 : memref<1x40xi32, #tpu.memory_space<vmem>> -> memref<40xi32, #tpu.memory_space<vmem>>
        %dma_wait3A_455 = tpu.memref_slice %arg2[%add3A_446] : memref<320000xi32, #tpu.memory_space<hbm>> -> memref<40xi32, #tpu.memory_space<hbm>>
        tpu.wait_dma2 semaphore(%arg25 : memref<!tpu.dma_semaphore, #tpu.memory_space<semaphore_mem>>) src(%dma_wait3A_455 : memref<40xi32, #tpu.memory_space<hbm>>) dst(%dma_wait3A_454 : memref<40xi32, #tpu.memory_space<vmem>>)
        %dma_wait3A_456 = arith.constant 0 : i32
        %dma_wait3A_457 = arith.constant 0 : i32
        %dma_wait3A_458 = tpu.memref_slice %arg9[%dma_wait3A_456, %dma_wait3A_457] : memref<2x40xi32, #tpu.memory_space<vmem>> -> memref<1x40xi32, #tpu.memory_space<vmem>>
        %dma_wait3A_459 = tpu.memref_squeeze %dma_wait3A_458 : memref<1x40xi32, #tpu.memory_space<vmem>> -> memref<40xi32, #tpu.memory_space<vmem>>
        %dma_wait3A_460 = tpu.memref_slice %arg3[%add3A_446] : memref<320000xi32, #tpu.memory_space<hbm>> -> memref<40xi32, #tpu.memory_space<hbm>>
        %dma_wait3A_461 = arith.constant 0 : i32
        %dma_wait3A_462 = tpu.memref_slice %arg9[%dma_wait3A_456, %dma_wait3A_461] : memref<2x40xi32, #tpu.memory_space<vmem>> -> memref<1x40xi32, #tpu.memory_space<vmem>>
        %dma_wait3A_463 = tpu.memref_squeeze %dma_wait3A_462 : memref<1x40xi32, #tpu.memory_space<vmem>> -> memref<40xi32, #tpu.memory_space<vmem>>
        %dma_wait3A_464 = tpu.memref_slice %arg3[%add3A_446] : memref<320000xi32, #tpu.memory_space<hbm>> -> memref<40xi32, #tpu.memory_space<hbm>>
        tpu.wait_dma2 semaphore(%arg27 : memref<!tpu.dma_semaphore, #tpu.memory_space<semaphore_mem>>) src(%dma_wait3A_464 : memref<40xi32, #tpu.memory_space<hbm>>) dst(%dma_wait3A_463 : memref<40xi32, #tpu.memory_space<vmem>>)
        %dma_start3A_465 = arith.constant 0 : i32
        %dma_start3A_466 = arith.constant 0 : i32
        %dma_start3A_467 = tpu.memref_slice %arg8[%dma_start3A_465, %dma_start3A_466] : memref<2x40xi32, #tpu.memory_space<vmem>> -> memref<1x40xi32, #tpu.memory_space<vmem>>
        %dma_start3A_468 = tpu.memref_squeeze %dma_start3A_467 : memref<1x40xi32, #tpu.memory_space<vmem>> -> memref<40xi32, #tpu.memory_space<vmem>>
        %dma_start3A_469 = arith.constant 0 : i32
        %dma_start3A_470 = arith.constant 0 : i32
        %dma_start3A_471 = tpu.memref_slice %arg4[%dma_start3A_469, %dma_start3A_470] : memref<10000x256xf32, #tpu.memory_space<hbm>> -> memref<10000x256xf32, #tpu.memory_space<hbm>>
        tpu.enqueue_indirect_dma source(%dma_start3A_471 : memref<10000x256xf32, #tpu.memory_space<hbm>>) target(%arg11 : memref<40x256xf32, #tpu.memory_space<vmem>>) offsets(%dma_start3A_468 : memref<40xi32, #tpu.memory_space<vmem>>) semaphore(%arg19 : memref<!tpu.dma_semaphore, #tpu.memory_space<semaphore_mem>>)
        %dma_start3A_472 = arith.constant 0 : i32
        %dma_start3A_473 = arith.constant 0 : i32
        %dma_start3A_474 = tpu.memref_slice %arg9[%dma_start3A_472, %dma_start3A_473] : memref<2x40xi32, #tpu.memory_space<vmem>> -> memref<1x40xi32, #tpu.memory_space<vmem>>
        %dma_start3A_475 = tpu.memref_squeeze %dma_start3A_474 : memref<1x40xi32, #tpu.memory_space<vmem>> -> memref<40xi32, #tpu.memory_space<vmem>>
        %dma_start3A_476 = arith.constant 0 : i32
        %dma_start3A_477 = arith.constant 0 : i32
        %dma_start3A_478 = tpu.memref_slice %arg5[%dma_start3A_476, %dma_start3A_477] : memref<10000x128xf32, #tpu.memory_space<hbm>> -> memref<10000x128xf32, #tpu.memory_space<hbm>>
        tpu.enqueue_indirect_dma source(%dma_start3A_478 : memref<10000x128xf32, #tpu.memory_space<hbm>>) target(%arg13 : memref<40x128xf32, #tpu.memory_space<vmem>>) offsets(%dma_start3A_475 : memref<40xi32, #tpu.memory_space<vmem>>) semaphore(%arg21 : memref<!tpu.dma_semaphore, #tpu.memory_space<semaphore_mem>>)
      } else {
      }
      %mul3A_361 = arith.constant 2 : i32
      %mul3A_362 = arith.muli %mul3A_361, %scan3A_284 : i32
      %add3A_363 = arith.constant 1 : i32
      %add3A_364 = arith.addi %mul3A_362, %add3A_363 : i32
      %ge3A_365 = arith.constant 2 : i32
      %ge3A_366 = arith.cmpi sge, %add3A_364, %ge3A_365 : i32
      %convert_element_type3A_367 = arith.extui %ge3A_366 : i1 to i32
      %cond3A_368 = arith.constant 0 : i32
      %cond3A_369 = arith.cmpi ne, %convert_element_type3A_367, %cond3A_368 : i32
      scf.if %cond3A_369 {
        %dma_wait3A_442 = arith.constant 1 : i32
        %dma_wait3A_443 = arith.constant 0 : i32
        %dma_wait3A_444 = tpu.memref_slice %arg10[%dma_wait3A_442, %dma_wait3A_443] : memref<2x40xi32, #tpu.memory_space<vmem>> -> memref<1x40xi32, #tpu.memory_space<vmem>>
        %dma_wait3A_445 = tpu.memref_squeeze %dma_wait3A_444 : memref<1x40xi32, #tpu.memory_space<vmem>> -> memref<40xi32, #tpu.memory_space<vmem>>
        %dma_wait3A_446 = arith.constant 0 : i32
        %dma_wait3A_447 = arith.constant 0 : i32
        %dma_wait3A_448 = tpu.memref_slice %arg18[%dma_wait3A_446, %dma_wait3A_447] : memref<10000x128xf32, #tpu.memory_space<vmem_shared>> -> memref<10000x128xf32, #tpu.memory_space<vmem_shared>>
        tpu.wait_indirect_dma semaphore(%arg24 : memref<!tpu.dma_semaphore, #tpu.memory_space<semaphore_mem>>) src(%arg16 : memref<40x128xf32, #tpu.memory_space<vmem>>) dst(%dma_wait3A_448 : memref<10000x128xf32, #tpu.memory_space<vmem_shared>>)
      } else {
      }
      %dma_wait3A_370 = arith.constant 1 : i32
      %dma_wait3A_371 = arith.constant 0 : i32
      %dma_wait3A_372 = tpu.memref_slice %arg8[%dma_wait3A_370, %dma_wait3A_371] : memref<2x40xi32, #tpu.memory_space<vmem>> -> memref<1x40xi32, #tpu.memory_space<vmem>>
      %dma_wait3A_373 = tpu.memref_squeeze %dma_wait3A_372 : memref<1x40xi32, #tpu.memory_space<vmem>> -> memref<40xi32, #tpu.memory_space<vmem>>
      %dma_wait3A_374 = arith.constant 0 : i32
      %dma_wait3A_375 = arith.constant 0 : i32
      %dma_wait3A_376 = tpu.memref_slice %arg4[%dma_wait3A_374, %dma_wait3A_375] : memref<10000x256xf32, #tpu.memory_space<hbm>> -> memref<10000x256xf32, #tpu.memory_space<hbm>>
      tpu.wait_indirect_dma semaphore(%arg20 : memref<!tpu.dma_semaphore, #tpu.memory_space<semaphore_mem>>) src(%dma_wait3A_376 : memref<10000x256xf32, #tpu.memory_space<hbm>>) dst(%arg12 : memref<40x256xf32, #tpu.memory_space<vmem>>)
      %dma_wait3A_377 = arith.constant 1 : i32
      %dma_wait3A_378 = arith.constant 0 : i32
      %dma_wait3A_379 = tpu.memref_slice %arg9[%dma_wait3A_377, %dma_wait3A_378] : memref<2x40xi32, #tpu.memory_space<vmem>> -> memref<1x40xi32, #tpu.memory_space<vmem>>
      %dma_wait3A_380 = tpu.memref_squeeze %dma_wait3A_379 : memref<1x40xi32, #tpu.memory_space<vmem>> -> memref<40xi32, #tpu.memory_space<vmem>>
      %dma_wait3A_381 = arith.constant 0 : i32
      %dma_wait3A_382 = arith.constant 0 : i32
      %dma_wait3A_383 = tpu.memref_slice %arg5[%dma_wait3A_381, %dma_wait3A_382] : memref<10000x128xf32, #tpu.memory_space<hbm>> -> memref<10000x128xf32, #tpu.memory_space<hbm>>
      tpu.wait_indirect_dma semaphore(%arg22 : memref<!tpu.dma_semaphore, #tpu.memory_space<semaphore_mem>>) src(%dma_wait3A_383 : memref<10000x128xf32, #tpu.memory_space<hbm>>) dst(%arg14 : memref<40x128xf32, #tpu.memory_space<vmem>>)
      %get3A_384 = arith.constant 1 : i32
      %get3A_385 = arith.index_cast %get3A_384 : i32 to index
      %get3A_386 = arith.constant 0 : index
      %get3A_387 = tpu.vector_load %arg9[%get3A_385, %get3A_386] {strides = array<i32>} : memref<2x40xi32, #tpu.memory_space<vmem>>, vector<1x16xi32>,
      %get3A_388 = vector.shape_cast %get3A_387 : vector<1x16xi32> to vector<16xi32>
      %swap3A_389 = arith.constant 1 : i32
      %swap3A_390 = arith.index_cast %swap3A_389 : i32 to index
      %swap3A_391 = arith.constant 0 : index
      %swap3A_392 = tpu.vector_load %arg10[%swap3A_390, %swap3A_391] {strides = array<i32>} : memref<2x40xi32, #tpu.memory_space<vmem>>, vector<1x16xi32>,
      %swap3A_393 = vector.shape_cast %swap3A_392 : vector<1x16xi32> to vector<16xi32>
      %swap3A_394 = vector.shape_cast %get3A_388 : vector<16xi32> to vector<1x16xi32>
      tpu.vector_store %arg10[%swap3A_390, %swap3A_391], %swap3A_394 {strides = array<i32>} : memref<2x40xi32, #tpu.memory_space<vmem>>, vector<1x16xi32>,
      %get3A_395 = arith.constant 1 : i32
      %get3A_396 = arith.index_cast %get3A_395 : i32 to index
      %get3A_397 = arith.constant 16 : index
      %get3A_398 = tpu.vector_load %arg9[%get3A_396, %get3A_397] {strides = array<i32>} : memref<2x40xi32, #tpu.memory_space<vmem>>, vector<1x16xi32>,
      %get3A_399 = vector.shape_cast %get3A_398 : vector<1x16xi32> to vector<16xi32>
      %swap3A_400 = arith.constant 1 : i32
      %swap3A_401 = arith.index_cast %swap3A_400 : i32 to index
      %swap3A_402 = arith.constant 16 : index
      %swap3A_403 = tpu.vector_load %arg10[%swap3A_401, %swap3A_402] {strides = array<i32>} : memref<2x40xi32, #tpu.memory_space<vmem>>, vector<1x16xi32>,
      %swap3A_404 = vector.shape_cast %swap3A_403 : vector<1x16xi32> to vector<16xi32>
      %swap3A_405 = vector.shape_cast %get3A_399 : vector<16xi32> to vector<1x16xi32>
      tpu.vector_store %arg10[%swap3A_401, %swap3A_402], %swap3A_405 {strides = array<i32>} : memref<2x40xi32, #tpu.memory_space<vmem>>, vector<1x16xi32>,
      %get3A_406 = arith.constant 1 : i32
      %get3A_407 = arith.index_cast %get3A_406 : i32 to index
      %get3A_408 = arith.constant 24 : index
      %get3A_409 = tpu.vector_load %arg9[%get3A_407, %get3A_408] {strides = array<i32>} : memref<2x40xi32, #tpu.memory_space<vmem>>, vector<1x16xi32>,
      %get3A_410 = vector.shape_cast %get3A_409 : vector<1x16xi32> to vector<16xi32>
      %swap3A_411 = arith.constant 1 : i32
      %swap3A_412 = arith.index_cast %swap3A_411 : i32 to index
      %swap3A_413 = arith.constant 24 : index
      %swap3A_414 = tpu.vector_load %arg10[%swap3A_412, %swap3A_413] {strides = array<i32>} : memref<2x40xi32, #tpu.memory_space<vmem>>, vector<1x16xi32>,
      %swap3A_415 = vector.shape_cast %swap3A_414 : vector<1x16xi32> to vector<16xi32>
      %swap3A_416 = vector.shape_cast %get3A_410 : vector<16xi32> to vector<1x16xi32>
      tpu.vector_store %arg10[%swap3A_412, %swap3A_413], %swap3A_416 {strides = array<i32>} : memref<2x40xi32, #tpu.memory_space<vmem>>, vector<1x16xi32>,
      %add3A_417 = arith.constant 2 : i32
      %add3A_418 = arith.addi %add3A_364, %add3A_417 : i32
      %lt3A_419 = arith.constant 250 : i32
      %lt3A_420 = arith.cmpi slt, %add3A_418, %lt3A_419 : i32
      %convert_element_type3A_421 = arith.extui %lt3A_420 : i1 to i32
      %cond3A_422 = arith.constant 0 : i32
      %cond3A_423 = arith.cmpi ne, %convert_element_type3A_421, %cond3A_422 : i32
      scf.if %cond3A_423 {
        %add3A_442 = arith.constant 2 : i32
        %add3A_443 = arith.addi %add3A_364, %add3A_442 : i32
        %mul3A_444 = arith.constant 40 : i32
        %mul3A_445 = arith.muli %add3A_443, %mul3A_444 : i32
        %add3A_446 = arith.addi %mul3A_117, %mul3A_445 : i32
        %dma_start3A_447 = arith.constant 1 : i32
        %dma_start3A_448 = arith.constant 0 : i32
        %dma_start3A_449 = tpu.memref_slice %arg8[%dma_start3A_447, %dma_start3A_448] : memref<2x40xi32, #tpu.memory_space<vmem>> -> memref<1x40xi32, #tpu.memory_space<vmem>>
        %dma_start3A_450 = tpu.memref_squeeze %dma_start3A_449 : memref<1x40xi32, #tpu.memory_space<vmem>> -> memref<40xi32, #tpu.memory_space<vmem>>
        %dma_start3A_451 = tpu.memref_slice %arg2[%add3A_446] : memref<320000xi32, #tpu.memory_space<hbm>> -> memref<40xi32, #tpu.memory_space<hbm>>
        %dma_start3A_452 = arith.constant 0 : i32
        %dma_start3A_453 = tpu.memref_slice %arg8[%dma_start3A_447, %dma_start3A_452] : memref<2x40xi32, #tpu.memory_space<vmem>> -> memref<1x40xi32, #tpu.memory_space<vmem>>
        %dma_start3A_454 = tpu.memref_squeeze %dma_start3A_453 : memref<1x40xi32, #tpu.memory_space<vmem>> -> memref<40xi32, #tpu.memory_space<vmem>>
        %dma_start3A_455 = tpu.memref_slice %arg2[%add3A_446] : memref<320000xi32, #tpu.memory_space<hbm>> -> memref<40xi32, #tpu.memory_space<hbm>>
        tpu.enqueue_dma source(%dma_start3A_455 : memref<40xi32, #tpu.memory_space<hbm>>) target(%dma_start3A_454 : memref<40xi32, #tpu.memory_space<vmem>>) target_semaphore(%arg26 : memref<!tpu.dma_semaphore, #tpu.memory_space<semaphore_mem>>)
        %dma_start3A_456 = arith.constant 1 : i32
        %dma_start3A_457 = arith.constant 0 : i32
        %dma_start3A_458 = tpu.memref_slice %arg9[%dma_start3A_456, %dma_start3A_457] : memref<2x40xi32, #tpu.memory_space<vmem>> -> memref<1x40xi32, #tpu.memory_space<vmem>>
        %dma_start3A_459 = tpu.memref_squeeze %dma_start3A_458 : memref<1x40xi32, #tpu.memory_space<vmem>> -> memref<40xi32, #tpu.memory_space<vmem>>
        %dma_start3A_460 = tpu.memref_slice %arg3[%add3A_446] : memref<320000xi32, #tpu.memory_space<hbm>> -> memref<40xi32, #tpu.memory_space<hbm>>
        %dma_start3A_461 = arith.constant 0 : i32
        %dma_start3A_462 = tpu.memref_slice %arg9[%dma_start3A_456, %dma_start3A_461] : memref<2x40xi32, #tpu.memory_space<vmem>> -> memref<1x40xi32, #tpu.memory_space<vmem>>
        %dma_start3A_463 = tpu.memref_squeeze %dma_start3A_462 : memref<1x40xi32, #tpu.memory_space<vmem>> -> memref<40xi32, #tpu.memory_space<vmem>>
        %dma_start3A_464 = tpu.memref_slice %arg3[%add3A_446] : memref<320000xi32, #tpu.memory_space<hbm>> -> memref<40xi32, #tpu.memory_space<hbm>>
        tpu.enqueue_dma source(%dma_start3A_464 : memref<40xi32, #tpu.memory_space<hbm>>) target(%dma_start3A_463 : memref<40xi32, #tpu.memory_space<vmem>>) target_semaphore(%arg28 : memref<!tpu.dma_semaphore, #tpu.memory_space<semaphore_mem>>)
      } else {
      }
      %iota3A_424 = tpu.iota {dimensions = array<i32: 0>} : vector<16xi32>
      %parallel_loop3A_425 = arith.constant 0 : i32
      %parallel_loop3A_426 = arith.constant 40 : i32
      %parallel_loop3A_427 = arith.constant 1 : i32
      scf.for %parallel_loop3A_442 = %parallel_loop3A_425 to %parallel_loop3A_426 step %parallel_loop3A_427  : i32 {
        %parallel_loop3A_443 = arith.constant 128 : index
        %parallel_loop3A_444 = tpu.vector_load %arg17[%parallel_loop3A_443] {strides = array<i32>} : memref<144xf32, #tpu.memory_space<vmem>>, vector<16xf32>,
        %parallel_loop3A_445 = vector.shape_cast %parallel_loop3A_444 : vector<16xf32> to vector<16xf32>
        %parallel_loop3A_446 = arith.index_cast %parallel_loop3A_442 : i32 to index
        %parallel_loop3A_447 = arith.constant 0 : index
        %parallel_loop3A_448 = tpu.vector_load %arg12[%parallel_loop3A_446, %parallel_loop3A_447] {strides = array<i32>} : memref<40x256xf32, #tpu.memory_space<vmem>>, vector<1x16xf32>,
        %parallel_loop3A_449 = vector.shape_cast %parallel_loop3A_448 : vector<1x16xf32> to vector<16xf32>
        %parallel_loop3A_450 = arith.index_cast %parallel_loop3A_442 : i32 to index
        %parallel_loop3A_451 = arith.constant 0 : index
        %parallel_loop3A_452 = tpu.vector_load %arg14[%parallel_loop3A_450, %parallel_loop3A_451] {strides = array<i32>} : memref<40x128xf32, #tpu.memory_space<vmem>>, vector<1x16xf32>,
        %parallel_loop3A_453 = vector.shape_cast %parallel_loop3A_452 : vector<1x16xf32> to vector<16xf32>
        %parallel_loop3A_454 = arith.addf %parallel_loop3A_449, %parallel_loop3A_453 : vector<16xf32>
        %parallel_loop3A_455 = arith.constant 0.000000e+00 : f32
        %parallel_loop3A_456 = vector.broadcast %parallel_loop3A_455 : f32 to vector<16xf32>
        %parallel_loop3A_457 = arith.maximumf %parallel_loop3A_454, %parallel_loop3A_456 : vector<16xf32>
        %parallel_loop3A_458 = arith.constant 0 : index
        %parallel_loop3A_459 = tpu.vector_load %arg17[%parallel_loop3A_458] {strides = array<i32>} : memref<144xf32, #tpu.memory_space<vmem>>, vector<16xf32>,
        %parallel_loop3A_460 = vector.shape_cast %parallel_loop3A_459 : vector<16xf32> to vector<16xf32>
        %parallel_loop3A_461 = arith.mulf %parallel_loop3A_457, %parallel_loop3A_460 : vector<16xf32>
        %parallel_loop3A_462 = arith.addf %parallel_loop3A_445, %parallel_loop3A_461 : vector<16xf32>
        %parallel_loop3A_463 = arith.index_cast %parallel_loop3A_442 : i32 to index
        %parallel_loop3A_464 = arith.constant 16 : index
        %parallel_loop3A_465 = tpu.vector_load %arg12[%parallel_loop3A_463, %parallel_loop3A_464] {strides = array<i32>} : memref<40x256xf32, #tpu.memory_space<vmem>>, vector<1x16xf32>,
        %parallel_loop3A_466 = vector.shape_cast %parallel_loop3A_465 : vector<1x16xf32> to vector<16xf32>
        %parallel_loop3A_467 = arith.index_cast %parallel_loop3A_442 : i32 to index
        %parallel_loop3A_468 = arith.constant 16 : index
        %parallel_loop3A_469 = tpu.vector_load %arg14[%parallel_loop3A_467, %parallel_loop3A_468] {strides = array<i32>} : memref<40x128xf32, #tpu.memory_space<vmem>>, vector<1x16xf32>,
        %parallel_loop3A_470 = vector.shape_cast %parallel_loop3A_469 : vector<1x16xf32> to vector<16xf32>
        %parallel_loop3A_471 = arith.addf %parallel_loop3A_466, %parallel_loop3A_470 : vector<16xf32>
        %parallel_loop3A_472 = arith.constant 0.000000e+00 : f32
        %parallel_loop3A_473 = vector.broadcast %parallel_loop3A_472 : f32 to vector<16xf32>
        %parallel_loop3A_474 = arith.maximumf %parallel_loop3A_471, %parallel_loop3A_473 : vector<16xf32>
        %parallel_loop3A_475 = arith.constant 16 : index
        %parallel_loop3A_476 = tpu.vector_load %arg17[%parallel_loop3A_475] {strides = array<i32>} : memref<144xf32, #tpu.memory_space<vmem>>, vector<16xf32>,
        %parallel_loop3A_477 = vector.shape_cast %parallel_loop3A_476 : vector<16xf32> to vector<16xf32>
        %parallel_loop3A_478 = arith.mulf %parallel_loop3A_474, %parallel_loop3A_477 : vector<16xf32>
        %parallel_loop3A_479 = arith.addf %parallel_loop3A_462, %parallel_loop3A_478 : vector<16xf32>
        %parallel_loop3A_480 = arith.index_cast %parallel_loop3A_442 : i32 to index
        %parallel_loop3A_481 = arith.constant 32 : index
        %parallel_loop3A_482 = tpu.vector_load %arg12[%parallel_loop3A_480, %parallel_loop3A_481] {strides = array<i32>} : memref<40x256xf32, #tpu.memory_space<vmem>>, vector<1x16xf32>,
        %parallel_loop3A_483 = vector.shape_cast %parallel_loop3A_482 : vector<1x16xf32> to vector<16xf32>
        %parallel_loop3A_484 = arith.index_cast %parallel_loop3A_442 : i32 to index
        %parallel_loop3A_485 = arith.constant 32 : index
        %parallel_loop3A_486 = tpu.vector_load %arg14[%parallel_loop3A_484, %parallel_loop3A_485] {strides = array<i32>} : memref<40x128xf32, #tpu.memory_space<vmem>>, vector<1x16xf32>,
        %parallel_loop3A_487 = vector.shape_cast %parallel_loop3A_486 : vector<1x16xf32> to vector<16xf32>
        %parallel_loop3A_488 = arith.addf %parallel_loop3A_483, %parallel_loop3A_487 : vector<16xf32>
        %parallel_loop3A_489 = arith.constant 0.000000e+00 : f32
        %parallel_loop3A_490 = vector.broadcast %parallel_loop3A_489 : f32 to vector<16xf32>
        %parallel_loop3A_491 = arith.maximumf %parallel_loop3A_488, %parallel_loop3A_490 : vector<16xf32>
        %parallel_loop3A_492 = arith.constant 32 : index
        %parallel_loop3A_493 = tpu.vector_load %arg17[%parallel_loop3A_492] {strides = array<i32>} : memref<144xf32, #tpu.memory_space<vmem>>, vector<16xf32>,
        %parallel_loop3A_494 = vector.shape_cast %parallel_loop3A_493 : vector<16xf32> to vector<16xf32>
        %parallel_loop3A_495 = arith.mulf %parallel_loop3A_491, %parallel_loop3A_494 : vector<16xf32>
        %parallel_loop3A_496 = arith.addf %parallel_loop3A_479, %parallel_loop3A_495 : vector<16xf32>
        %parallel_loop3A_497 = arith.index_cast %parallel_loop3A_442 : i32 to index
        %parallel_loop3A_498 = arith.constant 48 : index
        %parallel_loop3A_499 = tpu.vector_load %arg12[%parallel_loop3A_497, %parallel_loop3A_498] {strides = array<i32>} : memref<40x256xf32, #tpu.memory_space<vmem>>, vector<1x16xf32>,
        %parallel_loop3A_500 = vector.shape_cast %parallel_loop3A_499 : vector<1x16xf32> to vector<16xf32>
        %parallel_loop3A_501 = arith.index_cast %parallel_loop3A_442 : i32 to index
        %parallel_loop3A_502 = arith.constant 48 : index
        %parallel_loop3A_503 = tpu.vector_load %arg14[%parallel_loop3A_501, %parallel_loop3A_502] {strides = array<i32>} : memref<40x128xf32, #tpu.memory_space<vmem>>, vector<1x16xf32>,
        %parallel_loop3A_504 = vector.shape_cast %parallel_loop3A_503 : vector<1x16xf32> to vector<16xf32>
        %parallel_loop3A_505 = arith.addf %parallel_loop3A_500, %parallel_loop3A_504 : vector<16xf32>
        %parallel_loop3A_506 = arith.constant 0.000000e+00 : f32
        %parallel_loop3A_507 = vector.broadcast %parallel_loop3A_506 : f32 to vector<16xf32>
        %parallel_loop3A_508 = arith.maximumf %parallel_loop3A_505, %parallel_loop3A_507 : vector<16xf32>
        %parallel_loop3A_509 = arith.constant 48 : index
        %parallel_loop3A_510 = tpu.vector_load %arg17[%parallel_loop3A_509] {strides = array<i32>} : memref<144xf32, #tpu.memory_space<vmem>>, vector<16xf32>,
        %parallel_loop3A_511 = vector.shape_cast %parallel_loop3A_510 : vector<16xf32> to vector<16xf32>
        %parallel_loop3A_512 = arith.mulf %parallel_loop3A_508, %parallel_loop3A_511 : vector<16xf32>
        %parallel_loop3A_513 = arith.addf %parallel_loop3A_496, %parallel_loop3A_512 : vector<16xf32>
        %parallel_loop3A_514 = arith.index_cast %parallel_loop3A_442 : i32 to index
        %parallel_loop3A_515 = arith.constant 64 : index
        %parallel_loop3A_516 = tpu.vector_load %arg12[%parallel_loop3A_514, %parallel_loop3A_515] {strides = array<i32>} : memref<40x256xf32, #tpu.memory_space<vmem>>, vector<1x16xf32>,
        %parallel_loop3A_517 = vector.shape_cast %parallel_loop3A_516 : vector<1x16xf32> to vector<16xf32>
        %parallel_loop3A_518 = arith.index_cast %parallel_loop3A_442 : i32 to index
        %parallel_loop3A_519 = arith.constant 64 : index
        %parallel_loop3A_520 = tpu.vector_load %arg14[%parallel_loop3A_518, %parallel_loop3A_519] {strides = array<i32>} : memref<40x128xf32, #tpu.memory_space<vmem>>, vector<1x16xf32>,
        %parallel_loop3A_521 = vector.shape_cast %parallel_loop3A_520 : vector<1x16xf32> to vector<16xf32>
        %parallel_loop3A_522 = arith.addf %parallel_loop3A_517, %parallel_loop3A_521 : vector<16xf32>
        %parallel_loop3A_523 = arith.constant 0.000000e+00 : f32
        %parallel_loop3A_524 = vector.broadcast %parallel_loop3A_523 : f32 to vector<16xf32>
        %parallel_loop3A_525 = arith.maximumf %parallel_loop3A_522, %parallel_loop3A_524 : vector<16xf32>
        %parallel_loop3A_526 = arith.constant 64 : index
        %parallel_loop3A_527 = tpu.vector_load %arg17[%parallel_loop3A_526] {strides = array<i32>} : memref<144xf32, #tpu.memory_space<vmem>>, vector<16xf32>,
        %parallel_loop3A_528 = vector.shape_cast %parallel_loop3A_527 : vector<16xf32> to vector<16xf32>
        %parallel_loop3A_529 = arith.mulf %parallel_loop3A_525, %parallel_loop3A_528 : vector<16xf32>
        %parallel_loop3A_530 = arith.addf %parallel_loop3A_513, %parallel_loop3A_529 : vector<16xf32>
        %parallel_loop3A_531 = arith.index_cast %parallel_loop3A_442 : i32 to index
        %parallel_loop3A_532 = arith.constant 80 : index
        %parallel_loop3A_533 = tpu.vector_load %arg12[%parallel_loop3A_531, %parallel_loop3A_532] {strides = array<i32>} : memref<40x256xf32, #tpu.memory_space<vmem>>, vector<1x16xf32>,
        %parallel_loop3A_534 = vector.shape_cast %parallel_loop3A_533 : vector<1x16xf32> to vector<16xf32>
        %parallel_loop3A_535 = arith.index_cast %parallel_loop3A_442 : i32 to index
        %parallel_loop3A_536 = arith.constant 80 : index
        %parallel_loop3A_537 = tpu.vector_load %arg14[%parallel_loop3A_535, %parallel_loop3A_536] {strides = array<i32>} : memref<40x128xf32, #tpu.memory_space<vmem>>, vector<1x16xf32>,
        %parallel_loop3A_538 = vector.shape_cast %parallel_loop3A_537 : vector<1x16xf32> to vector<16xf32>
        %parallel_loop3A_539 = arith.addf %parallel_loop3A_534, %parallel_loop3A_538 : vector<16xf32>
        %parallel_loop3A_540 = arith.constant 0.000000e+00 : f32
        %parallel_loop3A_541 = vector.broadcast %parallel_loop3A_540 : f32 to vector<16xf32>
        %parallel_loop3A_542 = arith.maximumf %parallel_loop3A_539, %parallel_loop3A_541 : vector<16xf32>
        %parallel_loop3A_543 = arith.constant 80 : index
        %parallel_loop3A_544 = tpu.vector_load %arg17[%parallel_loop3A_543] {strides = array<i32>} : memref<144xf32, #tpu.memory_space<vmem>>, vector<16xf32>,
        %parallel_loop3A_545 = vector.shape_cast %parallel_loop3A_544 : vector<16xf32> to vector<16xf32>
        %parallel_loop3A_546 = arith.mulf %parallel_loop3A_542, %parallel_loop3A_545 : vector<16xf32>
        %parallel_loop3A_547 = arith.addf %parallel_loop3A_530, %parallel_loop3A_546 : vector<16xf32>
        %parallel_loop3A_548 = arith.index_cast %parallel_loop3A_442 : i32 to index
        %parallel_loop3A_549 = arith.constant 96 : index
        %parallel_loop3A_550 = tpu.vector_load %arg12[%parallel_loop3A_548, %parallel_loop3A_549] {strides = array<i32>} : memref<40x256xf32, #tpu.memory_space<vmem>>, vector<1x16xf32>,
        %parallel_loop3A_551 = vector.shape_cast %parallel_loop3A_550 : vector<1x16xf32> to vector<16xf32>
        %parallel_loop3A_552 = arith.index_cast %parallel_loop3A_442 : i32 to index
        %parallel_loop3A_553 = arith.constant 96 : index
        %parallel_loop3A_554 = tpu.vector_load %arg14[%parallel_loop3A_552, %parallel_loop3A_553] {strides = array<i32>} : memref<40x128xf32, #tpu.memory_space<vmem>>, vector<1x16xf32>,
        %parallel_loop3A_555 = vector.shape_cast %parallel_loop3A_554 : vector<1x16xf32> to vector<16xf32>
        %parallel_loop3A_556 = arith.addf %parallel_loop3A_551, %parallel_loop3A_555 : vector<16xf32>
        %parallel_loop3A_557 = arith.constant 0.000000e+00 : f32
        %parallel_loop3A_558 = vector.broadcast %parallel_loop3A_557 : f32 to vector<16xf32>
        %parallel_loop3A_559 = arith.maximumf %parallel_loop3A_556, %parallel_loop3A_558 : vector<16xf32>
        %parallel_loop3A_560 = arith.constant 96 : index
        %parallel_loop3A_561 = tpu.vector_load %arg17[%parallel_loop3A_560] {strides = array<i32>} : memref<144xf32, #tpu.memory_space<vmem>>, vector<16xf32>,
        %parallel_loop3A_562 = vector.shape_cast %parallel_loop3A_561 : vector<16xf32> to vector<16xf32>
        %parallel_loop3A_563 = arith.mulf %parallel_loop3A_559, %parallel_loop3A_562 : vector<16xf32>
        %parallel_loop3A_564 = arith.addf %parallel_loop3A_547, %parallel_loop3A_563 : vector<16xf32>
        %parallel_loop3A_565 = arith.index_cast %parallel_loop3A_442 : i32 to index
        %parallel_loop3A_566 = arith.constant 112 : index
        %parallel_loop3A_567 = tpu.vector_load %arg12[%parallel_loop3A_565, %parallel_loop3A_566] {strides = array<i32>} : memref<40x256xf32, #tpu.memory_space<vmem>>, vector<1x16xf32>,
        %parallel_loop3A_568 = vector.shape_cast %parallel_loop3A_567 : vector<1x16xf32> to vector<16xf32>
        %parallel_loop3A_569 = arith.index_cast %parallel_loop3A_442 : i32 to index
        %parallel_loop3A_570 = arith.constant 112 : index
        %parallel_loop3A_571 = tpu.vector_load %arg14[%parallel_loop3A_569, %parallel_loop3A_570] {strides = array<i32>} : memref<40x128xf32, #tpu.memory_space<vmem>>, vector<1x16xf32>,
        %parallel_loop3A_572 = vector.shape_cast %parallel_loop3A_571 : vector<1x16xf32> to vector<16xf32>
        %parallel_loop3A_573 = arith.addf %parallel_loop3A_568, %parallel_loop3A_572 : vector<16xf32>
        %parallel_loop3A_574 = arith.constant 0.000000e+00 : f32
        %parallel_loop3A_575 = vector.broadcast %parallel_loop3A_574 : f32 to vector<16xf32>
        %parallel_loop3A_576 = arith.maximumf %parallel_loop3A_573, %parallel_loop3A_575 : vector<16xf32>
        %parallel_loop3A_577 = arith.constant 112 : index
        %parallel_loop3A_578 = tpu.vector_load %arg17[%parallel_loop3A_577] {strides = array<i32>} : memref<144xf32, #tpu.memory_space<vmem>>, vector<16xf32>,
        %parallel_loop3A_579 = vector.shape_cast %parallel_loop3A_578 : vector<16xf32> to vector<16xf32>
        %parallel_loop3A_580 = arith.mulf %parallel_loop3A_576, %parallel_loop3A_579 : vector<16xf32>
        %parallel_loop3A_581 = arith.addf %parallel_loop3A_564, %parallel_loop3A_580 : vector<16xf32>
        %parallel_loop3A_582 = arith.constant 8 : i32
        %parallel_loop3A_583 = vector.broadcast %parallel_loop3A_582 : i32 to vector<16xi32>
        %parallel_loop3A_584 = arith.xori %iota3A_424, %parallel_loop3A_583 : vector<16xi32>
        %parallel_loop3A_585 = arith.constant 0 : i32
        %parallel_loop3A_586 = vector.broadcast %parallel_loop3A_585 : i32 to vector<16xi32>
        %parallel_loop3A_587 = arith.cmpi slt, %parallel_loop3A_584, %parallel_loop3A_586 : vector<16xi32>
        %parallel_loop3A_588 = arith.constant 16 : i32
        %parallel_loop3A_589 = vector.broadcast %parallel_loop3A_588 : i32 to vector<16xi32>
        %parallel_loop3A_590 = arith.addi %parallel_loop3A_584, %parallel_loop3A_589 : vector<16xi32>
        %parallel_loop3A_591 = arith.select %parallel_loop3A_587, %parallel_loop3A_590, %parallel_loop3A_584 : vector<16xi1>, vector<16xi32>
        %parallel_loop3A_592 = vector.shape_cast %parallel_loop3A_591 : vector<16xi32> to vector<16x1xi32>
        %parallel_loop3A_593 = vector.shape_cast %parallel_loop3A_592 : vector<16x1xi32> to vector<16xi32>
        %parallel_loop3A_594 = tpu.dynamic_gather %parallel_loop3A_581[%parallel_loop3A_593] in [0] : vector<16xf32>, vector<16xi32> -> vector<16xf32>
        %parallel_loop3A_595 = arith.addf %parallel_loop3A_581, %parallel_loop3A_594 : vector<16xf32>
        %parallel_loop3A_596 = arith.constant 4 : i32
        %parallel_loop3A_597 = vector.broadcast %parallel_loop3A_596 : i32 to vector<16xi32>
        %parallel_loop3A_598 = arith.xori %iota3A_424, %parallel_loop3A_597 : vector<16xi32>
        %parallel_loop3A_599 = arith.constant 0 : i32
        %parallel_loop3A_600 = vector.broadcast %parallel_loop3A_599 : i32 to vector<16xi32>
        %parallel_loop3A_601 = arith.cmpi slt, %parallel_loop3A_598, %parallel_loop3A_600 : vector<16xi32>
        %parallel_loop3A_602 = arith.constant 16 : i32
        %parallel_loop3A_603 = vector.broadcast %parallel_loop3A_602 : i32 to vector<16xi32>
        %parallel_loop3A_604 = arith.addi %parallel_loop3A_598, %parallel_loop3A_603 : vector<16xi32>
        %parallel_loop3A_605 = arith.select %parallel_loop3A_601, %parallel_loop3A_604, %parallel_loop3A_598 : vector<16xi1>, vector<16xi32>
        %parallel_loop3A_606 = vector.shape_cast %parallel_loop3A_605 : vector<16xi32> to vector<16x1xi32>
        %parallel_loop3A_607 = vector.shape_cast %parallel_loop3A_606 : vector<16x1xi32> to vector<16xi32>
        %parallel_loop3A_608 = tpu.dynamic_gather %parallel_loop3A_595[%parallel_loop3A_607] in [0] : vector<16xf32>, vector<16xi32> -> vector<16xf32>
        %parallel_loop3A_609 = arith.addf %parallel_loop3A_595, %parallel_loop3A_608 : vector<16xf32>
        %parallel_loop3A_610 = arith.constant 2 : i32
        %parallel_loop3A_611 = vector.broadcast %parallel_loop3A_610 : i32 to vector<16xi32>
        %parallel_loop3A_612 = arith.xori %iota3A_424, %parallel_loop3A_611 : vector<16xi32>
        %parallel_loop3A_613 = arith.constant 0 : i32
        %parallel_loop3A_614 = vector.broadcast %parallel_loop3A_613 : i32 to vector<16xi32>
        %parallel_loop3A_615 = arith.cmpi slt, %parallel_loop3A_612, %parallel_loop3A_614 : vector<16xi32>
        %parallel_loop3A_616 = arith.constant 16 : i32
        %parallel_loop3A_617 = vector.broadcast %parallel_loop3A_616 : i32 to vector<16xi32>
        %parallel_loop3A_618 = arith.addi %parallel_loop3A_612, %parallel_loop3A_617 : vector<16xi32>
        %parallel_loop3A_619 = arith.select %parallel_loop3A_615, %parallel_loop3A_618, %parallel_loop3A_612 : vector<16xi1>, vector<16xi32>
        %parallel_loop3A_620 = vector.shape_cast %parallel_loop3A_619 : vector<16xi32> to vector<16x1xi32>
        %parallel_loop3A_621 = vector.shape_cast %parallel_loop3A_620 : vector<16x1xi32> to vector<16xi32>
        %parallel_loop3A_622 = tpu.dynamic_gather %parallel_loop3A_609[%parallel_loop3A_621] in [0] : vector<16xf32>, vector<16xi32> -> vector<16xf32>
        %parallel_loop3A_623 = arith.addf %parallel_loop3A_609, %parallel_loop3A_622 : vector<16xf32>
        %parallel_loop3A_624 = arith.constant 1 : i32
        %parallel_loop3A_625 = vector.broadcast %parallel_loop3A_624 : i32 to vector<16xi32>
        %parallel_loop3A_626 = arith.xori %iota3A_424, %parallel_loop3A_625 : vector<16xi32>
        %parallel_loop3A_627 = arith.constant 0 : i32
        %parallel_loop3A_628 = vector.broadcast %parallel_loop3A_627 : i32 to vector<16xi32>
        %parallel_loop3A_629 = arith.cmpi slt, %parallel_loop3A_626, %parallel_loop3A_628 : vector<16xi32>
        %parallel_loop3A_630 = arith.constant 16 : i32
        %parallel_loop3A_631 = vector.broadcast %parallel_loop3A_630 : i32 to vector<16xi32>
        %parallel_loop3A_632 = arith.addi %parallel_loop3A_626, %parallel_loop3A_631 : vector<16xi32>
        %parallel_loop3A_633 = arith.select %parallel_loop3A_629, %parallel_loop3A_632, %parallel_loop3A_626 : vector<16xi1>, vector<16xi32>
        %parallel_loop3A_634 = vector.shape_cast %parallel_loop3A_633 : vector<16xi32> to vector<16x1xi32>
        %parallel_loop3A_635 = vector.shape_cast %parallel_loop3A_634 : vector<16x1xi32> to vector<16xi32>
        %parallel_loop3A_636 = tpu.dynamic_gather %parallel_loop3A_623[%parallel_loop3A_635] in [0] : vector<16xf32>, vector<16xi32> -> vector<16xf32>
        %parallel_loop3A_637 = arith.addf %parallel_loop3A_623, %parallel_loop3A_636 : vector<16xf32>
        %parallel_loop3A_638 = arith.constant 0.000000e+00 : f32
        %parallel_loop3A_639 = vector.broadcast %parallel_loop3A_638 : f32 to vector<16xf32>
        %parallel_loop3A_640 = arith.subf %parallel_loop3A_639, %parallel_loop3A_637 : vector<16xf32>
        %parallel_loop3A_641 = math.exp %parallel_loop3A_640 : vector<16xf32>
        %parallel_loop3A_642 = arith.constant 1.000000e+00 : f32
        %parallel_loop3A_643 = vector.broadcast %parallel_loop3A_642 : f32 to vector<16xf32>
        %parallel_loop3A_644 = arith.addf %parallel_loop3A_643, %parallel_loop3A_641 : vector<16xf32>
        %parallel_loop3A_645 = arith.constant 1.000000e+00 : f32
        %parallel_loop3A_646 = vector.broadcast %parallel_loop3A_645 : f32 to vector<16xf32>
        %parallel_loop3A_647 = arith.divf %parallel_loop3A_646, %parallel_loop3A_644 : vector<16xf32>
        %parallel_loop3A_648 = arith.index_cast %parallel_loop3A_442 : i32 to index
        %parallel_loop3A_649 = arith.constant 128 : index
        %parallel_loop3A_650 = tpu.vector_load %arg12[%parallel_loop3A_648, %parallel_loop3A_649] {strides = array<i32>} : memref<40x256xf32, #tpu.memory_space<vmem>>, vector<1x16xf32>,
        %parallel_loop3A_651 = vector.shape_cast %parallel_loop3A_650 : vector<1x16xf32> to vector<16xf32>
        %parallel_loop3A_652 = arith.mulf %parallel_loop3A_651, %parallel_loop3A_647 : vector<16xf32>
        %parallel_loop3A_653 = arith.index_cast %parallel_loop3A_442 : i32 to index
        %parallel_loop3A_654 = arith.constant 0 : index
        %parallel_loop3A_655 = tpu.vector_load %arg16[%parallel_loop3A_653, %parallel_loop3A_654] {strides = array<i32>} : memref<40x128xf32, #tpu.memory_space<vmem>>, vector<1x16xf32>,
        %parallel_loop3A_656 = vector.shape_cast %parallel_loop3A_655 : vector<1x16xf32> to vector<16xf32>
        %parallel_loop3A_657 = vector.shape_cast %parallel_loop3A_652 : vector<16xf32> to vector<1x16xf32>
        tpu.vector_store %arg16[%parallel_loop3A_653, %parallel_loop3A_654], %parallel_loop3A_657 {strides = array<i32>} : memref<40x128xf32, #tpu.memory_space<vmem>>, vector<1x16xf32>,
        %parallel_loop3A_658 = arith.index_cast %parallel_loop3A_442 : i32 to index
        %parallel_loop3A_659 = arith.constant 144 : index
        %parallel_loop3A_660 = tpu.vector_load %arg12[%parallel_loop3A_658, %parallel_loop3A_659] {strides = array<i32>} : memref<40x256xf32, #tpu.memory_space<vmem>>, vector<1x16xf32>,
        %parallel_loop3A_661 = vector.shape_cast %parallel_loop3A_660 : vector<1x16xf32> to vector<16xf32>
        %parallel_loop3A_662 = arith.mulf %parallel_loop3A_661, %parallel_loop3A_647 : vector<16xf32>
        %parallel_loop3A_663 = arith.index_cast %parallel_loop3A_442 : i32 to index
        %parallel_loop3A_664 = arith.constant 16 : index
        %parallel_loop3A_665 = tpu.vector_load %arg16[%parallel_loop3A_663, %parallel_loop3A_664] {strides = array<i32>} : memref<40x128xf32, #tpu.memory_space<vmem>>, vector<1x16xf32>,
        %parallel_loop3A_666 = vector.shape_cast %parallel_loop3A_665 : vector<1x16xf32> to vector<16xf32>
        %parallel_loop3A_667 = vector.shape_cast %parallel_loop3A_662 : vector<16xf32> to vector<1x16xf32>
        tpu.vector_store %arg16[%parallel_loop3A_663, %parallel_loop3A_664], %parallel_loop3A_667 {strides = array<i32>} : memref<40x128xf32, #tpu.memory_space<vmem>>, vector<1x16xf32>,
        %parallel_loop3A_668 = arith.index_cast %parallel_loop3A_442 : i32 to index
        %parallel_loop3A_669 = arith.constant 160 : index
        %parallel_loop3A_670 = tpu.vector_load %arg12[%parallel_loop3A_668, %parallel_loop3A_669] {strides = array<i32>} : memref<40x256xf32, #tpu.memory_space<vmem>>, vector<1x16xf32>,
        %parallel_loop3A_671 = vector.shape_cast %parallel_loop3A_670 : vector<1x16xf32> to vector<16xf32>
        %parallel_loop3A_672 = arith.mulf %parallel_loop3A_671, %parallel_loop3A_647 : vector<16xf32>
        %parallel_loop3A_673 = arith.index_cast %parallel_loop3A_442 : i32 to index
        %parallel_loop3A_674 = arith.constant 32 : index
        %parallel_loop3A_675 = tpu.vector_load %arg16[%parallel_loop3A_673, %parallel_loop3A_674] {strides = array<i32>} : memref<40x128xf32, #tpu.memory_space<vmem>>, vector<1x16xf32>,
        %parallel_loop3A_676 = vector.shape_cast %parallel_loop3A_675 : vector<1x16xf32> to vector<16xf32>
        %parallel_loop3A_677 = vector.shape_cast %parallel_loop3A_672 : vector<16xf32> to vector<1x16xf32>
        tpu.vector_store %arg16[%parallel_loop3A_673, %parallel_loop3A_674], %parallel_loop3A_677 {strides = array<i32>} : memref<40x128xf32, #tpu.memory_space<vmem>>, vector<1x16xf32>,
        %parallel_loop3A_678 = arith.index_cast %parallel_loop3A_442 : i32 to index
        %parallel_loop3A_679 = arith.constant 176 : index
        %parallel_loop3A_680 = tpu.vector_load %arg12[%parallel_loop3A_678, %parallel_loop3A_679] {strides = array<i32>} : memref<40x256xf32, #tpu.memory_space<vmem>>, vector<1x16xf32>,
        %parallel_loop3A_681 = vector.shape_cast %parallel_loop3A_680 : vector<1x16xf32> to vector<16xf32>
        %parallel_loop3A_682 = arith.mulf %parallel_loop3A_681, %parallel_loop3A_647 : vector<16xf32>
        %parallel_loop3A_683 = arith.index_cast %parallel_loop3A_442 : i32 to index
        %parallel_loop3A_684 = arith.constant 48 : index
        %parallel_loop3A_685 = tpu.vector_load %arg16[%parallel_loop3A_683, %parallel_loop3A_684] {strides = array<i32>} : memref<40x128xf32, #tpu.memory_space<vmem>>, vector<1x16xf32>,
        %parallel_loop3A_686 = vector.shape_cast %parallel_loop3A_685 : vector<1x16xf32> to vector<16xf32>
        %parallel_loop3A_687 = vector.shape_cast %parallel_loop3A_682 : vector<16xf32> to vector<1x16xf32>
        tpu.vector_store %arg16[%parallel_loop3A_683, %parallel_loop3A_684], %parallel_loop3A_687 {strides = array<i32>} : memref<40x128xf32, #tpu.memory_space<vmem>>, vector<1x16xf32>,
        %parallel_loop3A_688 = arith.index_cast %parallel_loop3A_442 : i32 to index
        %parallel_loop3A_689 = arith.constant 192 : index
        %parallel_loop3A_690 = tpu.vector_load %arg12[%parallel_loop3A_688, %parallel_loop3A_689] {strides = array<i32>} : memref<40x256xf32, #tpu.memory_space<vmem>>, vector<1x16xf32>,
        %parallel_loop3A_691 = vector.shape_cast %parallel_loop3A_690 : vector<1x16xf32> to vector<16xf32>
        %parallel_loop3A_692 = arith.mulf %parallel_loop3A_691, %parallel_loop3A_647 : vector<16xf32>
        %parallel_loop3A_693 = arith.index_cast %parallel_loop3A_442 : i32 to index
        %parallel_loop3A_694 = arith.constant 64 : index
        %parallel_loop3A_695 = tpu.vector_load %arg16[%parallel_loop3A_693, %parallel_loop3A_694] {strides = array<i32>} : memref<40x128xf32, #tpu.memory_space<vmem>>, vector<1x16xf32>,
        %parallel_loop3A_696 = vector.shape_cast %parallel_loop3A_695 : vector<1x16xf32> to vector<16xf32>
        %parallel_loop3A_697 = vector.shape_cast %parallel_loop3A_692 : vector<16xf32> to vector<1x16xf32>
        tpu.vector_store %arg16[%parallel_loop3A_693, %parallel_loop3A_694], %parallel_loop3A_697 {strides = array<i32>} : memref<40x128xf32, #tpu.memory_space<vmem>>, vector<1x16xf32>,
        %parallel_loop3A_698 = arith.index_cast %parallel_loop3A_442 : i32 to index
        %parallel_loop3A_699 = arith.constant 208 : index
        %parallel_loop3A_700 = tpu.vector_load %arg12[%parallel_loop3A_698, %parallel_loop3A_699] {strides = array<i32>} : memref<40x256xf32, #tpu.memory_space<vmem>>, vector<1x16xf32>,
        %parallel_loop3A_701 = vector.shape_cast %parallel_loop3A_700 : vector<1x16xf32> to vector<16xf32>
        %parallel_loop3A_702 = arith.mulf %parallel_loop3A_701, %parallel_loop3A_647 : vector<16xf32>
        %parallel_loop3A_703 = arith.index_cast %parallel_loop3A_442 : i32 to index
        %parallel_loop3A_704 = arith.constant 80 : index
        %parallel_loop3A_705 = tpu.vector_load %arg16[%parallel_loop3A_703, %parallel_loop3A_704] {strides = array<i32>} : memref<40x128xf32, #tpu.memory_space<vmem>>, vector<1x16xf32>,
        %parallel_loop3A_706 = vector.shape_cast %parallel_loop3A_705 : vector<1x16xf32> to vector<16xf32>
        %parallel_loop3A_707 = vector.shape_cast %parallel_loop3A_702 : vector<16xf32> to vector<1x16xf32>
        tpu.vector_store %arg16[%parallel_loop3A_703, %parallel_loop3A_704], %parallel_loop3A_707 {strides = array<i32>} : memref<40x128xf32, #tpu.memory_space<vmem>>, vector<1x16xf32>,
        %parallel_loop3A_708 = arith.index_cast %parallel_loop3A_442 : i32 to index
        %parallel_loop3A_709 = arith.constant 224 : index
        %parallel_loop3A_710 = tpu.vector_load %arg12[%parallel_loop3A_708, %parallel_loop3A_709] {strides = array<i32>} : memref<40x256xf32, #tpu.memory_space<vmem>>, vector<1x16xf32>,
        %parallel_loop3A_711 = vector.shape_cast %parallel_loop3A_710 : vector<1x16xf32> to vector<16xf32>
        %parallel_loop3A_712 = arith.mulf %parallel_loop3A_711, %parallel_loop3A_647 : vector<16xf32>
        %parallel_loop3A_713 = arith.index_cast %parallel_loop3A_442 : i32 to index
        %parallel_loop3A_714 = arith.constant 96 : index
        %parallel_loop3A_715 = tpu.vector_load %arg16[%parallel_loop3A_713, %parallel_loop3A_714] {strides = array<i32>} : memref<40x128xf32, #tpu.memory_space<vmem>>, vector<1x16xf32>,
        %parallel_loop3A_716 = vector.shape_cast %parallel_loop3A_715 : vector<1x16xf32> to vector<16xf32>
        %parallel_loop3A_717 = vector.shape_cast %parallel_loop3A_712 : vector<16xf32> to vector<1x16xf32>
        tpu.vector_store %arg16[%parallel_loop3A_713, %parallel_loop3A_714], %parallel_loop3A_717 {strides = array<i32>} : memref<40x128xf32, #tpu.memory_space<vmem>>, vector<1x16xf32>,
        %parallel_loop3A_718 = arith.index_cast %parallel_loop3A_442 : i32 to index
        %parallel_loop3A_719 = arith.constant 240 : index
        %parallel_loop3A_720 = tpu.vector_load %arg12[%parallel_loop3A_718, %parallel_loop3A_719] {strides = array<i32>} : memref<40x256xf32, #tpu.memory_space<vmem>>, vector<1x16xf32>,
        %parallel_loop3A_721 = vector.shape_cast %parallel_loop3A_720 : vector<1x16xf32> to vector<16xf32>
        %parallel_loop3A_722 = arith.mulf %parallel_loop3A_721, %parallel_loop3A_647 : vector<16xf32>
        %parallel_loop3A_723 = arith.index_cast %parallel_loop3A_442 : i32 to index
        %parallel_loop3A_724 = arith.constant 112 : index
        %parallel_loop3A_725 = tpu.vector_load %arg16[%parallel_loop3A_723, %parallel_loop3A_724] {strides = array<i32>} : memref<40x128xf32, #tpu.memory_space<vmem>>, vector<1x16xf32>,
        %parallel_loop3A_726 = vector.shape_cast %parallel_loop3A_725 : vector<1x16xf32> to vector<16xf32>
        %parallel_loop3A_727 = vector.shape_cast %parallel_loop3A_722 : vector<16xf32> to vector<1x16xf32>
        tpu.vector_store %arg16[%parallel_loop3A_723, %parallel_loop3A_724], %parallel_loop3A_727 {strides = array<i32>} : memref<40x128xf32, #tpu.memory_space<vmem>>, vector<1x16xf32>,
      } {sc.loop_unroll_factor = 20 : i64, sc.parallel_access}
      %dma_start3A_428 = arith.constant 1 : i32
      %dma_start3A_429 = arith.constant 0 : i32
      %dma_start3A_430 = tpu.memref_slice %arg10[%dma_start3A_428, %dma_start3A_429] : memref<2x40xi32, #tpu.memory_space<vmem>> -> memref<1x40xi32, #tpu.memory_space<vmem>>
      %dma_start3A_431 = tpu.memref_squeeze %dma_start3A_430 : memref<1x40xi32, #tpu.memory_space<vmem>> -> memref<40xi32, #tpu.memory_space<vmem>>
      %dma_start3A_432 = arith.constant 0 : i32
      %dma_start3A_433 = arith.constant 0 : i32
      %dma_start3A_434 = tpu.memref_slice %arg18[%dma_start3A_432, %dma_start3A_433] : memref<10000x128xf32, #tpu.memory_space<vmem_shared>> -> memref<10000x128xf32, #tpu.memory_space<vmem_shared>>
      tpu.enqueue_indirect_dma source(%arg16 : memref<40x128xf32, #tpu.memory_space<vmem>>) target(%dma_start3A_434 : memref<10000x128xf32, #tpu.memory_space<vmem_shared>>) offsets(%dma_start3A_431 : memref<40xi32, #tpu.memory_space<vmem>>) semaphore(%arg24 : memref<!tpu.dma_semaphore, #tpu.memory_space<semaphore_mem>>) {add = true}
      %add3A_435 = arith.constant 2 : i32
      %add3A_436 = arith.addi %add3A_364, %add3A_435 : i32
      %lt3A_437 = arith.constant 250 : i32
      %lt3A_438 = arith.cmpi slt, %add3A_436, %lt3A_437 : i32
      %convert_element_type3A_439 = arith.extui %lt3A_438 : i1 to i32
      %cond3A_440 = arith.constant 0 : i32
      %cond3A_441 = arith.cmpi ne, %convert_element_type3A_439, %cond3A_440 : i32
      scf.if %cond3A_441 {
        %add3A_442 = arith.constant 2 : i32
        %add3A_443 = arith.addi %add3A_364, %add3A_442 : i32
        %mul3A_444 = arith.constant 40 : i32
        %mul3A_445 = arith.muli %add3A_443, %mul3A_444 : i32
        %add3A_446 = arith.addi %mul3A_117, %mul3A_445 : i32
        %dma_wait3A_447 = arith.constant 1 : i32
        %dma_wait3A_448 = arith.constant 0 : i32
        %dma_wait3A_449 = tpu.memref_slice %arg8[%dma_wait3A_447, %dma_wait3A_448] : memref<2x40xi32, #tpu.memory_space<vmem>> -> memref<1x40xi32, #tpu.memory_space<vmem>>
        %dma_wait3A_450 = tpu.memref_squeeze %dma_wait3A_449 : memref<1x40xi32, #tpu.memory_space<vmem>> -> memref<40xi32, #tpu.memory_space<vmem>>
        %dma_wait3A_451 = tpu.memref_slice %arg2[%add3A_446] : memref<320000xi32, #tpu.memory_space<hbm>> -> memref<40xi32, #tpu.memory_space<hbm>>
        %dma_wait3A_452 = arith.constant 0 : i32
        %dma_wait3A_453 = tpu.memref_slice %arg8[%dma_wait3A_447, %dma_wait3A_452] : memref<2x40xi32, #tpu.memory_space<vmem>> -> memref<1x40xi32, #tpu.memory_space<vmem>>
        %dma_wait3A_454 = tpu.memref_squeeze %dma_wait3A_453 : memref<1x40xi32, #tpu.memory_space<vmem>> -> memref<40xi32, #tpu.memory_space<vmem>>
        %dma_wait3A_455 = tpu.memref_slice %arg2[%add3A_446] : memref<320000xi32, #tpu.memory_space<hbm>> -> memref<40xi32, #tpu.memory_space<hbm>>
        tpu.wait_dma2 semaphore(%arg26 : memref<!tpu.dma_semaphore, #tpu.memory_space<semaphore_mem>>) src(%dma_wait3A_455 : memref<40xi32, #tpu.memory_space<hbm>>) dst(%dma_wait3A_454 : memref<40xi32, #tpu.memory_space<vmem>>)
        %dma_wait3A_456 = arith.constant 1 : i32
        %dma_wait3A_457 = arith.constant 0 : i32
        %dma_wait3A_458 = tpu.memref_slice %arg9[%dma_wait3A_456, %dma_wait3A_457] : memref<2x40xi32, #tpu.memory_space<vmem>> -> memref<1x40xi32, #tpu.memory_space<vmem>>
        %dma_wait3A_459 = tpu.memref_squeeze %dma_wait3A_458 : memref<1x40xi32, #tpu.memory_space<vmem>> -> memref<40xi32, #tpu.memory_space<vmem>>
        %dma_wait3A_460 = tpu.memref_slice %arg3[%add3A_446] : memref<320000xi32, #tpu.memory_space<hbm>> -> memref<40xi32, #tpu.memory_space<hbm>>
        %dma_wait3A_461 = arith.constant 0 : i32
        %dma_wait3A_462 = tpu.memref_slice %arg9[%dma_wait3A_456, %dma_wait3A_461] : memref<2x40xi32, #tpu.memory_space<vmem>> -> memref<1x40xi32, #tpu.memory_space<vmem>>
        %dma_wait3A_463 = tpu.memref_squeeze %dma_wait3A_462 : memref<1x40xi32, #tpu.memory_space<vmem>> -> memref<40xi32, #tpu.memory_space<vmem>>
        %dma_wait3A_464 = tpu.memref_slice %arg3[%add3A_446] : memref<320000xi32, #tpu.memory_space<hbm>> -> memref<40xi32, #tpu.memory_space<hbm>>
        tpu.wait_dma2 semaphore(%arg28 : memref<!tpu.dma_semaphore, #tpu.memory_space<semaphore_mem>>) src(%dma_wait3A_464 : memref<40xi32, #tpu.memory_space<hbm>>) dst(%dma_wait3A_463 : memref<40xi32, #tpu.memory_space<vmem>>)
        %dma_start3A_465 = arith.constant 1 : i32
        %dma_start3A_466 = arith.constant 0 : i32
        %dma_start3A_467 = tpu.memref_slice %arg8[%dma_start3A_465, %dma_start3A_466] : memref<2x40xi32, #tpu.memory_space<vmem>> -> memref<1x40xi32, #tpu.memory_space<vmem>>
        %dma_start3A_468 = tpu.memref_squeeze %dma_start3A_467 : memref<1x40xi32, #tpu.memory_space<vmem>> -> memref<40xi32, #tpu.memory_space<vmem>>
        %dma_start3A_469 = arith.constant 0 : i32
        %dma_start3A_470 = arith.constant 0 : i32
        %dma_start3A_471 = tpu.memref_slice %arg4[%dma_start3A_469, %dma_start3A_470] : memref<10000x256xf32, #tpu.memory_space<hbm>> -> memref<10000x256xf32, #tpu.memory_space<hbm>>
        tpu.enqueue_indirect_dma source(%dma_start3A_471 : memref<10000x256xf32, #tpu.memory_space<hbm>>) target(%arg12 : memref<40x256xf32, #tpu.memory_space<vmem>>) offsets(%dma_start3A_468 : memref<40xi32, #tpu.memory_space<vmem>>) semaphore(%arg20 : memref<!tpu.dma_semaphore, #tpu.memory_space<semaphore_mem>>)
        %dma_start3A_472 = arith.constant 1 : i32
        %dma_start3A_473 = arith.constant 0 : i32
        %dma_start3A_474 = tpu.memref_slice %arg9[%dma_start3A_472, %dma_start3A_473] : memref<2x40xi32, #tpu.memory_space<vmem>> -> memref<1x40xi32, #tpu.memory_space<vmem>>
        %dma_start3A_475 = tpu.memref_squeeze %dma_start3A_474 : memref<1x40xi32, #tpu.memory_space<vmem>> -> memref<40xi32, #tpu.memory_space<vmem>>
        %dma_start3A_476 = arith.constant 0 : i32
        %dma_start3A_477 = arith.constant 0 : i32
        %dma_start3A_478 = tpu.memref_slice %arg5[%dma_start3A_476, %dma_start3A_477] : memref<10000x128xf32, #tpu.memory_space<hbm>> -> memref<10000x128xf32, #tpu.memory_space<hbm>>
        tpu.enqueue_indirect_dma source(%dma_start3A_478 : memref<10000x128xf32, #tpu.memory_space<hbm>>) target(%arg14 : memref<40x128xf32, #tpu.memory_space<vmem>>) offsets(%dma_start3A_475 : memref<40xi32, #tpu.memory_space<vmem>>) semaphore(%arg22 : memref<!tpu.dma_semaphore, #tpu.memory_space<semaphore_mem>>)
      } else {
      }
    }
    %scan3A_157 = arith.constant 125 : i32
    %dma_wait3A = arith.constant 0 : i32
    %dma_wait3A_158 = arith.constant 0 : i32
    %dma_wait3A_159 = tpu.memref_slice %arg10[%dma_wait3A, %dma_wait3A_158] : memref<2x40xi32, #tpu.memory_space<vmem>> -> memref<1x40xi32, #tpu.memory_space<vmem>>
    %dma_wait3A_160 = tpu.memref_squeeze %dma_wait3A_159 : memref<1x40xi32, #tpu.memory_space<vmem>> -> memref<40xi32, #tpu.memory_space<vmem>>
    %dma_wait3A_161 = arith.constant 0 : i32
    %dma_wait3A_162 = arith.constant 0 : i32
    %dma_wait3A_163 = tpu.memref_slice %arg18[%dma_wait3A_161, %dma_wait3A_162] : memref<10000x128xf32, #tpu.memory_space<vmem_shared>> -> memref<10000x128xf32, #tpu.memory_space<vmem_shared>>
    tpu.wait_indirect_dma semaphore(%arg23 : memref<!tpu.dma_semaphore, #tpu.memory_space<semaphore_mem>>) src(%arg15 : memref<40x128xf32, #tpu.memory_space<vmem>>) dst(%dma_wait3A_163 : memref<10000x128xf32, #tpu.memory_space<vmem_shared>>)
    %dma_wait3A_164 = arith.constant 1 : i32
    %dma_wait3A_165 = arith.constant 0 : i32
    %dma_wait3A_166 = tpu.memref_slice %arg10[%dma_wait3A_164, %dma_wait3A_165] : memref<2x40xi32, #tpu.memory_space<vmem>> -> memref<1x40xi32, #tpu.memory_space<vmem>>
    %dma_wait3A_167 = tpu.memref_squeeze %dma_wait3A_166 : memref<1x40xi32, #tpu.memory_space<vmem>> -> memref<40xi32, #tpu.memory_space<vmem>>
    %dma_wait3A_168 = arith.constant 0 : i32
    %dma_wait3A_169 = arith.constant 0 : i32
    %dma_wait3A_170 = tpu.memref_slice %arg18[%dma_wait3A_168, %dma_wait3A_169] : memref<10000x128xf32, #tpu.memory_space<vmem_shared>> -> memref<10000x128xf32, #tpu.memory_space<vmem_shared>>
    tpu.wait_indirect_dma semaphore(%arg24 : memref<!tpu.dma_semaphore, #tpu.memory_space<semaphore_mem>>) src(%arg16 : memref<40x128xf32, #tpu.memory_space<vmem>>) dst(%dma_wait3A_170 : memref<10000x128xf32, #tpu.memory_space<vmem_shared>>)
    %barrier3A_171 = arith.constant 0 : index
    tpu.barrier barrier_id(%barrier3A_171)
    %add3A_172 = arith.constant 0 : i32
    %add3A_173 = arith.addi %arg1, %add3A_172 : i32
    %lt3A_174 = arith.constant 250 : i32
    %lt3A_175 = arith.cmpi slt, %add3A_173, %lt3A_174 : i32
    %convert_element_type3A_176 = arith.extui %lt3A_175 : i1 to i32
    %cond3A_177 = arith.constant 0 : i32
    %cond3A_178 = arith.cmpi ne, %convert_element_type3A_176, %cond3A_177 : i32
    scf.if %cond3A_178 {
      %mul3A_284 = arith.constant 40 : i32
      %mul3A_285 = arith.muli %add3A_173, %mul3A_284 : i32
      "tpu.region"() ({
        %run_scoped3A_286 = tpu.sem_alloc : memref<!tpu.dma_semaphore, #tpu.memory_space<semaphore_mem>>
        %dma_start3A_287 = arith.constant 0 : i32
        %dma_start3A_288 = tpu.memref_slice %arg7[%arg0, %mul3A_285, %dma_start3A_287] : memref<2x10000x128xf32, #tpu.memory_space<hbm>> -> memref<1x40x128xf32, #tpu.memory_space<hbm>>
        %dma_start3A_289 = tpu.memref_squeeze %dma_start3A_288 : memref<1x40x128xf32, #tpu.memory_space<hbm>> -> memref<40x128xf32, #tpu.memory_space<hbm>>
        %dma_start3A_290 = arith.constant 0 : i32
        %dma_start3A_291 = tpu.memref_slice %arg18[%mul3A_285, %dma_start3A_290] : memref<10000x128xf32, #tpu.memory_space<vmem_shared>> -> memref<40x128xf32, #tpu.memory_space<vmem_shared>>
        tpu.enqueue_dma source(%dma_start3A_291 : memref<40x128xf32, #tpu.memory_space<vmem_shared>>) target(%dma_start3A_289 : memref<40x128xf32, #tpu.memory_space<hbm>>) target_semaphore(%run_scoped3A_286 : memref<!tpu.dma_semaphore, #tpu.memory_space<semaphore_mem>>)
        %dma_wait3A_292 = arith.constant 0 : i32
        %dma_wait3A_293 = tpu.memref_slice %arg7[%arg0, %mul3A_285, %dma_wait3A_292] : memref<2x10000x128xf32, #tpu.memory_space<hbm>> -> memref<1x40x128xf32, #tpu.memory_space<hbm>>
        %dma_wait3A_294 = tpu.memref_squeeze %dma_wait3A_293 : memref<1x40x128xf32, #tpu.memory_space<hbm>> -> memref<40x128xf32, #tpu.memory_space<hbm>>
        %dma_wait3A_295 = arith.constant 0 : i32
        %dma_wait3A_296 = tpu.memref_slice %arg18[%mul3A_285, %dma_wait3A_295] : memref<10000x128xf32, #tpu.memory_space<vmem_shared>> -> memref<40x128xf32, #tpu.memory_space<vmem_shared>>
        tpu.wait_dma2 semaphore(%run_scoped3A_286 : memref<!tpu.dma_semaphore, #tpu.memory_space<semaphore_mem>>) src(%dma_wait3A_296 : memref<40x128xf32, #tpu.memory_space<vmem_shared>>) dst(%dma_wait3A_294 : memref<40x128xf32, #tpu.memory_space<hbm>>)
        tpu.yield
      }) : () -> ()
    } else {
    }
    %add3A_179 = arith.constant 16 : i32
    %add3A_180 = arith.addi %arg1, %add3A_179 : i32
    %lt3A_181 = arith.constant 250 : i32
    %lt3A_182 = arith.cmpi slt, %add3A_180, %lt3A_181 : i32
    %convert_element_type3A_183 = arith.extui %lt3A_182 : i1 to i32
    %cond3A_184 = arith.constant 0 : i32
    %cond3A_185 = arith.cmpi ne, %convert_element_type3A_183, %cond3A_184 : i32
    scf.if %cond3A_185 {
      %mul3A_284 = arith.constant 40 : i32
      %mul3A_285 = arith.muli %add3A_180, %mul3A_284 : i32
      "tpu.region"() ({
        %run_scoped3A_286 = tpu.sem_alloc : memref<!tpu.dma_semaphore, #tpu.memory_space<semaphore_mem>>
        %dma_start3A_287 = arith.constant 0 : i32
        %dma_start3A_288 = tpu.memref_slice %arg7[%arg0, %mul3A_285, %dma_start3A_287] : memref<2x10000x128xf32, #tpu.memory_space<hbm>> -> memref<1x40x128xf32, #tpu.memory_space<hbm>>
        %dma_start3A_289 = tpu.memref_squeeze %dma_start3A_288 : memref<1x40x128xf32, #tpu.memory_space<hbm>> -> memref<40x128xf32, #tpu.memory_space<hbm>>
        %dma_start3A_290 = arith.constant 0 : i32
        %dma_start3A_291 = tpu.memref_slice %arg18[%mul3A_285, %dma_start3A_290] : memref<10000x128xf32, #tpu.memory_space<vmem_shared>> -> memref<40x128xf32, #tpu.memory_space<vmem_shared>>
        tpu.enqueue_dma source(%dma_start3A_291 : memref<40x128xf32, #tpu.memory_space<vmem_shared>>) target(%dma_start3A_289 : memref<40x128xf32, #tpu.memory_space<hbm>>) target_semaphore(%run_scoped3A_286 : memref<!tpu.dma_semaphore, #tpu.memory_space<semaphore_mem>>)
        %dma_wait3A_292 = arith.constant 0 : i32
        %dma_wait3A_293 = tpu.memref_slice %arg7[%arg0, %mul3A_285, %dma_wait3A_292] : memref<2x10000x128xf32, #tpu.memory_space<hbm>> -> memref<1x40x128xf32, #tpu.memory_space<hbm>>
        %dma_wait3A_294 = tpu.memref_squeeze %dma_wait3A_293 : memref<1x40x128xf32, #tpu.memory_space<hbm>> -> memref<40x128xf32, #tpu.memory_space<hbm>>
        %dma_wait3A_295 = arith.constant 0 : i32
        %dma_wait3A_296 = tpu.memref_slice %arg18[%mul3A_285, %dma_wait3A_295] : memref<10000x128xf32, #tpu.memory_space<vmem_shared>> -> memref<40x128xf32, #tpu.memory_space<vmem_shared>>
        tpu.wait_dma2 semaphore(%run_scoped3A_286 : memref<!tpu.dma_semaphore, #tpu.memory_space<semaphore_mem>>) src(%dma_wait3A_296 : memref<40x128xf32, #tpu.memory_space<vmem_shared>>) dst(%dma_wait3A_294 : memref<40x128xf32, #tpu.memory_space<hbm>>)
        tpu.yield
      }) : () -> ()
    } else {
    }
    %add3A_186 = arith.constant 32 : i32
    %add3A_187 = arith.addi %arg1, %add3A_186 : i32
    %lt3A_188 = arith.constant 250 : i32
    %lt3A_189 = arith.cmpi slt, %add3A_187, %lt3A_188 : i32
    %convert_element_type3A_190 = arith.extui %lt3A_189 : i1 to i32
    %cond3A_191 = arith.constant 0 : i32
    %cond3A_192 = arith.cmpi ne, %convert_element_type3A_190, %cond3A_191 : i32
    scf.if %cond3A_192 {
      %mul3A_284 = arith.constant 40 : i32
      %mul3A_285 = arith.muli %add3A_187, %mul3A_284 : i32
      "tpu.region"() ({
        %run_scoped3A_286 = tpu.sem_alloc : memref<!tpu.dma_semaphore, #tpu.memory_space<semaphore_mem>>
        %dma_start3A_287 = arith.constant 0 : i32
        %dma_start3A_288 = tpu.memref_slice %arg7[%arg0, %mul3A_285, %dma_start3A_287] : memref<2x10000x128xf32, #tpu.memory_space<hbm>> -> memref<1x40x128xf32, #tpu.memory_space<hbm>>
        %dma_start3A_289 = tpu.memref_squeeze %dma_start3A_288 : memref<1x40x128xf32, #tpu.memory_space<hbm>> -> memref<40x128xf32, #tpu.memory_space<hbm>>
        %dma_start3A_290 = arith.constant 0 : i32
        %dma_start3A_291 = tpu.memref_slice %arg18[%mul3A_285, %dma_start3A_290] : memref<10000x128xf32, #tpu.memory_space<vmem_shared>> -> memref<40x128xf32, #tpu.memory_space<vmem_shared>>
        tpu.enqueue_dma source(%dma_start3A_291 : memref<40x128xf32, #tpu.memory_space<vmem_shared>>) target(%dma_start3A_289 : memref<40x128xf32, #tpu.memory_space<hbm>>) target_semaphore(%run_scoped3A_286 : memref<!tpu.dma_semaphore, #tpu.memory_space<semaphore_mem>>)
        %dma_wait3A_292 = arith.constant 0 : i32
        %dma_wait3A_293 = tpu.memref_slice %arg7[%arg0, %mul3A_285, %dma_wait3A_292] : memref<2x10000x128xf32, #tpu.memory_space<hbm>> -> memref<1x40x128xf32, #tpu.memory_space<hbm>>
        %dma_wait3A_294 = tpu.memref_squeeze %dma_wait3A_293 : memref<1x40x128xf32, #tpu.memory_space<hbm>> -> memref<40x128xf32, #tpu.memory_space<hbm>>
        %dma_wait3A_295 = arith.constant 0 : i32
        %dma_wait3A_296 = tpu.memref_slice %arg18[%mul3A_285, %dma_wait3A_295] : memref<10000x128xf32, #tpu.memory_space<vmem_shared>> -> memref<40x128xf32, #tpu.memory_space<vmem_shared>>
        tpu.wait_dma2 semaphore(%run_scoped3A_286 : memref<!tpu.dma_semaphore, #tpu.memory_space<semaphore_mem>>) src(%dma_wait3A_296 : memref<40x128xf32, #tpu.memory_space<vmem_shared>>) dst(%dma_wait3A_294 : memref<40x128xf32, #tpu.memory_space<hbm>>)
        tpu.yield
      }) : () -> ()
    } else {
    }
    %add3A_193 = arith.constant 48 : i32
    %add3A_194 = arith.addi %arg1, %add3A_193 : i32
    %lt3A_195 = arith.constant 250 : i32
    %lt3A_196 = arith.cmpi slt, %add3A_194, %lt3A_195 : i32
    %convert_element_type3A_197 = arith.extui %lt3A_196 : i1 to i32
    %cond3A_198 = arith.constant 0 : i32
    %cond3A_199 = arith.cmpi ne, %convert_element_type3A_197, %cond3A_198 : i32
    scf.if %cond3A_199 {
      %mul3A_284 = arith.constant 40 : i32
      %mul3A_285 = arith.muli %add3A_194, %mul3A_284 : i32
      "tpu.region"() ({
        %run_scoped3A_286 = tpu.sem_alloc : memref<!tpu.dma_semaphore, #tpu.memory_space<semaphore_mem>>
        %dma_start3A_287 = arith.constant 0 : i32
        %dma_start3A_288 = tpu.memref_slice %arg7[%arg0, %mul3A_285, %dma_start3A_287] : memref<2x10000x128xf32, #tpu.memory_space<hbm>> -> memref<1x40x128xf32, #tpu.memory_space<hbm>>
        %dma_start3A_289 = tpu.memref_squeeze %dma_start3A_288 : memref<1x40x128xf32, #tpu.memory_space<hbm>> -> memref<40x128xf32, #tpu.memory_space<hbm>>
        %dma_start3A_290 = arith.constant 0 : i32
        %dma_start3A_291 = tpu.memref_slice %arg18[%mul3A_285, %dma_start3A_290] : memref<10000x128xf32, #tpu.memory_space<vmem_shared>> -> memref<40x128xf32, #tpu.memory_space<vmem_shared>>
        tpu.enqueue_dma source(%dma_start3A_291 : memref<40x128xf32, #tpu.memory_space<vmem_shared>>) target(%dma_start3A_289 : memref<40x128xf32, #tpu.memory_space<hbm>>) target_semaphore(%run_scoped3A_286 : memref<!tpu.dma_semaphore, #tpu.memory_space<semaphore_mem>>)
        %dma_wait3A_292 = arith.constant 0 : i32
        %dma_wait3A_293 = tpu.memref_slice %arg7[%arg0, %mul3A_285, %dma_wait3A_292] : memref<2x10000x128xf32, #tpu.memory_space<hbm>> -> memref<1x40x128xf32, #tpu.memory_space<hbm>>
        %dma_wait3A_294 = tpu.memref_squeeze %dma_wait3A_293 : memref<1x40x128xf32, #tpu.memory_space<hbm>> -> memref<40x128xf32, #tpu.memory_space<hbm>>
        %dma_wait3A_295 = arith.constant 0 : i32
        %dma_wait3A_296 = tpu.memref_slice %arg18[%mul3A_285, %dma_wait3A_295] : memref<10000x128xf32, #tpu.memory_space<vmem_shared>> -> memref<40x128xf32, #tpu.memory_space<vmem_shared>>
        tpu.wait_dma2 semaphore(%run_scoped3A_286 : memref<!tpu.dma_semaphore, #tpu.memory_space<semaphore_mem>>) src(%dma_wait3A_296 : memref<40x128xf32, #tpu.memory_space<vmem_shared>>) dst(%dma_wait3A_294 : memref<40x128xf32, #tpu.memory_space<hbm>>)
        tpu.yield
      }) : () -> ()
    } else {
    }
    %add3A_200 = arith.constant 64 : i32
    %add3A_201 = arith.addi %arg1, %add3A_200 : i32
    %lt3A_202 = arith.constant 250 : i32
    %lt3A_203 = arith.cmpi slt, %add3A_201, %lt3A_202 : i32
    %convert_element_type3A_204 = arith.extui %lt3A_203 : i1 to i32
    %cond3A_205 = arith.constant 0 : i32
    %cond3A_206 = arith.cmpi ne, %convert_element_type3A_204, %cond3A_205 : i32
    scf.if %cond3A_206 {
      %mul3A_284 = arith.constant 40 : i32
      %mul3A_285 = arith.muli %add3A_201, %mul3A_284 : i32
      "tpu.region"() ({
        %run_scoped3A_286 = tpu.sem_alloc : memref<!tpu.dma_semaphore, #tpu.memory_space<semaphore_mem>>
        %dma_start3A_287 = arith.constant 0 : i32
        %dma_start3A_288 = tpu.memref_slice %arg7[%arg0, %mul3A_285, %dma_start3A_287] : memref<2x10000x128xf32, #tpu.memory_space<hbm>> -> memref<1x40x128xf32, #tpu.memory_space<hbm>>
        %dma_start3A_289 = tpu.memref_squeeze %dma_start3A_288 : memref<1x40x128xf32, #tpu.memory_space<hbm>> -> memref<40x128xf32, #tpu.memory_space<hbm>>
        %dma_start3A_290 = arith.constant 0 : i32
        %dma_start3A_291 = tpu.memref_slice %arg18[%mul3A_285, %dma_start3A_290] : memref<10000x128xf32, #tpu.memory_space<vmem_shared>> -> memref<40x128xf32, #tpu.memory_space<vmem_shared>>
        tpu.enqueue_dma source(%dma_start3A_291 : memref<40x128xf32, #tpu.memory_space<vmem_shared>>) target(%dma_start3A_289 : memref<40x128xf32, #tpu.memory_space<hbm>>) target_semaphore(%run_scoped3A_286 : memref<!tpu.dma_semaphore, #tpu.memory_space<semaphore_mem>>)
        %dma_wait3A_292 = arith.constant 0 : i32
        %dma_wait3A_293 = tpu.memref_slice %arg7[%arg0, %mul3A_285, %dma_wait3A_292] : memref<2x10000x128xf32, #tpu.memory_space<hbm>> -> memref<1x40x128xf32, #tpu.memory_space<hbm>>
        %dma_wait3A_294 = tpu.memref_squeeze %dma_wait3A_293 : memref<1x40x128xf32, #tpu.memory_space<hbm>> -> memref<40x128xf32, #tpu.memory_space<hbm>>
        %dma_wait3A_295 = arith.constant 0 : i32
        %dma_wait3A_296 = tpu.memref_slice %arg18[%mul3A_285, %dma_wait3A_295] : memref<10000x128xf32, #tpu.memory_space<vmem_shared>> -> memref<40x128xf32, #tpu.memory_space<vmem_shared>>
        tpu.wait_dma2 semaphore(%run_scoped3A_286 : memref<!tpu.dma_semaphore, #tpu.memory_space<semaphore_mem>>) src(%dma_wait3A_296 : memref<40x128xf32, #tpu.memory_space<vmem_shared>>) dst(%dma_wait3A_294 : memref<40x128xf32, #tpu.memory_space<hbm>>)
        tpu.yield
      }) : () -> ()
    } else {
    }
    %add3A_207 = arith.constant 80 : i32
    %add3A_208 = arith.addi %arg1, %add3A_207 : i32
    %lt3A_209 = arith.constant 250 : i32
    %lt3A_210 = arith.cmpi slt, %add3A_208, %lt3A_209 : i32
    %convert_element_type3A_211 = arith.extui %lt3A_210 : i1 to i32
    %cond3A_212 = arith.constant 0 : i32
    %cond3A_213 = arith.cmpi ne, %convert_element_type3A_211, %cond3A_212 : i32
    scf.if %cond3A_213 {
      %mul3A_284 = arith.constant 40 : i32
      %mul3A_285 = arith.muli %add3A_208, %mul3A_284 : i32
      "tpu.region"() ({
        %run_scoped3A_286 = tpu.sem_alloc : memref<!tpu.dma_semaphore, #tpu.memory_space<semaphore_mem>>
        %dma_start3A_287 = arith.constant 0 : i32
        %dma_start3A_288 = tpu.memref_slice %arg7[%arg0, %mul3A_285, %dma_start3A_287] : memref<2x10000x128xf32, #tpu.memory_space<hbm>> -> memref<1x40x128xf32, #tpu.memory_space<hbm>>
        %dma_start3A_289 = tpu.memref_squeeze %dma_start3A_288 : memref<1x40x128xf32, #tpu.memory_space<hbm>> -> memref<40x128xf32, #tpu.memory_space<hbm>>
        %dma_start3A_290 = arith.constant 0 : i32
        %dma_start3A_291 = tpu.memref_slice %arg18[%mul3A_285, %dma_start3A_290] : memref<10000x128xf32, #tpu.memory_space<vmem_shared>> -> memref<40x128xf32, #tpu.memory_space<vmem_shared>>
        tpu.enqueue_dma source(%dma_start3A_291 : memref<40x128xf32, #tpu.memory_space<vmem_shared>>) target(%dma_start3A_289 : memref<40x128xf32, #tpu.memory_space<hbm>>) target_semaphore(%run_scoped3A_286 : memref<!tpu.dma_semaphore, #tpu.memory_space<semaphore_mem>>)
        %dma_wait3A_292 = arith.constant 0 : i32
        %dma_wait3A_293 = tpu.memref_slice %arg7[%arg0, %mul3A_285, %dma_wait3A_292] : memref<2x10000x128xf32, #tpu.memory_space<hbm>> -> memref<1x40x128xf32, #tpu.memory_space<hbm>>
        %dma_wait3A_294 = tpu.memref_squeeze %dma_wait3A_293 : memref<1x40x128xf32, #tpu.memory_space<hbm>> -> memref<40x128xf32, #tpu.memory_space<hbm>>
        %dma_wait3A_295 = arith.constant 0 : i32
        %dma_wait3A_296 = tpu.memref_slice %arg18[%mul3A_285, %dma_wait3A_295] : memref<10000x128xf32, #tpu.memory_space<vmem_shared>> -> memref<40x128xf32, #tpu.memory_space<vmem_shared>>
        tpu.wait_dma2 semaphore(%run_scoped3A_286 : memref<!tpu.dma_semaphore, #tpu.memory_space<semaphore_mem>>) src(%dma_wait3A_296 : memref<40x128xf32, #tpu.memory_space<vmem_shared>>) dst(%dma_wait3A_294 : memref<40x128xf32, #tpu.memory_space<hbm>>)
        tpu.yield
      }) : () -> ()
    } else {
    }
    %add3A_214 = arith.constant 96 : i32
    %add3A_215 = arith.addi %arg1, %add3A_214 : i32
    %lt3A_216 = arith.constant 250 : i32
    %lt3A_217 = arith.cmpi slt, %add3A_215, %lt3A_216 : i32
    %convert_element_type3A_218 = arith.extui %lt3A_217 : i1 to i32
    %cond3A_219 = arith.constant 0 : i32
    %cond3A_220 = arith.cmpi ne, %convert_element_type3A_218, %cond3A_219 : i32
    scf.if %cond3A_220 {
      %mul3A_284 = arith.constant 40 : i32
      %mul3A_285 = arith.muli %add3A_215, %mul3A_284 : i32
      "tpu.region"() ({
        %run_scoped3A_286 = tpu.sem_alloc : memref<!tpu.dma_semaphore, #tpu.memory_space<semaphore_mem>>
        %dma_start3A_287 = arith.constant 0 : i32
        %dma_start3A_288 = tpu.memref_slice %arg7[%arg0, %mul3A_285, %dma_start3A_287] : memref<2x10000x128xf32, #tpu.memory_space<hbm>> -> memref<1x40x128xf32, #tpu.memory_space<hbm>>
        %dma_start3A_289 = tpu.memref_squeeze %dma_start3A_288 : memref<1x40x128xf32, #tpu.memory_space<hbm>> -> memref<40x128xf32, #tpu.memory_space<hbm>>
        %dma_start3A_290 = arith.constant 0 : i32
        %dma_start3A_291 = tpu.memref_slice %arg18[%mul3A_285, %dma_start3A_290] : memref<10000x128xf32, #tpu.memory_space<vmem_shared>> -> memref<40x128xf32, #tpu.memory_space<vmem_shared>>
        tpu.enqueue_dma source(%dma_start3A_291 : memref<40x128xf32, #tpu.memory_space<vmem_shared>>) target(%dma_start3A_289 : memref<40x128xf32, #tpu.memory_space<hbm>>) target_semaphore(%run_scoped3A_286 : memref<!tpu.dma_semaphore, #tpu.memory_space<semaphore_mem>>)
        %dma_wait3A_292 = arith.constant 0 : i32
        %dma_wait3A_293 = tpu.memref_slice %arg7[%arg0, %mul3A_285, %dma_wait3A_292] : memref<2x10000x128xf32, #tpu.memory_space<hbm>> -> memref<1x40x128xf32, #tpu.memory_space<hbm>>
        %dma_wait3A_294 = tpu.memref_squeeze %dma_wait3A_293 : memref<1x40x128xf32, #tpu.memory_space<hbm>> -> memref<40x128xf32, #tpu.memory_space<hbm>>
        %dma_wait3A_295 = arith.constant 0 : i32
        %dma_wait3A_296 = tpu.memref_slice %arg18[%mul3A_285, %dma_wait3A_295] : memref<10000x128xf32, #tpu.memory_space<vmem_shared>> -> memref<40x128xf32, #tpu.memory_space<vmem_shared>>
        tpu.wait_dma2 semaphore(%run_scoped3A_286 : memref<!tpu.dma_semaphore, #tpu.memory_space<semaphore_mem>>) src(%dma_wait3A_296 : memref<40x128xf32, #tpu.memory_space<vmem_shared>>) dst(%dma_wait3A_294 : memref<40x128xf32, #tpu.memory_space<hbm>>)
        tpu.yield
      }) : () -> ()
    } else {
    }
    %add3A_221 = arith.constant 112 : i32
    %add3A_222 = arith.addi %arg1, %add3A_221 : i32
    %lt3A_223 = arith.constant 250 : i32
    %lt3A_224 = arith.cmpi slt, %add3A_222, %lt3A_223 : i32
    %convert_element_type3A_225 = arith.extui %lt3A_224 : i1 to i32
    %cond3A_226 = arith.constant 0 : i32
    %cond3A_227 = arith.cmpi ne, %convert_element_type3A_225, %cond3A_226 : i32
    scf.if %cond3A_227 {
      %mul3A_284 = arith.constant 40 : i32
      %mul3A_285 = arith.muli %add3A_222, %mul3A_284 : i32
      "tpu.region"() ({
        %run_scoped3A_286 = tpu.sem_alloc : memref<!tpu.dma_semaphore, #tpu.memory_space<semaphore_mem>>
        %dma_start3A_287 = arith.constant 0 : i32
        %dma_start3A_288 = tpu.memref_slice %arg7[%arg0, %mul3A_285, %dma_start3A_287] : memref<2x10000x128xf32, #tpu.memory_space<hbm>> -> memref<1x40x128xf32, #tpu.memory_space<hbm>>
        %dma_start3A_289 = tpu.memref_squeeze %dma_start3A_288 : memref<1x40x128xf32, #tpu.memory_space<hbm>> -> memref<40x128xf32, #tpu.memory_space<hbm>>
        %dma_start3A_290 = arith.constant 0 : i32
        %dma_start3A_291 = tpu.memref_slice %arg18[%mul3A_285, %dma_start3A_290] : memref<10000x128xf32, #tpu.memory_space<vmem_shared>> -> memref<40x128xf32, #tpu.memory_space<vmem_shared>>
        tpu.enqueue_dma source(%dma_start3A_291 : memref<40x128xf32, #tpu.memory_space<vmem_shared>>) target(%dma_start3A_289 : memref<40x128xf32, #tpu.memory_space<hbm>>) target_semaphore(%run_scoped3A_286 : memref<!tpu.dma_semaphore, #tpu.memory_space<semaphore_mem>>)
        %dma_wait3A_292 = arith.constant 0 : i32
        %dma_wait3A_293 = tpu.memref_slice %arg7[%arg0, %mul3A_285, %dma_wait3A_292] : memref<2x10000x128xf32, #tpu.memory_space<hbm>> -> memref<1x40x128xf32, #tpu.memory_space<hbm>>
        %dma_wait3A_294 = tpu.memref_squeeze %dma_wait3A_293 : memref<1x40x128xf32, #tpu.memory_space<hbm>> -> memref<40x128xf32, #tpu.memory_space<hbm>>
        %dma_wait3A_295 = arith.constant 0 : i32
        %dma_wait3A_296 = tpu.memref_slice %arg18[%mul3A_285, %dma_wait3A_295] : memref<10000x128xf32, #tpu.memory_space<vmem_shared>> -> memref<40x128xf32, #tpu.memory_space<vmem_shared>>
        tpu.wait_dma2 semaphore(%run_scoped3A_286 : memref<!tpu.dma_semaphore, #tpu.memory_space<semaphore_mem>>) src(%dma_wait3A_296 : memref<40x128xf32, #tpu.memory_space<vmem_shared>>) dst(%dma_wait3A_294 : memref<40x128xf32, #tpu.memory_space<hbm>>)
        tpu.yield
      }) : () -> ()
    } else {
    }
    %add3A_228 = arith.constant 128 : i32
    %add3A_229 = arith.addi %arg1, %add3A_228 : i32
    %lt3A_230 = arith.constant 250 : i32
    %lt3A_231 = arith.cmpi slt, %add3A_229, %lt3A_230 : i32
    %convert_element_type3A_232 = arith.extui %lt3A_231 : i1 to i32
    %cond3A_233 = arith.constant 0 : i32
    %cond3A_234 = arith.cmpi ne, %convert_element_type3A_232, %cond3A_233 : i32
    scf.if %cond3A_234 {
      %mul3A_284 = arith.constant 40 : i32
      %mul3A_285 = arith.muli %add3A_229, %mul3A_284 : i32
      "tpu.region"() ({
        %run_scoped3A_286 = tpu.sem_alloc : memref<!tpu.dma_semaphore, #tpu.memory_space<semaphore_mem>>
        %dma_start3A_287 = arith.constant 0 : i32
        %dma_start3A_288 = tpu.memref_slice %arg7[%arg0, %mul3A_285, %dma_start3A_287] : memref<2x10000x128xf32, #tpu.memory_space<hbm>> -> memref<1x40x128xf32, #tpu.memory_space<hbm>>
        %dma_start3A_289 = tpu.memref_squeeze %dma_start3A_288 : memref<1x40x128xf32, #tpu.memory_space<hbm>> -> memref<40x128xf32, #tpu.memory_space<hbm>>
        %dma_start3A_290 = arith.constant 0 : i32
        %dma_start3A_291 = tpu.memref_slice %arg18[%mul3A_285, %dma_start3A_290] : memref<10000x128xf32, #tpu.memory_space<vmem_shared>> -> memref<40x128xf32, #tpu.memory_space<vmem_shared>>
        tpu.enqueue_dma source(%dma_start3A_291 : memref<40x128xf32, #tpu.memory_space<vmem_shared>>) target(%dma_start3A_289 : memref<40x128xf32, #tpu.memory_space<hbm>>) target_semaphore(%run_scoped3A_286 : memref<!tpu.dma_semaphore, #tpu.memory_space<semaphore_mem>>)
        %dma_wait3A_292 = arith.constant 0 : i32
        %dma_wait3A_293 = tpu.memref_slice %arg7[%arg0, %mul3A_285, %dma_wait3A_292] : memref<2x10000x128xf32, #tpu.memory_space<hbm>> -> memref<1x40x128xf32, #tpu.memory_space<hbm>>
        %dma_wait3A_294 = tpu.memref_squeeze %dma_wait3A_293 : memref<1x40x128xf32, #tpu.memory_space<hbm>> -> memref<40x128xf32, #tpu.memory_space<hbm>>
        %dma_wait3A_295 = arith.constant 0 : i32
        %dma_wait3A_296 = tpu.memref_slice %arg18[%mul3A_285, %dma_wait3A_295] : memref<10000x128xf32, #tpu.memory_space<vmem_shared>> -> memref<40x128xf32, #tpu.memory_space<vmem_shared>>
        tpu.wait_dma2 semaphore(%run_scoped3A_286 : memref<!tpu.dma_semaphore, #tpu.memory_space<semaphore_mem>>) src(%dma_wait3A_296 : memref<40x128xf32, #tpu.memory_space<vmem_shared>>) dst(%dma_wait3A_294 : memref<40x128xf32, #tpu.memory_space<hbm>>)
        tpu.yield
      }) : () -> ()
    } else {
    }
    %add3A_235 = arith.constant 144 : i32
    %add3A_236 = arith.addi %arg1, %add3A_235 : i32
    %lt3A_237 = arith.constant 250 : i32
    %lt3A_238 = arith.cmpi slt, %add3A_236, %lt3A_237 : i32
    %convert_element_type3A_239 = arith.extui %lt3A_238 : i1 to i32
    %cond3A_240 = arith.constant 0 : i32
    %cond3A_241 = arith.cmpi ne, %convert_element_type3A_239, %cond3A_240 : i32
    scf.if %cond3A_241 {
      %mul3A_284 = arith.constant 40 : i32
      %mul3A_285 = arith.muli %add3A_236, %mul3A_284 : i32
      "tpu.region"() ({
        %run_scoped3A_286 = tpu.sem_alloc : memref<!tpu.dma_semaphore, #tpu.memory_space<semaphore_mem>>
        %dma_start3A_287 = arith.constant 0 : i32
        %dma_start3A_288 = tpu.memref_slice %arg7[%arg0, %mul3A_285, %dma_start3A_287] : memref<2x10000x128xf32, #tpu.memory_space<hbm>> -> memref<1x40x128xf32, #tpu.memory_space<hbm>>
        %dma_start3A_289 = tpu.memref_squeeze %dma_start3A_288 : memref<1x40x128xf32, #tpu.memory_space<hbm>> -> memref<40x128xf32, #tpu.memory_space<hbm>>
        %dma_start3A_290 = arith.constant 0 : i32
        %dma_start3A_291 = tpu.memref_slice %arg18[%mul3A_285, %dma_start3A_290] : memref<10000x128xf32, #tpu.memory_space<vmem_shared>> -> memref<40x128xf32, #tpu.memory_space<vmem_shared>>
        tpu.enqueue_dma source(%dma_start3A_291 : memref<40x128xf32, #tpu.memory_space<vmem_shared>>) target(%dma_start3A_289 : memref<40x128xf32, #tpu.memory_space<hbm>>) target_semaphore(%run_scoped3A_286 : memref<!tpu.dma_semaphore, #tpu.memory_space<semaphore_mem>>)
        %dma_wait3A_292 = arith.constant 0 : i32
        %dma_wait3A_293 = tpu.memref_slice %arg7[%arg0, %mul3A_285, %dma_wait3A_292] : memref<2x10000x128xf32, #tpu.memory_space<hbm>> -> memref<1x40x128xf32, #tpu.memory_space<hbm>>
        %dma_wait3A_294 = tpu.memref_squeeze %dma_wait3A_293 : memref<1x40x128xf32, #tpu.memory_space<hbm>> -> memref<40x128xf32, #tpu.memory_space<hbm>>
        %dma_wait3A_295 = arith.constant 0 : i32
        %dma_wait3A_296 = tpu.memref_slice %arg18[%mul3A_285, %dma_wait3A_295] : memref<10000x128xf32, #tpu.memory_space<vmem_shared>> -> memref<40x128xf32, #tpu.memory_space<vmem_shared>>
        tpu.wait_dma2 semaphore(%run_scoped3A_286 : memref<!tpu.dma_semaphore, #tpu.memory_space<semaphore_mem>>) src(%dma_wait3A_296 : memref<40x128xf32, #tpu.memory_space<vmem_shared>>) dst(%dma_wait3A_294 : memref<40x128xf32, #tpu.memory_space<hbm>>)
        tpu.yield
      }) : () -> ()
    } else {
    }
    %add3A_242 = arith.constant 160 : i32
    %add3A_243 = arith.addi %arg1, %add3A_242 : i32
    %lt3A_244 = arith.constant 250 : i32
    %lt3A_245 = arith.cmpi slt, %add3A_243, %lt3A_244 : i32
    %convert_element_type3A_246 = arith.extui %lt3A_245 : i1 to i32
    %cond3A_247 = arith.constant 0 : i32
    %cond3A_248 = arith.cmpi ne, %convert_element_type3A_246, %cond3A_247 : i32
    scf.if %cond3A_248 {
      %mul3A_284 = arith.constant 40 : i32
      %mul3A_285 = arith.muli %add3A_243, %mul3A_284 : i32
      "tpu.region"() ({
        %run_scoped3A_286 = tpu.sem_alloc : memref<!tpu.dma_semaphore, #tpu.memory_space<semaphore_mem>>
        %dma_start3A_287 = arith.constant 0 : i32
        %dma_start3A_288 = tpu.memref_slice %arg7[%arg0, %mul3A_285, %dma_start3A_287] : memref<2x10000x128xf32, #tpu.memory_space<hbm>> -> memref<1x40x128xf32, #tpu.memory_space<hbm>>
        %dma_start3A_289 = tpu.memref_squeeze %dma_start3A_288 : memref<1x40x128xf32, #tpu.memory_space<hbm>> -> memref<40x128xf32, #tpu.memory_space<hbm>>
        %dma_start3A_290 = arith.constant 0 : i32
        %dma_start3A_291 = tpu.memref_slice %arg18[%mul3A_285, %dma_start3A_290] : memref<10000x128xf32, #tpu.memory_space<vmem_shared>> -> memref<40x128xf32, #tpu.memory_space<vmem_shared>>
        tpu.enqueue_dma source(%dma_start3A_291 : memref<40x128xf32, #tpu.memory_space<vmem_shared>>) target(%dma_start3A_289 : memref<40x128xf32, #tpu.memory_space<hbm>>) target_semaphore(%run_scoped3A_286 : memref<!tpu.dma_semaphore, #tpu.memory_space<semaphore_mem>>)
        %dma_wait3A_292 = arith.constant 0 : i32
        %dma_wait3A_293 = tpu.memref_slice %arg7[%arg0, %mul3A_285, %dma_wait3A_292] : memref<2x10000x128xf32, #tpu.memory_space<hbm>> -> memref<1x40x128xf32, #tpu.memory_space<hbm>>
        %dma_wait3A_294 = tpu.memref_squeeze %dma_wait3A_293 : memref<1x40x128xf32, #tpu.memory_space<hbm>> -> memref<40x128xf32, #tpu.memory_space<hbm>>
        %dma_wait3A_295 = arith.constant 0 : i32
        %dma_wait3A_296 = tpu.memref_slice %arg18[%mul3A_285, %dma_wait3A_295] : memref<10000x128xf32, #tpu.memory_space<vmem_shared>> -> memref<40x128xf32, #tpu.memory_space<vmem_shared>>
        tpu.wait_dma2 semaphore(%run_scoped3A_286 : memref<!tpu.dma_semaphore, #tpu.memory_space<semaphore_mem>>) src(%dma_wait3A_296 : memref<40x128xf32, #tpu.memory_space<vmem_shared>>) dst(%dma_wait3A_294 : memref<40x128xf32, #tpu.memory_space<hbm>>)
        tpu.yield
      }) : () -> ()
    } else {
    }
    %add3A_249 = arith.constant 176 : i32
    %add3A_250 = arith.addi %arg1, %add3A_249 : i32
    %lt3A_251 = arith.constant 250 : i32
    %lt3A_252 = arith.cmpi slt, %add3A_250, %lt3A_251 : i32
    %convert_element_type3A_253 = arith.extui %lt3A_252 : i1 to i32
    %cond3A_254 = arith.constant 0 : i32
    %cond3A_255 = arith.cmpi ne, %convert_element_type3A_253, %cond3A_254 : i32
    scf.if %cond3A_255 {
      %mul3A_284 = arith.constant 40 : i32
      %mul3A_285 = arith.muli %add3A_250, %mul3A_284 : i32
      "tpu.region"() ({
        %run_scoped3A_286 = tpu.sem_alloc : memref<!tpu.dma_semaphore, #tpu.memory_space<semaphore_mem>>
        %dma_start3A_287 = arith.constant 0 : i32
        %dma_start3A_288 = tpu.memref_slice %arg7[%arg0, %mul3A_285, %dma_start3A_287] : memref<2x10000x128xf32, #tpu.memory_space<hbm>> -> memref<1x40x128xf32, #tpu.memory_space<hbm>>
        %dma_start3A_289 = tpu.memref_squeeze %dma_start3A_288 : memref<1x40x128xf32, #tpu.memory_space<hbm>> -> memref<40x128xf32, #tpu.memory_space<hbm>>
        %dma_start3A_290 = arith.constant 0 : i32
        %dma_start3A_291 = tpu.memref_slice %arg18[%mul3A_285, %dma_start3A_290] : memref<10000x128xf32, #tpu.memory_space<vmem_shared>> -> memref<40x128xf32, #tpu.memory_space<vmem_shared>>
        tpu.enqueue_dma source(%dma_start3A_291 : memref<40x128xf32, #tpu.memory_space<vmem_shared>>) target(%dma_start3A_289 : memref<40x128xf32, #tpu.memory_space<hbm>>) target_semaphore(%run_scoped3A_286 : memref<!tpu.dma_semaphore, #tpu.memory_space<semaphore_mem>>)
        %dma_wait3A_292 = arith.constant 0 : i32
        %dma_wait3A_293 = tpu.memref_slice %arg7[%arg0, %mul3A_285, %dma_wait3A_292] : memref<2x10000x128xf32, #tpu.memory_space<hbm>> -> memref<1x40x128xf32, #tpu.memory_space<hbm>>
        %dma_wait3A_294 = tpu.memref_squeeze %dma_wait3A_293 : memref<1x40x128xf32, #tpu.memory_space<hbm>> -> memref<40x128xf32, #tpu.memory_space<hbm>>
        %dma_wait3A_295 = arith.constant 0 : i32
        %dma_wait3A_296 = tpu.memref_slice %arg18[%mul3A_285, %dma_wait3A_295] : memref<10000x128xf32, #tpu.memory_space<vmem_shared>> -> memref<40x128xf32, #tpu.memory_space<vmem_shared>>
        tpu.wait_dma2 semaphore(%run_scoped3A_286 : memref<!tpu.dma_semaphore, #tpu.memory_space<semaphore_mem>>) src(%dma_wait3A_296 : memref<40x128xf32, #tpu.memory_space<vmem_shared>>) dst(%dma_wait3A_294 : memref<40x128xf32, #tpu.memory_space<hbm>>)
        tpu.yield
      }) : () -> ()
    } else {
    }
    %add3A_256 = arith.constant 192 : i32
    %add3A_257 = arith.addi %arg1, %add3A_256 : i32
    %lt3A_258 = arith.constant 250 : i32
    %lt3A_259 = arith.cmpi slt, %add3A_257, %lt3A_258 : i32
    %convert_element_type3A_260 = arith.extui %lt3A_259 : i1 to i32
    %cond3A_261 = arith.constant 0 : i32
    %cond3A_262 = arith.cmpi ne, %convert_element_type3A_260, %cond3A_261 : i32
    scf.if %cond3A_262 {
      %mul3A_284 = arith.constant 40 : i32
      %mul3A_285 = arith.muli %add3A_257, %mul3A_284 : i32
      "tpu.region"() ({
        %run_scoped3A_286 = tpu.sem_alloc : memref<!tpu.dma_semaphore, #tpu.memory_space<semaphore_mem>>
        %dma_start3A_287 = arith.constant 0 : i32
        %dma_start3A_288 = tpu.memref_slice %arg7[%arg0, %mul3A_285, %dma_start3A_287] : memref<2x10000x128xf32, #tpu.memory_space<hbm>> -> memref<1x40x128xf32, #tpu.memory_space<hbm>>
        %dma_start3A_289 = tpu.memref_squeeze %dma_start3A_288 : memref<1x40x128xf32, #tpu.memory_space<hbm>> -> memref<40x128xf32, #tpu.memory_space<hbm>>
        %dma_start3A_290 = arith.constant 0 : i32
        %dma_start3A_291 = tpu.memref_slice %arg18[%mul3A_285, %dma_start3A_290] : memref<10000x128xf32, #tpu.memory_space<vmem_shared>> -> memref<40x128xf32, #tpu.memory_space<vmem_shared>>
        tpu.enqueue_dma source(%dma_start3A_291 : memref<40x128xf32, #tpu.memory_space<vmem_shared>>) target(%dma_start3A_289 : memref<40x128xf32, #tpu.memory_space<hbm>>) target_semaphore(%run_scoped3A_286 : memref<!tpu.dma_semaphore, #tpu.memory_space<semaphore_mem>>)
        %dma_wait3A_292 = arith.constant 0 : i32
        %dma_wait3A_293 = tpu.memref_slice %arg7[%arg0, %mul3A_285, %dma_wait3A_292] : memref<2x10000x128xf32, #tpu.memory_space<hbm>> -> memref<1x40x128xf32, #tpu.memory_space<hbm>>
        %dma_wait3A_294 = tpu.memref_squeeze %dma_wait3A_293 : memref<1x40x128xf32, #tpu.memory_space<hbm>> -> memref<40x128xf32, #tpu.memory_space<hbm>>
        %dma_wait3A_295 = arith.constant 0 : i32
        %dma_wait3A_296 = tpu.memref_slice %arg18[%mul3A_285, %dma_wait3A_295] : memref<10000x128xf32, #tpu.memory_space<vmem_shared>> -> memref<40x128xf32, #tpu.memory_space<vmem_shared>>
        tpu.wait_dma2 semaphore(%run_scoped3A_286 : memref<!tpu.dma_semaphore, #tpu.memory_space<semaphore_mem>>) src(%dma_wait3A_296 : memref<40x128xf32, #tpu.memory_space<vmem_shared>>) dst(%dma_wait3A_294 : memref<40x128xf32, #tpu.memory_space<hbm>>)
        tpu.yield
      }) : () -> ()
    } else {
    }
    %add3A_263 = arith.constant 208 : i32
    %add3A_264 = arith.addi %arg1, %add3A_263 : i32
    %lt3A_265 = arith.constant 250 : i32
    %lt3A_266 = arith.cmpi slt, %add3A_264, %lt3A_265 : i32
    %convert_element_type3A_267 = arith.extui %lt3A_266 : i1 to i32
    %cond3A_268 = arith.constant 0 : i32
    %cond3A_269 = arith.cmpi ne, %convert_element_type3A_267, %cond3A_268 : i32
    scf.if %cond3A_269 {
      %mul3A_284 = arith.constant 40 : i32
      %mul3A_285 = arith.muli %add3A_264, %mul3A_284 : i32
      "tpu.region"() ({
        %run_scoped3A_286 = tpu.sem_alloc : memref<!tpu.dma_semaphore, #tpu.memory_space<semaphore_mem>>
        %dma_start3A_287 = arith.constant 0 : i32
        %dma_start3A_288 = tpu.memref_slice %arg7[%arg0, %mul3A_285, %dma_start3A_287] : memref<2x10000x128xf32, #tpu.memory_space<hbm>> -> memref<1x40x128xf32, #tpu.memory_space<hbm>>
        %dma_start3A_289 = tpu.memref_squeeze %dma_start3A_288 : memref<1x40x128xf32, #tpu.memory_space<hbm>> -> memref<40x128xf32, #tpu.memory_space<hbm>>
        %dma_start3A_290 = arith.constant 0 : i32
        %dma_start3A_291 = tpu.memref_slice %arg18[%mul3A_285, %dma_start3A_290] : memref<10000x128xf32, #tpu.memory_space<vmem_shared>> -> memref<40x128xf32, #tpu.memory_space<vmem_shared>>
        tpu.enqueue_dma source(%dma_start3A_291 : memref<40x128xf32, #tpu.memory_space<vmem_shared>>) target(%dma_start3A_289 : memref<40x128xf32, #tpu.memory_space<hbm>>) target_semaphore(%run_scoped3A_286 : memref<!tpu.dma_semaphore, #tpu.memory_space<semaphore_mem>>)
        %dma_wait3A_292 = arith.constant 0 : i32
        %dma_wait3A_293 = tpu.memref_slice %arg7[%arg0, %mul3A_285, %dma_wait3A_292] : memref<2x10000x128xf32, #tpu.memory_space<hbm>> -> memref<1x40x128xf32, #tpu.memory_space<hbm>>
        %dma_wait3A_294 = tpu.memref_squeeze %dma_wait3A_293 : memref<1x40x128xf32, #tpu.memory_space<hbm>> -> memref<40x128xf32, #tpu.memory_space<hbm>>
        %dma_wait3A_295 = arith.constant 0 : i32
        %dma_wait3A_296 = tpu.memref_slice %arg18[%mul3A_285, %dma_wait3A_295] : memref<10000x128xf32, #tpu.memory_space<vmem_shared>> -> memref<40x128xf32, #tpu.memory_space<vmem_shared>>
        tpu.wait_dma2 semaphore(%run_scoped3A_286 : memref<!tpu.dma_semaphore, #tpu.memory_space<semaphore_mem>>) src(%dma_wait3A_296 : memref<40x128xf32, #tpu.memory_space<vmem_shared>>) dst(%dma_wait3A_294 : memref<40x128xf32, #tpu.memory_space<hbm>>)
        tpu.yield
      }) : () -> ()
    } else {
    }
    %add3A_270 = arith.constant 224 : i32
    %add3A_271 = arith.addi %arg1, %add3A_270 : i32
    %lt3A_272 = arith.constant 250 : i32
    %lt3A_273 = arith.cmpi slt, %add3A_271, %lt3A_272 : i32
    %convert_element_type3A_274 = arith.extui %lt3A_273 : i1 to i32
    %cond3A_275 = arith.constant 0 : i32
    %cond3A_276 = arith.cmpi ne, %convert_element_type3A_274, %cond3A_275 : i32
    scf.if %cond3A_276 {
      %mul3A_284 = arith.constant 40 : i32
      %mul3A_285 = arith.muli %add3A_271, %mul3A_284 : i32
      "tpu.region"() ({
        %run_scoped3A_286 = tpu.sem_alloc : memref<!tpu.dma_semaphore, #tpu.memory_space<semaphore_mem>>
        %dma_start3A_287 = arith.constant 0 : i32
        %dma_start3A_288 = tpu.memref_slice %arg7[%arg0, %mul3A_285, %dma_start3A_287] : memref<2x10000x128xf32, #tpu.memory_space<hbm>> -> memref<1x40x128xf32, #tpu.memory_space<hbm>>
        %dma_start3A_289 = tpu.memref_squeeze %dma_start3A_288 : memref<1x40x128xf32, #tpu.memory_space<hbm>> -> memref<40x128xf32, #tpu.memory_space<hbm>>
        %dma_start3A_290 = arith.constant 0 : i32
        %dma_start3A_291 = tpu.memref_slice %arg18[%mul3A_285, %dma_start3A_290] : memref<10000x128xf32, #tpu.memory_space<vmem_shared>> -> memref<40x128xf32, #tpu.memory_space<vmem_shared>>
        tpu.enqueue_dma source(%dma_start3A_291 : memref<40x128xf32, #tpu.memory_space<vmem_shared>>) target(%dma_start3A_289 : memref<40x128xf32, #tpu.memory_space<hbm>>) target_semaphore(%run_scoped3A_286 : memref<!tpu.dma_semaphore, #tpu.memory_space<semaphore_mem>>)
        %dma_wait3A_292 = arith.constant 0 : i32
        %dma_wait3A_293 = tpu.memref_slice %arg7[%arg0, %mul3A_285, %dma_wait3A_292] : memref<2x10000x128xf32, #tpu.memory_space<hbm>> -> memref<1x40x128xf32, #tpu.memory_space<hbm>>
        %dma_wait3A_294 = tpu.memref_squeeze %dma_wait3A_293 : memref<1x40x128xf32, #tpu.memory_space<hbm>> -> memref<40x128xf32, #tpu.memory_space<hbm>>
        %dma_wait3A_295 = arith.constant 0 : i32
        %dma_wait3A_296 = tpu.memref_slice %arg18[%mul3A_285, %dma_wait3A_295] : memref<10000x128xf32, #tpu.memory_space<vmem_shared>> -> memref<40x128xf32, #tpu.memory_space<vmem_shared>>
        tpu.wait_dma2 semaphore(%run_scoped3A_286 : memref<!tpu.dma_semaphore, #tpu.memory_space<semaphore_mem>>) src(%dma_wait3A_296 : memref<40x128xf32, #tpu.memory_space<vmem_shared>>) dst(%dma_wait3A_294 : memref<40x128xf32, #tpu.memory_space<hbm>>)
        tpu.yield
      }) : () -> ()
    } else {
    }
    %add3A_277 = arith.constant 240 : i32
    %add3A_278 = arith.addi %arg1, %add3A_277 : i32
    %lt3A_279 = arith.constant 250 : i32
    %lt3A_280 = arith.cmpi slt, %add3A_278, %lt3A_279 : i32
    %convert_element_type3A_281 = arith.extui %lt3A_280 : i1 to i32
    %cond3A_282 = arith.constant 0 : i32
    %cond3A_283 = arith.cmpi ne, %convert_element_type3A_281, %cond3A_282 : i32
    scf.if %cond3A_283 {
      %mul3A_284 = arith.constant 40 : i32
      %mul3A_285 = arith.muli %add3A_278, %mul3A_284 : i32
      "tpu.region"() ({
        %run_scoped3A_286 = tpu.sem_alloc : memref<!tpu.dma_semaphore, #tpu.memory_space<semaphore_mem>>
        %dma_start3A_287 = arith.constant 0 : i32
        %dma_start3A_288 = tpu.memref_slice %arg7[%arg0, %mul3A_285, %dma_start3A_287] : memref<2x10000x128xf32, #tpu.memory_space<hbm>> -> memref<1x40x128xf32, #tpu.memory_space<hbm>>
        %dma_start3A_289 = tpu.memref_squeeze %dma_start3A_288 : memref<1x40x128xf32, #tpu.memory_space<hbm>> -> memref<40x128xf32, #tpu.memory_space<hbm>>
        %dma_start3A_290 = arith.constant 0 : i32
        %dma_start3A_291 = tpu.memref_slice %arg18[%mul3A_285, %dma_start3A_290] : memref<10000x128xf32, #tpu.memory_space<vmem_shared>> -> memref<40x128xf32, #tpu.memory_space<vmem_shared>>
        tpu.enqueue_dma source(%dma_start3A_291 : memref<40x128xf32, #tpu.memory_space<vmem_shared>>) target(%dma_start3A_289 : memref<40x128xf32, #tpu.memory_space<hbm>>) target_semaphore(%run_scoped3A_286 : memref<!tpu.dma_semaphore, #tpu.memory_space<semaphore_mem>>)
        %dma_wait3A_292 = arith.constant 0 : i32
        %dma_wait3A_293 = tpu.memref_slice %arg7[%arg0, %mul3A_285, %dma_wait3A_292] : memref<2x10000x128xf32, #tpu.memory_space<hbm>> -> memref<1x40x128xf32, #tpu.memory_space<hbm>>
        %dma_wait3A_294 = tpu.memref_squeeze %dma_wait3A_293 : memref<1x40x128xf32, #tpu.memory_space<hbm>> -> memref<40x128xf32, #tpu.memory_space<hbm>>
        %dma_wait3A_295 = arith.constant 0 : i32
        %dma_wait3A_296 = tpu.memref_slice %arg18[%mul3A_285, %dma_wait3A_295] : memref<10000x128xf32, #tpu.memory_space<vmem_shared>> -> memref<40x128xf32, #tpu.memory_space<vmem_shared>>
        tpu.wait_dma2 semaphore(%run_scoped3A_286 : memref<!tpu.dma_semaphore, #tpu.memory_space<semaphore_mem>>) src(%dma_wait3A_296 : memref<40x128xf32, #tpu.memory_space<vmem_shared>>) dst(%dma_wait3A_294 : memref<40x128xf32, #tpu.memory_space<hbm>>)
        tpu.yield
      }) : () -> ()
    } else {
    }
    return
  }
}

module attributes {stable_mosaic.version = 14 : i64} {
  func.func @_prep_body(%arg0: i32, %arg1: memref<1000x128xf32, #tpu.memory_space<vmem>>, %arg2: memref<128x128xf32, #tpu.memory_space<vmem>>, %arg3: memref<1x128xf32, #tpu.memory_space<vmem>>, %arg4: memref<1x128xf32, #tpu.memory_space<vmem>>, %arg5: memref<1x128xf32, #tpu.memory_space<vmem>>, %arg6: memref<128x128xf32, #tpu.memory_space<vmem>>, %arg7: memref<128x128xf32, #tpu.memory_space<vmem>>, %arg8: memref<1x128xf32, #tpu.memory_space<vmem>>, %arg9: memref<1000x256xf32, #tpu.memory_space<vmem>>, %arg10: memref<1000x128xf32, #tpu.memory_space<vmem>>) attributes {dimension_semantics = [#tpu.dimension_semantics<arbitrary>], iteration_bounds = array<i64: 10>, scalar_prefetch = 0 : i64, scratch_operands = 0 : i64, tpu.core_type = #tpu.core_type<tc>, window_params = [{transform_indices = @transform_0, window_bounds = array<i64: 1000, 128>}, {pipeline_mode = #tpu.pipeline_mode<synchronous>, transform_indices = @transform_1, window_bounds = array<i64: 128, 128>}, {pipeline_mode = #tpu.pipeline_mode<synchronous>, transform_indices = @transform_2, window_bounds = array<i64: 1, 128>}, {pipeline_mode = #tpu.pipeline_mode<synchronous>, transform_indices = @transform_3, window_bounds = array<i64: 1, 128>}, {pipeline_mode = #tpu.pipeline_mode<synchronous>, transform_indices = @transform_4, window_bounds = array<i64: 1, 128>}, {pipeline_mode = #tpu.pipeline_mode<synchronous>, transform_indices = @transform_5, window_bounds = array<i64: 128, 128>}, {pipeline_mode = #tpu.pipeline_mode<synchronous>, transform_indices = @transform_6, window_bounds = array<i64: 128, 128>}, {pipeline_mode = #tpu.pipeline_mode<synchronous>, transform_indices = @transform_7, window_bounds = array<i64: 1, 128>}, {transform_indices = @transform_8, window_bounds = array<i64: 1000, 256>}, {transform_indices = @transform_9, window_bounds = array<i64: 1000, 128>}]} {
    %get3A = arith.constant 0 : index
    %get3A_0 = arith.constant 0 : index
    %get3A_1 = vector.load %arg1[%get3A, %get3A_0] : memref<1000x128xf32, #tpu.memory_space<vmem>>, vector<1000x128xf32>
    %get3A_2 = arith.constant 0 : index
    %get3A_3 = arith.constant 0 : index
    %get3A_4 = vector.load %arg2[%get3A_2, %get3A_3] : memref<128x128xf32, #tpu.memory_space<vmem>>, vector<128x128xf32>
    %dot_general3A = arith.constant dense<0.000000e+00> : vector<1000x128xf32>
    %dot_general3A_5 = tpu.matmul %get3A_1, %get3A_4, %dot_general3A {dimension_numbers = #tpu.dot_dimension_numbers<[1], [0], [0], [1], [0, 0, 1, 1], [], []>, transpose_lhs_hint = false} : vector<1000x128xf32>, vector<128x128xf32>, vector<1000x128xf32> -> vector<1000x128xf32>
    %get3A_6 = arith.constant 0 : index
    %get3A_7 = arith.constant 0 : index
    %get3A_8 = vector.load %arg3[%get3A_6, %get3A_7] : memref<1x128xf32, #tpu.memory_space<vmem>>, vector<1x128xf32>
    %add3A = vector.broadcast %get3A_8 : vector<1x128xf32> to vector<1000x128xf32>
    %add3A_9 = arith.addf %dot_general3A_5, %add3A : vector<1000x128xf32>
    %reduce_sum3A = arith.constant dense<0.000000e+00> : vector<1000xf32>
    %reduce_sum3A_10 = vector.multi_reduction <add>, %add3A_9, %reduce_sum3A [1] : vector<1000x128xf32> to vector<1000xf32>
    %broadcast_in_dim3A = vector.shape_cast %reduce_sum3A_10 : vector<1000xf32> to vector<1000x1xf32>
    %div3A = arith.constant 1.280000e+02 : f32
    %div3A_11 = vector.broadcast %div3A : f32 to vector<1000x1xf32>
    %div3A_12 = arith.divf %broadcast_in_dim3A, %div3A_11 : vector<1000x1xf32>
    %sub3A = vector.broadcast %div3A_12 : vector<1000x1xf32> to vector<1000x128xf32>
    %sub3A_13 = arith.subf %add3A_9, %sub3A : vector<1000x128xf32>
    %integer_pow3A = arith.mulf %sub3A_13, %sub3A_13 : vector<1000x128xf32>
    %reduce_sum3A_14 = arith.constant dense<0.000000e+00> : vector<1000xf32>
    %reduce_sum3A_15 = vector.multi_reduction <add>, %integer_pow3A, %reduce_sum3A_14 [1] : vector<1000x128xf32> to vector<1000xf32>
    %broadcast_in_dim3A_16 = vector.shape_cast %reduce_sum3A_15 : vector<1000xf32> to vector<1000x1xf32>
    %div3A_17 = arith.constant 1.280000e+02 : f32
    %div3A_18 = vector.broadcast %div3A_17 : f32 to vector<1000x1xf32>
    %div3A_19 = arith.divf %broadcast_in_dim3A_16, %div3A_18 : vector<1000x1xf32>
    %sub3A_20 = vector.broadcast %div3A_12 : vector<1000x1xf32> to vector<1000x128xf32>
    %sub3A_21 = arith.subf %add3A_9, %sub3A_20 : vector<1000x128xf32>
    %add3A_22 = arith.constant 9.99999974E-6 : f32
    %add3A_23 = vector.broadcast %add3A_22 : f32 to vector<1000x1xf32>
    %add3A_24 = arith.addf %div3A_19, %add3A_23 : vector<1000x1xf32>
    %sqrt3A = math.sqrt %add3A_24 : vector<1000x1xf32>
    %div3A_25 = vector.broadcast %sqrt3A : vector<1000x1xf32> to vector<1000x128xf32>
    %div3A_26 = arith.divf %sub3A_21, %div3A_25 : vector<1000x128xf32>
    %get3A_27 = arith.constant 0 : index
    %get3A_28 = arith.constant 0 : index
    %get3A_29 = vector.load %arg4[%get3A_27, %get3A_28] : memref<1x128xf32, #tpu.memory_space<vmem>>, vector<1x128xf32>
    %mul3A = vector.broadcast %get3A_29 : vector<1x128xf32> to vector<1000x128xf32>
    %mul3A_30 = arith.mulf %div3A_26, %mul3A : vector<1000x128xf32>
    %get3A_31 = arith.constant 0 : index
    %get3A_32 = arith.constant 0 : index
    %get3A_33 = vector.load %arg5[%get3A_31, %get3A_32] : memref<1x128xf32, #tpu.memory_space<vmem>>, vector<1x128xf32>
    %add3A_34 = vector.broadcast %get3A_33 : vector<1x128xf32> to vector<1000x128xf32>
    %add3A_35 = arith.addf %mul3A_30, %add3A_34 : vector<1000x128xf32>
    %max3A = arith.constant 0.000000e+00 : f32
    %max3A_36 = vector.broadcast %max3A : f32 to vector<1000x128xf32>
    %max3A_37 = arith.maximumf %add3A_35, %max3A_36 : vector<1000x128xf32>
    %get3A_38 = arith.constant 0 : index
    %get3A_39 = arith.constant 0 : index
    %get3A_40 = vector.load %arg6[%get3A_38, %get3A_39] : memref<128x128xf32, #tpu.memory_space<vmem>>, vector<128x128xf32>
    %dot_general3A_41 = arith.constant dense<0.000000e+00> : vector<1000x128xf32>
    %dot_general3A_42 = tpu.matmul %max3A_37, %get3A_40, %dot_general3A_41 {dimension_numbers = #tpu.dot_dimension_numbers<[1], [0], [0], [1], [0, 0, 1, 1], [], []>, transpose_lhs_hint = false} : vector<1000x128xf32>, vector<128x128xf32>, vector<1000x128xf32> -> vector<1000x128xf32>
    %swap3A = arith.constant 0 : index
    %swap3A_43 = arith.constant 0 : index
    %swap3A_44 = vector.load %arg9[%swap3A, %swap3A_43] : memref<1000x256xf32, #tpu.memory_space<vmem>>, vector<1000x128xf32>
    tpu.vector_store %arg9[%swap3A, %swap3A_43], %dot_general3A_42 {strides = array<i32>} : memref<1000x256xf32, #tpu.memory_space<vmem>>, vector<1000x128xf32>,
    %swap3A_45 = arith.constant 0 : index
    %swap3A_46 = arith.constant 128 : index
    %swap3A_47 = vector.load %arg9[%swap3A_45, %swap3A_46] : memref<1000x256xf32, #tpu.memory_space<vmem>>, vector<1000x128xf32>
    tpu.vector_store %arg9[%swap3A_45, %swap3A_46], %max3A_37 {strides = array<i32>} : memref<1000x256xf32, #tpu.memory_space<vmem>>, vector<1000x128xf32>,
    %get3A_48 = arith.constant 0 : index
    %get3A_49 = arith.constant 0 : index
    %get3A_50 = vector.load %arg7[%get3A_48, %get3A_49] : memref<128x128xf32, #tpu.memory_space<vmem>>, vector<128x128xf32>
    %dot_general3A_51 = arith.constant dense<0.000000e+00> : vector<1000x128xf32>
    %dot_general3A_52 = tpu.matmul %max3A_37, %get3A_50, %dot_general3A_51 {dimension_numbers = #tpu.dot_dimension_numbers<[1], [0], [0], [1], [0, 0, 1, 1], [], []>, transpose_lhs_hint = false} : vector<1000x128xf32>, vector<128x128xf32>, vector<1000x128xf32> -> vector<1000x128xf32>
    %get3A_53 = arith.constant 0 : index
    %get3A_54 = arith.constant 0 : index
    %get3A_55 = vector.load %arg8[%get3A_53, %get3A_54] : memref<1x128xf32, #tpu.memory_space<vmem>>, vector<1x128xf32>
    %add3A_56 = vector.broadcast %get3A_55 : vector<1x128xf32> to vector<1000x128xf32>
    %add3A_57 = arith.addf %dot_general3A_52, %add3A_56 : vector<1000x128xf32>
    %swap3A_58 = arith.constant 0 : index
    %swap3A_59 = arith.constant 0 : index
    %swap3A_60 = vector.load %arg10[%swap3A_58, %swap3A_59] : memref<1000x128xf32, #tpu.memory_space<vmem>>, vector<1000x128xf32>
    tpu.vector_store %arg10[%swap3A_58, %swap3A_59], %add3A_57 {strides = array<i32>} : memref<1000x128xf32, #tpu.memory_space<vmem>>, vector<1000x128xf32>,
    return
  }
  func.func @transform_0(%arg0: i32) -> (i32, i32) {
    %c0_i32 = arith.constant 0 : i32
    %c0_i32_0 = arith.constant 0 : i32
    return %arg0, %c0_i32 : i32, i32
  }
  func.func @transform_1(%arg0: i32) -> (i32, i32) {
    %c0_i32 = arith.constant 0 : i32
    %c0_i32_0 = arith.constant 0 : i32
    %c0_i32_1 = arith.constant 0 : i32
    return %c0_i32, %c0_i32_0 : i32, i32
  }
  func.func @transform_2(%arg0: i32) -> (i32, i32) {
    %c0_i32 = arith.constant 0 : i32
    %c0_i32_0 = arith.constant 0 : i32
    %c0_i32_1 = arith.constant 0 : i32
    return %c0_i32, %c0_i32_0 : i32, i32
  }
  func.func @transform_3(%arg0: i32) -> (i32, i32) {
    %c0_i32 = arith.constant 0 : i32
    %c0_i32_0 = arith.constant 0 : i32
    %c0_i32_1 = arith.constant 0 : i32
    return %c0_i32, %c0_i32_0 : i32, i32
  }
  func.func @transform_4(%arg0: i32) -> (i32, i32) {
    %c0_i32 = arith.constant 0 : i32
    %c0_i32_0 = arith.constant 0 : i32
    %c0_i32_1 = arith.constant 0 : i32
    return %c0_i32, %c0_i32_0 : i32, i32
  }
  func.func @transform_5(%arg0: i32) -> (i32, i32) {
    %c0_i32 = arith.constant 0 : i32
    %c0_i32_0 = arith.constant 0 : i32
    %c0_i32_1 = arith.constant 0 : i32
    return %c0_i32, %c0_i32_0 : i32, i32
  }
  func.func @transform_6(%arg0: i32) -> (i32, i32) {
    %c0_i32 = arith.constant 0 : i32
    %c0_i32_0 = arith.constant 0 : i32
    %c0_i32_1 = arith.constant 0 : i32
    return %c0_i32, %c0_i32_0 : i32, i32
  }
  func.func @transform_7(%arg0: i32) -> (i32, i32) {
    %c0_i32 = arith.constant 0 : i32
    %c0_i32_0 = arith.constant 0 : i32
    %c0_i32_1 = arith.constant 0 : i32
    return %c0_i32, %c0_i32_0 : i32, i32
  }
  func.func @transform_8(%arg0: i32) -> (i32, i32) {
    %c0_i32 = arith.constant 0 : i32
    %c0_i32_0 = arith.constant 0 : i32
    return %arg0, %c0_i32 : i32, i32
  }
  func.func @transform_9(%arg0: i32) -> (i32, i32) {
    %c0_i32 = arith.constant 0 : i32
    %c0_i32_0 = arith.constant 0 : i32
    return %arg0, %c0_i32 : i32, i32
  }
}

module attributes {stable_mosaic.version = 14 : i64} {
  func.func @_final_body(%arg0: i32, %arg1: memref<1000x256xf32, #tpu.memory_space<vmem>>, %arg2: memref<2x1000x128xf32, #tpu.memory_space<vmem>>, %arg3: memref<128x128xf32, #tpu.memory_space<vmem>>, %arg4: memref<128x128xf32, #tpu.memory_space<vmem>>, %arg5: memref<1x128xf32, #tpu.memory_space<vmem>>, %arg6: memref<1x128xf32, #tpu.memory_space<vmem>>, %arg7: memref<1x128xf32, #tpu.memory_space<vmem>>, %arg8: memref<1000x128xf32, #tpu.memory_space<vmem>>) attributes {dimension_semantics = [#tpu.dimension_semantics<arbitrary>], iteration_bounds = array<i64: 10>, scalar_prefetch = 0 : i64, scratch_operands = 0 : i64, tpu.core_type = #tpu.core_type<tc>, window_params = [{transform_indices = @transform_0, window_bounds = array<i64: 1000, 256>}, {transform_indices = @transform_1, window_bounds = array<i64: 2, 1000, 128>}, {pipeline_mode = #tpu.pipeline_mode<synchronous>, transform_indices = @transform_2, window_bounds = array<i64: 128, 128>}, {pipeline_mode = #tpu.pipeline_mode<synchronous>, transform_indices = @transform_3, window_bounds = array<i64: 128, 128>}, {pipeline_mode = #tpu.pipeline_mode<synchronous>, transform_indices = @transform_4, window_bounds = array<i64: 1, 128>}, {pipeline_mode = #tpu.pipeline_mode<synchronous>, transform_indices = @transform_5, window_bounds = array<i64: 1, 128>}, {pipeline_mode = #tpu.pipeline_mode<synchronous>, transform_indices = @transform_6, window_bounds = array<i64: 1, 128>}, {transform_indices = @transform_7, window_bounds = array<i64: 1000, 128>}]} {
    %get3A = arith.constant 0 : index
    %get3A_0 = arith.constant 128 : index
    %get3A_1 = vector.load %arg1[%get3A, %get3A_0] : memref<1000x256xf32, #tpu.memory_space<vmem>>, vector<1000x128xf32>
    %get3A_2 = arith.constant 0 : index
    %get3A_3 = arith.constant 0 : index
    %get3A_4 = arith.constant 0 : index
    %get3A_5 = vector.load %arg2[%get3A_2, %get3A_3, %get3A_4] : memref<2x1000x128xf32, #tpu.memory_space<vmem>>, vector<1x1000x128xf32>
    %get3A_6 = vector.shape_cast %get3A_5 : vector<1x1000x128xf32> to vector<1000x128xf32>
    %get3A_7 = arith.constant 1 : index
    %get3A_8 = arith.constant 0 : index
    %get3A_9 = arith.constant 0 : index
    %get3A_10 = vector.load %arg2[%get3A_7, %get3A_8, %get3A_9] : memref<2x1000x128xf32, #tpu.memory_space<vmem>>, vector<1x1000x128xf32>
    %get3A_11 = vector.shape_cast %get3A_10 : vector<1x1000x128xf32> to vector<1000x128xf32>
    %add3A = arith.addf %get3A_6, %get3A_11 : vector<1000x128xf32>
    %get3A_12 = arith.constant 0 : index
    %get3A_13 = arith.constant 0 : index
    %get3A_14 = vector.load %arg3[%get3A_12, %get3A_13] : memref<128x128xf32, #tpu.memory_space<vmem>>, vector<128x128xf32>
    %dot_general3A = arith.constant dense<0.000000e+00> : vector<1000x128xf32>
    %dot_general3A_15 = tpu.matmul %get3A_1, %get3A_14, %dot_general3A {dimension_numbers = #tpu.dot_dimension_numbers<[1], [0], [0], [1], [0, 0, 1, 1], [], []>, transpose_lhs_hint = false} : vector<1000x128xf32>, vector<128x128xf32>, vector<1000x128xf32> -> vector<1000x128xf32>
    %get3A_16 = arith.constant 0 : index
    %get3A_17 = arith.constant 0 : index
    %get3A_18 = vector.load %arg4[%get3A_16, %get3A_17] : memref<128x128xf32, #tpu.memory_space<vmem>>, vector<128x128xf32>
    %dot_general3A_19 = arith.constant dense<0.000000e+00> : vector<1000x128xf32>
    %dot_general3A_20 = tpu.matmul %add3A, %get3A_18, %dot_general3A_19 {dimension_numbers = #tpu.dot_dimension_numbers<[1], [0], [0], [1], [0, 0, 1, 1], [], []>, transpose_lhs_hint = false} : vector<1000x128xf32>, vector<128x128xf32>, vector<1000x128xf32> -> vector<1000x128xf32>
    %add3A_21 = arith.addf %dot_general3A_15, %dot_general3A_20 : vector<1000x128xf32>
    %get3A_22 = arith.constant 0 : index
    %get3A_23 = arith.constant 0 : index
    %get3A_24 = vector.load %arg5[%get3A_22, %get3A_23] : memref<1x128xf32, #tpu.memory_space<vmem>>, vector<1x128xf32>
    %add3A_25 = vector.broadcast %get3A_24 : vector<1x128xf32> to vector<1000x128xf32>
    %add3A_26 = arith.addf %add3A_21, %add3A_25 : vector<1000x128xf32>
    %neg3A = arith.constant 0.000000e+00 : f32
    %neg3A_27 = vector.broadcast %neg3A : f32 to vector<1000x128xf32>
    %neg3A_28 = arith.subf %neg3A_27, %add3A_26 : vector<1000x128xf32>
    %exp3A = math.exp %neg3A_28 : vector<1000x128xf32>
    %add3A_29 = arith.constant 1.000000e+00 : f32
    %add3A_30 = vector.broadcast %add3A_29 : f32 to vector<1000x128xf32>
    %add3A_31 = arith.addf %add3A_30, %exp3A : vector<1000x128xf32>
    %div3A = arith.constant 1.000000e+00 : f32
    %div3A_32 = vector.broadcast %div3A : f32 to vector<1000x128xf32>
    %div3A_33 = arith.divf %div3A_32, %add3A_31 : vector<1000x128xf32>
    %mul3A = arith.mulf %div3A_33, %add3A : vector<1000x128xf32>
    %sub3A = arith.constant 1.000000e+00 : f32
    %sub3A_34 = vector.broadcast %sub3A : f32 to vector<1000x128xf32>
    %sub3A_35 = arith.subf %sub3A_34, %div3A_33 : vector<1000x128xf32>
    %mul3A_36 = arith.mulf %sub3A_35, %get3A_1 : vector<1000x128xf32>
    %add3A_37 = arith.addf %mul3A, %mul3A_36 : vector<1000x128xf32>
    %reduce_sum3A = arith.constant dense<0.000000e+00> : vector<1000xf32>
    %reduce_sum3A_38 = vector.multi_reduction <add>, %add3A_37, %reduce_sum3A [1] : vector<1000x128xf32> to vector<1000xf32>
    %broadcast_in_dim3A = vector.shape_cast %reduce_sum3A_38 : vector<1000xf32> to vector<1000x1xf32>
    %div3A_39 = arith.constant 1.280000e+02 : f32
    %div3A_40 = vector.broadcast %div3A_39 : f32 to vector<1000x1xf32>
    %div3A_41 = arith.divf %broadcast_in_dim3A, %div3A_40 : vector<1000x1xf32>
    %sub3A_42 = vector.broadcast %div3A_41 : vector<1000x1xf32> to vector<1000x128xf32>
    %sub3A_43 = arith.subf %add3A_37, %sub3A_42 : vector<1000x128xf32>
    %integer_pow3A = arith.mulf %sub3A_43, %sub3A_43 : vector<1000x128xf32>
    %reduce_sum3A_44 = arith.constant dense<0.000000e+00> : vector<1000xf32>
    %reduce_sum3A_45 = vector.multi_reduction <add>, %integer_pow3A, %reduce_sum3A_44 [1] : vector<1000x128xf32> to vector<1000xf32>
    %broadcast_in_dim3A_46 = vector.shape_cast %reduce_sum3A_45 : vector<1000xf32> to vector<1000x1xf32>
    %div3A_47 = arith.constant 1.280000e+02 : f32
    %div3A_48 = vector.broadcast %div3A_47 : f32 to vector<1000x1xf32>
    %div3A_49 = arith.divf %broadcast_in_dim3A_46, %div3A_48 : vector<1000x1xf32>
    %sub3A_50 = vector.broadcast %div3A_41 : vector<1000x1xf32> to vector<1000x128xf32>
    %sub3A_51 = arith.subf %add3A_37, %sub3A_50 : vector<1000x128xf32>
    %add3A_52 = arith.constant 9.99999974E-6 : f32
    %add3A_53 = vector.broadcast %add3A_52 : f32 to vector<1000x1xf32>
    %add3A_54 = arith.addf %div3A_49, %add3A_53 : vector<1000x1xf32>
    %sqrt3A = math.sqrt %add3A_54 : vector<1000x1xf32>
    %div3A_55 = vector.broadcast %sqrt3A : vector<1000x1xf32> to vector<1000x128xf32>
    %div3A_56 = arith.divf %sub3A_51, %div3A_55 : vector<1000x128xf32>
    %get3A_57 = arith.constant 0 : index
    %get3A_58 = arith.constant 0 : index
    %get3A_59 = vector.load %arg6[%get3A_57, %get3A_58] : memref<1x128xf32, #tpu.memory_space<vmem>>, vector<1x128xf32>
    %mul3A_60 = vector.broadcast %get3A_59 : vector<1x128xf32> to vector<1000x128xf32>
    %mul3A_61 = arith.mulf %div3A_56, %mul3A_60 : vector<1000x128xf32>
    %get3A_62 = arith.constant 0 : index
    %get3A_63 = arith.constant 0 : index
    %get3A_64 = vector.load %arg7[%get3A_62, %get3A_63] : memref<1x128xf32, #tpu.memory_space<vmem>>, vector<1x128xf32>
    %add3A_65 = vector.broadcast %get3A_64 : vector<1x128xf32> to vector<1000x128xf32>
    %add3A_66 = arith.addf %mul3A_61, %add3A_65 : vector<1000x128xf32>
    %swap3A = arith.constant 0 : index
    %swap3A_67 = arith.constant 0 : index
    %swap3A_68 = vector.load %arg8[%swap3A, %swap3A_67] : memref<1000x128xf32, #tpu.memory_space<vmem>>, vector<1000x128xf32>
    tpu.vector_store %arg8[%swap3A, %swap3A_67], %add3A_66 {strides = array<i32>} : memref<1000x128xf32, #tpu.memory_space<vmem>>, vector<1000x128xf32>,
    return
  }
  func.func @transform_0(%arg0: i32) -> (i32, i32) {
    %c0_i32 = arith.constant 0 : i32
    %c0_i32_0 = arith.constant 0 : i32
    return %arg0, %c0_i32 : i32, i32
  }
  func.func @transform_1(%arg0: i32) -> (i32, i32, i32) {
    %c0_i32 = arith.constant 0 : i32
    %c0_i32_0 = arith.constant 0 : i32
    %c0_i32_1 = arith.constant 0 : i32
    return %c0_i32, %arg0, %c0_i32_0 : i32, i32, i32
  }
  func.func @transform_2(%arg0: i32) -> (i32, i32) {
    %c0_i32 = arith.constant 0 : i32
    %c0_i32_0 = arith.constant 0 : i32
    %c0_i32_1 = arith.constant 0 : i32
    return %c0_i32, %c0_i32_0 : i32, i32
  }
  func.func @transform_3(%arg0: i32) -> (i32, i32) {
    %c0_i32 = arith.constant 0 : i32
    %c0_i32_0 = arith.constant 0 : i32
    %c0_i32_1 = arith.constant 0 : i32
    return %c0_i32, %c0_i32_0 : i32, i32
  }
  func.func @transform_4(%arg0: i32) -> (i32, i32) {
    %c0_i32 = arith.constant 0 : i32
    %c0_i32_0 = arith.constant 0 : i32
    %c0_i32_1 = arith.constant 0 : i32
    return %c0_i32, %c0_i32_0 : i32, i32
  }
  func.func @transform_5(%arg0: i32) -> (i32, i32) {
    %c0_i32 = arith.constant 0 : i32
    %c0_i32_0 = arith.constant 0 : i32
    %c0_i32_1 = arith.constant 0 : i32
    return %c0_i32, %c0_i32_0 : i32, i32
  }
  func.func @transform_6(%arg0: i32) -> (i32, i32) {
    %c0_i32 = arith.constant 0 : i32
    %c0_i32_0 = arith.constant 0 : i32
    %c0_i32_1 = arith.constant 0 : i32
    return %c0_i32, %c0_i32_0 : i32, i32
  }
  func.func @transform_7(%arg0: i32) -> (i32, i32) {
    %c0_i32 = arith.constant 0 : i32
    %c0_i32_0 = arith.constant 0 : i32
    return %arg0, %c0_i32 : i32, i32
  }
}

</mosaic_0001>

<sc_bundles>
// kernel: kernel.5.cloned.1.call-start
scs
__scs_entry_jumppad:
0x0: {  	(pc) =	sbr.rel $0x88, $3  }
0x1: {  	(tag) =	ssettag $0x0;
	lr =	simm.s32 $0x1  }
0x2: {  	[smem:$0x3F93] =	sst lr;
	_ =	strace $0xD0000000  }
0x3: {  	_ = 	snop  }
0x4: {  	_ = 	snop  }
0x5: {  	_ = 	snop  }
0x6: {  	_ = 	snop  }
0x7: {  	_ = 	snop  }
__scs_overlays_trampoline_lowered:
0x8: {  	[smem:$0x3FA2] =	sst s0  }
0x9: {  	[smem:$0x3FA3] =	sst s1  }
0xa: {  	[smem:$0x3FA4] =	sst s2  }
0xb: {  	[smem:$0x3FA5] =	sst s3  }
0xc: {  	[smem:$0x3FA6] =	sst s4  }
0xd: {  	[smem:$0x3FA7] =	sst s5  }
0xe: {  	[smem:$0x3FA8] =	sst s6  }
0xf: {  	[smem:$0x3FA9] =	sst s7  }
0x10: {  	[smem:$0x3FAA] =	sst s8  }
0x11: {  	[smem:$0x3FAB] =	sst s9;
	s0 =	simm.s32 @!p0 $0x0  }
0x12: {  	s1 =	sld [smem:$0x3F91];
	s0 =	simm.s32 @p0 $0x1  }
0x13: {  	[smem:$0x3FAC] =	sst s0;
	s0 =	simm.s32 @!p1 $0x0  }
0x14: {  	s2 =	sld [smem:$0x3F90];
	s0 =	simm.s32 @p1 $0x1  }
0x15: {  	[smem:$0x3FAD] =	sst s0;
	s0 =	simm.s32 @!p2 $0x0  }
0x16: {  	s3 =	sld [smem:$0x3FDB];
	s0 =	simm.s32 @p2 $0x1  }
0x17: {  	s4 =	simm.s32 $0x1BF5;
	[smem:$0x3FAF] =	sst s0  }
0x18: {  	s0 =	sld [smem:$0x3F92];
	_ =	swait.ge [sflag:s4], $0x0  }
0x19: {  	s7 =	sld [smem:$0x3F93]  }
0x1a: {  	s8 =	sadd.s32 $0xFFFFE003, lr  }
0x1b: {  	s9 =	sadd.s32 $0xFFFFFEF7, lr;
	s5 =	simm.s32 $0xFFFFFFFF;
	p2 =	slt.u32 s8, $0xFFFFF086  }
0x1c: {  	p1 =	slt.u32 s9, $0xF7A;
	s5 =	simm.s32 @!p2 $0x0  }
0x1d: {  	s5 =	simm.s32 @p1 $0x1;
	p0 =	seq.s32 s7, s2  }
0x1e: {  	s7 =	smul.u32 @!p0 $0xF7A, s2;
	p2 =	seq.s32 @!p0 s5, $0x0  }
0x1f: {  	s9 =	smul.u32 $0xF7A, s1;
	s8 =	simm.s32 @!p0 $0x1BF5;
	p2 =	por !p2, p0  }
0x20: {  	[sflag:s8] =	ssyncset.s32 @!p0 $0xFFFFF086;
	s6 =	sadd.s32 @!p0 s3, s7;
	s7 =	simm.s32 @!p0 $0x108  }
0x21: {  	s3 =	sadd.s32 s3, s9;
	s6 =	sadd.s32 @!p0 $0x88, s6;
	s7 =	simm.s32 @p2 $0x1082  }
0x22: {  	[simem:s7], [sflag:s8] =	dma.local @!p0 [hbm:s6], $0xF7A  }
0x23: {  	s9 =	sor.u32 $0xD0000000, s2;
	s6 =	simm.s32 $0x108;
	_ =	swait.ge @!p0 [sflag:s8], $0x0  }
0x24: {  	s3 =	sadd.s32 $0x88, s3;
	s6 =	simm.s32 @!p1 $0x1082;
	[sflag:s4] =	ssyncset.s32 $0xFFFFF086  }
0x25: {  	[simem:s6], [sflag:s4] =	dma.local [hbm:s3], $0xF7A  }
0x26: {  	[smem:$0x3F93] =	sst s1;
	(tag) =	ssettag s2;
	_ =	strace s9  }
0x27: {  	s1 =	sld [smem:$0x3FA3]  }
0x28: {  	s2 =	sld [smem:$0x3FA4]  }
0x29: {  	s4 =	sld [smem:$0x3FA6]  }
0x2a: {  	p0 =	seq.s32 s5, $0x0;
	s5 =	sld [smem:$0x3FA7]  }
0x2b: {  	s6 =	sld [smem:$0x3FA8]  }
0x2c: {  	s7 =	sld [smem:$0x3FA9]  }
0x2d: {  	s3 =	simm.s32 $0x108;
	s8 =	sld [smem:$0x3FAA]  }
0x2e: {  	s3 =	simm.s32 @!p0 $0x1082;
	s9 =	sld [smem:$0x3FAB]  }
0x2f: {  	lr =	sadd.s32 s0, s3;
	s0 =	sld [smem:$0x3FA2]  }
0x30: {  	s3 =	sld [smem:$0x3FA5]  }
0x31: {  	[smem:$0x3FAE] =	sst s10  }
0x32: {  	s10 =	sld [smem:$0x3FAC];
	_ =	sdelay $0x3  }
0x33: {  	p0 =	seq.s32 s10, $0x1;
	s10 =	sld [smem:$0x3FAE];
	_ =	sdelay $0x3  }
0x34: {  	[smem:$0x3FAE] =	sst s10  }
0x35: {  	s10 =	sld [smem:$0x3FAD];
	_ =	sdelay $0x3  }
0x36: {  	p1 =	seq.s32 s10, $0x1;
	s10 =	sld [smem:$0x3FAE];
	_ =	sdelay $0x3  }
0x37: {  	[smem:$0x3FAE] =	sst s10  }
0x38: {  	s10 =	sld [smem:$0x3FAF]  }
0x39: {  	_ = 	snop;
	(pc) =	sbr.ind lr, $3  }
0x3a: {  	_ = 	snop  }
0x3b: {  	_ = 	snop  }
0x3c: {  	p2 =	seq.s32 s10, $0x1;
	s10 =	sld [smem:$0x3FAE]  }
0x3d: {  	_ =	shalt  }
0x3e: {  	_ =	shalt  }
0x3f: {  	_ =	shalt  }
0x40: {  	_ =	shalt  }
0x41: {  	_ =	shalt  }
0x42: {  	_ =	shalt  }
0x43: {  	_ =	shalt  }
0x44: {  	_ =	shalt  }
0x45: {  	_ =	shalt  }
0x46: {  	_ =	shalt  }
0x47: {  	_ =	shalt  }
0x48: {  	_ =	shalt  }
0x49: {  	_ =	shalt  }
0x4a: {  	_ =	shalt  }
0x4b: {  	_ =	shalt  }
0x4c: {  	_ =	shalt  }
0x4d: {  	_ =	shalt  }
0x4e: {  	_ =	shalt  }
0x4f: {  	_ =	shalt  }
0x50: {  	_ =	shalt  }
0x51: {  	_ =	shalt  }
0x52: {  	_ =	shalt  }
0x53: {  	_ =	shalt  }
0x54: {  	_ =	shalt  }
0x55: {  	_ =	shalt  }
0x56: {  	_ =	shalt  }
0x57: {  	_ =	shalt  }
0x58: {  	_ =	shalt  }
0x59: {  	_ =	shalt  }
0x5a: {  	_ =	shalt  }
0x5b: {  	_ =	shalt  }
0x5c: {  	_ =	shalt  }
0x5d: {  	_ =	shalt  }
0x5e: {  	_ =	shalt  }
0x5f: {  	_ =	shalt  }
0x60: {  	_ =	shalt  }
0x61: {  	_ =	shalt  }
0x62: {  	_ =	shalt  }
0x63: {  	_ =	shalt  }
0x64: {  	_ =	shalt  }
0x65: {  	_ =	shalt  }
0x66: {  	_ =	shalt  }
0x67: {  	_ =	shalt  }
0x68: {  	_ =	shalt  }
0x69: {  	_ =	shalt  }
0x6a: {  	_ =	shalt  }
0x6b: {  	_ =	shalt  }
0x6c: {  	_ =	shalt  }
0x6d: {  	_ =	shalt  }
0x6e: {  	_ =	shalt  }
0x6f: {  	_ =	shalt  }
0x70: {  	_ =	shalt  }
0x71: {  	_ =	shalt  }
0x72: {  	_ =	shalt  }
0x73: {  	_ =	shalt  }
0x74: {  	_ =	shalt  }
0x75: {  	_ =	shalt  }
0x76: {  	_ =	shalt  }
0x77: {  	_ =	shalt  }
0x78: {  	_ =	shalt  }
0x79: {  	_ =	shalt  }
0x7a: {  	_ =	shalt  }
0x7b: {  	_ =	shalt  }
0x7c: {  	_ =	shalt  }
0x7d: {  	_ =	shalt  }
0x7e: {  	_ =	shalt  }
0x7f: {  	_ =	shalt  }
0x80: {  	_ =	shalt  }
0x81: {  	_ =	shalt  }
0x82: {  	_ =	shalt  }
0x83: {  	_ =	shalt  }
0x84: {  	_ =	shalt  }
0x85: {  	_ =	shalt  }
0x86: {  	_ =	shalt  }
0x87: {  	_ =	shalt  }
.Lfunc_end0:
.L_simem_size_0:
called_computation_lowered:
.L_overlay_start_0:
0x88: {  	s2 =	sld [smem:$0x3FD9]  }
0x89: {  	s3 =	sld [smem:$0x3FFE];
	_ =	sdelay $0x1  }
0x8a: {  	s1 =	srdreg.scid  }
0x8b: {  	s0 =	sand.u32 $0x1, s1  }
0x8c: {  	s17 =	sshll.u32 s0, $0xA;
	s2 =	sadd.s32 s3, s2  }
0x8d: {  	s2 =	sadd.s32 s2, s17  }
0x8e: {  	[smem:$0x3FBA] =	sst s2  }
0x8f: {  	_ = 	snop  }
0x90: {  	s2 =	sld [smem:$0x3FD0];
	(tm) =	ssettm $0x1  }
0x91: {  	s18 =	sld [smem:$0x3FFB];
	_ =	sdelay $0x3  }
0x92: {  	_ =	strace s18  }
0x93: {  	s3 =	sld [smem:$0x3FFC];
	_ =	sdelay $0x3  }
0x94: {  	_ =	strace s3  }
0x95: {  	s3 =	sld [smem:$0x3FFD];
	_ =	sdelay $0x3  }
0x96: {  	_ =	strace s3  }
0x97: {  	_ =	strace $0x8FFFFFFF  }
0x98: {  	s19 =	sld [smem:$0x3FDB];
	_ =	sdelay $0x1  }
0x99: {  	s4 =	simm.s32 $_scs_section_size  }
0x9a: {  	s5 =	simm.s32 $_size__tile_overlayer_lowered;
	s6 =	simm.s32 $_tile_overlayer_lowered  }
0x9b: {  	s22 =	simm.s32 $0x1BFF;
	s21 =	sshll.u32 s6, $0x1;
	s3 =	sadd.s32 s4, s19  }
0x9c: {  	s7 =	simm.s32 $0x0;
	s20 =	sshll.u32 s5, $0x1;
	s5 =	sadd.s32 s21, s3  }
0x9d: {  	[timem:s7], [sflag:s22] =	dma.local [hbm:s5], s20  }
0x9e: {  	_ =	swait.ge [sflag:s22], s20  }
0x9f: {  	s4 =	ssub.s32 $0x0, s20;
	[sflag:s22] =	ssyncset.done $0x0  }
0xa0: {  	[sflag:s22] =	ssyncadd.s32 s4;
	_ =	sdelay $0x1  }
0xa1: {  	s23 =	simm.s32 $0x1B8B  }
0xa2: {  	_ =	swait.ge [sflag:s23], $0x1  }
0xa3: {  	[sflag:s23] =	ssyncset.done $0x0  }
0xa4: {  	s25 =	simm.s32 $0x1B8E;
	s24 =	sld [smem:$0x3FFE];
	[sflag:s23] =	ssyncadd.s32 $0xFFFFFFFF  }
0xa5: {  	s26 =	simm.s32 $execute0_lowered;
	[smem:$0x3FD2] =	sst s25  }
0xa6: {  	s5 =	sshll.u32 s26, $0x1;
	_ =	strace $0x80000046;
	[dreg:$0x1] =	wrdreg $0xFFFFFFFF  }
0xa7: {  	s28 =	simm.s32 $_size_execute0_lowered;
	s3 =	sadd.s32 s3, s5;
	[dreg:$0x0] =	wrdreg $0x0  }
0xa8: {  	s5 =	sshll.u32 s28, $0x1;
	[dreg:$0x2] =	wrdreg s3  }
0xa9: {  	[dreg:$0x3] =	wrdreg s5  }
0xaa: {  	[dreg:$0x4] =	wrdreg $0xC0  }
0xab: {  	_ =	task [dreg:s7], $0x5FFFF  }
0xac: {  	[dreg:$0x1] =	wrdreg $0xFFFFFFFF  }
0xad: {  	[dreg:$0x0] =	wrdreg $0x60  }
0xae: {  	[dreg:$0x2] =	wrdreg s24  }
0xaf: {  	[dreg:$0x3] =	wrdreg s2  }
0xb0: {  	[dreg:$0x4] =	wrdreg $0xA4000  }
0xb1: {  	[dreg:$0x5] =	wrdreg $0x9  }
0xb2: {  	_ =	task.clear_ibuf [dreg:s7], $0x6FFFF;
	_ =	strace $0x90000046  }
0xb3: {  	s29 =	simm.s32 $0x9;
	_ =	strace $0x80000048  }
0xb4: {  	_ =	swait.ge [sflag:s29], $0x1  }
0xb5: {  	[sflag:s29] =	ssyncadd.s32 $0xFFFFFFFF  }
0xb6: {  	_ =	strace $0x90000048  }
0xb7: {  	_ =	sfence  }
0xb8: {  	s30 =	sld [smem:$0x0];
	_ =	sdelay $0x2  }
0xb9: {  	s31 =	sshll.u32 s1, $0xD;
	s1 =	sshrl.u32 s1, $0x2  }
0xba: {  	s3 =	sand.u32 $0x4000, s31;
	s1 =	sadd.s32 s1, s30  }
0xbb: {  	s0 =	sor.u32 s3, s0;
	s1 =	sshll.u32 s1, $0x11  }
0xbc: {  	s0 =	sor.u32 s1, s0  }
0xbd: {  	s0 =	sadd.s32 $0x8F2B, s0  }
0xbe: {  	[sflag:s0] =	ssyncadd.remote.s32 $0x1  }
0xbf: {  	_ =	sfence.sel $0xFFFF  }
0xc0: {  	[dreg:$0x0] =	wrdreg $0xFFFFFFFF;
	(pc) =	sbr.abs _section_cstart, $3  }
0xc1: {  	[dreg:$0x1] =	wrdreg $0xFFFFFFFF  }
0xc2: {  	_ =	task.clear_ibuf [dreg:s7], $0x2FFFF;
	_ =	strace $0x9FFFFFFF  }
0xc3: {  	(tm) =	ssettm $0x7FFFFFFF  }
tec
execute0_lowered:
.L_overlay_start_1:
0x0: {  	(tag) =	ssettag $0x1  }
0x1: {  	s0 =	srdreg.scid;
	s9 =	stileid.u32  }
0x2: {  	s7 =	sand.u32 $0x1, s0;
	s11 =	smul.u32 $0x1400, s9  }
0x3: {  	s15 =	sor.u32 $0x10, s9;
	s17 =	smul.u32 $0x138800, s7  }
0x4: {  	s16 =	sor.u32 $0x20, s9;
	s12 =	smul.u32 $0x1400, s15  }
0x5: {  	s8 =	sor.u32 $0x30, s9;
	s13 =	smul.u32 $0x1400, s16  }
0x6: {  	s4 =	sor.u32 $0x40, s9;
	s14 =	smul.u32 $0x1400, s8  }
0x7: {  	s10 =	sor.u32 $0x50, s9;
	s18 =	smul.u32 $0x1400, s4  }
0x8: {  	s6 =	sor.u32 $0x60, s9;
	s19 =	smul.u32 $0x1400, s10  }
0x9: {  	s5 =	sor.u32 $0x70, s9;
	s3 =	sor.u32 $0x80, s9;
	s20 =	smul.u32 $0x1400, s6  }
0xa: {  	s2 =	sor.u32 $0x90, s9;
	s30 =	sor.u32 $0xA0, s9;
	s21 =	smul.u32 $0x1400, s5  }
0xb: {  	s31 =	sor.u32 $0xB0, s9;
	[smem:$0x7EA] =	sst s3;
	s24 =	smul.u32 $0x1400, s3  }
0xc: {  	s0 =	ssub.s32 $0x2, s7;
	[smem:$0x7EB] =	sst s2;
	s3 =	smul.u32 $0x1400, s2  }
0xd: {  	[smem:$0x7EC] =	sst s30;
	s28 =	smul.u32 $0x1400, s30;
	s1 =	sshrl.u32 s0, $0x1  }
0xe: {  	[smem:$0x7ED] =	sst s31;
	s29 =	smul.u32 $0x1400, s31;
	s0 =	ssub.s32 s0, s1  }
0xf: {  	s22 =	sadd.s32 s11, s17;
	s23 =	sadd.s32 s17, s12;
	s25 =	sadd.s32 s17, s13  }
0x10: {  	s26 =	sadd.s32 s17, s14;
	s18 =	sadd.s32 s17, s18;
	s19 =	sadd.s32 s17, s19  }
0x11: {  	s20 =	sadd.s32 s17, s20;
	s11 =	sor.u32 $0xC0, s9;
	s21 =	sadd.s32 s17, s21  }
0x12: {  	s12 =	sor.u32 $0xD0, s9;
	s24 =	sadd.s32 s17, s24;
	s30 =	smul.u32 $0x1400, s11  }
0x13: {  	s13 =	sor.u32 $0xE0, s9;
	s2 =	sadd.s32 s17, s3;
	s31 =	smul.u32 $0x1400, s12  }
0x14: {  	s14 =	sor.u32 $0xF0, s9;
	[smem:$0x7F4] =	sst s0;
	s0 =	smul.u32 $0x1400, s13  }
0x15: {  	s28 =	sadd.s32 s17, s28;
	s29 =	sadd.s32 s17, s29;
	s3 =	smul.u32 $0x1400, s14  }
0x16: {  	s30 =	sadd.s32 s17, s30;
	s31 =	sadd.s32 s17, s31;
	s1 =	sadd.s32 s17, s0  }
0x17: {  	s3 =	sadd.s32 s17, s3;
	s17 =	rddreg [dreg:$0x0];
	s0 =	simm.s32 $0x0  }
0x18: {  	s22 =	sshrl.u32 s22, $0x3;
	[smem:$0x7FF] =	sst s0;
	s0 =	sadd.s32 $0x64A00, s17  }
0x19: {  	s25 =	sshrl.u32 s25, $0x3;
	s22 =	sadd.s32 s0, s22  }
0x1a: {  	s18 =	sshrl.u32 s18, $0x3;
	s25 =	sadd.s32 s0, s25;
	[dreg:$0x4] =	wrdreg s22  }
0x1b: {  	s19 =	sshrl.u32 s19, $0x3;
	s18 =	sadd.s32 s0, s18;
	[dreg:$0x6] =	wrdreg s25  }
0x1c: {  	s2 =	sshrl.u32 s2, $0x3;
	s19 =	sadd.s32 s0, s19;
	[dreg:$0x8] =	wrdreg s18  }
0x1d: {  	s1 =	sshrl.u32 s1, $0x3;
	s2 =	sadd.s32 s0, s2;
	[dreg:$0x9] =	wrdreg s19  }
0x1e: {  	s23 =	sshrl.u32 s23, $0x3;
	s1 =	sadd.s32 s0, s1;
	[dreg:$0xd] =	wrdreg s2  }
0x1f: {  	s28 =	sshrl.u32 s28, $0x3;
	s22 =	sadd.s32 s0, s23;
	[dreg:$0x12] =	wrdreg s1  }
0x20: {  	s26 =	sshrl.u32 s26, $0x3;
	s2 =	sadd.s32 s0, s28;
	[dreg:$0x5] =	wrdreg s22  }
0x21: {  	s25 =	sshrl.u32 s24, $0x3;
	s22 =	sadd.s32 s0, s26;
	[dreg:$0xe] =	wrdreg s2  }
0x22: {  	s19 =	sshrl.u32 s30, $0x3;
	s26 =	sadd.s32 s0, s25;
	[dreg:$0x7] =	wrdreg s22  }
0x23: {  	s2 =	sadd.s32 s0, s19;
	s22 =	sshrl.u32 s20, $0x3;
	[dreg:$0xc] =	wrdreg s26  }
0x24: {  	[dreg:$0x10] =	wrdreg s2;
	s20 =	sshrl.u32 s31, $0x3;
	s18 =	sadd.s32 s0, s22  }
0x25: {  	s23 =	sshrl.u32 s21, $0x3;
	s2 =	sadd.s32 s0, s20;
	[dreg:$0xa] =	wrdreg s18  }
0x26: {  	s29 =	sshrl.u32 s29, $0x3;
	s18 =	sadd.s32 s0, s23;
	[dreg:$0x11] =	wrdreg s2  }
0x27: {  	s6 =	smul.u32 $0x5000, s6;
	[dreg:$0xb] =	wrdreg s18;
	s18 =	sadd.s32 s0, s29  }
0x28: {  	s5 =	smul.u32 $0x5000, s5;
	s21 =	sshrl.u32 s3, $0x3;
	[dreg:$0xf] =	wrdreg s18  }
0x29: {  	s24 =	smul.u32 $0x5000, s16;
	s0 =	sadd.s32 s0, s21;
	s18 =	rddreg [dreg:$0x2]  }
0x2a: {  	s28 =	sadd.s32 $0x16600, s17;
	s25 =	sadd.s32 $0x16800, s17;
	[dreg:$0x13] =	wrdreg s0  }
0x2b: {  	s30 =	smul.u32 $0x5000, s4;
	_ =	strace $0x80000047;
	[dreg:$0x16] =	wrdreg s25  }
0x2c: {  	s22 =	smul.u32 $0x5000, s15;
	s15 =	sadd.s32 $0xC800, s17;
	[dreg:$0x17] =	wrdreg s28  }
0x2d: {  	s16 =	sadd.s32 $0x2A00, s17;
	s26 =	smul.u32 $0x5000, s9;
	[dreg:$0x14] =	wrdreg s15  }
0x2e: {  	s31 =	smul.u32 $0x5000, s10;
	s23 =	sshll.u32 s7, $0x4;
	[dreg:$0x15] =	wrdreg s16  }
0x2f: {  	s3 =	sshrl.u32 s26, $0x2;
	s2 =	sshrl.u32 s24, $0x2;
	s20 =	sld [smem:$0x7EA]  }
0x30: {  	s1 =	sor.u32 s9, s23;
	s29 =	smul.u32 $0x5000, s8;
	s21 =	sld [smem:$0x7EB]  }
0x31: {  	s8 =	sshrl.u32 s30, $0x2;
	s30 =	smul.u32 $0x5000, s13;
	s23 =	sld [smem:$0x7EC]  }
0x32: {  	s0 =	sshrl.u32 s22, $0x2;
	s17 =	sadd.s32 s3, s18;
	s24 =	sld [smem:$0x7ED]  }
0x33: {  	s22 =	sshrl.u32 s6, $0x2;
	s19 =	sadd.s32 s0, s18;
	[dreg:$0x18] =	wrdreg s17  }
0x34: {  	s1 =	smul.u32 $0x2710, s1;
	s7 =	sadd.s32 s2, s18;
	[dreg:$0x19] =	wrdreg s19  }
0x35: {  	s0 =	sshrl.u32 s31, $0x2;
	s8 =	sadd.s32 s8, s18;
	[dreg:$0x1a] =	wrdreg s7  }
0x36: {  	s6 =	sadd.s32 s22, s18;
	s31 =	smul.u32 $0x5000, s14;
	[dreg:$0x1c] =	wrdreg s8  }
0x37: {  	s4 =	sshrl.u32 s29, $0x2;
	s28 =	smul.u32 $0x5000, s12;
	[dreg:$0x1e] =	wrdreg s6  }
0x38: {  	s10 =	sadd.s32 s4, s18;
	s14 =	sshrl.u32 s31, $0x2;
	s31 =	sld [smem:$0x7F4]  }
0x39: {  	[dreg:$0x1b] =	wrdreg s10;
	s4 =	smul.u32 $0x5000, s20  }
0x3a: {  	s14 =	sadd.s32 s14, s18;
	s20 =	sadd.s32 s0, s18;
	s0 =	smul.u32 $0x5000, s21  }
0x3b: {  	s2 =	sshrl.u32 s5, $0x2;
	s5 =	smul.u32 $0x5000, s23;
	[smem:$0x7FD] =	sst s14  }
0x3c: {  	s21 =	sadd.s32 s2, s18;
	s23 =	sadd.s32 $0x28, s1;
	[dreg:$0x1d] =	wrdreg s20  }
0x3d: {  	s2 =	smul.u32 $0x5000, s24;
	s24 =	sshrl.u32 s23, $0x3;
	[dreg:$0x1f] =	wrdreg s21  }
0x3e: {  	s25 =	sshrl.u32 s4, $0x2;
	s0 =	sshrl.u32 s0, $0x2;
	s29 =	sshrl.u32 s5, $0x2  }
0x3f: {  	s5 =	sshrl.u32 s30, $0x2;
	s30 =	sadd.s32 $0x78, s1;
	s22 =	sadd.s32 s0, s18  }
0x40: {  	v0 =	vimm.s32 $0xBA98FEDC;
	v1 =	vimm.s32 $0x76543210;
	s0 =	sshrl.u32 s28, $0x2;
	s28 =	sadd.s32 s15, s24;
	[smem:$0x7F3] =	sst s30  }
0x41: {  	v3 =	vimm.s32 $0xFEDCBA98;
	v4 =	vimm.s32 $0x32107654;
	s12 =	sadd.s32 s29, s18;
	s29 =	sadd.s32 $0x50, s1;
	[smem:$0x7F0] =	sst s28  }
0x42: {  	v5 =	vimm.s32 $0xDCFE98BA;
	v6 =	vimm.s32 $0x54761032;
	s26 =	smul.u32 $0x5000, s11;
	s11 =	sadd.s32 s25, s18;
	[smem:$0x7F2] =	sst s29  }
0x43: {  	v7 =	vimm.s32 $0xEFCDAB89;
	v8 =	vimm.s32 $0x67452301;
	vm0 =	vmmov $0xffff;
	[smem:$0x7F6] =	sst s11  }
0x44: {  	v2 =	vunpack.c.l.s4.s8 v0;
	v0 =	vimm.f32 $0.0e+00;
	v4 =	vunpack.c.l.s4.s8 v4;
	s2 =	sshrl.u32 s2, $0x2;
	[smem:$0x7F7] =	sst s22  }
0x45: {  	v1 =	vunpack.c.l.s4.s8 v1;
	v5 =	vunpack.c.l.s4.s8 v5;
	v6 =	vunpack.c.l.s4.s8 v6;
	s4 =	sshrl.u32 s26, $0x2;
	s13 =	sadd.s32 s2, s18;
	[smem:$0x7F8] =	sst s12  }
0x46: {  	v3 =	vunpack.c.l.s4.s8 v3;
	v2 =	vunpack.c.0.s8.s32 v2;
	v4 =	vunpack.c.0.s8.s32 v4;
	s3 =	sadd.s32 s4, s18;
	[smem:$0x7F9] =	sst s13  }
0x47: {  	v7 =	vunpack.c.l.s4.s8 v7;
	v8 =	vunpack.c.l.s4.s8 v8;
	v5 =	vunpack.c.0.s8.s32 v5;
	s5 =	sadd.s32 s5, s18;
	s25 =	sshrl.u32 s1, $0x3;
	[smem:$0x7FA] =	sst s3  }
0x48: {  	v6 =	vunpack.c.0.s8.s32 v6;
	v3 =	vunpack.c.0.s8.s32 v3;
	v9 =	vcombine.low v4, v2;
	s26 =	sadd.s32 s15, s25;
	[smem:$0x7FC] =	sst s5  }
.Ltmp0:
0x49: {  	v2 =	vunpack.c.0.s8.s32 v7;
	v4 =	vunpack.c.0.s8.s32 v8;
	v7 =	vlaneseq.u32;
	s2 =	sadd.s32 s16, s25;
	[smem:$0x7EE] =	sst s26;
	(pc) =	sbr.rel .LBB2_1-.Ltmp0, $4  }
0x4a: {  	v6 =	vcombine.low v6, v5;
	v8 =	vunpack.c.0.s8.s32 v1;
	v5 =	vshrl.u32 v7, $0x3;
	s4 =	sadd.s32 s0, s18;
	s0 =	sadd.s32 s16, s24;
	[smem:$0x7EF] =	sst s2  }
0x4b: {  	p0 =	sgt.u32 s9, $0x9;
	v1 =	vand.u32 $0x7, v7;
	v10 =	vcombine.low v4, v2;
	v2 =	vmul.u32 $0x8, v5;
	[smem:$0x7F1] =	sst s0  }
0x4c: {  	v4 =	vand.u32 $0xF, v3;
	v3 =	vor.u32 $0x8, v7;
	v5 =	vand.u32 $0xF, v9;
	s9 =	simm.s32 $0xB;
	s0 =	smax.u32 s31, $0x1;
	[smem:$0x7FB] =	sst s4  }
0x4d: {  	v6 =	vand.u32 $0xF, v6;
	v4 =	vcombine.low v4, v8;
	v7 =	vand.u32 $0xF, v10;
	s15 =	simm.s32 $0x28;
	s2 =	simm.s32 $0x0;
	[smem:$0x7F5] =	sst s0  }
.LBB2_10:
0x4e: {  	s0 =	simm.s32 $0x5  }
0x4f: {  	_ =	swait.ge [sflag:s0], $0x1400  }
0x50: {  	[sflag:s0] =	ssyncset.done $0x0  }
0x51: {  	s12 =	simm.s32 $0x6;
	[sflag:s0] =	ssyncadd.s32 $0xFFFFEC00  }
0x52: {  	_ =	swait.ge [sflag:s12], $0x1400  }
0x53: {  	[sflag:s12] =	ssyncset.done $0x0  }
0x54: {  	[sflag:s12] =	ssyncadd.s32 $0xFFFFEC00  }
0x55: {  	s13 =	stileid.u32;
	[bflag:$0x0] =	sbarrier.arrive $0xFFFF  }
0x56: {  	s9 =	simm.s32 $0xB;
	s0 =	sshll.u32 s13, $0x6;
	s17 =	rddreg [dreg:$0x18]  }
0x57: {  	s0 =	sor.u32 $0x1C0B, s0;
	s2 =	rddreg [dreg:$0x4];
	s1 =	sshrl.u32 s17, $0x3  }
0x58: {  	[hbm:s2], [sflag:s0] =	dma.local [spmem:s1], $0x280  }
0x59: {  	_ =	swait.ge [sflag:s9], $0x280  }
0x5a: {  	[sflag:s9] =	ssyncset.done $0x0;
	s19 =	rddreg [dreg:$0x19]  }
0x5b: {  	s16 =	rddreg [dreg:$0x5];
	[sflag:s9] =	ssyncadd.s32 $0xFFFFFD80;
	s14 =	sshrl.u32 s19, $0x3  }
0x5c: {  	[hbm:s16], [sflag:s0] =	dma.local [spmem:s14], $0x280  }
0x5d: {  	_ =	swait.ge [sflag:s9], $0x280  }
0x5e: {  	[sflag:s9] =	ssyncset.done $0x0;
	s7 =	rddreg [dreg:$0x1a]  }
0x5f: {  	s20 =	rddreg [dreg:$0x6];
	[sflag:s9] =	ssyncadd.s32 $0xFFFFFD80;
	s18 =	sshrl.u32 s7, $0x3  }
0x60: {  	[hbm:s20], [sflag:s0] =	dma.local [spmem:s18], $0x280  }
0x61: {  	_ =	swait.ge [sflag:s9], $0x280  }
0x62: {  	[sflag:s9] =	ssyncset.done $0x0;
	s10 =	rddreg [dreg:$0x1b]  }
0x63: {  	s22 =	rddreg [dreg:$0x7];
	[sflag:s9] =	ssyncadd.s32 $0xFFFFFD80;
	s21 =	sshrl.u32 s10, $0x3  }
0x64: {  	[hbm:s22], [sflag:s0] =	dma.local [spmem:s21], $0x280  }
0x65: {  	_ =	swait.ge [sflag:s9], $0x280  }
0x66: {  	[sflag:s9] =	ssyncset.done $0x0;
	s8 =	rddreg [dreg:$0x1c]  }
0x67: {  	s24 =	rddreg [dreg:$0x8];
	[sflag:s9] =	ssyncadd.s32 $0xFFFFFD80;
	s23 =	sshrl.u32 s8, $0x3  }
0x68: {  	[hbm:s24], [sflag:s0] =	dma.local [spmem:s23], $0x280  }
0x69: {  	_ =	swait.ge [sflag:s9], $0x280  }
0x6a: {  	[sflag:s9] =	ssyncset.done $0x0;
	s20 =	rddreg [dreg:$0x1d]  }
0x6b: {  	s26 =	rddreg [dreg:$0x9];
	[sflag:s9] =	ssyncadd.s32 $0xFFFFFD80;
	s25 =	sshrl.u32 s20, $0x3  }
0x6c: {  	[hbm:s26], [sflag:s0] =	dma.local [spmem:s25], $0x280  }
0x6d: {  	_ =	swait.ge [sflag:s9], $0x280  }
0x6e: {  	[sflag:s9] =	ssyncset.done $0x0;
	s6 =	rddreg [dreg:$0x1e]  }
0x6f: {  	s29 =	rddreg [dreg:$0xa];
	[sflag:s9] =	ssyncadd.s32 $0xFFFFFD80;
	s28 =	sshrl.u32 s6, $0x3  }
0x70: {  	[hbm:s29], [sflag:s0] =	dma.local [spmem:s28], $0x280  }
0x71: {  	_ =	swait.ge [sflag:s9], $0x280  }
0x72: {  	[sflag:s9] =	ssyncset.done $0x0;
	s21 =	rddreg [dreg:$0x1f]  }
0x73: {  	s31 =	rddreg [dreg:$0xb];
	[sflag:s9] =	ssyncadd.s32 $0xFFFFFD80;
	s30 =	sshrl.u32 s21, $0x3  }
0x74: {  	[hbm:s31], [sflag:s0] =	dma.local [spmem:s30], $0x280  }
0x75: {  	_ =	swait.ge [sflag:s9], $0x280  }
0x76: {  	s11 =	sld [smem:$0x7F6];
	_ =	sdelay $0x1  }
0x77: {  	[sflag:s9] =	ssyncset.done $0x0  }
0x78: {  	s4 =	rddreg [dreg:$0xc];
	[sflag:s9] =	ssyncadd.s32 $0xFFFFFD80;
	s3 =	sshrl.u32 s11, $0x3  }
0x79: {  	[hbm:s4], [sflag:s0] =	dma.local [spmem:s3], $0x280  }
0x7a: {  	_ =	swait.ge [sflag:s9], $0x280  }
0x7b: {  	s22 =	sld [smem:$0x7F7];
	_ =	sdelay $0x1  }
0x7c: {  	[sflag:s9] =	ssyncset.done $0x0  }
0x7d: {  	s12 =	rddreg [dreg:$0xd];
	[sflag:s9] =	ssyncadd.s32 $0xFFFFFD80;
	s5 =	sshrl.u32 s22, $0x3  }
0x7e: {  	[hbm:s12], [sflag:s0] =	dma.local [spmem:s5], $0x280  }
0x7f: {  	_ =	swait.ge [sflag:s9], $0x280  }
0x80: {  	s12 =	sld [smem:$0x7F8];
	_ =	sdelay $0x1  }
0x81: {  	[sflag:s9] =	ssyncset.done $0x0  }
0x82: {  	s14 =	rddreg [dreg:$0xe];
	[sflag:s9] =	ssyncadd.s32 $0xFFFFFD80;
	s13 =	sshrl.u32 s12, $0x3  }
0x83: {  	[hbm:s14], [sflag:s0] =	dma.local [spmem:s13], $0x280  }
0x84: {  	_ =	swait.ge [sflag:s9], $0x280  }
0x85: {  	s13 =	sld [smem:$0x7F9];
	_ =	sdelay $0x1  }
0x86: {  	[sflag:s9] =	ssyncset.done $0x0  }
0x87: {  	s18 =	rddreg [dreg:$0xf];
	[sflag:s9] =	ssyncadd.s32 $0xFFFFFD80;
	s16 =	sshrl.u32 s13, $0x3  }
0x88: {  	[hbm:s18], [sflag:s0] =	dma.local [spmem:s16], $0x280  }
0x89: {  	_ =	swait.ge [sflag:s9], $0x280  }
0x8a: {  	s3 =	sld [smem:$0x7FA];
	_ =	sdelay $0x1  }
0x8b: {  	[sflag:s9] =	ssyncset.done $0x0  }
0x8c: {  	s24 =	rddreg [dreg:$0x10];
	[sflag:s9] =	ssyncadd.s32 $0xFFFFFD80;
	s23 =	sshrl.u32 s3, $0x3  }
0x8d: {  	[hbm:s24], [sflag:s0] =	dma.local [spmem:s23], $0x280  }
0x8e: {  	_ =	swait.ge [sflag:s9], $0x280  }
0x8f: {  	s4 =	sld [smem:$0x7FB];
	_ =	sdelay $0x1  }
0x90: {  	[sflag:s9] =	ssyncset.done $0x0  }
0x91: {  	s26 =	rddreg [dreg:$0x11];
	[sflag:s9] =	ssyncadd.s32 $0xFFFFFD80;
	s25 =	sshrl.u32 s4, $0x3  }
0x92: {  	[hbm:s26], [sflag:s0] =	dma.local [spmem:s25], $0x280  }
0x93: {  	_ =	swait.ge [sflag:s9], $0x280  }
0x94: {  	s5 =	sld [smem:$0x7FC];
	_ =	sdelay $0x1  }
0x95: {  	[sflag:s9] =	ssyncset.done $0x0  }
0x96: {  	s29 =	rddreg [dreg:$0x12];
	[sflag:s9] =	ssyncadd.s32 $0xFFFFFD80;
	s28 =	sshrl.u32 s5, $0x3  }
0x97: {  	[hbm:s29], [sflag:s0] =	dma.local [spmem:s28], $0x280  }
0x98: {  	_ =	swait.ge [sflag:s9], $0x280  }
0x99: {  	s14 =	sld [smem:$0x7FD];
	_ =	sdelay $0x1  }
0x9a: {  	[sflag:s9] =	ssyncset.done $0x0  }
0x9b: {  	s2 =	rddreg [dreg:$0x13];
	[sflag:s9] =	ssyncadd.s32 $0xFFFFFD80;
	s1 =	sshrl.u32 @!p0 s14, $0x3  }
0x9c: {  	[hbm:s2], [sflag:s0] =	dma.local @!p0 [spmem:s1], $0x280  }
0x9d: {  	s0 =	simm.s32 @!p0 $0xB  }
0x9e: {  	_ =	swait.ge @!p0 [sflag:s0], $0x280  }
0x9f: {  	s30 =	sld [smem:$0x7E9]  }
0xa0: {  	s31 =	sld [smem:$0x7F5];
	_ =	sdelay $0x1  }
0xa1: {  	s2 =	sadd.s32 $0x1, s30  }
0xa2: {  	p1 =	sne.s32 s2, s31  }
.Ltmp1:
0xa3: {  	_ = 	snop;
	(pc) =	sbr.rel @!p1 .LBB2_11-.Ltmp1, $3  }
0xa4: {  	_ =	sdelay $0x1  }
0xa5: {  	[sflag:s0] =	ssyncset.done @!p0 $0x0  }
0xa6: {  	[sflag:s0] =	ssyncadd.s32 @!p0 $0xFFFFFD80  }
.LBB2_1:
0xa7: {  	[smem:$0x7E9] =	sst s2  }
0xa8: {  	s0 =	simm.s32 $0x0;
	s1 =	rddreg [dreg:$0x17];
	s31 =	simm.s32 $0xA300  }
0xa9: {  	[tilespmem:s31], [sflag:$0xB] =	stream.linear.gather [hbm4b:s1+s0], $0x100, $0x38;
	[tilespmem:$0x1DC80] =	vst v63  }
0xaa: {  	_ =	swait.ge [sflag:s9], $0x100  }
0xab: {  	[sflag:s9] =	ssyncset.done $0x0  }
0xac: {  	s0 =	simm.s32 $0x0;
	s1 =	simm.s32 $0x200;
	[sflag:s9] =	ssyncadd.s32 $0xFFFFFF00  }
.LBB2_2:
0xad: {  	p1 =	sne.s32 s1, $0x4E00;
	[tilespmem:s0+$0x7B70] =	vst v0  }
0xae: {  	[tilespmem:s0+$0x7B00] =	vst v0  }
0xaf: {  	[tilespmem:s0+$0x7B10] =	vst v0  }
.Ltmp2:
0xb0: {  	[tilespmem:s0+$0x7B20] =	vst v0;
	(pc) =	sbr.rel @p1 .LBB2_2-.Ltmp2, $4  }
0xb1: {  	[tilespmem:s0+$0x7B30] =	vst v0  }
0xb2: {  	[tilespmem:s0+$0x7B40] =	vst v0  }
0xb3: {  	[tilespmem:s0+$0x7B50] =	vst v0  }
0xb4: {  	[tilespmem:s0+$0x7B60] =	vst v0;
	s0 =	sshra.s32 s1, $0x2;
	s1 =	sadd.s32 $0x200, s1  }
0xb5: {  	[tilespmem:s0+$0x7B70] =	vst v0  }
0xb6: {  	[tilespmem:s0+$0x7B00] =	vst v0  }
0xb7: {  	[tilespmem:s0+$0x7B10] =	vst v0  }
0xb8: {  	[tilespmem:s0+$0x7B20] =	vst v0  }
0xb9: {  	[tilespmem:s0+$0x7B30] =	vst v0  }
0xba: {  	[tilespmem:s0+$0x7B40] =	vst v0  }
0xbb: {  	[tilespmem:s0+$0x7B50] =	vst v0  }
0xbc: {  	[tilespmem:s0+$0x7B60] =	vst v0;
	s2 =	simm.s32 $0x7B00  }
0xbd: {  	[spmem:s17] =	stream.linear.scatter [tilespmem:s2], [sflag:$0xB], $0x1400, $0x38;
	[tilespmem:$0x1DC80] =	vst v63  }
0xbe: {  	_ =	swait.ge [sflag:s9], $0x1400  }
0xbf: {  	[sflag:s9] =	ssyncset.done $0x0  }
0xc0: {  	[sflag:s9] =	ssyncadd.s32 $0xFFFFEC00  }
0xc1: {  	[spmem:s19] =	stream.linear.scatter [tilespmem:s2], [sflag:$0xB], $0x1400, $0x38;
	[tilespmem:$0x1DC80] =	vst v63  }
0xc2: {  	_ =	swait.ge [sflag:s9], $0x1400  }
0xc3: {  	[sflag:s9] =	ssyncset.done $0x0  }
0xc4: {  	[sflag:s9] =	ssyncadd.s32 $0xFFFFEC00  }
0xc5: {  	[spmem:s7] =	stream.linear.scatter [tilespmem:s2], [sflag:$0xB], $0x1400, $0x38;
	[tilespmem:$0x1DC80] =	vst v63  }
0xc6: {  	_ =	swait.ge [sflag:s9], $0x1400  }
0xc7: {  	[sflag:s9] =	ssyncset.done $0x0  }
0xc8: {  	[sflag:s9] =	ssyncadd.s32 $0xFFFFEC00  }
0xc9: {  	[spmem:s10] =	stream.linear.scatter [tilespmem:s2], [sflag:$0xB], $0x1400, $0x38;
	[tilespmem:$0x1DC80] =	vst v63  }
0xca: {  	_ =	swait.ge [sflag:s9], $0x1400  }
0xcb: {  	[sflag:s9] =	ssyncset.done $0x0  }
0xcc: {  	[sflag:s9] =	ssyncadd.s32 $0xFFFFEC00  }
0xcd: {  	[spmem:s8] =	stream.linear.scatter [tilespmem:s2], [sflag:$0xB], $0x1400, $0x38;
	[tilespmem:$0x1DC80] =	vst v63  }
0xce: {  	_ =	swait.ge [sflag:s9], $0x1400  }
0xcf: {  	[sflag:s9] =	ssyncset.done $0x0  }
0xd0: {  	[sflag:s9] =	ssyncadd.s32 $0xFFFFEC00  }
0xd1: {  	[spmem:s20] =	stream.linear.scatter [tilespmem:s2], [sflag:$0xB], $0x1400, $0x38;
	[tilespmem:$0x1DC80] =	vst v63  }
0xd2: {  	_ =	swait.ge [sflag:s9], $0x1400  }
0xd3: {  	[sflag:s9] =	ssyncset.done $0x0  }
0xd4: {  	[sflag:s9] =	ssyncadd.s32 $0xFFFFEC00  }
0xd5: {  	[spmem:s6] =	stream.linear.scatter [tilespmem:s2], [sflag:$0xB], $0x1400, $0x38;
	[tilespmem:$0x1DC80] =	vst v63  }
0xd6: {  	_ =	swait.ge [sflag:s9], $0x1400  }
0xd7: {  	[sflag:s9] =	ssyncset.done $0x0  }
0xd8: {  	[sflag:s9] =	ssyncadd.s32 $0xFFFFEC00  }
0xd9: {  	[spmem:s21] =	stream.linear.scatter [tilespmem:s2], [sflag:$0xB], $0x1400, $0x38;
	[tilespmem:$0x1DC80] =	vst v63  }
0xda: {  	_ =	swait.ge [sflag:s9], $0x1400  }
0xdb: {  	[sflag:s9] =	ssyncset.done $0x0  }
0xdc: {  	[sflag:s9] =	ssyncadd.s32 $0xFFFFEC00  }
0xdd: {  	[spmem:s11] =	stream.linear.scatter [tilespmem:s2], [sflag:$0xB], $0x1400, $0x38;
	[tilespmem:$0x1DC80] =	vst v63  }
0xde: {  	_ =	swait.ge [sflag:s9], $0x1400  }
0xdf: {  	[sflag:s9] =	ssyncset.done $0x0  }
0xe0: {  	[sflag:s9] =	ssyncadd.s32 $0xFFFFEC00  }
0xe1: {  	[spmem:s22] =	stream.linear.scatter [tilespmem:s2], [sflag:$0xB], $0x1400, $0x38;
	[tilespmem:$0x1DC80] =	vst v63  }
0xe2: {  	_ =	swait.ge [sflag:s9], $0x1400  }
0xe3: {  	[sflag:s9] =	ssyncset.done $0x0  }
0xe4: {  	[sflag:s9] =	ssyncadd.s32 $0xFFFFEC00  }
0xe5: {  	[spmem:s12] =	stream.linear.scatter [tilespmem:s2], [sflag:$0xB], $0x1400, $0x38;
	[tilespmem:$0x1DC80] =	vst v63  }
0xe6: {  	_ =	swait.ge [sflag:s9], $0x1400  }
0xe7: {  	[sflag:s9] =	ssyncset.done $0x0  }
0xe8: {  	[sflag:s9] =	ssyncadd.s32 $0xFFFFEC00  }
0xe9: {  	[spmem:s13] =	stream.linear.scatter [tilespmem:s2], [sflag:$0xB], $0x1400, $0x38;
	[tilespmem:$0x1DC80] =	vst v63  }
0xea: {  	_ =	swait.ge [sflag:s9], $0x1400  }
0xeb: {  	[sflag:s9] =	ssyncset.done $0x0  }
0xec: {  	[sflag:s9] =	ssyncadd.s32 $0xFFFFEC00  }
0xed: {  	[spmem:s3] =	stream.linear.scatter [tilespmem:s2], [sflag:$0xB], $0x1400, $0x38;
	[tilespmem:$0x1DC80] =	vst v63  }
0xee: {  	_ =	swait.ge [sflag:s9], $0x1400  }
0xef: {  	[sflag:s9] =	ssyncset.done $0x0  }
0xf0: {  	[sflag:s9] =	ssyncadd.s32 $0xFFFFEC00  }
0xf1: {  	[spmem:s4] =	stream.linear.scatter [tilespmem:s2], [sflag:$0xB], $0x1400, $0x38;
	[tilespmem:$0x1DC80] =	vst v63  }
0xf2: {  	_ =	swait.ge [sflag:s9], $0x1400  }
0xf3: {  	[sflag:s9] =	ssyncset.done $0x0  }
0xf4: {  	[sflag:s9] =	ssyncadd.s32 $0xFFFFEC00  }
0xf5: {  	[spmem:s5] =	stream.linear.scatter [tilespmem:s2], [sflag:$0xB], $0x1400, $0x38;
	[tilespmem:$0x1DC80] =	vst v63  }
0xf6: {  	_ =	swait.ge [sflag:s9], $0x1400  }
0xf7: {  	[sflag:s9] =	ssyncset.done $0x0  }
0xf8: {  	s0 =	simm.s32 @!p0 $0x7B00;
	[sflag:s9] =	ssyncadd.s32 $0xFFFFEC00  }
0xf9: {  	[spmem:s14] =	stream.linear.scatter @!p0 [tilespmem:s0], [sflag:$0xB], $0x1400, $0x38;
	[tilespmem:$0x1DC80] =	vst v63  }
0xfa: {  	s0 =	simm.s32 @!p0 $0xB  }
0xfb: {  	_ =	swait.ge @!p0 [sflag:s0], $0x1400  }
0xfc: {  	[sflag:s0] =	ssyncset.done @!p0 $0x0  }
0xfd: {  	[sflag:s0] =	ssyncadd.s32 @!p0 $0xFFFFEC00  }
0xfe: {  	[bflag:$0x0] =	sbarrier.arrive $0xFFFF  }
0xff: {  	s11 =	sld [smem:$0x7EE];
	_ =	sdelay $0x1  }
0x100: {  	s4 =	simm.s32 $0x0  }
0x101: {  	[tilespmem:s4], [sflag:$0xB] =	stream.linear.gather [hbm4b:s11+s4], $0x28, $0x38;
	[tilespmem:$0x1DC80] =	vst v63  }
0x102: {  	_ =	swait.ge [sflag:s9], $0x28  }
0x103: {  	s12 =	sld [smem:$0x7EF]  }
0x104: {  	[sflag:s9] =	ssyncset.done $0x0  }
0x105: {  	s2 =	simm.s32 $0x100;
	[sflag:s9] =	ssyncadd.s32 $0xFFFFFFD8  }
0x106: {  	[tilespmem:s2], [sflag:$0xB] =	stream.linear.gather [hbm4b:s12+s4], $0x28, $0x38;
	[tilespmem:$0x1DC80] =	vst v63  }
0x107: {  	_ =	swait.ge [sflag:s9], $0x28  }
0x108: {  	[sflag:s9] =	ssyncset.done $0x0  }
0x109: {  	[sflag:s9] =	ssyncadd.s32 $0xFFFFFFD8  }
0x10a: {  	v8 =	vld [tilespmem:$0x0];
	_ =	sdelay $0x4  }
0x10b: {  	v9 =	vshll.u32 v8, $0x1  }
0x10c: {  	v8 =	vand.u32 $0x7, v8;
	v9 =	vand.u32 $0xFFFFFFF0, v9  }
0x10d: {  	v8 =	vor.u32 v8, v9  }
0x10e: {  	v9 =	vperm.xlane v8, v1;
	_ =	sdelay $0x1  }
0x10f: {  	v8 =	vperm.xlane v8, v3;
	v9 =	vadd.s32 v2, v9;
	_ =	sdelay $0x1  }
0x110: {  	v8 =	vadd.s32 v2, v8;
	_ =	sdelay $0x1  }
0x111: {  	s13 =	simm.s32 $0x300;
	s1 =	rddreg [dreg:$0x16]  }
0x112: {  	[tilespmem:s13], [sflag:$0x1] =	stream.indirect_vreg.gather [hbm4b:s1+s4], $0x80, v9, vm0, $0xb8;
	[tilespmem:$0x1DC80] =	vst v63  }
0x113: {  	s14 =	simm.s32 $0xB00  }
0x114: {  	[tilespmem:s14], [sflag:$0x1] =	stream.indirect_vreg.gather [hbm4b:s1+s4], $0x80, v8, vm0, $0xb8;
	[tilespmem:$0x1DC80] =	vst v63  }
0x115: {  	v8 =	vld [tilespmem:$0x10];
	_ =	sdelay $0x4  }
0x116: {  	v59 =	vshll.u32 v8, $0x1  }
0x117: {  	v8 =	vand.u32 $0x7, v8;
	v9 =	vand.u32 $0xFFFFFFF0, v59  }
0x118: {  	v8 =	vor.u32 v8, v9  }
0x119: {  	v9 =	vperm.xlane v8, v1;
	_ =	sdelay $0x1  }
0x11a: {  	v8 =	vperm.xlane v8, v3;
	v9 =	vadd.s32 v2, v9;
	_ =	sdelay $0x1  }
0x11b: {  	v8 =	vadd.s32 v2, v8;
	_ =	sdelay $0x1  }
0x11c: {  	s16 =	simm.s32 $0x1300  }
0x11d: {  	[tilespmem:s16], [sflag:$0x1] =	stream.indirect_vreg.gather [hbm4b:s1+s4], $0x80, v9, vm0, $0xb8;
	[tilespmem:$0x1DC80] =	vst v63  }
0x11e: {  	s17 =	simm.s32 $0x1B00  }
0x11f: {  	[tilespmem:s17], [sflag:$0x1] =	stream.indirect_vreg.gather [hbm4b:s1+s4], $0x80, v8, vm0, $0xb8;
	[tilespmem:$0x1DC80] =	vst v63  }
0x120: {  	v8 =	vld.msk [tilespmem:$0x20], $0xff;
	_ =	sdelay $0x4  }
0x121: {  	v60 =	vshll.u32 v8, $0x1  }
0x122: {  	v8 =	vand.u32 $0x7, v8;
	v9 =	vand.u32 $0xFFFFFFF0, v60  }
0x123: {  	v8 =	vor.u32 v8, v9  }
0x124: {  	v8 =	vperm.xlane v8, v1;
	_ =	sdelay $0x1  }
0x125: {  	v8 =	vadd.s32 v2, v8;
	_ =	sdelay $0x3  }
0x126: {  	s18 =	simm.s32 $0x2300;
	s21 =	sld [smem:$0x7F0]  }
0x127: {  	[tilespmem:s18], [sflag:$0x1] =	stream.indirect_vreg.gather [hbm4b:s1+s4], $0x80, v8, vm0, $0xb8;
	[tilespmem:$0x1DC80] =	vst v63  }
0x128: {  	s20 =	simm.s32 $0x5300;
	s19 =	rddreg [dreg:$0x1]  }
0x129: {  	[tilespmem:s20], [sflag:$0x3] =	stream.indirect.gather [hbm4b:s19+s15], $0x80, s2, s15, $0xb8;
	[tilespmem:$0x1DC80] =	vst v63  }
0x12a: {  	s22 =	simm.s32 $0x80  }
0x12b: {  	[tilespmem:s22], [sflag:$0xB] =	stream.linear.gather [hbm4b:s21+s4], $0x28, $0x38;
	[tilespmem:$0x1DC80] =	vst v63  }
0x12c: {  	_ =	swait.ge [sflag:s9], $0x28  }
0x12d: {  	s23 =	sld [smem:$0x7F1]  }
0x12e: {  	[sflag:s9] =	ssyncset.done $0x0  }
0x12f: {  	s24 =	simm.s32 $0x180;
	[sflag:s9] =	ssyncadd.s32 $0xFFFFFFD8  }
0x130: {  	[tilespmem:s24], [sflag:$0xB] =	stream.linear.gather [hbm4b:s23+s4], $0x28, $0x38;
	[tilespmem:$0x1DC80] =	vst v63  }
0x131: {  	_ =	swait.ge [sflag:s9], $0x28  }
0x132: {  	[sflag:s9] =	ssyncset.done $0x0  }
0x133: {  	[sflag:s9] =	ssyncadd.s32 $0xFFFFFFD8  }
0x134: {  	v8 =	vld [tilespmem:$0x80];
	_ =	sdelay $0x4  }
0x135: {  	v61 =	vshll.u32 v8, $0x1  }
0x136: {  	v8 =	vand.u32 $0x7, v8;
	v9 =	vand.u32 $0xFFFFFFF0, v61  }
0x137: {  	v8 =	vor.u32 v8, v9  }
0x138: {  	v9 =	vperm.xlane v8, v1;
	_ =	sdelay $0x1  }
0x139: {  	v8 =	vperm.xlane v8, v3;
	v9 =	vadd.s32 v2, v9;
	_ =	sdelay $0x1  }
0x13a: {  	v8 =	vadd.s32 v2, v8;
	_ =	sdelay $0x1  }
0x13b: {  	s25 =	simm.s32 $0x2B00  }
0x13c: {  	[tilespmem:s25], [sflag:$0x2] =	stream.indirect_vreg.gather [hbm4b:s1+s4], $0x80, v9, vm0, $0xb8;
	[tilespmem:$0x1DC80] =	vst v63  }
0x13d: {  	s26 =	simm.s32 $0x3300  }
0x13e: {  	[tilespmem:s26], [sflag:$0x2] =	stream.indirect_vreg.gather [hbm4b:s1+s4], $0x80, v8, vm0, $0xb8;
	[tilespmem:$0x1DC80] =	vst v63  }
0x13f: {  	v8 =	vld [tilespmem:$0x90];
	_ =	sdelay $0x4  }
0x140: {  	v62 =	vshll.u32 v8, $0x1  }
0x141: {  	v8 =	vand.u32 $0x7, v8;
	v9 =	vand.u32 $0xFFFFFFF0, v62  }
0x142: {  	v8 =	vor.u32 v8, v9  }
0x143: {  	v9 =	vperm.xlane v8, v1;
	_ =	sdelay $0x1  }
0x144: {  	v8 =	vperm.xlane v8, v3;
	v9 =	vadd.s32 v2, v9;
	_ =	sdelay $0x1  }
0x145: {  	v8 =	vadd.s32 v2, v8;
	_ =	sdelay $0x1  }
0x146: {  	s28 =	simm.s32 $0x3B00  }
0x147: {  	[tilespmem:s28], [sflag:$0x2] =	stream.indirect_vreg.gather [hbm4b:s1+s4], $0x80, v9, vm0, $0xb8;
	[tilespmem:$0x1DC80] =	vst v63  }
0x148: {  	s29 =	simm.s32 $0x4300  }
0x149: {  	[tilespmem:s29], [sflag:$0x2] =	stream.indirect_vreg.gather [hbm4b:s1+s4], $0x80, v8, vm0, $0xb8;
	[tilespmem:$0x1DC80] =	vst v63  }
0x14a: {  	v8 =	vld.msk [tilespmem:$0xA0], $0xff;
	_ =	sdelay $0x4  }
0x14b: {  	v63 =	vshll.u32 v8, $0x1  }
0x14c: {  	v8 =	vand.u32 $0x7, v8;
	v9 =	vand.u32 $0xFFFFFFF0, v63  }
0x14d: {  	v8 =	vor.u32 v8, v9  }
0x14e: {  	v8 =	vperm.xlane v8, v1;
	_ =	sdelay $0x1  }
0x14f: {  	v8 =	vadd.s32 v2, v8;
	_ =	sdelay $0x3  }
0x150: {  	s30 =	simm.s32 $0x4B00  }
0x151: {  	[tilespmem:s30], [sflag:$0x2] =	stream.indirect_vreg.gather [hbm4b:s1+s4], $0x80, v8, vm0, $0xb8;
	[tilespmem:$0x1DC80] =	vst v63  }
0x152: {  	s31 =	simm.s32 $0x6700  }
0x153: {  	[tilespmem:s31], [sflag:$0x4] =	stream.indirect.gather [hbm4b:s19+s15], $0x80, s24, s15, $0xb8;
	[tilespmem:$0x1DC80] =	vst v63  }
.LBB2_4:
0x154: {  	p1 =	seq.s32 s4, $0x0  }
0x155: {  	s0 =	simm.s32 @!p1 $0x5  }
0x156: {  	_ =	swait.ge @!p1 [sflag:s0], $0x1400  }
0x157: {  	[sflag:s0] =	ssyncset.done @!p1 $0x0  }
0x158: {  	s30 =	simm.s32 $0x1;
	[sflag:s0] =	ssyncadd.s32 @!p1 $0xFFFFEC00  }
0x159: {  	_ =	swait.ge [sflag:s30], $0x2800  }
0x15a: {  	[sflag:s30] =	ssyncset.done $0x0  }
0x15b: {  	s31 =	simm.s32 $0x3;
	[sflag:s30] =	ssyncadd.s32 $0xFFFFD800  }
0x15c: {  	_ =	swait.ge [sflag:s31], $0x1400  }
0x15d: {  	[sflag:s31] =	ssyncset.done $0x0  }
0x15e: {  	[sflag:s31] =	ssyncadd.s32 $0xFFFFEC00  }
0x15f: {  	v8 =	vld [tilespmem:$0x100]  }
0x160: {  	v9 =	vld [tilespmem:$0x110]  }
0x161: {  	p1 =	seq.s32 s4, $0x7C;
	s0 =	sld [smem:$0x7F2];
	v10 =	vld [tilespmem:$0x118]  }
0x162: {  	s1 =	smul.u32 @!p1 $0x50, s4;
	_ =	sdelay $0x1  }
0x163: {  	[smem:$0x7E8] =	sst s1;
	s0 =	sadd.s32 @!p1 s1, s0;
	[tilespmem:$0x200] =	vst v8  }
0x164: {  	s1 =	rddreg [dreg:$0x14];
	s0 =	sshrl.u32 @!p1 s0, $0x3;
	[tilespmem:$0x210] =	vst v9  }
0x165: {  	s2 =	simm.s32 @!p1 $0x0;
	s1 =	sadd.s32 @!p1 s1, s0;
	[tilespmem:$0x218] =	vst v10  }
0x166: {  	[tilespmem:s2], [sflag:$0x7] =	stream.linear.gather @!p1 [hbm4b:s1+s2], $0x28, $0x38;
	[tilespmem:$0x1DC80] =	vst v63  }
0x167: {  	s7 =	simm.s32 $0x0;
	s1 =	rddreg [dreg:$0x15]  }
0x168: {  	[smem:$0x7E7] =	sst s4;
	s0 =	sadd.s32 @!p1 s1, s0;
	s1 =	simm.s32 @!p1 $0x100  }
0x169: {  	[tilespmem:s1], [sflag:$0x9] =	stream.linear.gather @!p1 [hbm4b:s0+s2], $0x28, $0x38;
	[tilespmem:$0x1DC80] =	vst v63  }
.LBB2_5:
0x16a: {  	v14 =	vld [tilespmem:$0xA380]  }
0x16b: {  	v16 =	vld [tilespmem:$0xA300]  }
0x16c: {  	v15 =	vld [tilespmem:$0xA310]  }
0x16d: {  	v13 =	vld [tilespmem:$0xA320]  }
0x16e: {  	v12 =	vld [tilespmem:$0xA330]  }
0x16f: {  	v11 =	vld [tilespmem:$0xA340]  }
0x170: {  	s0 =	sshll.u32 s7, $0x7;
	v9 =	vld [tilespmem:$0xA350]  }
0x171: {  	v10 =	vld [tilespmem:s0+$0x5300]  }
0x172: {  	v18 =	vld [tilespmem:s0+$0x5310]  }
0x173: {  	v20 =	vld [tilespmem:s0+$0x5320]  }
0x174: {  	v22 =	vld [tilespmem:s0+$0x5330]  }
0x175: {  	v24 =	vld [tilespmem:s0+$0x5340]  }
0x176: {  	v26 =	vld [tilespmem:s0+$0x5350]  }
0x177: {  	v28 =	vld [tilespmem:s0+$0x5360]  }
0x178: {  	v48 =	vld [tilespmem:s0+$0x5370]  }
0x179: {  	v50 =	vld [tilespmem:s0+$0x5380]  }
0x17a: {  	v53 =	vld [tilespmem:s0+$0x5390]  }
0x17b: {  	v56 =	vld [tilespmem:s0+$0x53A0]  }
0x17c: {  	v59 =	vld [tilespmem:s0+$0x53B0]  }
0x17d: {  	v62 =	vld [tilespmem:s0+$0x53C0]  }
0x17e: {  	v33 =	vld [tilespmem:s0+$0x53D0]  }
0x17f: {  	v35 =	vld [tilespmem:s0+$0x53E0]  }
0x180: {  	s1 =	sshll.u32 s7, $0x8;
	v39 =	vld [tilespmem:s0+$0x53F0]  }
0x181: {  	s2 =	sand.u32 $0x3800, s1;
	v43 =	vld [tilespmem:s0+$0x5400]  }
0x182: {  	s12 =	sand.u32 $0x200, s0;
	v46 =	vld [tilespmem:s0+$0x5410];
	s2 =	sor.u32 $0x300, s2  }
0x183: {  	v30 =	vld [tilespmem:s0+$0x54C0];
	s3 =	sadd.s32 s12, s2  }
0x184: {  	v8 =	vld [tilespmem:s3+$0x0]  }
0x185: {  	v17 =	vld [tilespmem:s3+$0x10]  }
0x186: {  	v19 =	vld [tilespmem:s3+$0x20]  }
0x187: {  	v21 =	vld [tilespmem:s3+$0x30]  }
0x188: {  	v23 =	vld [tilespmem:s3+$0x40]  }
0x189: {  	s5 =	sor.u32 $0x100, s0;
	v25 =	vld [tilespmem:s3+$0x50];
	v8 =	vadd.f32 v10, v8  }
0x18a: {  	s21 =	sor.u32 $0x80, s0;
	s5 =	sand.u32 $0x300, s5;
	v27 =	vld [tilespmem:s3+$0x60]  }
0x18b: {  	s22 =	sadd.s32 s5, s2;
	v47 =	vld [tilespmem:s3+$0x70];
	s3 =	sand.u32 $0x280, s21;
	v17 =	vadd.f32 v18, v17;
	v10 =	vmax.f32 v8, $0.0e+00  }
0x18c: {  	v41 =	vld [tilespmem:s22+$0x0];
	s4 =	sadd.s32 s3, s2;
	v10 =	vmul.f32 v10, v16  }
0x18d: {  	v49 =	vld [tilespmem:s4+$0x0];
	v19 =	vadd.f32 v20, v19;
	v17 =	vmax.f32 v17, $0.0e+00  }
0x18e: {  	v51 =	vld [tilespmem:s4+$0x10];
	v17 =	vmul.f32 v17, v15;
	v29 =	vadd.f32 v10, v14  }
0x18f: {  	v57 =	vld [tilespmem:s4+$0x30];
	v21 =	vadd.f32 v22, v21;
	v19 =	vmax.f32 v19, $0.0e+00  }
0x190: {  	v60 =	vld [tilespmem:s4+$0x40];
	v19 =	vmul.f32 v19, v13;
	v17 =	vadd.f32 v17, v29  }
0x191: {  	v34 =	vld [tilespmem:s4+$0x60];
	v23 =	vadd.f32 v24, v23;
	v25 =	vadd.f32 v26, v25;
	v21 =	vmax.f32 v21, $0.0e+00  }
0x192: {  	v54 =	vld [tilespmem:s4+$0x20];
	v27 =	vadd.f32 v28, v27;
	v52 =	vmul.f32 v21, v12;
	v17 =	vadd.f32 v19, v17  }
0x193: {  	v18 =	vadd.f32 v48, v47;
	v8 =	vld [tilespmem:$0xA360];
	v23 =	vmax.f32 v23, $0.0e+00;
	v25 =	vmax.f32 v25, $0.0e+00  }
0x194: {  	v44 =	vld [tilespmem:s22+$0x10];
	v22 =	vadd.f32 v50, v49;
	v55 =	vmul.f32 v23, v11;
	v17 =	vadd.f32 v52, v17  }
0x195: {  	v27 =	vmax.f32 v27, $0.0e+00;
	v37 =	vadd.f32 v59, v57;
	v20 =	vadd.f32 v62, v60;
	v10 =	vld [tilespmem:$0xA370]  }
0x196: {  	v63 =	vld [tilespmem:s4+$0x50];
	v26 =	vadd.f32 v35, v34;
	v58 =	vmul.f32 v25, v9;
	v17 =	vadd.f32 v55, v17  }
0x197: {  	v38 =	vld [tilespmem:s4+$0x70];
	v18 =	vmax.f32 v18, $0.0e+00;
	v21 =	vadd.f32 v53, v51;
	v23 =	vadd.f32 v56, v54  }
0x198: {  	v47 =	vld [tilespmem:s22+$0x20];
	v22 =	vmax.f32 v22, $0.0e+00;
	v61 =	vmul.f32 v27, v8;
	v17 =	vadd.f32 v58, v17  }
0x199: {  	v49 =	vld [tilespmem:s0+$0x5420];
	v20 =	vmax.f32 v20, $0.0e+00;
	v26 =	vmax.f32 v26, $0.0e+00;
	v32 =	vmul.f32 v22, v16  }
0x19a: {  	v50 =	vld [tilespmem:s22+$0x30];
	v21 =	vmax.f32 v21, $0.0e+00;
	v18 =	vmul.f32 v18, v10;
	v17 =	vadd.f32 v61, v17  }
0x19b: {  	v57 =	vld [tilespmem:s0+$0x5440];
	v36 =	vmax.f32 v23, $0.0e+00;
	v21 =	vmul.f32 v21, v15;
	v19 =	vadd.f32 v32, v14  }
0x19c: {  	v59 =	vld [tilespmem:s0+$0x5450];
	v23 =	vmax.f32 v37, $0.0e+00;
	v22 =	vadd.f32 v33, v63;
	v17 =	vadd.f32 v18, v17  }
0x19d: {  	v62 =	vld [tilespmem:s22+$0x60];
	v45 =	vmul.f32 v20, v11;
	v19 =	vadd.f32 v21, v19;
	v18 =	vmul.f32 v36, v13  }
0x19e: {  	s23 =	sor.u32 $0x180, s0;
	v54 =	vld [tilespmem:s22+$0x40];
	v20 =	vadd.f32 v46, v44;
	v42 =	vmul.f32 v23, v12;
	v40 =	vperm.xlane v17, v4  }
0x19f: {  	s8 =	sand.u32 $0x380, s23;
	v34 =	vld [tilespmem:s22+$0x70];
	v23 =	vadd.f32 v43, v41;
	v22 =	vmax.f32 v22, $0.0e+00;
	v18 =	vadd.f32 v18, v19  }
0x1a0: {  	s4 =	sadd.s32 s8, s2;
	v46 =	vld [tilespmem:s0+$0x5480];
	v20 =	vmax.f32 v20, $0.0e+00;
	v48 =	vmul.f32 v22, v9;
	v17 =	vadd.f32 v17, v40  }
0x1a1: {  	v23 =	vmax.f32 v23, $0.0e+00;
	v22 =	vadd.f32 v49, v47;
	v47 =	vld [tilespmem:s4+$0x10];
	v18 =	vadd.f32 v42, v18  }
0x1a2: {  	v56 =	vmul.f32 v23, v16;
	v32 =	vld [tilespmem:s0+$0x5460];
	v21 =	vadd.f32 v39, v38;
	v28 =	vperm.xlane v17, v5  }
0x1a3: {  	v20 =	vmul.f32 v20, v15;
	v23 =	vadd.f32 v57, v54;
	v52 =	vld [tilespmem:s0+$0x5430];
	v18 =	vadd.f32 v45, v18  }
0x1a4: {  	v57 =	vld [tilespmem:s4+$0x40];
	v55 =	vmax.f32 v21, $0.0e+00;
	v21 =	vadd.f32 v56, v14;
	v17 =	vadd.f32 v17, v28  }
0x1a5: {  	v51 =	vmul.f32 v26, v8;
	v49 =	vld [tilespmem:s0+$0x5490];
	v18 =	vadd.f32 v48, v18  }
0x1a6: {  	v58 =	vld [tilespmem:s22+$0x50];
	v20 =	vadd.f32 v20, v21;
	v53 =	vperm.xlane v17, v6  }
0x1a7: {  	v21 =	vadd.f32 v32, v62;
	v62 =	vld [tilespmem:s0+$0x54E0];
	v19 =	vmul.f32 v55, v10;
	v18 =	vadd.f32 v51, v18  }
0x1a8: {  	v61 =	vadd.f32 v52, v50;
	v36 =	vld [tilespmem:s0+$0x5470];
	v17 =	vadd.f32 v17, v53  }
0x1a9: {  	v60 =	vmax.f32 v22, $0.0e+00;
	v29 =	vadd.f32 v30, v57;
	v52 =	vld [tilespmem:s0+$0x54A0];
	v18 =	vadd.f32 v19, v18  }
0x1aa: {  	v23 =	vmax.f32 v23, $0.0e+00;
	v22 =	vmax.f32 v61, $0.0e+00;
	v61 =	vld [tilespmem:s4+$0x60];
	v63 =	vperm.xlane v17, v7  }
0x1ab: {  	v37 =	vmul.f32 v23, v11;
	v29 =	vmax.f32 v29, $0.0e+00;
	v45 =	vld [tilespmem:s4+$0x0];
	v33 =	vperm.xlane v18, v4  }
0x1ac: {  	v21 =	vmax.f32 v21, $0.0e+00;
	v26 =	vadd.f32 v59, v58;
	v58 =	vld [tilespmem:s4+$0x50];
	v17 =	vadd.f32 v17, v63  }
0x1ad: {  	s24 =	sadd.s32 $0x4, s7;
	v35 =	vmul.f32 v22, v12;
	v55 =	vld [tilespmem:s0+$0x54B0];
	v22 =	vadd.f32 v36, v34;
	v18 =	vadd.f32 v18, v33  }
0x1ae: {  	s9 =	sshll.u32 s24, $0x8;
	s2 =	sshll.u32 s24, $0x7;
	v41 =	vmul.f32 v21, v8;
	v51 =	vld [tilespmem:s4+$0x20];
	v19 =	vmul.f32 v60, v13;
	v17 =	vsub.f32 $0.0e+00, v17  }
0x1af: {  	s25 =	sand.u32 $0x7800, s9;
	s10 =	sand.u32 $0x200, s2;
	v26 =	vmax.f32 v26, $0.0e+00;
	v43 =	vmax.f32 v22, $0.0e+00;
	v53 =	vld [tilespmem:s4+$0x30];
	v38 =	vperm.xlane v18, v5  }
0x1b0: {  	s6 =	sor.u32 s10, s25;
	v59 =	vld [tilespmem:s0+$0x54D0];
	v19 =	vadd.f32 v19, v20;
	v20 =	vadd.f32 v46, v45;
	v17 =	vmul.f32 $1.442695020e+00, v17  }
0x1b1: {  	v23 =	vadd.f32 v62, v61;
	v44 =	vmul.f32 v43, v10;
	v43 =	vld [tilespmem:s6+$0x320];
	v18 =	vadd.f32 v18, v38  }
0x1b2: {  	v45 =	vld [tilespmem:s2+$0x5320];
	v19 =	vadd.f32 v35, v19;
	v20 =	vmax.f32 v20, $0.0e+00;
	(erf) = vpow2.f32 v17  }
0x1b3: {  	v36 =	vld [tilespmem:s0+$0x54F0];
	v22 =	vadd.f32 v52, v51;
	v20 =	vmul.f32 v20, v16;
	v42 =	vperm.xlane v18, v6  }
0x1b4: {  	v39 =	vmul.f32 v26, v9;
	v46 =	vld [tilespmem:s6+$0x330];
	v24 =	vadd.f32 v55, v53;
	v19 =	vadd.f32 v37, v19  }
0x1b5: {  	v23 =	vmax.f32 v23, $0.0e+00;
	v51 =	vld [tilespmem:s2+$0x5340];
	v20 =	vadd.f32 v20, v14;
	v18 =	vadd.f32 v18, v42  }
0x1b6: {  	v22 =	vmax.f32 v22, $0.0e+00;
	v37 =	vld [tilespmem:s6+$0x300];
	v40 =	vadd.f32 v39, v19;
	v19 =	vadd.f32 v49, v47  }
0x1b7: {  	v24 =	vmax.f32 v24, $0.0e+00;
	v21 =	vadd.f32 v45, v43;
	v39 =	vld [tilespmem:s2+$0x5300];
	v48 =	vperm.xlane v18, v7  }
0x1b8: {  	v38 =	vmul.f32 v22, v13;
	v47 =	vld [tilespmem:s2+$0x5330];
	v17 =	vadd.f32 v41, v40;
	v19 =	vmax.f32 v19, $0.0e+00  }
0x1b9: {  	v63 =	vld [tilespmem:s4+$0x70];
	v49 =	vmul.f32 v23, v8;
	v19 =	vmul.f32 v19, v15;
	v18 =	vadd.f32 v18, v48  }
0x1ba: {  	v57 =	vmax.f32 v21, $0.0e+00;
	v40 =	vld [tilespmem:s6+$0x310];
	v41 =	vmul.f32 v24, v12;
	v17 =	vadd.f32 v44, v17  }
0x1bb: {  	v42 =	vld [tilespmem:s2+$0x5310];
	v44 =	vmul.f32 v29, v11;
	v19 =	vadd.f32 v19, v20;
	v18 =	vsub.f32 $0.0e+00, v18;
	v54 =	vpop (erf)  }
0x1bc: {  	s26 =	sadd.s32 $0x5, s7;
	v52 =	vld [tilespmem:s6+$0x350];
	v22 =	vadd.f32 v39, v37;
	v50 =	vperm.xlane v17, v4;
	v26 =	vadd.f32 $1.000000000e+00, v54  }
0x1bd: {  	s4 =	sshll.u32 s26, $0x7;
	v55 =	vld [tilespmem:s6+$0x360];
	v20 =	vadd.f32 v47, v46;
	v19 =	vadd.f32 v38, v19;
	v18 =	vmul.f32 $1.442695020e+00, v18  }
0x1be: {  	v47 =	vld [tilespmem:s4+$0x5330];
	v22 =	vmax.f32 v22, $0.0e+00;
	v17 =	vadd.f32 v17, v50;
	(erf) = vrcp.f32 v26  }
0x1bf: {  	v48 =	vld [tilespmem:s6+$0x340];
	v19 =	vadd.f32 v41, v19;
	(erf) = vpow2.f32 v18;
	v18 =	vadd.f32 v59, v58  }
0x1c0: {  	v50 =	vadd.f32 v36, v63;
	v63 =	vld [tilespmem:s4+$0x5300];
	v24 =	vadd.f32 v42, v40;
	v56 =	vperm.xlane v17, v5  }
0x1c1: {  	v22 =	vmul.f32 v22, v16;
	v40 =	vld [tilespmem:s4+$0x5310];
	v19 =	vadd.f32 v44, v19;
	v18 =	vmax.f32 v18, $0.0e+00  }
0x1c2: {  	v24 =	vmax.f32 v24, $0.0e+00;
	v44 =	vld [tilespmem:s4+$0x5320];
	v17 =	vadd.f32 v17, v56;
	v18 =	vmul.f32 v18, v9  }
0x1c3: {  	v20 =	vmax.f32 v20, $0.0e+00;
	v22 =	vadd.f32 v22, v14;
	v54 =	vld [tilespmem:s2+$0x5350];
	v24 =	vmul.f32 v24, v15  }
0x1c4: {  	s11 =	sshll.u32 s26, $0x8;
	v53 =	vmax.f32 v50, $0.0e+00;
	v56 =	vld [tilespmem:s2+$0x5360];
	v60 =	vperm.xlane v17, v6;
	v18 =	vadd.f32 v18, v19  }
0x1c5: {  	s28 =	sand.u32 $0x7800, s11;
	s29 =	sand.u32 $0x280, s4;
	v25 =	vadd.f32 v51, v48;
	v22 =	vadd.f32 v24, v22;
	v58 =	vld [tilespmem:s6+$0x370];
	v59 =	vmul.f32 v57, v13  }
0x1c6: {  	s6 =	sor.u32 s29, s28;
	v17 =	vadd.f32 v17, v60;
	v60 =	vld [tilespmem:s2+$0x5370];
	v19 =	vmul.f32 v53, v10;
	v18 =	vadd.f32 v49, v18  }
0x1c7: {  	v20 =	vmul.f32 v20, v12;
	v25 =	vmax.f32 v25, $0.0e+00;
	v62 =	vld [tilespmem:s6+$0x300];
	v22 =	vadd.f32 v59, v22  }
0x1c8: {  	v37 =	vld [tilespmem:s6+$0x310];
	v39 =	vmul.f32 v25, v11;
	v23 =	vadd.f32 v54, v52;
	v19 =	vadd.f32 v19, v18  }
0x1c9: {  	v42 =	vld [tilespmem:s6+$0x320];
	v29 =	vadd.f32 v56, v55;
	v31 =	vperm.xlane v17, v7;
	v20 =	vadd.f32 v20, v22  }
0x1ca: {  	v45 =	vld [tilespmem:s6+$0x330];
	v23 =	vmax.f32 v23, $0.0e+00;
	v61 =	vperm.xlane v19, v4  }
0x1cb: {  	v29 =	vmax.f32 v29, $0.0e+00;
	v31 =	vadd.f32 v17, v31;
	v20 =	vadd.f32 v39, v20  }
0x1cc: {  	v43 =	vmul.f32 v23, v9;
	v24 =	vadd.f32 v63, v62;
	v17 =	vpop (erf);
	v19 =	vadd.f32 v19, v61  }
0x1cd: {  	v46 =	vmul.f32 v29, v8;
	v21 =	vadd.f32 v60, v58;
	v31 =	vsub.f32 $0.0e+00, v31;
	v32 =	vpop (erf)  }
0x1ce: {  	v25 =	vadd.f32 v40, v37;
	v32 =	vadd.f32 $1.000000000e+00, v32;
	v41 =	vperm.xlane v19, v5  }
0x1cf: {  	v52 =	vld [tilespmem:s6+$0x350];
	v23 =	vadd.f32 v44, v42;
	v55 =	vadd.f32 v47, v45;
	v31 =	vmul.f32 $1.442695020e+00, v31  }
0x1d0: {  	v53 =	vld [tilespmem:s4+$0x5350];
	v20 =	vadd.f32 v43, v20;
	(erf) = vrcp.f32 v32;
	v19 =	vadd.f32 v19, v41  }
0x1d1: {  	v51 =	vld [tilespmem:s4+$0x5340];
	v24 =	vmax.f32 v24, $0.0e+00;
	v21 =	vmax.f32 v21, $0.0e+00;
	(erf) = vpow2.f32 v31  }
0x1d2: {  	v49 =	vld [tilespmem:s6+$0x340];
	v25 =	vmax.f32 v25, $0.0e+00;
	v50 =	vmul.f32 v24, v16;
	v48 =	vperm.xlane v19, v6  }
0x1d3: {  	v56 =	vld [tilespmem:s6+$0x360];
	v54 =	vmax.f32 v23, $0.0e+00;
	v21 =	vmul.f32 v21, v10;
	v20 =	vadd.f32 v46, v20  }
0x1d4: {  	v58 =	vld [tilespmem:s4+$0x5360];
	v25 =	vmul.f32 v25, v15;
	v22 =	vadd.f32 v50, v14;
	v19 =	vadd.f32 v19, v48  }
0x1d5: {  	v23 =	vmax.f32 v55, $0.0e+00;
	v63 =	vadd.f32 v53, v52;
	v20 =	vadd.f32 v21, v20  }
0x1d6: {  	v60 =	vld [tilespmem:s6+$0x370];
	v21 =	vmul.f32 v54, v13;
	v22 =	vadd.f32 v25, v22;
	v57 =	vperm.xlane v19, v7  }
0x1d7: {  	v62 =	vld [tilespmem:s4+$0x5370];
	v24 =	vadd.f32 v51, v49;
	v28 =	vmax.f32 v63, $0.0e+00;
	v59 =	vperm.xlane v20, v4  }
0x1d8: {  	v61 =	vmul.f32 v23, v12;
	v21 =	vadd.f32 v21, v22;
	v19 =	vadd.f32 v19, v57  }
0x1d9: {  	v25 =	vadd.f32 v58, v56;
	v24 =	vmax.f32 v24, $0.0e+00;
	v20 =	vadd.f32 v20, v59;
	v18 =	vpop (erf)  }
0x1da: {  	v32 =	vmul.f32 v24, v11;
	v21 =	vadd.f32 v61, v21;
	v36 =	vpop (erf);
	v19 =	vsub.f32 $0.0e+00, v19  }
0x1db: {  	v34 =	vmul.f32 v28, v9;
	v33 =	vperm.xlane v20, v5;
	v38 =	vadd.f32 $1.000000000e+00, v36  }
0x1dc: {  	v23 =	vadd.f32 v62, v60;
	v21 =	vadd.f32 v32, v21;
	v19 =	vmul.f32 $1.442695020e+00, v19  }
0x1dd: {  	v35 =	vmax.f32 v25, $0.0e+00;
	v20 =	vadd.f32 v20, v33;
	(erf) = vrcp.f32 v38  }
0x1de: {  	v37 =	vmul.f32 v35, v8;
	v36 =	vadd.f32 v34, v21;
	(erf) = vpow2.f32 v19  }
0x1df: {  	v23 =	vmax.f32 v23, $0.0e+00;
	v38 =	vperm.xlane v20, v6  }
0x1e0: {  	v39 =	vmul.f32 v23, v10;
	v19 =	vadd.f32 v37, v36  }
0x1e1: {  	v20 =	vadd.f32 v20, v38  }
0x1e2: {  	v21 =	vadd.f32 v39, v19  }
0x1e3: {  	v40 =	vperm.xlane v20, v7  }
0x1e4: {  	v41 =	vperm.xlane v21, v4  }
0x1e5: {  	v20 =	vadd.f32 v20, v40  }
0x1e6: {  	v42 =	vpop (erf);
	v21 =	vadd.f32 v21, v41  }
0x1e7: {  	v20 =	vsub.f32 $0.0e+00, v20;
	v43 =	vpop (erf)  }
0x1e8: {  	v44 =	vperm.xlane v21, v5;
	v22 =	vadd.f32 $1.000000000e+00, v43  }
0x1e9: {  	v20 =	vmul.f32 $1.442695020e+00, v20  }
0x1ea: {  	v21 =	vadd.f32 v21, v44;
	(erf) = vrcp.f32 v22  }
0x1eb: {  	(erf) = vpow2.f32 v20  }
0x1ec: {  	v45 =	vperm.xlane v21, v6;
	_ =	sdelay $0x1  }
0x1ed: {  	v20 =	vadd.f32 v21, v45;
	_ =	sdelay $0x1  }
0x1ee: {  	s11 =	sor.u32 s1, s3;
	s3 =	sor.u32 s1, s5;
	v21 =	vperm.xlane v20, v7  }
0x1ef: {  	s13 =	sor.u32 s1, s12;
	s31 =	sor.u32 $0x400, s3  }
0x1f0: {  	s14 =	sor.u32 $0x400, s13;
	v52 =	vld [tilespmem:s31+$0x300];
	v21 =	vadd.f32 v20, v21  }
0x1f1: {  	v50 =	vld [tilespmem:s14+$0x300];
	v46 =	vpop (erf)  }
0x1f2: {  	v21 =	vsub.f32 $0.0e+00, v21;
	v47 =	vpop (erf)  }
0x1f3: {  	v22 =	vadd.f32 $1.000000000e+00, v47  }
0x1f4: {  	v21 =	vmul.f32 $1.442695020e+00, v21  }
0x1f5: {  	v56 =	vmul.f32 v42, v52;
	(erf) = vrcp.f32 v22  }
0x1f6: {  	v23 =	vmul.f32 v17, v50;
	(erf) = vpow2.f32 v21  }
0x1f7: {  	s18 =	sor.u32 $0x410, s3;
	[tilespmem:s0+$0x7C00] =	vst v56  }
0x1f8: {  	s16 =	sor.u32 $0x410, s13;
	[tilespmem:s0+$0x7B00] =	vst v23;
	v61 =	vld [tilespmem:s18+$0x300]  }
0x1f9: {  	v57 =	vld [tilespmem:s16+$0x300];
	_ =	sdelay $0x3  }
0x1fa: {  	v32 =	vmul.f32 v42, v61  }
0x1fb: {  	v24 =	vmul.f32 v17, v57;
	v48 =	vpop (erf)  }
0x1fc: {  	s5 =	sor.u32 s1, s8;
	s23 =	sor.u32 $0x420, s3;
	[tilespmem:s0+$0x7C10] =	vst v32;
	v49 =	vpop (erf)  }
0x1fd: {  	s8 =	sor.u32 $0x400, s5;
	[tilespmem:s0+$0x7B10] =	vst v24;
	v24 =	vld [tilespmem:s23+$0x300];
	v22 =	vadd.f32 $1.000000000e+00, v49  }
0x1fe: {  	v53 =	vld [tilespmem:s8+$0x300]  }
0x1ff: {  	s1 =	sor.u32 s9, s10;
	(erf) = vrcp.f32 v22  }
0x200: {  	s15 =	sor.u32 $0x400, s1  }
0x201: {  	s30 =	sor.u32 $0x400, s11;
	v54 =	vld [tilespmem:s15+$0x300]  }
0x202: {  	v51 =	vld [tilespmem:s30+$0x300];
	v24 =	vmul.f32 v42, v24  }
0x203: {  	v25 =	vmul.f32 v46, v53  }
0x204: {  	s29 =	sor.u32 $0x430, s3;
	v55 =	vld [tilespmem:s6+$0x700];
	[tilespmem:s0+$0x7C20] =	vst v24  }
0x205: {  	s19 =	sor.u32 $0x410, s5;
	v24 =	vld [tilespmem:s29+$0x300];
	[tilespmem:s0+$0x7C80] =	vst v25  }
0x206: {  	v63 =	vld [tilespmem:s19+$0x300];
	v59 =	vmul.f32 v48, v54  }
0x207: {  	v22 =	vmul.f32 v18, v51  }
0x208: {  	s20 =	sor.u32 $0x410, s1;
	[tilespmem:s2+$0x7B00] =	vst v59;
	v60 =	vpop (erf)  }
0x209: {  	s17 =	sor.u32 $0x410, s11;
	v23 =	vld [tilespmem:s20+$0x300];
	[tilespmem:s0+$0x7B80] =	vst v22;
	v62 =	vmul.f32 v60, v55  }
0x20a: {  	v24 =	vmul.f32 v42, v24;
	v58 =	vld [tilespmem:s17+$0x300]  }
0x20b: {  	v27 =	vmul.f32 v46, v63;
	[tilespmem:s4+$0x7B00] =	vst v62  }
0x20c: {  	s14 =	sor.u32 $0x440, s3;
	[tilespmem:s0+$0x7C30] =	vst v24;
	v25 =	vld [tilespmem:s6+$0x710]  }
0x20d: {  	s24 =	sor.u32 $0x420, s5;
	v24 =	vld [tilespmem:s14+$0x300];
	[tilespmem:s0+$0x7C90] =	vst v27  }
0x20e: {  	v27 =	vld [tilespmem:s24+$0x300];
	v23 =	vmul.f32 v48, v23  }
0x20f: {  	v28 =	vmul.f32 v18, v58  }
0x210: {  	s25 =	sor.u32 $0x420, s1;
	[tilespmem:s2+$0x7B10] =	vst v23  }
0x211: {  	s22 =	sor.u32 $0x420, s11;
	v23 =	vld [tilespmem:s25+$0x300];
	[tilespmem:s0+$0x7B90] =	vst v28;
	v25 =	vmul.f32 v60, v25  }
0x212: {  	s21 =	sor.u32 $0x420, s13;
	v24 =	vmul.f32 v42, v24;
	v28 =	vld [tilespmem:s22+$0x300]  }
0x213: {  	v33 =	vld [tilespmem:s21+$0x300];
	v27 =	vmul.f32 v46, v27;
	[tilespmem:s4+$0x7B10] =	vst v25  }
0x214: {  	s19 =	sor.u32 $0x450, s3;
	[tilespmem:s0+$0x7C40] =	vst v24;
	v35 =	vld [tilespmem:s6+$0x720]  }
0x215: {  	s30 =	sor.u32 $0x430, s5;
	v24 =	vld [tilespmem:s19+$0x300];
	[tilespmem:s0+$0x7CA0] =	vst v27  }
0x216: {  	v27 =	vld [tilespmem:s30+$0x300];
	v23 =	vmul.f32 v48, v23  }
0x217: {  	v28 =	vmul.f32 v18, v28  }
0x218: {  	s31 =	sor.u32 $0x430, s1;
	v34 =	vmul.f32 v17, v33;
	[tilespmem:s2+$0x7B20] =	vst v23  }
0x219: {  	s28 =	sor.u32 $0x430, s11;
	v23 =	vld [tilespmem:s31+$0x300];
	[tilespmem:s0+$0x7BA0] =	vst v28;
	v26 =	vmul.f32 v60, v35  }
0x21a: {  	s26 =	sor.u32 $0x430, s13;
	[tilespmem:s0+$0x7B20] =	vst v34;
	v24 =	vmul.f32 v24, v42;
	v28 =	vld [tilespmem:s28+$0x300]  }
0x21b: {  	v27 =	vmul.f32 v46, v27;
	v25 =	vld [tilespmem:s26+$0x300];
	[tilespmem:s4+$0x7B20] =	vst v26  }
0x21c: {  	s24 =	sor.u32 $0x460, s3;
	[tilespmem:s0+$0x7C50] =	vst v24;
	v26 =	vld [tilespmem:s6+$0x730]  }
0x21d: {  	s15 =	sor.u32 $0x440, s5;
	v24 =	vld [tilespmem:s24+$0x300];
	[tilespmem:s0+$0x7CB0] =	vst v27  }
0x21e: {  	v27 =	vld [tilespmem:s15+$0x300];
	v23 =	vmul.f32 v48, v23  }
0x21f: {  	v28 =	vmul.f32 v18, v28  }
0x220: {  	s16 =	sor.u32 $0x440, s1;
	[tilespmem:s2+$0x7B30] =	vst v23;
	v25 =	vmul.f32 v17, v25  }
0x221: {  	s10 =	sor.u32 $0x440, s11;
	v23 =	vld [tilespmem:s16+$0x300];
	[tilespmem:s0+$0x7BB0] =	vst v28;
	v26 =	vmul.f32 v60, v26  }
0x222: {  	s9 =	sor.u32 $0x440, s13;
	v24 =	vmul.f32 v24, v42;
	[tilespmem:s0+$0x7B30] =	vst v25;
	v28 =	vld [tilespmem:s10+$0x300]  }
0x223: {  	v27 =	vmul.f32 v46, v27;
	v25 =	vld [tilespmem:s9+$0x300];
	[tilespmem:s4+$0x7B30] =	vst v26  }
0x224: {  	s3 =	sor.u32 $0x470, s3;
	[tilespmem:s0+$0x7C60] =	vst v24;
	v26 =	vld [tilespmem:s6+$0x740]  }
0x225: {  	s20 =	sor.u32 $0x450, s5;
	s17 =	sor.u32 $0x450, s13;
	s31 =	sadd.s32 $0x6, s7;
	v24 =	vld [tilespmem:s3+$0x300];
	[tilespmem:s0+$0x7CC0] =	vst v27  }
0x226: {  	s22 =	sor.u32 $0x460, s13;
	v27 =	vld [tilespmem:s20+$0x300];
	s28 =	sor.u32 $0x470, s13;
	s13 =	sshll.u32 s31, $0x7;
	v23 =	vmul.f32 v48, v23  }
0x227: {  	v37 =	vld [tilespmem:s13+$0x5300];
	v28 =	vmul.f32 v18, v28  }
0x228: {  	s21 =	sor.u32 $0x450, s1;
	v39 =	vld [tilespmem:s13+$0x5310];
	[tilespmem:s2+$0x7B40] =	vst v23;
	v25 =	vmul.f32 v25, v17  }
0x229: {  	s18 =	sor.u32 $0x450, s11;
	v23 =	vld [tilespmem:s21+$0x300];
	[tilespmem:s0+$0x7BC0] =	vst v28;
	v26 =	vmul.f32 v60, v26  }
0x22a: {  	[tilespmem:s0+$0x7B40] =	vst v25;
	v28 =	vld [tilespmem:s18+$0x300]  }
0x22b: {  	v25 =	vld [tilespmem:s17+$0x300];
	[tilespmem:s4+$0x7B40] =	vst v26  }
0x22c: {  	v26 =	vld [tilespmem:s6+$0x750]  }
0x22d: {  	v40 =	vld [tilespmem:s13+$0x5320];
	v27 =	vmul.f32 v27, v46  }
0x22e: {  	v43 =	vld [tilespmem:s13+$0x5330];
	v23 =	vmul.f32 v23, v48  }
0x22f: {  	s25 =	sor.u32 $0x460, s5;
	v47 =	vld [tilespmem:s13+$0x5340];
	[tilespmem:s0+$0x7CD0] =	vst v27;
	v28 =	vmul.f32 v28, v18  }
0x230: {  	s26 =	sor.u32 $0x460, s1;
	v27 =	vld [tilespmem:s25+$0x300];
	[tilespmem:s2+$0x7B50] =	vst v23;
	v25 =	vmul.f32 v25, v17  }
0x231: {  	s23 =	sor.u32 $0x460, s11;
	v23 =	vld [tilespmem:s26+$0x300];
	[tilespmem:s0+$0x7BD0] =	vst v28;
	v26 =	vmul.f32 v26, v60  }
0x232: {  	[tilespmem:s0+$0x7B50] =	vst v25;
	v28 =	vld [tilespmem:s23+$0x300]  }
0x233: {  	v25 =	vld [tilespmem:s22+$0x300];
	[tilespmem:s4+$0x7B50] =	vst v26  }
0x234: {  	s8 =	sshll.u32 s31, $0x8;
	v26 =	vld [tilespmem:s6+$0x760]  }
0x235: {  	v51 =	vld [tilespmem:s13+$0x5350];
	s10 =	sand.u32 $0x300, s13;
	s9 =	sand.u32 $0x7800, s8;
	v27 =	vmul.f32 v27, v46  }
0x236: {  	v55 =	vld [tilespmem:s13+$0x5360];
	s19 =	sor.u32 s10, s9;
	v23 =	vmul.f32 v23, v48  }
0x237: {  	s30 =	sor.u32 $0x470, s5;
	v36 =	vld [tilespmem:s19+$0x300];
	[tilespmem:s0+$0x7CE0] =	vst v27;
	v28 =	vmul.f32 v28, v18  }
0x238: {  	s1 =	sor.u32 $0x470, s1;
	v27 =	vld [tilespmem:s30+$0x300];
	[tilespmem:s2+$0x7B60] =	vst v23;
	v25 =	vmul.f32 v25, v17  }
0x239: {  	s29 =	sor.u32 $0x470, s11;
	v23 =	vld [tilespmem:s1+$0x300];
	[tilespmem:s0+$0x7BE0] =	vst v28;
	v26 =	vmul.f32 v26, v60  }
0x23a: {  	[tilespmem:s0+$0x7B60] =	vst v25;
	v28 =	vld [tilespmem:s29+$0x300]  }
0x23b: {  	v25 =	vld [tilespmem:s28+$0x300];
	[tilespmem:s4+$0x7B60] =	vst v26  }
0x23c: {  	v42 =	vmul.f32 v24, v42;
	v26 =	vld [tilespmem:s6+$0x770]  }
0x23d: {  	v38 =	vld [tilespmem:s19+$0x310];
	v44 =	vmul.f32 v27, v46  }
0x23e: {  	[tilespmem:s0+$0x7C70] =	vst v42;
	v33 =	vld [tilespmem:s19+$0x320];
	v46 =	vmul.f32 v23, v48  }
0x23f: {  	v41 =	vld [tilespmem:s19+$0x330];
	[tilespmem:s0+$0x7CF0] =	vst v44;
	v18 =	vmul.f32 v28, v18  }
0x240: {  	v45 =	vld [tilespmem:s19+$0x340];
	[tilespmem:s2+$0x7B70] =	vst v46;
	v17 =	vmul.f32 v25, v17  }
0x241: {  	s11 =	sadd.s32 $0x7, s7;
	v50 =	vld [tilespmem:s19+$0x350];
	v49 =	vadd.f32 v37, v36;
	[tilespmem:s0+$0x7BF0] =	vst v18;
	v48 =	vmul.f32 v26, v60  }
0x242: {  	s14 =	sshll.u32 s11, $0x8;
	s25 =	sshll.u32 s11, $0x7;
	v54 =	vld [tilespmem:s19+$0x360];
	[tilespmem:s0+$0x7B70] =	vst v17  }
0x243: {  	s15 =	sand.u32 $0x7800, s14;
	s16 =	sand.u32 $0x380, s25;
	v56 =	vld [tilespmem:s19+$0x370];
	v53 =	vadd.f32 v39, v38;
	v52 =	vmax.f32 v49, $0.0e+00;
	[tilespmem:s4+$0x7B70] =	vst v48  }
0x244: {  	s26 =	sor.u32 s16, s15;
	v18 =	vmul.f32 v52, v16;
	v57 =	vld [tilespmem:s13+$0x5370]  }
0x245: {  	v22 =	vmax.f32 v53, $0.0e+00;
	v25 =	vadd.f32 v40, v33;
	v58 =	vld [tilespmem:s26+$0x300]  }
0x246: {  	v22 =	vmul.f32 v22, v15;
	v18 =	vadd.f32 v18, v14;
	v60 =	vld [tilespmem:s25+$0x5300]  }
0x247: {  	v19 =	vadd.f32 v43, v41;
	v25 =	vmax.f32 v25, $0.0e+00;
	v61 =	vld [tilespmem:s26+$0x310]  }
0x248: {  	v59 =	vmul.f32 v25, v13;
	v18 =	vadd.f32 v22, v18;
	v62 =	vld [tilespmem:s25+$0x5310]  }
0x249: {  	v20 =	vadd.f32 v47, v45;
	v19 =	vmax.f32 v19, $0.0e+00;
	v63 =	vld [tilespmem:s26+$0x320]  }
0x24a: {  	v19 =	vmul.f32 v19, v12;
	v18 =	vadd.f32 v59, v18;
	v33 =	vld [tilespmem:s25+$0x5320]  }
0x24b: {  	v20 =	vmax.f32 v20, $0.0e+00;
	v17 =	vadd.f32 v51, v50;
	v34 =	vld [tilespmem:s26+$0x330]  }
0x24c: {  	v32 =	vmul.f32 v20, v11;
	v18 =	vadd.f32 v19, v18;
	v35 =	vld [tilespmem:s25+$0x5330]  }
0x24d: {  	v24 =	vadd.f32 v55, v54;
	v17 =	vmax.f32 v17, $0.0e+00;
	v36 =	vld [tilespmem:s26+$0x340]  }
0x24e: {  	v17 =	vmul.f32 v17, v9;
	v18 =	vadd.f32 v32, v18;
	v39 =	vld [tilespmem:s25+$0x5340]  }
0x24f: {  	v24 =	vmax.f32 v24, $0.0e+00;
	v40 =	vld [tilespmem:s26+$0x350];
	v25 =	vadd.f32 v60, v58  }
0x250: {  	v37 =	vmul.f32 v24, v8;
	v43 =	vld [tilespmem:s25+$0x5350];
	v17 =	vadd.f32 v17, v18;
	v38 =	vadd.f32 v57, v56  }
0x251: {  	s17 =	sadd.s32 $0x8, s7;
	v44 =	vld [tilespmem:s26+$0x360];
	v21 =	vadd.f32 v62, v61;
	v25 =	vmax.f32 v25, $0.0e+00  }
0x252: {  	s18 =	sshll.u32 s17, $0x8;
	v45 =	vld [tilespmem:s25+$0x5360];
	v17 =	vadd.f32 v37, v17;
	v41 =	vmax.f32 v38, $0.0e+00;
	v42 =	vmul.f32 v25, v16  }
0x253: {  	s20 =	sand.u32 $0x7800, s18;
	v47 =	vld [tilespmem:s26+$0x370];
	v20 =	vadd.f32 v33, v63;
	v21 =	vmax.f32 v21, $0.0e+00;
	v18 =	vmul.f32 v41, v10  }
0x254: {  	s2 =	sor.u32 s12, s20;
	v48 =	vld [tilespmem:s25+$0x5370];
	v21 =	vmul.f32 v21, v15;
	v24 =	vadd.f32 v42, v14  }
0x255: {  	s28 =	sshll.u32 s17, $0x7;
	v50 =	vld [tilespmem:s2+$0x300];
	v19 =	vadd.f32 v35, v34;
	v46 =	vmax.f32 v20, $0.0e+00;
	v17 =	vadd.f32 v18, v17  }
0x256: {  	v51 =	vld [tilespmem:s28+$0x5300];
	v18 =	vmul.f32 v46, v13;
	v21 =	vadd.f32 v21, v24  }
0x257: {  	v53 =	vld [tilespmem:s2+$0x310];
	v27 =	vadd.f32 v39, v36;
	v19 =	vmax.f32 v19, $0.0e+00;
	v49 =	vperm.xlane v17, v4  }
0x258: {  	v55 =	vld [tilespmem:s28+$0x5310];
	v22 =	vadd.f32 v43, v40;
	v19 =	vmul.f32 v19, v12;
	v18 =	vadd.f32 v18, v21  }
0x259: {  	v23 =	vadd.f32 v45, v44;
	v52 =	vmax.f32 v27, $0.0e+00;
	v17 =	vadd.f32 v17, v49  }
0x25a: {  	v59 =	vld [tilespmem:s28+$0x5320];
	v22 =	vmax.f32 v22, $0.0e+00;
	v54 =	vmul.f32 v52, v11;
	v18 =	vadd.f32 v19, v18  }
0x25b: {  	v57 =	vld [tilespmem:s2+$0x320];
	v23 =	vmax.f32 v23, $0.0e+00;
	v20 =	vadd.f32 v48, v47;
	v56 =	vperm.xlane v17, v5  }
0x25c: {  	v60 =	vld [tilespmem:s2+$0x330];
	v58 =	vmul.f32 v22, v9;
	v21 =	vadd.f32 v51, v50;
	v18 =	vadd.f32 v54, v18  }
0x25d: {  	v62 =	vld [tilespmem:s28+$0x5330];
	v61 =	vmul.f32 v23, v8;
	v25 =	vadd.f32 v55, v53;
	v17 =	vadd.f32 v17, v56  }
0x25e: {  	v32 =	vld [tilespmem:s2+$0x340];
	v33 =	vmax.f32 v20, $0.0e+00;
	v21 =	vmax.f32 v21, $0.0e+00;
	v18 =	vadd.f32 v58, v18  }
0x25f: {  	v35 =	vld [tilespmem:s28+$0x5340];
	v25 =	vmax.f32 v25, $0.0e+00;
	v34 =	vmul.f32 v21, v16;
	v63 =	vperm.xlane v17, v6  }
0x260: {  	v36 =	vld [tilespmem:s2+$0x350];
	v22 =	vadd.f32 v59, v57;
	v19 =	vmul.f32 v33, v10;
	v18 =	vadd.f32 v61, v18  }
0x261: {  	v38 =	vld [tilespmem:s28+$0x5350];
	v37 =	vmul.f32 v25, v15;
	v20 =	vadd.f32 v34, v14;
	v17 =	vadd.f32 v17, v63  }
0x262: {  	v43 =	vld [tilespmem:s28+$0x5360];
	v40 =	vadd.f32 v62, v60;
	v39 =	vmax.f32 v22, $0.0e+00;
	v18 =	vadd.f32 v19, v18  }
0x263: {  	v41 =	vld [tilespmem:s2+$0x360];
	v20 =	vadd.f32 v37, v20;
	v42 =	vperm.xlane v17, v7;
	v19 =	vmul.f32 v39, v13  }
0x264: {  	v45 =	vld [tilespmem:s2+$0x370];
	v22 =	vmax.f32 v40, $0.0e+00;
	v21 =	vadd.f32 v35, v32;
	v44 =	vperm.xlane v18, v4  }
0x265: {  	v47 =	vld [tilespmem:s28+$0x5370];
	v46 =	vmul.f32 v22, v12;
	v17 =	vadd.f32 v17, v42;
	v19 =	vadd.f32 v19, v20  }
0x266: {  	v25 =	vadd.f32 v38, v36;
	v21 =	vmax.f32 v21, $0.0e+00;
	v18 =	vadd.f32 v18, v44  }
0x267: {  	v48 =	vmul.f32 v21, v11;
	v17 =	vsub.f32 $0.0e+00, v17;
	v19 =	vadd.f32 v46, v19  }
0x268: {  	v23 =	vadd.f32 v43, v41;
	v25 =	vmax.f32 v25, $0.0e+00;
	v49 =	vperm.xlane v18, v5  }
0x269: {  	v50 =	vmul.f32 v25, v9;
	v17 =	vmul.f32 $1.442695020e+00, v17;
	v19 =	vadd.f32 v48, v19  }
0x26a: {  	v22 =	vadd.f32 v47, v45;
	v51 =	vmax.f32 v23, $0.0e+00;
	v18 =	vadd.f32 v18, v49  }
0x26b: {  	v53 =	vmul.f32 v51, v8;
	(erf) = vpow2.f32 v17;
	v52 =	vadd.f32 v50, v19  }
0x26c: {  	v55 =	vmax.f32 v22, $0.0e+00;
	v54 =	vperm.xlane v18, v6  }
0x26d: {  	v56 =	vmul.f32 v55, v10;
	v17 =	vadd.f32 v53, v52  }
0x26e: {  	v18 =	vadd.f32 v18, v54  }
0x26f: {  	v17 =	vadd.f32 v56, v17  }
0x270: {  	v57 =	vperm.xlane v18, v7  }
0x271: {  	s21 =	sadd.s32 $0x9, s7;
	v58 =	vperm.xlane v17, v4  }
0x272: {  	s22 =	sshll.u32 s21, $0x8;
	s2 =	sshll.u32 s21, $0x7;
	v18 =	vadd.f32 v18, v57  }
0x273: {  	s0 =	sand.u32 $0x7800, s22;
	s24 =	sand.u32 $0x280, s2;
	v29 =	vld [tilespmem:s2+$0x5300];
	v17 =	vadd.f32 v17, v58  }
0x274: {  	v62 =	vld [tilespmem:s19+$0x700];
	s11 =	sor.u32 s24, s0;
	v59 =	vpop (erf);
	v18 =	vsub.f32 $0.0e+00, v18  }
0x275: {  	v28 =	vld [tilespmem:s11+$0x300];
	v19 =	vadd.f32 $1.000000000e+00, v59;
	v20 =	vperm.xlane v17, v5  }
0x276: {  	v31 =	vld [tilespmem:s11+$0x310];
	v18 =	vmul.f32 $1.442695020e+00, v18  }
0x277: {  	v36 =	vld [tilespmem:s2+$0x5330];
	(erf) = vrcp.f32 v19;
	v17 =	vadd.f32 v17, v20  }
0x278: {  	v38 =	vld [tilespmem:s2+$0x5340];
	(erf) = vpow2.f32 v18  }
0x279: {  	v40 =	vld [tilespmem:s2+$0x5350];
	v60 =	vperm.xlane v17, v6  }
0x27a: {  	v41 =	vld [tilespmem:s11+$0x360]  }
0x27b: {  	s29 =	sadd.s32 $0xA, s7;
	v43 =	vld [tilespmem:s2+$0x5360];
	v17 =	vadd.f32 v17, v60  }
0x27c: {  	s3 =	sor.u32 s12, s18;
	s31 =	sshll.u32 s29, $0x8;
	s18 =	sshll.u32 s29, $0x7;
	v45 =	vld [tilespmem:s2+$0x5370]  }
0x27d: {  	s1 =	sand.u32 $0x7800, s31;
	s4 =	sand.u32 $0x300, s18;
	v32 =	vld [tilespmem:s2+$0x5310];
	v18 =	vperm.xlane v17, v7  }
0x27e: {  	s16 =	sor.u32 s4, s1;
	v33 =	vld [tilespmem:s11+$0x320]  }
0x27f: {  	v51 =	vld [tilespmem:s16+$0x300];
	v18 =	vadd.f32 v17, v18  }
0x280: {  	v35 =	vld [tilespmem:s11+$0x330];
	v21 =	vadd.f32 v29, v28;
	v17 =	vpop (erf)  }
0x281: {  	v34 =	vld [tilespmem:s2+$0x5320];
	v18 =	vsub.f32 $0.0e+00, v18;
	v61 =	vpop (erf)  }
0x282: {  	v28 =	vld [tilespmem:s26+$0x700];
	v21 =	vmax.f32 v21, $0.0e+00;
	v24 =	vadd.f32 v32, v31;
	v19 =	vadd.f32 $1.000000000e+00, v61  }
0x283: {  	s23 =	sor.u32 $0x400, s3;
	v37 =	vld [tilespmem:s11+$0x340];
	v21 =	vmul.f32 v21, v16;
	v18 =	vmul.f32 $1.442695020e+00, v18  }
0x284: {  	v63 =	vld [tilespmem:s23+$0x300];
	v24 =	vmax.f32 v24, $0.0e+00;
	(erf) = vrcp.f32 v19  }
0x285: {  	v39 =	vld [tilespmem:s11+$0x350];
	v21 =	vadd.f32 v21, v14;
	v24 =	vmul.f32 v24, v15;
	(erf) = vpow2.f32 v18  }
0x286: {  	v22 =	vadd.f32 v36, v35;
	v36 =	vld [tilespmem:s16+$0x360]  }
0x287: {  	v21 =	vadd.f32 v24, v21;
	v24 =	vadd.f32 v43, v41;
	v41 =	vld [tilespmem:s18+$0x5360]  }
0x288: {  	v43 =	vld [tilespmem:s18+$0x5370]  }
0x289: {  	s10 =	sadd.s32 $0xC, s7;
	v44 =	vld [tilespmem:s11+$0x370]  }
0x28a: {  	s31 =	sshll.u32 s10, $0x7;
	v26 =	vadd.f32 v40, v39;
	v40 =	vld [tilespmem:s18+$0x5350]  }
0x28b: {  	s5 =	sadd.s32 $0xB, s7;
	v39 =	vld [tilespmem:s31+$0x5330]  }
0x28c: {  	s14 =	sshll.u32 s5, $0x7;
	s6 =	sshll.u32 s5, $0x8;
	v48 =	vmax.f32 v26, $0.0e+00;
	v26 =	vld [tilespmem:s11+$0x700]  }
0x28d: {  	s9 =	sand.u32 $0x380, s14;
	s8 =	sand.u32 $0x7800, s6;
	v49 =	vmul.f32 v48, v9;
	v48 =	vld [tilespmem:s14+$0x5310];
	v18 =	vpop (erf)  }
0x28e: {  	s5 =	sor.u32 s9, s8;
	v50 =	vmax.f32 v24, $0.0e+00;
	v53 =	vld [tilespmem:s18+$0x5300];
	v30 =	vpop (erf)  }
0x28f: {  	v52 =	vmul.f32 v50, v8;
	v50 =	vld [tilespmem:s5+$0x320];
	v23 =	vadd.f32 $1.000000000e+00, v30  }
0x290: {  	v54 =	vld [tilespmem:s16+$0x310]  }
0x291: {  	v56 =	vld [tilespmem:s18+$0x5310];
	(erf) = vrcp.f32 v23  }
0x292: {  	v57 =	vld [tilespmem:s16+$0x320]  }
0x293: {  	v59 =	vld [tilespmem:s16+$0x330]  }
0x294: {  	v61 =	vld [tilespmem:s18+$0x5330];
	v23 =	vadd.f32 v34, v33  }
0x295: {  	v58 =	vld [tilespmem:s18+$0x5320];
	v42 =	vmul.f32 v17, v62  }
0x296: {  	v62 =	vld [tilespmem:s18+$0x5340];
	v23 =	vmax.f32 v23, $0.0e+00  }
0x297: {  	[tilespmem:s13+$0x7B00] =	vst v42;
	v42 =	vld [tilespmem:s16+$0x370];
	v23 =	vmul.f32 v23, v13  }
0x298: {  	v22 =	vmax.f32 v22, $0.0e+00;
	v25 =	vadd.f32 v38, v37;
	v29 =	vld [tilespmem:s19+$0x710]  }
0x299: {  	v22 =	vmul.f32 v22, v12;
	v31 =	vadd.f32 v61, v59;
	v61 =	vld [tilespmem:s14+$0x5350];
	v21 =	vadd.f32 v23, v21  }
0x29a: {  	v25 =	vmax.f32 v25, $0.0e+00;
	v30 =	vadd.f32 v41, v36;
	v41 =	vld [tilespmem:s14+$0x5360];
	v19 =	vpop (erf)  }
0x29b: {  	v47 =	vmul.f32 v25, v11;
	v34 =	vld [tilespmem:s16+$0x340];
	v46 =	vadd.f32 v22, v21;
	v20 =	vmul.f32 v19, v63  }
0x29c: {  	v23 =	vadd.f32 v45, v44;
	v44 =	vld [tilespmem:s5+$0x300]  }
0x29d: {  	v45 =	vld [tilespmem:s14+$0x5300];
	[tilespmem:s28+$0x7B00] =	vst v20;
	v20 =	vadd.f32 v47, v46  }
0x29e: {  	v22 =	vadd.f32 v53, v51;
	v51 =	vld [tilespmem:s14+$0x5320]  }
0x29f: {  	v53 =	vld [tilespmem:s5+$0x330];
	v20 =	vadd.f32 v49, v20  }
0x2a0: {  	v23 =	vmax.f32 v23, $0.0e+00;
	v21 =	vadd.f32 v58, v57;
	v57 =	vld [tilespmem:s5+$0x340]  }
0x2a1: {  	v58 =	vld [tilespmem:s14+$0x5340];
	v55 =	vmul.f32 v23, v10;
	v20 =	vadd.f32 v52, v20  }
0x2a2: {  	s15 =	sshll.u32 s10, $0x8;
	v23 =	vadd.f32 v56, v54;
	v54 =	vld [tilespmem:s14+$0x5330];
	v56 =	vadd.f32 v43, v42;
	v22 =	vmax.f32 v22, $0.0e+00  }
0x2a3: {  	s17 =	sand.u32 $0x7800, s15;
	[smem:$0x7E6] =	sst s15;
	s15 =	sand.u32 $0x200, s31;
	v42 =	vld [tilespmem:s5+$0x370];
	v22 =	vmul.f32 v22, v16;
	v20 =	vadd.f32 v55, v20  }
0x2a4: {  	s0 =	sor.u32 s15, s17;
	v24 =	vadd.f32 v62, v34;
	v63 =	vld [tilespmem:s16+$0x350];
	v23 =	vmax.f32 v23, $0.0e+00;
	v59 =	vmax.f32 v56, $0.0e+00  }
0x2a5: {  	v56 =	vld [tilespmem:s0+$0x330];
	v23 =	vmul.f32 v23, v15;
	v22 =	vadd.f32 v22, v14;
	v60 =	vperm.xlane v20, v4  }
0x2a6: {  	s30 =	sor.u32 $0x410, s3;
	v31 =	vmax.f32 v31, $0.0e+00;
	v24 =	vmax.f32 v24, $0.0e+00;
	v21 =	vmax.f32 v21, $0.0e+00;
	v47 =	vld [tilespmem:s5+$0x310]  }
0x2a7: {  	v21 =	vmul.f32 v21, v13;
	v27 =	vld [tilespmem:s30+$0x300];
	v22 =	vadd.f32 v23, v22;
	v20 =	vadd.f32 v20, v60  }
0x2a8: {  	v46 =	vmul.f32 v31, v12;
	v49 =	vmul.f32 v24, v11;
	v23 =	vadd.f32 v45, v44;
	v44 =	vld [tilespmem:s14+$0x5370]  }
0x2a9: {  	v24 =	vadd.f32 v51, v50;
	v50 =	vld [tilespmem:s31+$0x5310];
	v21 =	vadd.f32 v21, v22;
	v35 =	vperm.xlane v20, v5  }
0x2aa: {  	v28 =	vmul.f32 v18, v28;
	v25 =	vadd.f32 v40, v63;
	v63 =	vld [tilespmem:s5+$0x360]  }
0x2ab: {  	v22 =	vmul.f32 v59, v10;
	v59 =	vld [tilespmem:s0+$0x340];
	v21 =	vadd.f32 v46, v21;
	v20 =	vadd.f32 v20, v35  }
0x2ac: {  	v30 =	vmax.f32 v30, $0.0e+00;
	v25 =	vmax.f32 v25, $0.0e+00;
	v31 =	vadd.f32 v48, v47;
	v47 =	vld [tilespmem:s31+$0x5300]  }
0x2ad: {  	v52 =	vmul.f32 v25, v9;
	v46 =	vld [tilespmem:s0+$0x300];
	v21 =	vadd.f32 v49, v21;
	v37 =	vperm.xlane v20, v6  }
0x2ae: {  	v23 =	vmax.f32 v23, $0.0e+00;
	v24 =	vmax.f32 v24, $0.0e+00;
	v25 =	vadd.f32 v54, v53;
	v53 =	vld [tilespmem:s31+$0x5320]  }
0x2af: {  	v55 =	vmul.f32 v30, v8;
	v21 =	vadd.f32 v52, v21;
	v60 =	vld [tilespmem:s5+$0x350];
	v20 =	vadd.f32 v20, v37  }
0x2b0: {  	v33 =	vadd.f32 v58, v57;
	v62 =	vmul.f32 v23, v16;
	v45 =	vmul.f32 v24, v13;
	v49 =	vld [tilespmem:s0+$0x310]  }
0x2b1: {  	v58 =	vadd.f32 v44, v42;
	v44 =	vld [tilespmem:s31+$0x5360];
	v21 =	vadd.f32 v55, v21;
	v37 =	vperm.xlane v20, v7  }
0x2b2: {  	v40 =	vmax.f32 v31, $0.0e+00;
	v23 =	vadd.f32 v41, v63;
	v63 =	vld [tilespmem:s31+$0x5350];
	v24 =	vadd.f32 v47, v46  }
0x2b3: {  	v25 =	vmax.f32 v25, $0.0e+00;
	v52 =	vld [tilespmem:s0+$0x320];
	v21 =	vadd.f32 v22, v21;
	v20 =	vadd.f32 v20, v37  }
0x2b4: {  	v41 =	vld [tilespmem:s0+$0x360];
	v48 =	vmul.f32 v25, v12;
	v24 =	vmax.f32 v24, $0.0e+00;
	v30 =	vadd.f32 v61, v60  }
0x2b5: {  	v25 =	vadd.f32 v50, v49;
	v60 =	vld [tilespmem:s31+$0x5340];
	v43 =	vperm.xlane v21, v4;
	v20 =	vsub.f32 $0.0e+00, v20  }
0x2b6: {  	s20 =	sadd.s32 $0xD, s7;
	v47 =	vld [tilespmem:s31+$0x5370];
	v22 =	vmul.f32 v40, v15;
	v16 =	vmul.f32 v24, v16;
	v30 =	vmax.f32 v30, $0.0e+00  }
0x2b7: {  	s24 =	sshll.u32 s20, $0x7;
	v24 =	vld [tilespmem:$0xA350];
	v21 =	vadd.f32 v21, v43;
	v55 =	vmul.f32 v30, v9;
	v20 =	vmul.f32 $1.442695020e+00, v20  }
0x2b8: {  	v43 =	vadd.f32 v53, v52;
	v30 =	vadd.f32 v39, v56;
	v52 =	vld [tilespmem:s24+$0x5300];
	v37 =	vmul.f32 v19, v27  }
0x2b9: {  	v56 =	vadd.f32 v44, v41;
	v41 =	vld [tilespmem:s24+$0x5330];
	(erf) = vpow2.f32 v20;
	v20 =	vadd.f32 v62, v14  }
0x2ba: {  	s21 =	sshll.u32 s20, $0x8;
	s20 =	sor.u32 $0x420, s3;
	v42 =	vmax.f32 v25, $0.0e+00;
	v36 =	vperm.xlane v21, v5;
	v50 =	vadd.f32 v60, v59;
	v60 =	vld [tilespmem:s24+$0x5320];
	[tilespmem:s28+$0x7B10] =	vst v37  }
0x2bb: {  	[tilespmem:s25+$0x7B00] =	vst v28;
	v15 =	vmul.f32 v42, v15;
	v28 =	vld [tilespmem:s20+$0x300];
	v14 =	vadd.f32 v16, v14;
	v20 =	vadd.f32 v22, v20  }
0x2bc: {  	v21 =	vadd.f32 v21, v36;
	v62 =	vld [tilespmem:s0+$0x350]  }
0x2bd: {  	v14 =	vadd.f32 v15, v14;
	v15 =	vld [tilespmem:$0xA300];
	v20 =	vadd.f32 v45, v20  }
0x2be: {  	s1 =	sand.u32 $0x280, s24;
	v25 =	vmax.f32 v43, $0.0e+00;
	v38 =	vperm.xlane v21, v6;
	v45 =	vld [tilespmem:s0+$0x370];
	s0 =	sand.u32 $0x7800, s21  }
0x2bf: {  	v33 =	vmax.f32 v33, $0.0e+00;
	s4 =	sor.u32 s1, s0;
	v20 =	vadd.f32 v48, v20;
	v48 =	vmul.f32 v25, v13;
	v13 =	vld [tilespmem:$0xA380]  }
0x2c0: {  	v51 =	vmul.f32 v33, v11;
	v23 =	vmax.f32 v23, $0.0e+00;
	v21 =	vadd.f32 v21, v38;
	v59 =	vld [tilespmem:s4+$0x320]  }
0x2c1: {  	v57 =	vmul.f32 v23, v8;
	v23 =	vadd.f32 v63, v62;
	v63 =	vld [tilespmem:s4+$0x330]  }
0x2c2: {  	s22 =	sadd.s32 $0xE, s7;
	v40 =	vperm.xlane v21, v7;
	v42 =	vld [tilespmem:s4+$0x340];
	v20 =	vadd.f32 v51, v20  }
0x2c3: {  	s17 =	sshll.u32 s22, $0x7;
	s23 =	sshll.u32 s22, $0x8;
	v25 =	vmax.f32 v50, $0.0e+00;
	v50 =	vld [tilespmem:s4+$0x360]  }
0x2c4: {  	s29 =	sand.u32 $0x7800, s23;
	s30 =	sand.u32 $0x300, s17;
	v21 =	vadd.f32 v21, v40;
	s1 =	sadd.s32 $0xF, s7;
	v11 =	vmul.f32 v25, v11;
	v25 =	vld [tilespmem:$0xA370];
	v20 =	vadd.f32 v55, v20  }
0x2c5: {  	s6 =	sor.u32 s30, s29;
	v61 =	vmax.f32 v58, $0.0e+00;
	v49 =	vmax.f32 v30, $0.0e+00;
	s30 =	sshll.u32 s1, $0x7;
	v51 =	vld [tilespmem:s4+$0x300]  }
0x2c6: {  	v22 =	vmul.f32 v61, v10;
	v21 =	vsub.f32 $0.0e+00, v21;
	v38 =	vld [tilespmem:s30+$0x5370];
	v54 =	vpop (erf);
	v20 =	vadd.f32 v57, v20  }
0x2c7: {  	v12 =	vmul.f32 v49, v12;
	v14 =	vadd.f32 v48, v14;
	v36 =	vadd.f32 $1.000000000e+00, v54;
	v54 =	vld [tilespmem:s4+$0x310]  }
0x2c8: {  	v55 =	vmax.f32 v23, $0.0e+00;
	v23 =	vld [tilespmem:$0xA340];
	v20 =	vadd.f32 v22, v20  }
0x2c9: {  	v21 =	vmul.f32 $1.442695020e+00, v21;
	v12 =	vadd.f32 v12, v14;
	v9 =	vmul.f32 v55, v9;
	v57 =	vld [tilespmem:s24+$0x5310]  }
0x2ca: {  	(erf) = vrcp.f32 v36;
	v30 =	vadd.f32 v52, v51;
	v51 =	vld [tilespmem:s24+$0x5360];
	v46 =	vperm.xlane v20, v4  }
0x2cb: {  	v11 =	vadd.f32 v11, v12;
	(erf) = vpow2.f32 v21;
	v21 =	vmax.f32 v56, $0.0e+00;
	v56 =	vld [tilespmem:s6+$0x300]  }
0x2cc: {  	v22 =	vadd.f32 v47, v45;
	v45 =	vld [tilespmem:s24+$0x5340];
	v16 =	vadd.f32 v20, v46  }
0x2cd: {  	v9 =	vadd.f32 v9, v11;
	v8 =	vmul.f32 v21, v8;
	v47 =	vld [tilespmem:s24+$0x5350]  }
0x2ce: {  	v11 =	vadd.f32 v60, v59;
	v60 =	vld [tilespmem:s6+$0x310];
	v53 =	vperm.xlane v16, v5  }
0x2cf: {  	v61 =	vmax.f32 v22, $0.0e+00;
	v22 =	vld [tilespmem:$0xA320];
	v8 =	vadd.f32 v8, v9  }
0x2d0: {  	v62 =	vmul.f32 v61, v10;
	v14 =	vadd.f32 v57, v54;
	v54 =	vld [tilespmem:s24+$0x5370];
	v20 =	vadd.f32 v16, v53  }
0x2d1: {  	v10 =	vadd.f32 v41, v63;
	v41 =	vld [tilespmem:s6+$0x320]  }
0x2d2: {  	v46 =	vld [tilespmem:s4+$0x350];
	v9 =	vadd.f32 v62, v8;
	v58 =	vperm.xlane v20, v6  }
0x2d3: {  	v62 =	vld [tilespmem:s17+$0x5310]  }
0x2d4: {  	v32 =	vadd.f32 v45, v42;
	v42 =	vld [tilespmem:s17+$0x5320];
	v8 =	vpop (erf);
	v44 =	vperm.xlane v9, v4;
	v12 =	vadd.f32 v20, v58  }
0x2d5: {  	v45 =	vld [tilespmem:s17+$0x5330];
	v43 =	vpop (erf)  }
0x2d6: {  	v16 =	vld [tilespmem:$0xA310];
	v21 =	vadd.f32 $1.000000000e+00, v43;
	v9 =	vadd.f32 v9, v44;
	v40 =	vperm.xlane v12, v7  }
0x2d7: {  	s8 =	sshll.u32 s1, $0x8;
	v30 =	vmax.f32 v30, $0.0e+00;
	v44 =	vld [tilespmem:s6+$0x330]  }
0x2d8: {  	s9 =	sand.u32 $0x7800, s8;
	s10 =	sand.u32 $0x380, s30;
	(erf) = vrcp.f32 v21;
	v48 =	vperm.xlane v9, v5;
	v21 =	vld [tilespmem:$0xA360];
	v12 =	vadd.f32 v12, v40  }
0x2d9: {  	s0 =	sor.u32 s10, s9;
	v49 =	vmul.f32 v30, v15;
	v30 =	vadd.f32 v51, v50;
	v53 =	vld [tilespmem:s4+$0x370];
	v31 =	vadd.f32 v42, v41  }
0x2da: {  	v42 =	vld [tilespmem:s0+$0x310];
	v9 =	vadd.f32 v9, v48;
	v12 =	vsub.f32 $0.0e+00, v12  }
0x2db: {  	v11 =	vmax.f32 v11, $0.0e+00;
	v14 =	vmax.f32 v14, $0.0e+00;
	v58 =	vld [tilespmem:s17+$0x5300]  }
0x2dc: {  	v30 =	vmax.f32 v30, $0.0e+00;
	v20 =	vld [tilespmem:$0xA330];
	v52 =	vperm.xlane v9, v6;
	v12 =	vmul.f32 $1.442695020e+00, v12  }
0x2dd: {  	v14 =	vmul.f32 v14, v16;
	v48 =	vld [tilespmem:s6+$0x340];
	v43 =	vmul.f32 v30, v21;
	v30 =	vadd.f32 v45, v44  }
0x2de: {  	v44 =	vld [tilespmem:s0+$0x320];
	v9 =	vadd.f32 v9, v52;
	(erf) = vpow2.f32 v12;
	v12 =	vadd.f32 v49, v13  }
0x2df: {  	v11 =	vmul.f32 v11, v22;
	v33 =	vadd.f32 v47, v46;
	v52 =	vld [tilespmem:s6+$0x350]  }
0x2e0: {  	v47 =	vadd.f32 v58, v56;
	v56 =	vld [tilespmem:s17+$0x5360];
	v57 =	vperm.xlane v9, v7;
	v12 =	vadd.f32 v14, v12  }
0x2e1: {  	v10 =	vmax.f32 v10, $0.0e+00;
	v32 =	vmax.f32 v32, $0.0e+00;
	v14 =	vadd.f32 v54, v53;
	v53 =	vld [tilespmem:s17+$0x5350]  }
0x2e2: {  	v55 =	vmul.f32 v10, v20;
	v9 =	vadd.f32 v9, v57;
	v57 =	vld [tilespmem:s6+$0x370];
	v11 =	vadd.f32 v11, v12  }
0x2e3: {  	v59 =	vmul.f32 v32, v23;
	v51 =	vadd.f32 v62, v60;
	v33 =	vmax.f32 v33, $0.0e+00;
	v49 =	vld [tilespmem:s17+$0x5340]  }
0x2e4: {  	v31 =	vmax.f32 v31, $0.0e+00;
	v50 =	vmax.f32 v47, $0.0e+00;
	v11 =	vadd.f32 v55, v11;
	v55 =	vld [tilespmem:s6+$0x360]  }
0x2e5: {  	v40 =	vmul.f32 v33, v24;
	v9 =	vsub.f32 $0.0e+00, v9;
	v12 =	vmul.f32 v50, v15;
	v50 =	vld [tilespmem:s30+$0x5330]  }
0x2e6: {  	v10 =	vpop (erf);
	v14 =	vmax.f32 v14, $0.0e+00;
	v32 =	vadd.f32 v53, v52;
	v52 =	vld [tilespmem:s0+$0x340];
	v11 =	vadd.f32 v59, v11  }
0x2e7: {  	v46 =	vmul.f32 v14, v25;
	v14 =	vmax.f32 v51, $0.0e+00;
	v12 =	vadd.f32 v12, v13;
	v59 =	vld [tilespmem:s17+$0x5370];
	v61 =	vpop (erf)  }
0x2e8: {  	v14 =	vmul.f32 v14, v16;
	v63 =	vadd.f32 $1.000000000e+00, v61;
	v11 =	vadd.f32 v40, v11;
	v61 =	vld [tilespmem:s0+$0x300]  }
0x2e9: {  	v58 =	vmul.f32 v31, v22;
	v30 =	vmax.f32 v30, $0.0e+00;
	v33 =	vadd.f32 v56, v55;
	v55 =	vld [tilespmem:s0+$0x350]  }
0x2ea: {  	v9 =	vmul.f32 $1.442695020e+00, v9;
	v14 =	vadd.f32 v14, v12;
	v56 =	vld [tilespmem:s30+$0x5350];
	v11 =	vadd.f32 v43, v11  }
0x2eb: {  	v62 =	vmul.f32 v30, v20;
	(erf) = vrcp.f32 v63;
	v63 =	vld [tilespmem:s30+$0x5300]  }
0x2ec: {  	v14 =	vadd.f32 v58, v14;
	v43 =	vld [tilespmem:s30+$0x5310];
	(erf) = vpow2.f32 v9;
	v11 =	vadd.f32 v46, v11  }
0x2ed: {  	v29 =	vmul.f32 v17, v29;
	v9 =	vadd.f32 v49, v48;
	v48 =	vld [tilespmem:s0+$0x330]  }
0x2ee: {  	s21 =	sadd.s32 $0x10, s7;
	v32 =	vmax.f32 v32, $0.0e+00;
	v14 =	vadd.f32 v62, v14;
	v62 =	vld [tilespmem:s0+$0x370];
	v54 =	vperm.xlane v11, v4  }
0x2ef: {  	s9 =	sshll.u32 s21, $0x8;
	v40 =	vmul.f32 v8, v26;
	v45 =	vmul.f32 v32, v24;
	v31 =	vadd.f32 v59, v57;
	v59 =	vld [tilespmem:s0+$0x360]  }
0x2f0: {  	s22 =	sand.u32 $0x7800, s9;
	v9 =	vmax.f32 v9, $0.0e+00;
	v27 =	vadd.f32 v63, v61;
	v11 =	vadd.f32 v11, v54;
	v54 =	vld [tilespmem:s30+$0x5340]  }
0x2f1: {  	s1 =	sor.u32 s12, s22;
	v47 =	vmax.f32 v33, $0.0e+00;
	v46 =	vld [tilespmem:s30+$0x5320];
	v9 =	vmul.f32 v9, v23;
	v26 =	vadd.f32 v43, v42  }
0x2f2: {  	s10 =	sshll.u32 s21, $0x7;
	v58 =	vadd.f32 v50, v48;
	v48 =	vld [tilespmem:s1+$0x300];
	v27 =	vmax.f32 v27, $0.0e+00;
	v60 =	vperm.xlane v11, v5  }
0x2f3: {  	v49 =	vmul.f32 v47, v21;
	v53 =	vmax.f32 v31, $0.0e+00;
	v50 =	vld [tilespmem:s10+$0x5300];
	v27 =	vmul.f32 v27, v15  }
0x2f4: {  	v9 =	vadd.f32 v9, v14;
	v26 =	vmax.f32 v26, $0.0e+00;
	v12 =	vpop (erf);
	v11 =	vadd.f32 v11, v60;
	v60 =	vld [tilespmem:s30+$0x5360]  }
0x2f5: {  	v26 =	vmul.f32 v26, v16;
	v41 =	vpop (erf);
	v27 =	vadd.f32 v27, v13;
	v31 =	vadd.f32 v54, v52;
	v52 =	vld [tilespmem:s10+$0x5310]  }
0x2f6: {  	[tilespmem:s13+$0x7B10] =	vst v29;
	v14 =	vmul.f32 v53, v25;
	v9 =	vadd.f32 v45, v9;
	v30 =	vadd.f32 $1.000000000e+00, v41;
	v54 =	vld [tilespmem:s1+$0x320]  }
0x2f7: {  	s23 =	sadd.s32 $0x11, s7;
	v41 =	vadd.f32 v56, v55;
	v39 =	vperm.xlane v11, v6;
	v26 =	vadd.f32 v26, v27;
	v27 =	vld [tilespmem:s19+$0x720]  }
0x2f8: {  	s20 =	sshll.u32 s23, $0x7;
	v9 =	vadd.f32 v49, v9;
	(erf) = vrcp.f32 v30;
	v30 =	vadd.f32 v46, v44;
	v46 =	vld [tilespmem:s16+$0x700]  }
0x2f9: {  	v11 =	vadd.f32 v11, v39;
	v39 =	vmax.f32 v31, $0.0e+00;
	v31 =	vmax.f32 v41, $0.0e+00;
	v41 =	vld [tilespmem:s20+$0x5320]  }
0x2fa: {  	v9 =	vadd.f32 v14, v9;
	v57 =	vmax.f32 v30, $0.0e+00;
	v30 =	vmax.f32 v58, $0.0e+00;
	v58 =	vld [tilespmem:s1+$0x330]  }
0x2fb: {  	v32 =	vadd.f32 v60, v59;
	v59 =	vld [tilespmem:s10+$0x5330]  }
0x2fc: {  	v61 =	vperm.xlane v9, v4;
	v60 =	vld [tilespmem:s1+$0x340];
	v51 =	vperm.xlane v11, v7  }
0x2fd: {  	v14 =	vmul.f32 v57, v22;
	v57 =	vld [tilespmem:s10+$0x5320]  }
0x2fe: {  	v9 =	vadd.f32 v9, v61;
	v61 =	vld [tilespmem:s10+$0x5340];
	v11 =	vadd.f32 v11, v51  }
0x2ff: {  	v43 =	vmul.f32 v39, v23;
	v63 =	vmul.f32 v30, v20;
	v30 =	vadd.f32 v38, v62;
	v62 =	vld [tilespmem:s1+$0x350]  }
0x300: {  	v31 =	vmul.f32 v31, v24;
	v14 =	vadd.f32 v14, v26;
	v26 =	vld [tilespmem:s26+$0x710];
	v11 =	vsub.f32 $0.0e+00, v11  }
0x301: {  	s29 =	sshll.u32 s23, $0x8;
	v45 =	vmax.f32 v32, $0.0e+00;
	v44 =	vperm.xlane v9, v5;
	v30 =	vmax.f32 v30, $0.0e+00;
	v51 =	vld [tilespmem:s1+$0x310]  }
0x302: {  	s21 =	sand.u32 $0x7800, s29;
	s22 =	sand.u32 $0x280, s20;
	v32 =	vmul.f32 v10, v46;
	v46 =	vld [tilespmem:s1+$0x370];
	v42 =	vadd.f32 v63, v14;
	v11 =	vmul.f32 $1.442695020e+00, v11  }
0x303: {  	s21 =	sor.u32 s22, s21;
	v49 =	vmul.f32 v30, v25;
	v30 =	vadd.f32 v50, v48;
	v48 =	vld [tilespmem:s10+$0x5370];
	v9 =	vadd.f32 v9, v44  }
0x304: {  	[tilespmem:s2+$0x7B00] =	vst v40;
	v29 =	vmul.f32 v45, v21;
	v50 =	vld [tilespmem:s21+$0x300];
	(erf) = vpow2.f32 v11;
	v11 =	vadd.f32 v43, v42  }
0x305: {  	v14 =	vld [tilespmem:s11+$0x710];
	v33 =	vadd.f32 v59, v58;
	v36 =	vadd.f32 v57, v54;
	v47 =	vperm.xlane v9, v6  }
0x306: {  	v63 =	vld [tilespmem:s10+$0x5350];
	v30 =	vmax.f32 v30, $0.0e+00;
	v34 =	vadd.f32 v61, v60;
	v11 =	vadd.f32 v31, v11  }
0x307: {  	v59 =	vld [tilespmem:s21+$0x330];
	v30 =	vmul.f32 v30, v15;
	v33 =	vmax.f32 v33, $0.0e+00;
	v31 =	vadd.f32 v9, v47  }
0x308: {  	v60 =	vld [tilespmem:s20+$0x5330];
	v36 =	vmax.f32 v36, $0.0e+00;
	v34 =	vmax.f32 v34, $0.0e+00;
	v11 =	vadd.f32 v29, v11  }
0x309: {  	v44 =	vld [tilespmem:s10+$0x5360];
	v30 =	vadd.f32 v30, v13;
	v53 =	vperm.xlane v31, v7;
	v29 =	vadd.f32 v52, v51  }
0x30a: {  	s23 =	sadd.s32 $0x12, s7;
	[tilespmem:s18+$0x7B00] =	vst v32;
	v26 =	vmul.f32 v18, v26;
	v32 =	vadd.f32 v48, v46;
	v51 =	vld [tilespmem:s20+$0x5300];
	v11 =	vadd.f32 v49, v11  }
0x30b: {  	s29 =	sshll.u32 s23, $0x8;
	s22 =	sshll.u32 s23, $0x7;
	v57 =	vld [tilespmem:s21+$0x320];
	v45 =	vmul.f32 v36, v22;
	v31 =	vadd.f32 v31, v53;
	v29 =	vmax.f32 v29, $0.0e+00  }
0x30c: {  	s8 =	sand.u32 $0x7800, s29;
	s23 =	sand.u32 $0x300, s22;
	v42 =	vld [tilespmem:s1+$0x360];
	v32 =	vmax.f32 v32, $0.0e+00;
	v29 =	vmul.f32 v29, v16;
	v56 =	vperm.xlane v11, v4  }
0x30d: {  	v36 =	vld [tilespmem:s16+$0x710];
	s1 =	sor.u32 s23, s8;
	v9 =	vpop (erf);
	v58 =	vmul.f32 v32, v25;
	v32 =	vadd.f32 v60, v59;
	v31 =	vsub.f32 $0.0e+00, v31  }
0x30e: {  	v46 =	vld [tilespmem:s1+$0x330];
	v47 =	vmul.f32 v33, v20;
	v55 =	vpop (erf);
	v29 =	vadd.f32 v29, v30;
	v11 =	vadd.f32 v11, v56  }
0x30f: {  	v32 =	vmax.f32 v32, $0.0e+00;
	v53 =	vld [tilespmem:s21+$0x310];
	v61 =	vadd.f32 v51, v50;
	v37 =	vadd.f32 $1.000000000e+00, v55  }
0x310: {  	v49 =	vmul.f32 v34, v23;
	v55 =	vld [tilespmem:s20+$0x5310];
	v29 =	vadd.f32 v45, v29;
	v38 =	vperm.xlane v11, v5  }
0x311: {  	v60 =	vld [tilespmem:s22+$0x5310];
	v31 =	vmul.f32 $1.442695020e+00, v31;
	v30 =	vmax.f32 v61, $0.0e+00;
	(erf) = vrcp.f32 v37  }
0x312: {  	v37 =	vld [tilespmem:s5+$0x700];
	v30 =	vmul.f32 v30, v15;
	v29 =	vadd.f32 v47, v29;
	v11 =	vadd.f32 v11, v38  }
0x313: {  	(erf) = vpow2.f32 v31;
	v31 =	vadd.f32 v44, v42;
	v38 =	vadd.f32 v63, v62;
	v62 =	vld [tilespmem:s21+$0x340]  }
0x314: {  	v44 =	vmul.f32 v8, v14;
	v63 =	vld [tilespmem:s20+$0x5340];
	v30 =	vadd.f32 v30, v13;
	v43 =	vperm.xlane v11, v6  }
0x315: {  	v42 =	vld [tilespmem:s20+$0x5350];
	v29 =	vadd.f32 v49, v29;
	v33 =	vadd.f32 v55, v53;
	v38 =	vmax.f32 v38, $0.0e+00  }
0x316: {  	v31 =	vmax.f32 v31, $0.0e+00;
	v49 =	vld [tilespmem:s21+$0x350];
	v52 =	vmul.f32 v38, v24;
	v11 =	vadd.f32 v11, v43  }
0x317: {  	v50 =	vld [tilespmem:s21+$0x360];
	v56 =	vmul.f32 v31, v21;
	v31 =	vadd.f32 v41, v57;
	v33 =	vmax.f32 v33, $0.0e+00  }
0x318: {  	v51 =	vld [tilespmem:s20+$0x5360];
	v37 =	vmul.f32 v12, v37;
	v29 =	vadd.f32 v52, v29;
	v39 =	vperm.xlane v11, v7  }
0x319: {  	v45 =	vld [tilespmem:s22+$0x5320];
	v33 =	vmul.f32 v33, v16;
	v31 =	vmax.f32 v31, $0.0e+00;
	v34 =	vadd.f32 v63, v62  }
0x31a: {  	v53 =	vld [tilespmem:s20+$0x5370];
	v31 =	vmul.f32 v31, v22;
	v29 =	vadd.f32 v56, v29;
	v39 =	vadd.f32 v11, v39  }
0x31b: {  	v55 =	vld [tilespmem:s1+$0x300];
	v30 =	vadd.f32 v33, v30;
	v38 =	vadd.f32 v42, v49;
	v56 =	vmul.f32 v32, v20;
	v11 =	vpop (erf)  }
0x31c: {  	v57 =	vld [tilespmem:s22+$0x5300];
	v34 =	vmax.f32 v34, $0.0e+00;
	v54 =	vpop (erf);
	v29 =	vadd.f32 v58, v29;
	v39 =	vsub.f32 $0.0e+00, v39  }
0x31d: {  	v52 =	vld [tilespmem:s21+$0x370];
	v30 =	vadd.f32 v31, v30;
	v59 =	vmul.f32 v34, v23;
	v40 =	vadd.f32 $1.000000000e+00, v54  }
0x31e: {  	v62 =	vld [tilespmem:s1+$0x320];
	[tilespmem:s14+$0x7B00] =	vst v37;
	v48 =	vperm.xlane v29, v4;
	v39 =	vmul.f32 $1.442695020e+00, v39  }
0x31f: {  	v37 =	vld [tilespmem:s5+$0x710];
	v38 =	vmax.f32 v38, $0.0e+00;
	v30 =	vadd.f32 v56, v30;
	(erf) = vrcp.f32 v40  }
0x320: {  	v58 =	vld [tilespmem:s1+$0x310];
	v40 =	vadd.f32 v51, v50;
	v29 =	vadd.f32 v29, v48;
	(erf) = vpow2.f32 v39  }
0x321: {  	v32 =	vadd.f32 v57, v55;
	v57 =	vld [tilespmem:s22+$0x5360];
	v63 =	vmul.f32 v38, v24;
	v30 =	vadd.f32 v59, v30  }
0x322: {  	v33 =	vadd.f32 v53, v52;
	v52 =	vld [tilespmem:s22+$0x5340];
	v40 =	vmax.f32 v40, $0.0e+00;
	v43 =	vperm.xlane v29, v5  }
0x323: {  	v32 =	vmax.f32 v32, $0.0e+00;
	v50 =	vld [tilespmem:s1+$0x340];
	v30 =	vadd.f32 v63, v30;
	v47 =	vmul.f32 v40, v21  }
0x324: {  	v32 =	vmul.f32 v32, v15;
	v51 =	vmax.f32 v33, $0.0e+00;
	v48 =	vld [tilespmem:s22+$0x5330];
	v29 =	vadd.f32 v29, v43  }
0x325: {  	s29 =	sadd.s32 $0x13, s7;
	v53 =	vld [tilespmem:s1+$0x350];
	v31 =	vmul.f32 v51, v25;
	v34 =	vadd.f32 v60, v58;
	v30 =	vadd.f32 v47, v30  }
0x326: {  	s23 =	sshll.u32 s29, $0x8;
	s8 =	sshll.u32 s29, $0x7;
	v36 =	vmul.f32 v10, v36;
	v38 =	vadd.f32 v45, v62;
	v56 =	vld [tilespmem:s1+$0x360];
	v61 =	vperm.xlane v29, v6  }
0x327: {  	s23 =	sand.u32 $0x7800, s23;
	s29 =	sand.u32 $0x380, s8;
	[tilespmem:s2+$0x7B10] =	vst v44;
	v32 =	vadd.f32 v32, v13;
	v59 =	vld [tilespmem:s1+$0x370];
	v34 =	vmax.f32 v34, $0.0e+00;
	v30 =	vadd.f32 v31, v30  }
0x328: {  	s23 =	sor.u32 s29, s23;
	v55 =	vmax.f32 v38, $0.0e+00;
	v40 =	vld [tilespmem:s11+$0x720];
	v34 =	vmul.f32 v34, v16;
	v14 =	vpop (erf);
	v29 =	vadd.f32 v29, v61  }
0x329: {  	v51 =	vld [tilespmem:s23+$0x300];
	v33 =	vadd.f32 v52, v50;
	v35 =	vadd.f32 v48, v46;
	v58 =	vperm.xlane v30, v4;
	v54 =	vpop (erf)  }
0x32a: {  	v32 =	vadd.f32 v34, v32;
	v49 =	vperm.xlane v29, v7;
	v43 =	vadd.f32 $1.000000000e+00, v54;
	v54 =	vld [tilespmem:s22+$0x5350]  }
0x32b: {  	v63 =	vld [tilespmem:s22+$0x5370];
	v31 =	vmul.f32 v55, v22;
	v33 =	vmax.f32 v33, $0.0e+00;
	v30 =	vadd.f32 v30, v58  }
0x32c: {  	v34 =	vadd.f32 v57, v56;
	v55 =	vld [tilespmem:s23+$0x310];
	v46 =	vmul.f32 v33, v23;
	v29 =	vadd.f32 v29, v49  }
0x32d: {  	v56 =	vld [tilespmem:s8+$0x5310];
	v35 =	vmax.f32 v35, $0.0e+00;
	v42 =	vmul.f32 v8, v40;
	v47 =	vperm.xlane v30, v5  }
0x32e: {  	v57 =	vld [tilespmem:s23+$0x320];
	v61 =	vadd.f32 v31, v32;
	v62 =	vmul.f32 v35, v20;
	v29 =	vsub.f32 $0.0e+00, v29  }
0x32f: {  	[tilespmem:s25+$0x7B10] =	vst v26;
	v50 =	vmax.f32 v34, $0.0e+00;
	v30 =	vadd.f32 v30, v47;
	v44 =	vadd.f32 v54, v53;
	v53 =	vld [tilespmem:s8+$0x5300]  }
0x330: {  	v35 =	vld [tilespmem:s26+$0x720];
	v32 =	vadd.f32 v63, v59;
	v52 =	vmul.f32 v50, v21;
	v45 =	vadd.f32 v62, v61  }
0x331: {  	v63 =	vld [tilespmem:s8+$0x5330];
	v60 =	vmul.f32 $1.442695020e+00, v29;
	v54 =	vperm.xlane v30, v6;
	v48 =	vmax.f32 v44, $0.0e+00  }
0x332: {  	v61 =	vld [tilespmem:s23+$0x330];
	v26 =	vadd.f32 v46, v45;
	(erf) = vrcp.f32 v43;
	v49 =	vmul.f32 v48, v24  }
0x333: {  	[tilespmem:s18+$0x7B10] =	vst v36;
	v58 =	vld [tilespmem:s8+$0x5320];
	v38 =	vadd.f32 v56, v55;
	(erf) = vpow2.f32 v60;
	v30 =	vadd.f32 v30, v54  }
0x334: {  	v31 =	vld [tilespmem:s16+$0x720];
	v32 =	vmax.f32 v32, $0.0e+00;
	v26 =	vadd.f32 v49, v26;
	v33 =	vadd.f32 v53, v51  }
0x335: {  	v50 =	vld [tilespmem:s23+$0x350];
	v32 =	vmul.f32 v32, v25;
	v38 =	vmax.f32 v38, $0.0e+00;
	v60 =	vperm.xlane v30, v7  }
0x336: {  	v16 =	vmul.f32 v38, v16;
	v48 =	vld [tilespmem:s23+$0x340];
	v29 =	vadd.f32 v52, v26;
	v33 =	vmax.f32 v33, $0.0e+00  }
0x337: {  	v34 =	vadd.f32 v63, v61;
	v49 =	vld [tilespmem:s8+$0x5340];
	v30 =	vadd.f32 v30, v60;
	v15 =	vmul.f32 v33, v15  }
0x338: {  	v55 =	vld [tilespmem:s8+$0x5360];
	v61 =	vmul.f32 v17, v27;
	v29 =	vadd.f32 v32, v29;
	v32 =	vadd.f32 v58, v57  }
0x339: {  	v56 =	vmax.f32 v34, $0.0e+00;
	v51 =	vmul.f32 v12, v37;
	v52 =	vld [tilespmem:s8+$0x5350];
	v13 =	vadd.f32 v15, v13  }
0x33a: {  	v44 =	vmul.f32 v10, v31;
	v53 =	vld [tilespmem:s23+$0x360];
	v30 =	vsub.f32 $0.0e+00, v30;
	v32 =	vmax.f32 v32, $0.0e+00  }
0x33b: {  	v37 =	vmul.f32 v18, v35;
	v60 =	vld [tilespmem:s8+$0x5370];
	[tilespmem:s14+$0x7B10] =	vst v51;
	v26 =	vpop (erf);
	v13 =	vadd.f32 v16, v13;
	v22 =	vmul.f32 v32, v22  }
0x33c: {  	v63 =	vld [tilespmem:s5+$0x720];
	v30 =	vmul.f32 $1.442695020e+00, v30;
	v33 =	vadd.f32 v49, v48;
	v59 =	vpop (erf);
	v62 =	vperm.xlane v29, v4  }
0x33d: {  	v57 =	vld [tilespmem:s23+$0x370];
	v41 =	vadd.f32 $1.000000000e+00, v59;
	v59 =	vmul.f32 v56, v20;
	v13 =	vadd.f32 v22, v13  }
0x33e: {  	[tilespmem:s13+$0x7B20] =	vst v61;
	v33 =	vmax.f32 v33, $0.0e+00;
	v29 =	vadd.f32 v29, v62;
	v62 =	vadd.f32 v52, v50  }
0x33f: {  	v36 =	vmul.f32 v33, v23;
	(erf) = vrcp.f32 v41;
	v41 =	vld [tilespmem:s19+$0x730];
	v13 =	vadd.f32 v59, v13  }
0x340: {  	v38 =	vadd.f32 v55, v53;
	v54 =	vperm.xlane v29, v5;
	v27 =	vmax.f32 v62, $0.0e+00  }
0x341: {  	[tilespmem:s2+$0x7B20] =	vst v42;
	v46 =	vmul.f32 v12, v63;
	v39 =	vmul.f32 v27, v24;
	v13 =	vadd.f32 v36, v13  }
0x342: {  	v47 =	vld [tilespmem:s11+$0x730];
	v22 =	vmax.f32 v38, $0.0e+00;
	v20 =	vadd.f32 v60, v57;
	v58 =	vadd.f32 v29, v54  }
0x343: {  	[tilespmem:s25+$0x7B20] =	vst v37;
	(erf) = vpow2.f32 v30;
	v21 =	vmul.f32 v22, v21;
	v13 =	vadd.f32 v39, v13  }
0x344: {  	[tilespmem:s18+$0x7B20] =	vst v44;
	v43 =	vld [tilespmem:s26+$0x730];
	v20 =	vmax.f32 v20, $0.0e+00;
	v48 =	vperm.xlane v58, v6;
	v50 =	vmul.f32 v17, v41  }
0x345: {  	v28 =	vmul.f32 v19, v28;
	v49 =	vld [tilespmem:s16+$0x730];
	[tilespmem:s14+$0x7B20] =	vst v46;
	v20 =	vmul.f32 v20, v25;
	v13 =	vadd.f32 v21, v13  }
0x346: {  	v51 =	vld [tilespmem:s5+$0x730];
	v15 =	vadd.f32 v58, v48;
	[tilespmem:s13+$0x7B30] =	vst v50  }
0x347: {  	[tilespmem:s28+$0x7B20] =	vst v28;
	s29 =	sor.u32 $0x430, s3;
	v22 =	vmul.f32 v8, v47;
	v55 =	vld [tilespmem:s19+$0x740];
	v20 =	vadd.f32 v20, v13  }
0x348: {  	v45 =	vld [tilespmem:s29+$0x300];
	v54 =	vperm.xlane v15, v7  }
0x349: {  	v52 =	vmul.f32 v18, v43;
	[tilespmem:s2+$0x7B30] =	vst v22;
	v56 =	vperm.xlane v20, v4  }
0x34a: {  	v16 =	vmul.f32 v10, v49;
	v60 =	vld [tilespmem:s11+$0x740];
	v15 =	vadd.f32 v15, v54  }
0x34b: {  	[tilespmem:s25+$0x7B30] =	vst v52;
	v59 =	vmul.f32 v12, v51;
	v13 =	vpop (erf);
	v20 =	vadd.f32 v20, v56  }
0x34c: {  	v57 =	vld [tilespmem:s26+$0x740];
	[tilespmem:s18+$0x7B30] =	vst v16;
	v61 =	vpop (erf);
	v15 =	vsub.f32 $0.0e+00, v15;
	v25 =	vmul.f32 v17, v55  }
0x34d: {  	v53 =	vmul.f32 v19, v45;
	v62 =	vld [tilespmem:s16+$0x740];
	[tilespmem:s14+$0x7B30] =	vst v59;
	v16 =	vadd.f32 $1.000000000e+00, v61;
	v63 =	vperm.xlane v20, v5  }
0x34e: {  	v32 =	vld [tilespmem:s5+$0x740];
	v15 =	vmul.f32 $1.442695020e+00, v15;
	[tilespmem:s13+$0x7B40] =	vst v25  }
0x34f: {  	s29 =	sor.u32 $0x440, s3;
	[tilespmem:s28+$0x7B30] =	vst v53;
	v35 =	vmul.f32 v8, v60;
	(erf) = vrcp.f32 v16;
	v34 =	vld [tilespmem:s19+$0x750];
	v20 =	vadd.f32 v20, v63  }
0x350: {  	v58 =	vld [tilespmem:s29+$0x300];
	(erf) = vpow2.f32 v15  }
0x351: {  	v33 =	vmul.f32 v18, v57;
	[tilespmem:s2+$0x7B40] =	vst v35;
	v22 =	vperm.xlane v20, v6  }
0x352: {  	v40 =	vld [tilespmem:s11+$0x750]  }
0x353: {  	v31 =	vld [tilespmem:s0+$0x700];
	[tilespmem:s25+$0x7B40] =	vst v33;
	v37 =	vmul.f32 v10, v62;
	v20 =	vadd.f32 v20, v22  }
0x354: {  	v36 =	vld [tilespmem:s26+$0x750];
	v39 =	vmul.f32 v12, v32;
	v15 =	vmul.f32 v34, v17  }
0x355: {  	v30 =	vld [tilespmem:s6+$0x700];
	[tilespmem:s18+$0x7B40] =	vst v37;
	v21 =	vmul.f32 v19, v58;
	v41 =	vperm.xlane v20, v7  }
0x356: {  	v29 =	vld [tilespmem:s4+$0x700];
	[tilespmem:s14+$0x7B40] =	vst v39  }
0x357: {  	[tilespmem:s28+$0x7B40] =	vst v21;
	v42 =	vld [tilespmem:s5+$0x750];
	v22 =	vmul.f32 v40, v8;
	v16 =	vadd.f32 v20, v41  }
0x358: {  	s29 =	sor.u32 $0x450, s3;
	v21 =	vld [tilespmem:s16+$0x750];
	[tilespmem:s13+$0x7B50] =	vst v15;
	v15 =	vpop (erf)  }
0x359: {  	v38 =	vld [tilespmem:s29+$0x300];
	v23 =	vmul.f32 v36, v18;
	[tilespmem:s2+$0x7B50] =	vst v22;
	v45 =	vpop (erf);
	v16 =	vsub.f32 $0.0e+00, v16  }
0x35a: {  	v51 =	vld [tilespmem:s11+$0x760];
	v48 =	vadd.f32 $1.000000000e+00, v45  }
0x35b: {  	v33 =	vld [tilespmem:s21+$0x700];
	[tilespmem:s25+$0x7B50] =	vst v23;
	v16 =	vmul.f32 $1.442695020e+00, v16  }
0x35c: {  	v46 =	vld [tilespmem:s26+$0x760];
	v50 =	vmul.f32 v42, v12;
	(erf) = vrcp.f32 v48  }
0x35d: {  	v35 =	vld [tilespmem:s1+$0x700];
	v47 =	vmul.f32 v21, v10;
	(erf) = vpow2.f32 v16  }
0x35e: {  	v43 =	vmul.f32 v38, v19;
	v44 =	vld [tilespmem:s19+$0x760];
	[tilespmem:s14+$0x7B50] =	vst v50  }
0x35f: {  	[tilespmem:s18+$0x7B50] =	vst v47;
	v53 =	vld [tilespmem:s5+$0x760];
	v57 =	vmul.f32 v51, v8  }
0x360: {  	s29 =	sor.u32 $0x460, s3;
	v39 =	vmul.f32 v26, v31;
	[tilespmem:s28+$0x7B50] =	vst v43;
	v20 =	vld [tilespmem:s16+$0x760]  }
0x361: {  	v49 =	vld [tilespmem:s29+$0x300];
	v54 =	vmul.f32 v46, v18;
	[tilespmem:s2+$0x7B60] =	vst v57  }
0x362: {  	[tilespmem:s30+$0x7B00] =	vst v39;
	v41 =	vmul.f32 v15, v33;
	v22 =	vld [tilespmem:s11+$0x770]  }
0x363: {  	v42 =	vld [tilespmem:s0+$0x710];
	[tilespmem:s25+$0x7B60] =	vst v54;
	v52 =	vmul.f32 v44, v17  }
0x364: {  	v58 =	vld [tilespmem:s26+$0x770];
	[tilespmem:s20+$0x7B00] =	vst v41;
	v21 =	vmul.f32 v53, v12  }
0x365: {  	v46 =	vld [tilespmem:s21+$0x710];
	[tilespmem:s13+$0x7B60] =	vst v52;
	v59 =	vmul.f32 v20, v10;
	v16 =	vpop (erf)  }
0x366: {  	v55 =	vmul.f32 v49, v19;
	v56 =	vld [tilespmem:s19+$0x770];
	[tilespmem:s14+$0x7B60] =	vst v21;
	v62 =	vpop (erf)  }
0x367: {  	s19 =	sld [smem:$0x7E6];
	[tilespmem:s18+$0x7B60] =	vst v59;
	v21 =	vld [tilespmem:s5+$0x770];
	s5 =	sor.u32 s12, s9;
	v8 =	vmul.f32 v22, v8;
	v23 =	vadd.f32 $1.000000000e+00, v62  }
0x368: {  	[tilespmem:s28+$0x7B60] =	vst v55;
	v61 =	vld [tilespmem:s16+$0x770];
	s9 =	sor.u32 $0x400, s5  }
0x369: {  	s3 =	sor.u32 $0x470, s3;
	v36 =	vmul.f32 v14, v30;
	[tilespmem:s2+$0x7B70] =	vst v8;
	v8 =	vld [tilespmem:s9+$0x300];
	(erf) = vrcp.f32 v23  }
0x36a: {  	v34 =	vmul.f32 v11, v29;
	v60 =	vld [tilespmem:s3+$0x300];
	s3 =	sor.u32 s19, s15  }
0x36b: {  	[tilespmem:s17+$0x7B00] =	vst v36;
	v47 =	vmul.f32 v26, v42;
	s26 =	sor.u32 $0x400, s3  }
0x36c: {  	[tilespmem:s24+$0x7B00] =	vst v34;
	v18 =	vmul.f32 v58, v18;
	v63 =	vld [tilespmem:s26+$0x300]  }
0x36d: {  	[tilespmem:s30+$0x7B10] =	vst v47;
	v51 =	vmul.f32 v15, v46  }
0x36e: {  	v37 =	vld [tilespmem:s23+$0x700];
	[tilespmem:s25+$0x7B70] =	vst v18;
	v10 =	vmul.f32 v61, v10;
	v8 =	vmul.f32 v13, v8  }
0x36f: {  	v28 =	vmul.f32 v60, v19;
	[tilespmem:s20+$0x7B10] =	vst v51;
	v19 =	vmul.f32 v16, v35  }
0x370: {  	v40 =	vld [tilespmem:s4+$0x710];
	[tilespmem:s18+$0x7B70] =	vst v10  }
0x371: {  	[tilespmem:s22+$0x7B00] =	vst v19;
	v32 =	vmul.f32 v9, v63  }
0x372: {  	v17 =	vmul.f32 v56, v17;
	v10 =	vld [tilespmem:s6+$0x710];
	[tilespmem:s10+$0x7B00] =	vst v8;
	v8 =	vpop (erf)  }
0x373: {  	s29 =	sor.u32 $0x410, s3;
	v19 =	vld [tilespmem:s1+$0x710];
	[tilespmem:s31+$0x7B00] =	vst v32;
	v44 =	vmul.f32 v8, v37  }
0x374: {  	[tilespmem:s13+$0x7B70] =	vst v17;
	v12 =	vmul.f32 v21, v12;
	s9 =	sor.u32 $0x410, s5;
	v38 =	vld [tilespmem:s29+$0x300]  }
0x375: {  	v17 =	vmul.f32 v11, v40;
	v43 =	vld [tilespmem:s9+$0x300];
	[tilespmem:s8+$0x7B00] =	vst v44  }
0x376: {  	[tilespmem:s14+$0x7B70] =	vst v12;
	v12 =	vld [tilespmem:s23+$0x710]  }
0x377: {  	v56 =	vld [tilespmem:s21+$0x720];
	[tilespmem:s24+$0x7B10] =	vst v17;
	v10 =	vmul.f32 v14, v10  }
0x378: {  	[tilespmem:s28+$0x7B70] =	vst v28;
	v48 =	vld [tilespmem:s4+$0x720];
	v53 =	vmul.f32 v16, v19  }
0x379: {  	v52 =	vld [tilespmem:s0+$0x720];
	[tilespmem:s17+$0x7B10] =	vst v10;
	v45 =	vmul.f32 v9, v38  }
0x37a: {  	v50 =	vld [tilespmem:s6+$0x720];
	[tilespmem:s22+$0x7B10] =	vst v53;
	v49 =	vmul.f32 v13, v43  }
0x37b: {  	s11 =	sor.u32 $0x420, s3;
	v58 =	vld [tilespmem:s1+$0x720];
	[tilespmem:s31+$0x7B10] =	vst v45;
	v12 =	vmul.f32 v8, v12  }
0x37c: {  	s12 =	sor.u32 $0x420, s5;
	v27 =	vmul.f32 v15, v56;
	v18 =	vld [tilespmem:s11+$0x300];
	[tilespmem:s10+$0x7B10] =	vst v49  }
0x37d: {  	v57 =	vmul.f32 v11, v48;
	v54 =	vld [tilespmem:s12+$0x300];
	[tilespmem:s8+$0x7B10] =	vst v12  }
0x37e: {  	v62 =	vmul.f32 v26, v52;
	[tilespmem:s20+$0x7B20] =	vst v27;
	v60 =	vld [tilespmem:s23+$0x720]  }
0x37f: {  	v33 =	vld [tilespmem:s21+$0x730];
	[tilespmem:s24+$0x7B20] =	vst v57;
	v59 =	vmul.f32 v14, v50  }
0x380: {  	[tilespmem:s30+$0x7B20] =	vst v62;
	v63 =	vld [tilespmem:s4+$0x730];
	v29 =	vmul.f32 v16, v58  }
0x381: {  	v28 =	vld [tilespmem:s0+$0x730];
	[tilespmem:s17+$0x7B20] =	vst v59;
	v55 =	vmul.f32 v9, v18  }
0x382: {  	v25 =	vld [tilespmem:s6+$0x730];
	[tilespmem:s22+$0x7B20] =	vst v29;
	v24 =	vmul.f32 v13, v54  }
0x383: {  	s13 =	sor.u32 $0x430, s3;
	v35 =	vld [tilespmem:s1+$0x730];
	[tilespmem:s31+$0x7B20] =	vst v55;
	v31 =	vmul.f32 v8, v60  }
0x384: {  	s14 =	sor.u32 $0x430, s5;
	v43 =	vmul.f32 v15, v33;
	v61 =	vld [tilespmem:s13+$0x300];
	[tilespmem:s10+$0x7B20] =	vst v24  }
0x385: {  	v34 =	vmul.f32 v11, v63;
	v30 =	vld [tilespmem:s14+$0x300];
	[tilespmem:s8+$0x7B20] =	vst v31  }
0x386: {  	v39 =	vmul.f32 v26, v28;
	[tilespmem:s20+$0x7B30] =	vst v43;
	v37 =	vld [tilespmem:s23+$0x730]  }
0x387: {  	v49 =	vld [tilespmem:s21+$0x740];
	[tilespmem:s24+$0x7B30] =	vst v34;
	v36 =	vmul.f32 v14, v25  }
0x388: {  	[tilespmem:s30+$0x7B30] =	vst v39;
	v40 =	vld [tilespmem:s4+$0x740];
	v45 =	vmul.f32 v16, v35  }
0x389: {  	v44 =	vld [tilespmem:s0+$0x740];
	[tilespmem:s17+$0x7B30] =	vst v36;
	v32 =	vmul.f32 v9, v61  }
0x38a: {  	v42 =	vld [tilespmem:s6+$0x740];
	[tilespmem:s22+$0x7B30] =	vst v45;
	v41 =	vmul.f32 v13, v30  }
0x38b: {  	s15 =	sor.u32 $0x440, s3;
	v51 =	vld [tilespmem:s1+$0x740];
	[tilespmem:s31+$0x7B30] =	vst v32;
	v47 =	vmul.f32 v8, v37  }
0x38c: {  	s16 =	sor.u32 $0x440, s5;
	v59 =	vmul.f32 v15, v49;
	v38 =	vld [tilespmem:s15+$0x300];
	[tilespmem:s10+$0x7B30] =	vst v41  }
0x38d: {  	v50 =	vmul.f32 v40, v11;
	v46 =	vld [tilespmem:s16+$0x300];
	[tilespmem:s8+$0x7B30] =	vst v47  }
0x38e: {  	v55 =	vmul.f32 v26, v44;
	[tilespmem:s20+$0x7B40] =	vst v59;
	v53 =	vld [tilespmem:s23+$0x740]  }
0x38f: {  	v25 =	vld [tilespmem:s21+$0x750];
	[tilespmem:s24+$0x7B40] =	vst v50;
	v52 =	vmul.f32 v14, v42  }
0x390: {  	[tilespmem:s30+$0x7B40] =	vst v55;
	v56 =	vld [tilespmem:s4+$0x750];
	v61 =	vmul.f32 v16, v51  }
0x391: {  	v60 =	vld [tilespmem:s0+$0x750];
	[tilespmem:s17+$0x7B40] =	vst v52;
	v48 =	vmul.f32 v9, v38  }
0x392: {  	v58 =	vld [tilespmem:s6+$0x750];
	[tilespmem:s22+$0x7B40] =	vst v61;
	v57 =	vmul.f32 v13, v46  }
0x393: {  	s18 =	sor.u32 $0x450, s3;
	v28 =	vld [tilespmem:s1+$0x750];
	[tilespmem:s31+$0x7B40] =	vst v48;
	v63 =	vmul.f32 v8, v53  }
0x394: {  	s19 =	sor.u32 $0x450, s5;
	v36 =	vmul.f32 v25, v15;
	v54 =	vld [tilespmem:s18+$0x300];
	[tilespmem:s10+$0x7B40] =	vst v57  }
0x395: {  	v27 =	vmul.f32 v56, v11;
	v62 =	vld [tilespmem:s19+$0x300];
	[tilespmem:s8+$0x7B40] =	vst v63  }
0x396: {  	[tilespmem:s20+$0x7B50] =	vst v36;
	v32 =	vmul.f32 v60, v26;
	v30 =	vld [tilespmem:s23+$0x750]  }
0x397: {  	v42 =	vld [tilespmem:s21+$0x760];
	[tilespmem:s24+$0x7B50] =	vst v27;
	v29 =	vmul.f32 v58, v14  }
0x398: {  	v33 =	vld [tilespmem:s4+$0x760];
	[tilespmem:s30+$0x7B50] =	vst v32;
	v38 =	vmul.f32 v28, v16  }
0x399: {  	v37 =	vld [tilespmem:s0+$0x760];
	[tilespmem:s17+$0x7B50] =	vst v29;
	v24 =	vmul.f32 v54, v9  }
0x39a: {  	v35 =	vld [tilespmem:s6+$0x760];
	[tilespmem:s22+$0x7B50] =	vst v38;
	v34 =	vmul.f32 v62, v13  }
0x39b: {  	s25 =	sor.u32 $0x460, s3;
	v44 =	vld [tilespmem:s1+$0x760];
	[tilespmem:s31+$0x7B50] =	vst v24;
	v40 =	vmul.f32 v30, v8  }
0x39c: {  	s26 =	sor.u32 $0x460, s5;
	v52 =	vmul.f32 v42, v15;
	v31 =	vld [tilespmem:s25+$0x300];
	[tilespmem:s10+$0x7B50] =	vst v34  }
0x39d: {  	v43 =	vmul.f32 v33, v11;
	v39 =	vld [tilespmem:s26+$0x300];
	[tilespmem:s8+$0x7B50] =	vst v40  }
0x39e: {  	[tilespmem:s20+$0x7B60] =	vst v52;
	v48 =	vmul.f32 v37, v26;
	v46 =	vld [tilespmem:s23+$0x760]  }
0x39f: {  	v57 =	vld [tilespmem:s21+$0x770];
	[tilespmem:s24+$0x7B60] =	vst v43;
	v45 =	vmul.f32 v35, v14  }
0x3a0: {  	v49 =	vld [tilespmem:s4+$0x770];
	[tilespmem:s30+$0x7B60] =	vst v48;
	v54 =	vmul.f32 v44, v16  }
0x3a1: {  	v53 =	vld [tilespmem:s0+$0x770];
	[tilespmem:s17+$0x7B60] =	vst v45;
	v41 =	vmul.f32 v31, v9  }
0x3a2: {  	v51 =	vld [tilespmem:s6+$0x770];
	[tilespmem:s22+$0x7B60] =	vst v54;
	v50 =	vmul.f32 v39, v13  }
0x3a3: {  	s28 =	sor.u32 $0x470, s3;
	v12 =	vld [tilespmem:s1+$0x770];
	[tilespmem:s31+$0x7B60] =	vst v41;
	v56 =	vmul.f32 v46, v8  }
0x3a4: {  	s29 =	sor.u32 $0x470, s5;
	v62 =	vmul.f32 v57, v15;
	v47 =	vld [tilespmem:s28+$0x300];
	[tilespmem:s10+$0x7B60] =	vst v50  }
0x3a5: {  	v11 =	vmul.f32 v49, v11;
	v55 =	vld [tilespmem:s29+$0x300];
	[tilespmem:s8+$0x7B60] =	vst v56  }
0x3a6: {  	[tilespmem:s20+$0x7B70] =	vst v62;
	v60 =	vmul.f32 v53, v26;
	v58 =	vld [tilespmem:s23+$0x770]  }
0x3a7: {  	[tilespmem:s24+$0x7B70] =	vst v11;
	v59 =	vmul.f32 v51, v14  }
0x3a8: {  	p2 =	slt.u32 s7, $0x14;
	[tilespmem:s30+$0x7B70] =	vst v60;
	v63 =	vmul.f32 v12, v16  }
.Ltmp3:
0x3a9: {  	[tilespmem:s17+$0x7B70] =	vst v59;
	v9 =	vmul.f32 v47, v9;
	(pc) =	sbr.rel @p2 .LBB2_5-.Ltmp3, $4  }
0x3aa: {  	[tilespmem:s22+$0x7B70] =	vst v63;
	v61 =	vmul.f32 v55, v13  }
0x3ab: {  	[tilespmem:s31+$0x7B70] =	vst v9;
	v8 =	vmul.f32 v58, v8  }
0x3ac: {  	s31 =	sadd.s32 $0x14, s7;
	[tilespmem:s10+$0x7B70] =	vst v61  }
0x3ad: {  	s7 =	smov.u32 s31;
	[tilespmem:s8+$0x7B70] =	vst v8  }
0x3ae: {  	s0 =	rddreg [dreg:$0x2]  }
0x3af: {  	s1 =	simm.s32 $0x7B00;
	s2 =	simm.s32 $0x28;
	s3 =	simm.s32 $0x200  }
0x3b0: {  	[spmem:s0] =	stream.indirect.scatter.add.f32 [tilespmem:s1], [sflag:$0x5], $0x80, s3, s2, $0xb8;
	[tilespmem:$0x1DC80] =	vst v63  }
0x3b1: {  	s0 =	simm.s32 @!p1 $0x7  }
0x3b2: {  	_ =	swait.ge @!p1 [sflag:s0], $0x28  }
0x3b3: {  	[sflag:s0] =	ssyncset.done @!p1 $0x0  }
0x3b4: {  	[sflag:s0] =	ssyncadd.s32 @!p1 $0xFFFFFFD8;
	s0 =	simm.s32 @!p1 $0x9  }
0x3b5: {  	_ =	swait.ge @!p1 [sflag:s0], $0x28  }
0x3b6: {  	[sflag:s0] =	ssyncset.done @!p1 $0x0  }
0x3b7: {  	[sflag:s0] =	ssyncadd.s32 @!p1 $0xFFFFFFD8  }
0x3b8: {  	v8 =	vld @!p1 [tilespmem:$0x0];
	_ =	sdelay $0x4  }
0x3b9: {  	v9 =	vshll.u32 @!p1 v8, $0x1  }
0x3ba: {  	v10 =	vlaneseq.u32 @!p1;
	v8 =	vand.u32 @!p1 $0x7, v8;
	v9 =	vand.u32 @!p1 $0xFFFFFFF0, v9  }
0x3bb: {  	v11 =	vshrl.u32 @!p1 v10, $0x3;
	v8 =	vor.u32 @!p1 v8, v9;
	v9 =	vand.u32 @!p1 $0x7, v10  }
0x3bc: {  	v11 =	vmul.u32 @!p1 $0x8, v11;
	v12 =	vperm.xlane @!p1 v8, v9  }
0x3bd: {  	v10 =	vor.u32 @!p1 $0x8, v10  }
0x3be: {  	v8 =	vperm.xlane @!p1 v8, v10;
	v12 =	vadd.s32 @!p1 v11, v12;
	_ =	sdelay $0x1  }
0x3bf: {  	v8 =	vadd.s32 @!p1 v11, v8;
	_ =	sdelay $0x1  }
0x3c0: {  	vm1 =	vmmov @!p1 $0xffff;
	s1 =	simm.s32 @!p1 $0x300;
	s2 =	rddreg [dreg:$0x16];
	s0 =	simm.s32 @!p1 $0x0  }
0x3c1: {  	[tilespmem:s1], [sflag:$0x1] =	stream.indirect_vreg.gather @!p1 [hbm4b:s2+s0], $0x80, v12, vm1, $0xb8;
	[tilespmem:$0x1DC80] =	vst v63  }
0x3c2: {  	s1 =	simm.s32 @!p1 $0xB00  }
0x3c3: {  	[tilespmem:s1], [sflag:$0x1] =	stream.indirect_vreg.gather @!p1 [hbm4b:s2+s0], $0x80, v8, vm1, $0xb8;
	[tilespmem:$0x1DC80] =	vst v63  }
0x3c4: {  	v8 =	vld @!p1 [tilespmem:$0x10];
	_ =	sdelay $0x4  }
0x3c5: {  	v12 =	vshll.u32 @!p1 v8, $0x1  }
0x3c6: {  	v8 =	vand.u32 @!p1 $0x7, v8;
	v12 =	vand.u32 @!p1 $0xFFFFFFF0, v12  }
0x3c7: {  	v8 =	vor.u32 @!p1 v8, v12  }
0x3c8: {  	v12 =	vperm.xlane @!p1 v8, v9;
	_ =	sdelay $0x1  }
0x3c9: {  	v8 =	vperm.xlane @!p1 v8, v10;
	v12 =	vadd.s32 @!p1 v11, v12;
	_ =	sdelay $0x1  }
0x3ca: {  	v8 =	vadd.s32 @!p1 v11, v8;
	_ =	sdelay $0x1  }
0x3cb: {  	s1 =	simm.s32 @!p1 $0x1300  }
0x3cc: {  	[tilespmem:s1], [sflag:$0x1] =	stream.indirect_vreg.gather @!p1 [hbm4b:s2+s0], $0x80, v12, vm1, $0xb8;
	[tilespmem:$0x1DC80] =	vst v63  }
0x3cd: {  	s1 =	simm.s32 @!p1 $0x1B00  }
0x3ce: {  	[tilespmem:s1], [sflag:$0x1] =	stream.indirect_vreg.gather @!p1 [hbm4b:s2+s0], $0x80, v8, vm1, $0xb8;
	[tilespmem:$0x1DC80] =	vst v63  }
0x3cf: {  	v8 =	vld.msk @!p1 [tilespmem:$0x20], $0xff;
	_ =	sdelay $0x4  }
0x3d0: {  	v10 =	vshll.u32 @!p1 v8, $0x1  }
0x3d1: {  	v8 =	vand.u32 @!p1 $0x7, v8;
	v10 =	vand.u32 @!p1 $0xFFFFFFF0, v10  }
0x3d2: {  	v8 =	vor.u32 @!p1 v8, v10  }
0x3d3: {  	v8 =	vperm.xlane @!p1 v8, v9;
	_ =	sdelay $0x1  }
0x3d4: {  	v8 =	vadd.s32 @!p1 v11, v8  }
0x3d5: {  	s1 =	sld [smem:$0x7E7];
	_ =	sdelay $0x1  }
0x3d6: {  	s3 =	simm.s32 @!p1 $0x5300  }
0x3d7: {  	s4 =	rddreg [dreg:$0x1];
	p2 =	seq.s32 @!p1 s1, $0x0;
	s1 =	simm.s32 @!p1 $0x2300  }
0x3d8: {  	[tilespmem:s1], [sflag:$0x1] =	stream.indirect_vreg.gather @!p1 [hbm4b:s2+s0], $0x80, v8, vm1, $0xb8;
	[tilespmem:$0x1DC80] =	vst v63  }
0x3d9: {  	p2 =	por p1, !p2;
	s1 =	simm.s32 @!p1 $0x28;
	s2 =	simm.s32 @!p1 $0x100  }
0x3da: {  	[tilespmem:s3], [sflag:$0x3] =	stream.indirect.gather @!p1 [hbm4b:s4+s1], $0x80, s2, s1, $0xb8;
	[tilespmem:$0x1DC80] =	vst v63  }
0x3db: {  	s1 =	simm.s32 @p2 $0x6  }
0x3dc: {  	_ =	swait.ge @p2 [sflag:s1], $0x1400  }
0x3dd: {  	[sflag:s1] =	ssyncset.done @p2 $0x0  }
0x3de: {  	s30 =	simm.s32 $0x2;
	[sflag:s1] =	ssyncadd.s32 @p2 $0xFFFFEC00  }
0x3df: {  	_ =	swait.ge [sflag:s30], $0x2800  }
0x3e0: {  	[sflag:s30] =	ssyncset.done $0x0  }
0x3e1: {  	s31 =	simm.s32 $0x4;
	[sflag:s30] =	ssyncadd.s32 $0xFFFFD800  }
0x3e2: {  	_ =	swait.ge [sflag:s31], $0x1400  }
0x3e3: {  	[sflag:s31] =	ssyncset.done $0x0  }
0x3e4: {  	[sflag:s31] =	ssyncadd.s32 $0xFFFFEC00  }
0x3e5: {  	v8 =	vld [tilespmem:$0x180]  }
0x3e6: {  	s1 =	sld [smem:$0x7F3];
	v62 =	vld [tilespmem:$0x190]  }
0x3e7: {  	s2 =	sld [smem:$0x7E8];
	v63 =	vld [tilespmem:$0x198];
	_ =	sdelay $0x2  }
0x3e8: {  	s1 =	sadd.s32 @!p1 s2, s1;
	[tilespmem:$0x280] =	vst v8  }
0x3e9: {  	s2 =	rddreg [dreg:$0x14];
	s1 =	sshrl.u32 @!p1 s1, $0x3;
	[tilespmem:$0x290] =	vst v62  }
0x3ea: {  	s3 =	simm.s32 @!p1 $0x80;
	s2 =	sadd.s32 @!p1 s2, s1;
	[tilespmem:$0x298] =	vst v63  }
0x3eb: {  	[tilespmem:s3], [sflag:$0x8] =	stream.linear.gather @!p1 [hbm4b:s2+s0], $0x28, $0x38;
	[tilespmem:$0x1DC80] =	vst v63  }
0x3ec: {  	s2 =	rddreg [dreg:$0x15]  }
0x3ed: {  	s7 =	simm.s32 $0x0;
	s1 =	sadd.s32 @!p1 s2, s1;
	s2 =	simm.s32 @!p1 $0x180  }
0x3ee: {  	[tilespmem:s2], [sflag:$0xA] =	stream.linear.gather @!p1 [hbm4b:s1+s0], $0x28, $0x38;
	[tilespmem:$0x1DC80] =	vst v63  }
.LBB2_7:
0x3ef: {  	v14 =	vld [tilespmem:$0xA380]  }
0x3f0: {  	v16 =	vld [tilespmem:$0xA300]  }
0x3f1: {  	v15 =	vld [tilespmem:$0xA310]  }
0x3f2: {  	v13 =	vld [tilespmem:$0xA320]  }
0x3f3: {  	v12 =	vld [tilespmem:$0xA330]  }
0x3f4: {  	v11 =	vld [tilespmem:$0xA340]  }
0x3f5: {  	s0 =	sshll.u32 s7, $0x7;
	v9 =	vld [tilespmem:$0xA350]  }
0x3f6: {  	v10 =	vld [tilespmem:s0+$0x6700]  }
0x3f7: {  	v18 =	vld [tilespmem:s0+$0x6710]  }
0x3f8: {  	v20 =	vld [tilespmem:s0+$0x6720]  }
0x3f9: {  	v22 =	vld [tilespmem:s0+$0x6730]  }
0x3fa: {  	v24 =	vld [tilespmem:s0+$0x6740]  }
0x3fb: {  	v26 =	vld [tilespmem:s0+$0x6750]  }
0x3fc: {  	v28 =	vld [tilespmem:s0+$0x6760]  }
0x3fd: {  	v48 =	vld [tilespmem:s0+$0x6770]  }
0x3fe: {  	v50 =	vld [tilespmem:s0+$0x6780]  }
0x3ff: {  	v53 =	vld [tilespmem:s0+$0x6790]  }
0x400: {  	v56 =	vld [tilespmem:s0+$0x67A0]  }
0x401: {  	v59 =	vld [tilespmem:s0+$0x67B0]  }
0x402: {  	v62 =	vld [tilespmem:s0+$0x67C0]  }
0x403: {  	v33 =	vld [tilespmem:s0+$0x67D0]  }
0x404: {  	v35 =	vld [tilespmem:s0+$0x67E0]  }
0x405: {  	s1 =	sshll.u32 s7, $0x8;
	v39 =	vld [tilespmem:s0+$0x67F0]  }
0x406: {  	s2 =	sand.u32 $0x3800, s1;
	v43 =	vld [tilespmem:s0+$0x6800]  }
0x407: {  	s9 =	sand.u32 $0x200, s0;
	v46 =	vld [tilespmem:s0+$0x6810];
	s2 =	sadd.s32 $0x2B00, s2  }
0x408: {  	v30 =	vld [tilespmem:s0+$0x68C0];
	s3 =	sadd.s32 s9, s2  }
0x409: {  	v8 =	vld [tilespmem:s3+$0x0]  }
0x40a: {  	v17 =	vld [tilespmem:s3+$0x10]  }
0x40b: {  	v19 =	vld [tilespmem:s3+$0x20]  }
0x40c: {  	v21 =	vld [tilespmem:s3+$0x30]  }
0x40d: {  	v23 =	vld [tilespmem:s3+$0x40]  }
0x40e: {  	s5 =	sor.u32 $0x100, s0;
	v25 =	vld [tilespmem:s3+$0x50];
	v8 =	vadd.f32 v10, v8  }
0x40f: {  	s21 =	sor.u32 $0x80, s0;
	s5 =	sand.u32 $0x300, s5;
	v27 =	vld [tilespmem:s3+$0x60]  }
0x410: {  	s22 =	sadd.s32 s5, s2;
	v47 =	vld [tilespmem:s3+$0x70];
	s3 =	sand.u32 $0x280, s21;
	v17 =	vadd.f32 v18, v17;
	v10 =	vmax.f32 v8, $0.0e+00  }
0x411: {  	v41 =	vld [tilespmem:s22+$0x0];
	s4 =	sadd.s32 s3, s2;
	v10 =	vmul.f32 v10, v16  }
0x412: {  	v49 =	vld [tilespmem:s4+$0x0];
	v19 =	vadd.f32 v20, v19;
	v17 =	vmax.f32 v17, $0.0e+00  }
0x413: {  	v51 =	vld [tilespmem:s4+$0x10];
	v17 =	vmul.f32 v17, v15;
	v29 =	vadd.f32 v10, v14  }
0x414: {  	v57 =	vld [tilespmem:s4+$0x30];
	v21 =	vadd.f32 v22, v21;
	v19 =	vmax.f32 v19, $0.0e+00  }
0x415: {  	v60 =	vld [tilespmem:s4+$0x40];
	v19 =	vmul.f32 v19, v13;
	v17 =	vadd.f32 v17, v29  }
0x416: {  	v34 =	vld [tilespmem:s4+$0x60];
	v23 =	vadd.f32 v24, v23;
	v25 =	vadd.f32 v26, v25;
	v21 =	vmax.f32 v21, $0.0e+00  }
0x417: {  	v54 =	vld [tilespmem:s4+$0x20];
	v27 =	vadd.f32 v28, v27;
	v52 =	vmul.f32 v21, v12;
	v17 =	vadd.f32 v19, v17  }
0x418: {  	v18 =	vadd.f32 v48, v47;
	v8 =	vld [tilespmem:$0xA360];
	v23 =	vmax.f32 v23, $0.0e+00;
	v25 =	vmax.f32 v25, $0.0e+00  }
0x419: {  	v44 =	vld [tilespmem:s22+$0x10];
	v22 =	vadd.f32 v50, v49;
	v55 =	vmul.f32 v23, v11;
	v17 =	vadd.f32 v52, v17  }
0x41a: {  	v27 =	vmax.f32 v27, $0.0e+00;
	v37 =	vadd.f32 v59, v57;
	v20 =	vadd.f32 v62, v60;
	v10 =	vld [tilespmem:$0xA370]  }
0x41b: {  	v63 =	vld [tilespmem:s4+$0x50];
	v26 =	vadd.f32 v35, v34;
	v58 =	vmul.f32 v25, v9;
	v17 =	vadd.f32 v55, v17  }
0x41c: {  	v38 =	vld [tilespmem:s4+$0x70];
	v18 =	vmax.f32 v18, $0.0e+00;
	v21 =	vadd.f32 v53, v51;
	v23 =	vadd.f32 v56, v54  }
0x41d: {  	v47 =	vld [tilespmem:s22+$0x20];
	v22 =	vmax.f32 v22, $0.0e+00;
	v61 =	vmul.f32 v27, v8;
	v17 =	vadd.f32 v58, v17  }
0x41e: {  	v49 =	vld [tilespmem:s0+$0x6820];
	v20 =	vmax.f32 v20, $0.0e+00;
	v26 =	vmax.f32 v26, $0.0e+00;
	v32 =	vmul.f32 v22, v16  }
0x41f: {  	v50 =	vld [tilespmem:s22+$0x30];
	v21 =	vmax.f32 v21, $0.0e+00;
	v18 =	vmul.f32 v18, v10;
	v17 =	vadd.f32 v61, v17  }
0x420: {  	v57 =	vld [tilespmem:s0+$0x6840];
	v36 =	vmax.f32 v23, $0.0e+00;
	v21 =	vmul.f32 v21, v15;
	v19 =	vadd.f32 v32, v14  }
0x421: {  	v59 =	vld [tilespmem:s0+$0x6850];
	v23 =	vmax.f32 v37, $0.0e+00;
	v22 =	vadd.f32 v33, v63;
	v17 =	vadd.f32 v18, v17  }
0x422: {  	v62 =	vld [tilespmem:s22+$0x60];
	v45 =	vmul.f32 v20, v11;
	v19 =	vadd.f32 v21, v19;
	v18 =	vmul.f32 v36, v13  }
0x423: {  	s23 =	sor.u32 $0x180, s0;
	v54 =	vld [tilespmem:s22+$0x40];
	v20 =	vadd.f32 v46, v44;
	v42 =	vmul.f32 v23, v12;
	v40 =	vperm.xlane v17, v4  }
0x424: {  	s8 =	sand.u32 $0x380, s23;
	v34 =	vld [tilespmem:s22+$0x70];
	v23 =	vadd.f32 v43, v41;
	v22 =	vmax.f32 v22, $0.0e+00;
	v18 =	vadd.f32 v18, v19  }
0x425: {  	s4 =	sadd.s32 s8, s2;
	v46 =	vld [tilespmem:s0+$0x6880];
	v20 =	vmax.f32 v20, $0.0e+00;
	v48 =	vmul.f32 v22, v9;
	v17 =	vadd.f32 v17, v40  }
0x426: {  	v23 =	vmax.f32 v23, $0.0e+00;
	v22 =	vadd.f32 v49, v47;
	v47 =	vld [tilespmem:s4+$0x10];
	v18 =	vadd.f32 v42, v18  }
0x427: {  	v56 =	vmul.f32 v23, v16;
	v32 =	vld [tilespmem:s0+$0x6860];
	v21 =	vadd.f32 v39, v38;
	v28 =	vperm.xlane v17, v5  }
0x428: {  	v20 =	vmul.f32 v20, v15;
	v23 =	vadd.f32 v57, v54;
	v52 =	vld [tilespmem:s0+$0x6830];
	v18 =	vadd.f32 v45, v18  }
0x429: {  	v57 =	vld [tilespmem:s4+$0x40];
	v55 =	vmax.f32 v21, $0.0e+00;
	v21 =	vadd.f32 v56, v14;
	v17 =	vadd.f32 v17, v28  }
0x42a: {  	v51 =	vmul.f32 v26, v8;
	v49 =	vld [tilespmem:s0+$0x6890];
	v18 =	vadd.f32 v48, v18  }
0x42b: {  	v58 =	vld [tilespmem:s22+$0x50];
	v20 =	vadd.f32 v20, v21;
	v53 =	vperm.xlane v17, v6  }
0x42c: {  	v21 =	vadd.f32 v32, v62;
	v62 =	vld [tilespmem:s0+$0x68E0];
	v19 =	vmul.f32 v55, v10;
	v18 =	vadd.f32 v51, v18  }
0x42d: {  	v61 =	vadd.f32 v52, v50;
	v36 =	vld [tilespmem:s0+$0x6870];
	v17 =	vadd.f32 v17, v53  }
0x42e: {  	v60 =	vmax.f32 v22, $0.0e+00;
	v29 =	vadd.f32 v30, v57;
	v52 =	vld [tilespmem:s0+$0x68A0];
	v18 =	vadd.f32 v19, v18  }
0x42f: {  	v23 =	vmax.f32 v23, $0.0e+00;
	v22 =	vmax.f32 v61, $0.0e+00;
	v61 =	vld [tilespmem:s4+$0x60];
	v63 =	vperm.xlane v17, v7  }
0x430: {  	v37 =	vmul.f32 v23, v11;
	v29 =	vmax.f32 v29, $0.0e+00;
	v45 =	vld [tilespmem:s4+$0x0];
	v33 =	vperm.xlane v18, v4  }
0x431: {  	v21 =	vmax.f32 v21, $0.0e+00;
	v26 =	vadd.f32 v59, v58;
	v58 =	vld [tilespmem:s4+$0x50];
	v17 =	vadd.f32 v17, v63  }
0x432: {  	s24 =	sadd.s32 $0x4, s7;
	v35 =	vmul.f32 v22, v12;
	v55 =	vld [tilespmem:s0+$0x68B0];
	v22 =	vadd.f32 v36, v34;
	v18 =	vadd.f32 v18, v33  }
0x433: {  	s10 =	sshll.u32 s24, $0x8;
	s2 =	sshll.u32 s24, $0x7;
	v41 =	vmul.f32 v21, v8;
	v51 =	vld [tilespmem:s4+$0x20];
	v19 =	vmul.f32 v60, v13;
	v17 =	vsub.f32 $0.0e+00, v17  }
0x434: {  	s25 =	sand.u32 $0x7800, s10;
	s11 =	sand.u32 $0x200, s2;
	v26 =	vmax.f32 v26, $0.0e+00;
	v43 =	vmax.f32 v22, $0.0e+00;
	v53 =	vld [tilespmem:s4+$0x30];
	v38 =	vperm.xlane v18, v5  }
0x435: {  	s6 =	sor.u32 s11, s25;
	v59 =	vld [tilespmem:s0+$0x68D0];
	v19 =	vadd.f32 v19, v20;
	v20 =	vadd.f32 v46, v45;
	v17 =	vmul.f32 $1.442695020e+00, v17  }
0x436: {  	v23 =	vadd.f32 v62, v61;
	v44 =	vmul.f32 v43, v10;
	v43 =	vld [tilespmem:s6+$0x2B20];
	v18 =	vadd.f32 v18, v38  }
0x437: {  	v45 =	vld [tilespmem:s2+$0x6720];
	v19 =	vadd.f32 v35, v19;
	v20 =	vmax.f32 v20, $0.0e+00;
	(erf) = vpow2.f32 v17  }
0x438: {  	v36 =	vld [tilespmem:s0+$0x68F0];
	v22 =	vadd.f32 v52, v51;
	v20 =	vmul.f32 v20, v16;
	v42 =	vperm.xlane v18, v6  }
0x439: {  	v39 =	vmul.f32 v26, v9;
	v46 =	vld [tilespmem:s6+$0x2B30];
	v24 =	vadd.f32 v55, v53;
	v19 =	vadd.f32 v37, v19  }
0x43a: {  	v23 =	vmax.f32 v23, $0.0e+00;
	v51 =	vld [tilespmem:s2+$0x6740];
	v20 =	vadd.f32 v20, v14;
	v18 =	vadd.f32 v18, v42  }
0x43b: {  	v22 =	vmax.f32 v22, $0.0e+00;
	v37 =	vld [tilespmem:s6+$0x2B00];
	v40 =	vadd.f32 v39, v19;
	v19 =	vadd.f32 v49, v47  }
0x43c: {  	v24 =	vmax.f32 v24, $0.0e+00;
	v21 =	vadd.f32 v45, v43;
	v39 =	vld [tilespmem:s2+$0x6700];
	v48 =	vperm.xlane v18, v7  }
0x43d: {  	v38 =	vmul.f32 v22, v13;
	v47 =	vld [tilespmem:s2+$0x6730];
	v17 =	vadd.f32 v41, v40;
	v19 =	vmax.f32 v19, $0.0e+00  }
0x43e: {  	v63 =	vld [tilespmem:s4+$0x70];
	v49 =	vmul.f32 v23, v8;
	v19 =	vmul.f32 v19, v15;
	v18 =	vadd.f32 v18, v48  }
0x43f: {  	v57 =	vmax.f32 v21, $0.0e+00;
	v40 =	vld [tilespmem:s6+$0x2B10];
	v41 =	vmul.f32 v24, v12;
	v17 =	vadd.f32 v44, v17  }
0x440: {  	v42 =	vld [tilespmem:s2+$0x6710];
	v44 =	vmul.f32 v29, v11;
	v19 =	vadd.f32 v19, v20;
	v18 =	vsub.f32 $0.0e+00, v18;
	v54 =	vpop (erf)  }
0x441: {  	s26 =	sadd.s32 $0x5, s7;
	v52 =	vld [tilespmem:s6+$0x2B50];
	v22 =	vadd.f32 v39, v37;
	v50 =	vperm.xlane v17, v4;
	v26 =	vadd.f32 $1.000000000e+00, v54  }
0x442: {  	s4 =	sshll.u32 s26, $0x7;
	v55 =	vld [tilespmem:s6+$0x2B60];
	v20 =	vadd.f32 v47, v46;
	v19 =	vadd.f32 v38, v19;
	v18 =	vmul.f32 $1.442695020e+00, v18  }
0x443: {  	v47 =	vld [tilespmem:s4+$0x6730];
	v22 =	vmax.f32 v22, $0.0e+00;
	v17 =	vadd.f32 v17, v50;
	(erf) = vrcp.f32 v26  }
0x444: {  	v48 =	vld [tilespmem:s6+$0x2B40];
	v19 =	vadd.f32 v41, v19;
	(erf) = vpow2.f32 v18;
	v18 =	vadd.f32 v59, v58  }
0x445: {  	v50 =	vadd.f32 v36, v63;
	v63 =	vld [tilespmem:s4+$0x6700];
	v24 =	vadd.f32 v42, v40;
	v56 =	vperm.xlane v17, v5  }
0x446: {  	v22 =	vmul.f32 v22, v16;
	v40 =	vld [tilespmem:s4+$0x6710];
	v19 =	vadd.f32 v44, v19;
	v18 =	vmax.f32 v18, $0.0e+00  }
0x447: {  	v24 =	vmax.f32 v24, $0.0e+00;
	v44 =	vld [tilespmem:s4+$0x6720];
	v17 =	vadd.f32 v17, v56;
	v18 =	vmul.f32 v18, v9  }
0x448: {  	v20 =	vmax.f32 v20, $0.0e+00;
	v22 =	vadd.f32 v22, v14;
	v54 =	vld [tilespmem:s2+$0x6750];
	v24 =	vmul.f32 v24, v15  }
0x449: {  	s12 =	sshll.u32 s26, $0x8;
	v53 =	vmax.f32 v50, $0.0e+00;
	v56 =	vld [tilespmem:s2+$0x6760];
	v60 =	vperm.xlane v17, v6;
	v18 =	vadd.f32 v18, v19  }
0x44a: {  	s28 =	sand.u32 $0x7800, s12;
	s29 =	sand.u32 $0x280, s4;
	v25 =	vadd.f32 v51, v48;
	v22 =	vadd.f32 v24, v22;
	v58 =	vld [tilespmem:s6+$0x2B70];
	v59 =	vmul.f32 v57, v13  }
0x44b: {  	s6 =	sor.u32 s29, s28;
	v17 =	vadd.f32 v17, v60;
	v60 =	vld [tilespmem:s2+$0x6770];
	v19 =	vmul.f32 v53, v10;
	v18 =	vadd.f32 v49, v18  }
0x44c: {  	v20 =	vmul.f32 v20, v12;
	v25 =	vmax.f32 v25, $0.0e+00;
	v62 =	vld [tilespmem:s6+$0x2B00];
	v22 =	vadd.f32 v59, v22  }
0x44d: {  	v37 =	vld [tilespmem:s6+$0x2B10];
	v39 =	vmul.f32 v25, v11;
	v23 =	vadd.f32 v54, v52;
	v19 =	vadd.f32 v19, v18  }
0x44e: {  	v42 =	vld [tilespmem:s6+$0x2B20];
	v29 =	vadd.f32 v56, v55;
	v31 =	vperm.xlane v17, v7;
	v20 =	vadd.f32 v20, v22  }
0x44f: {  	v45 =	vld [tilespmem:s6+$0x2B30];
	v23 =	vmax.f32 v23, $0.0e+00;
	v61 =	vperm.xlane v19, v4  }
0x450: {  	v29 =	vmax.f32 v29, $0.0e+00;
	v31 =	vadd.f32 v17, v31;
	v20 =	vadd.f32 v39, v20  }
0x451: {  	v43 =	vmul.f32 v23, v9;
	v24 =	vadd.f32 v63, v62;
	v17 =	vpop (erf);
	v19 =	vadd.f32 v19, v61  }
0x452: {  	v46 =	vmul.f32 v29, v8;
	v21 =	vadd.f32 v60, v58;
	v31 =	vsub.f32 $0.0e+00, v31;
	v32 =	vpop (erf)  }
0x453: {  	v25 =	vadd.f32 v40, v37;
	v32 =	vadd.f32 $1.000000000e+00, v32;
	v41 =	vperm.xlane v19, v5  }
0x454: {  	v52 =	vld [tilespmem:s6+$0x2B50];
	v23 =	vadd.f32 v44, v42;
	v55 =	vadd.f32 v47, v45;
	v31 =	vmul.f32 $1.442695020e+00, v31  }
0x455: {  	v53 =	vld [tilespmem:s4+$0x6750];
	v20 =	vadd.f32 v43, v20;
	(erf) = vrcp.f32 v32;
	v19 =	vadd.f32 v19, v41  }
0x456: {  	v51 =	vld [tilespmem:s4+$0x6740];
	v24 =	vmax.f32 v24, $0.0e+00;
	v21 =	vmax.f32 v21, $0.0e+00;
	(erf) = vpow2.f32 v31  }
0x457: {  	v49 =	vld [tilespmem:s6+$0x2B40];
	v25 =	vmax.f32 v25, $0.0e+00;
	v50 =	vmul.f32 v24, v16;
	v48 =	vperm.xlane v19, v6  }
0x458: {  	v56 =	vld [tilespmem:s6+$0x2B60];
	v54 =	vmax.f32 v23, $0.0e+00;
	v21 =	vmul.f32 v21, v10;
	v20 =	vadd.f32 v46, v20  }
0x459: {  	v58 =	vld [tilespmem:s4+$0x6760];
	v25 =	vmul.f32 v25, v15;
	v22 =	vadd.f32 v50, v14;
	v19 =	vadd.f32 v19, v48  }
0x45a: {  	v23 =	vmax.f32 v55, $0.0e+00;
	v63 =	vadd.f32 v53, v52;
	v20 =	vadd.f32 v21, v20  }
0x45b: {  	v60 =	vld [tilespmem:s6+$0x2B70];
	v21 =	vmul.f32 v54, v13;
	v22 =	vadd.f32 v25, v22;
	v57 =	vperm.xlane v19, v7  }
0x45c: {  	v62 =	vld [tilespmem:s4+$0x6770];
	v24 =	vadd.f32 v51, v49;
	v28 =	vmax.f32 v63, $0.0e+00;
	v59 =	vperm.xlane v20, v4  }
0x45d: {  	v61 =	vmul.f32 v23, v12;
	v21 =	vadd.f32 v21, v22;
	v19 =	vadd.f32 v19, v57  }
0x45e: {  	v25 =	vadd.f32 v58, v56;
	v24 =	vmax.f32 v24, $0.0e+00;
	v20 =	vadd.f32 v20, v59;
	v18 =	vpop (erf)  }
0x45f: {  	v32 =	vmul.f32 v24, v11;
	v21 =	vadd.f32 v61, v21;
	v36 =	vpop (erf);
	v19 =	vsub.f32 $0.0e+00, v19  }
0x460: {  	v34 =	vmul.f32 v28, v9;
	v33 =	vperm.xlane v20, v5;
	v38 =	vadd.f32 $1.000000000e+00, v36  }
0x461: {  	v23 =	vadd.f32 v62, v60;
	v21 =	vadd.f32 v32, v21;
	v19 =	vmul.f32 $1.442695020e+00, v19  }
0x462: {  	v35 =	vmax.f32 v25, $0.0e+00;
	v20 =	vadd.f32 v20, v33;
	(erf) = vrcp.f32 v38  }
0x463: {  	v37 =	vmul.f32 v35, v8;
	v36 =	vadd.f32 v34, v21;
	(erf) = vpow2.f32 v19  }
0x464: {  	v23 =	vmax.f32 v23, $0.0e+00;
	v38 =	vperm.xlane v20, v6  }
0x465: {  	v39 =	vmul.f32 v23, v10;
	v19 =	vadd.f32 v37, v36  }
0x466: {  	v20 =	vadd.f32 v20, v38  }
0x467: {  	v21 =	vadd.f32 v39, v19  }
0x468: {  	v40 =	vperm.xlane v20, v7  }
0x469: {  	v41 =	vperm.xlane v21, v4  }
0x46a: {  	v20 =	vadd.f32 v20, v40  }
0x46b: {  	v42 =	vpop (erf);
	v21 =	vadd.f32 v21, v41  }
0x46c: {  	v20 =	vsub.f32 $0.0e+00, v20;
	v43 =	vpop (erf)  }
0x46d: {  	v44 =	vperm.xlane v21, v5;
	v22 =	vadd.f32 $1.000000000e+00, v43  }
0x46e: {  	v20 =	vmul.f32 $1.442695020e+00, v20  }
0x46f: {  	v21 =	vadd.f32 v21, v44;
	(erf) = vrcp.f32 v22  }
0x470: {  	(erf) = vpow2.f32 v20  }
0x471: {  	v45 =	vperm.xlane v21, v6;
	_ =	sdelay $0x1  }
0x472: {  	v20 =	vadd.f32 v21, v45;
	_ =	sdelay $0x1  }
0x473: {  	s12 =	sor.u32 s1, s3;
	s3 =	sor.u32 s1, s5;
	v21 =	vperm.xlane v20, v7  }
0x474: {  	s13 =	sor.u32 s1, s9;
	s31 =	sor.u32 $0x400, s3  }
0x475: {  	s14 =	sor.u32 $0x400, s13;
	v52 =	vld [tilespmem:s31+$0x2B00];
	v21 =	vadd.f32 v20, v21  }
0x476: {  	v50 =	vld [tilespmem:s14+$0x2B00];
	v46 =	vpop (erf)  }
0x477: {  	v21 =	vsub.f32 $0.0e+00, v21;
	v47 =	vpop (erf)  }
0x478: {  	v22 =	vadd.f32 $1.000000000e+00, v47  }
0x479: {  	v21 =	vmul.f32 $1.442695020e+00, v21  }
0x47a: {  	v56 =	vmul.f32 v42, v52;
	(erf) = vrcp.f32 v22  }
0x47b: {  	v23 =	vmul.f32 v17, v50;
	(erf) = vpow2.f32 v21  }
0x47c: {  	s17 =	sor.u32 $0x410, s3;
	[tilespmem:s0+$0x9000] =	vst v56  }
0x47d: {  	s15 =	sor.u32 $0x410, s13;
	[tilespmem:s0+$0x8F00] =	vst v23;
	v61 =	vld [tilespmem:s17+$0x2B00]  }
0x47e: {  	v57 =	vld [tilespmem:s15+$0x2B00];
	_ =	sdelay $0x3  }
0x47f: {  	v32 =	vmul.f32 v42, v61  }
0x480: {  	v24 =	vmul.f32 v17, v57;
	v48 =	vpop (erf)  }
0x481: {  	s22 =	sor.u32 $0x420, s3;
	[tilespmem:s0+$0x9010] =	vst v32;
	v49 =	vpop (erf)  }
0x482: {  	[tilespmem:s0+$0x8F10] =	vst v24;
	v24 =	vld [tilespmem:s22+$0x2B00];
	v22 =	vadd.f32 $1.000000000e+00, v49  }
0x483: {  	s5 =	sor.u32 s1, s8  }
0x484: {  	s8 =	sor.u32 $0x400, s5;
	s1 =	sor.u32 s10, s11;
	(erf) = vrcp.f32 v22  }
0x485: {  	v53 =	vld [tilespmem:s8+$0x2B00];
	s14 =	sor.u32 $0x400, s1  }
0x486: {  	s30 =	sor.u32 $0x400, s12;
	v54 =	vld [tilespmem:s14+$0x2B00]  }
0x487: {  	v51 =	vld [tilespmem:s30+$0x2B00];
	v24 =	vmul.f32 v42, v24;
	_ =	sdelay $0x1  }
0x488: {  	s28 =	sor.u32 $0x430, s3;
	v55 =	vld [tilespmem:s6+$0x2F00];
	[tilespmem:s0+$0x9020] =	vst v24  }
0x489: {  	v25 =	vmul.f32 v46, v53;
	v24 =	vld [tilespmem:s28+$0x2B00]  }
0x48a: {  	v59 =	vmul.f32 v48, v54  }
0x48b: {  	s18 =	sor.u32 $0x410, s5;
	[tilespmem:s0+$0x9080] =	vst v25;
	v22 =	vmul.f32 v18, v51  }
0x48c: {  	s19 =	sor.u32 $0x410, s1;
	v63 =	vld [tilespmem:s18+$0x2B00];
	[tilespmem:s2+$0x8F00] =	vst v59;
	v60 =	vpop (erf)  }
0x48d: {  	s16 =	sor.u32 $0x410, s12;
	v23 =	vld [tilespmem:s19+$0x2B00];
	[tilespmem:s0+$0x8F80] =	vst v22;
	v62 =	vmul.f32 v60, v55  }
0x48e: {  	v24 =	vmul.f32 v42, v24;
	v58 =	vld [tilespmem:s16+$0x2B00]  }
0x48f: {  	[tilespmem:s4+$0x8F00] =	vst v62  }
0x490: {  	s11 =	sor.u32 $0x440, s3;
	[tilespmem:s0+$0x9030] =	vst v24;
	v25 =	vld [tilespmem:s6+$0x2F10]  }
0x491: {  	v27 =	vmul.f32 v46, v63;
	v24 =	vld [tilespmem:s11+$0x2B00]  }
0x492: {  	v23 =	vmul.f32 v48, v23  }
0x493: {  	s23 =	sor.u32 $0x420, s5;
	[tilespmem:s0+$0x9090] =	vst v27;
	v28 =	vmul.f32 v18, v58  }
0x494: {  	s24 =	sor.u32 $0x420, s1;
	v27 =	vld [tilespmem:s23+$0x2B00];
	[tilespmem:s2+$0x8F10] =	vst v23  }
0x495: {  	s21 =	sor.u32 $0x420, s12;
	v23 =	vld [tilespmem:s24+$0x2B00];
	[tilespmem:s0+$0x8F90] =	vst v28;
	v25 =	vmul.f32 v60, v25  }
0x496: {  	s20 =	sor.u32 $0x420, s13;
	v24 =	vmul.f32 v42, v24;
	v28 =	vld [tilespmem:s21+$0x2B00]  }
0x497: {  	v33 =	vld [tilespmem:s20+$0x2B00];
	[tilespmem:s4+$0x8F10] =	vst v25  }
0x498: {  	s18 =	sor.u32 $0x450, s3;
	[tilespmem:s0+$0x9040] =	vst v24;
	v35 =	vld [tilespmem:s6+$0x2F20]  }
0x499: {  	v27 =	vmul.f32 v46, v27;
	v24 =	vld [tilespmem:s18+$0x2B00]  }
0x49a: {  	v23 =	vmul.f32 v48, v23  }
0x49b: {  	s29 =	sor.u32 $0x430, s5;
	[tilespmem:s0+$0x90A0] =	vst v27;
	v28 =	vmul.f32 v18, v28  }
0x49c: {  	s30 =	sor.u32 $0x430, s1;
	v34 =	vmul.f32 v17, v33;
	v27 =	vld [tilespmem:s29+$0x2B00];
	[tilespmem:s2+$0x8F20] =	vst v23  }
0x49d: {  	s26 =	sor.u32 $0x430, s12;
	v23 =	vld [tilespmem:s30+$0x2B00];
	[tilespmem:s0+$0x8FA0] =	vst v28;
	v26 =	vmul.f32 v60, v35  }
0x49e: {  	s25 =	sor.u32 $0x430, s13;
	[tilespmem:s0+$0x8F20] =	vst v34;
	v24 =	vmul.f32 v24, v42;
	v28 =	vld [tilespmem:s26+$0x2B00]  }
0x49f: {  	v25 =	vld [tilespmem:s25+$0x2B00];
	[tilespmem:s4+$0x8F20] =	vst v26  }
0x4a0: {  	s23 =	sor.u32 $0x460, s3;
	[tilespmem:s0+$0x9050] =	vst v24;
	v26 =	vld [tilespmem:s6+$0x2F30]  }
0x4a1: {  	v27 =	vmul.f32 v46, v27;
	v24 =	vld [tilespmem:s23+$0x2B00]  }
0x4a2: {  	v23 =	vmul.f32 v48, v23  }
0x4a3: {  	s14 =	sor.u32 $0x440, s5;
	[tilespmem:s0+$0x90B0] =	vst v27;
	v28 =	vmul.f32 v18, v28  }
0x4a4: {  	s15 =	sor.u32 $0x440, s1;
	v27 =	vld [tilespmem:s14+$0x2B00];
	[tilespmem:s2+$0x8F30] =	vst v23;
	v25 =	vmul.f32 v17, v25  }
0x4a5: {  	s10 =	sor.u32 $0x440, s12;
	v23 =	vld [tilespmem:s15+$0x2B00];
	[tilespmem:s0+$0x8FB0] =	vst v28;
	v26 =	vmul.f32 v60, v26  }
0x4a6: {  	s31 =	sor.u32 $0x440, s13;
	v24 =	vmul.f32 v24, v42;
	[tilespmem:s0+$0x8F30] =	vst v25;
	v28 =	vld [tilespmem:s10+$0x2B00]  }
0x4a7: {  	v25 =	vld [tilespmem:s31+$0x2B00];
	[tilespmem:s4+$0x8F30] =	vst v26  }
0x4a8: {  	s17 =	sor.u32 $0x450, s12;
	s3 =	sor.u32 $0x470, s3;
	[tilespmem:s0+$0x9060] =	vst v24;
	s30 =	sadd.s32 $0x6, s7;
	v26 =	vld [tilespmem:s6+$0x2F40]  }
0x4a9: {  	s22 =	sor.u32 $0x460, s12;
	s28 =	sor.u32 $0x470, s12;
	v27 =	vmul.f32 v46, v27;
	v24 =	vld [tilespmem:s3+$0x2B00];
	s12 =	sshll.u32 s30, $0x7  }
0x4aa: {  	v37 =	vld [tilespmem:s12+$0x6700];
	v23 =	vmul.f32 v48, v23  }
0x4ab: {  	s19 =	sor.u32 $0x450, s5;
	[tilespmem:s0+$0x90C0] =	vst v27;
	v39 =	vld [tilespmem:s12+$0x6710];
	v28 =	vmul.f32 v18, v28  }
0x4ac: {  	s20 =	sor.u32 $0x450, s1;
	v27 =	vld [tilespmem:s19+$0x2B00];
	[tilespmem:s2+$0x8F40] =	vst v23;
	v25 =	vmul.f32 v25, v17  }
0x4ad: {  	v23 =	vld [tilespmem:s20+$0x2B00];
	[tilespmem:s0+$0x8FC0] =	vst v28;
	v26 =	vmul.f32 v60, v26  }
0x4ae: {  	s16 =	sor.u32 $0x450, s13;
	[tilespmem:s0+$0x8F40] =	vst v25;
	v28 =	vld [tilespmem:s17+$0x2B00]  }
0x4af: {  	v25 =	vld [tilespmem:s16+$0x2B00];
	[tilespmem:s4+$0x8F40] =	vst v26  }
0x4b0: {  	v26 =	vld [tilespmem:s6+$0x2F50]  }
0x4b1: {  	v40 =	vld [tilespmem:s12+$0x6720];
	v27 =	vmul.f32 v27, v46  }
0x4b2: {  	v43 =	vld [tilespmem:s12+$0x6730];
	v23 =	vmul.f32 v23, v48  }
0x4b3: {  	s24 =	sor.u32 $0x460, s5;
	v47 =	vld [tilespmem:s12+$0x6740];
	[tilespmem:s0+$0x90D0] =	vst v27;
	v28 =	vmul.f32 v28, v18  }
0x4b4: {  	s25 =	sor.u32 $0x460, s1;
	v27 =	vld [tilespmem:s24+$0x2B00];
	[tilespmem:s2+$0x8F50] =	vst v23;
	v25 =	vmul.f32 v25, v17  }
0x4b5: {  	v23 =	vld [tilespmem:s25+$0x2B00];
	[tilespmem:s0+$0x8FD0] =	vst v28;
	v26 =	vmul.f32 v26, v60  }
0x4b6: {  	s21 =	sor.u32 $0x460, s13;
	[tilespmem:s0+$0x8F50] =	vst v25;
	v28 =	vld [tilespmem:s22+$0x2B00]  }
0x4b7: {  	v25 =	vld [tilespmem:s21+$0x2B00];
	[tilespmem:s4+$0x8F50] =	vst v26  }
0x4b8: {  	s31 =	sshll.u32 s30, $0x8;
	v26 =	vld [tilespmem:s6+$0x2F60]  }
0x4b9: {  	s29 =	sor.u32 $0x470, s5;
	s5 =	sand.u32 $0x300, s12;
	v51 =	vld [tilespmem:s12+$0x6750];
	s3 =	sand.u32 $0x7800, s31;
	v27 =	vmul.f32 v27, v46  }
0x4ba: {  	v55 =	vld [tilespmem:s12+$0x6760];
	s26 =	sor.u32 $0x470, s13;
	s13 =	sor.u32 s5, s3;
	v23 =	vmul.f32 v23, v48  }
0x4bb: {  	v36 =	vld [tilespmem:s13+$0x2B00];
	[tilespmem:s0+$0x90E0] =	vst v27;
	v28 =	vmul.f32 v28, v18  }
0x4bc: {  	s1 =	sor.u32 $0x470, s1;
	v27 =	vld [tilespmem:s29+$0x2B00];
	[tilespmem:s2+$0x8F60] =	vst v23;
	v25 =	vmul.f32 v25, v17  }
0x4bd: {  	v23 =	vld [tilespmem:s1+$0x2B00];
	[tilespmem:s0+$0x8FE0] =	vst v28;
	v26 =	vmul.f32 v26, v60  }
0x4be: {  	[tilespmem:s0+$0x8F60] =	vst v25;
	v28 =	vld [tilespmem:s28+$0x2B00]  }
0x4bf: {  	v25 =	vld [tilespmem:s26+$0x2B00];
	[tilespmem:s4+$0x8F60] =	vst v26  }
0x4c0: {  	v42 =	vmul.f32 v24, v42;
	v26 =	vld [tilespmem:s6+$0x2F70]  }
0x4c1: {  	v38 =	vld [tilespmem:s13+$0x2B10];
	v44 =	vmul.f32 v27, v46  }
0x4c2: {  	[tilespmem:s0+$0x9070] =	vst v42;
	v33 =	vld [tilespmem:s13+$0x2B20];
	v46 =	vmul.f32 v23, v48  }
0x4c3: {  	v41 =	vld [tilespmem:s13+$0x2B30];
	[tilespmem:s0+$0x90F0] =	vst v44;
	v18 =	vmul.f32 v28, v18  }
0x4c4: {  	v45 =	vld [tilespmem:s13+$0x2B40];
	[tilespmem:s2+$0x8F70] =	vst v46;
	v17 =	vmul.f32 v25, v17  }
0x4c5: {  	v50 =	vld [tilespmem:s13+$0x2B50];
	v49 =	vadd.f32 v37, v36;
	[tilespmem:s0+$0x8FF0] =	vst v18;
	s6 =	sadd.s32 $0x7, s7;
	v48 =	vmul.f32 v26, v60  }
0x4c6: {  	v54 =	vld [tilespmem:s13+$0x2B60];
	[tilespmem:s0+$0x8F70] =	vst v17;
	s8 =	sshll.u32 s6, $0x8;
	s19 =	sshll.u32 s6, $0x7  }
0x4c7: {  	v56 =	vld [tilespmem:s13+$0x2B70];
	v53 =	vadd.f32 v39, v38;
	v52 =	vmax.f32 v49, $0.0e+00;
	s10 =	sand.u32 $0x7800, s8;
	s11 =	sand.u32 $0x380, s19;
	[tilespmem:s4+$0x8F70] =	vst v48  }
0x4c8: {  	v18 =	vmul.f32 v52, v16;
	s25 =	sor.u32 s11, s10;
	v57 =	vld [tilespmem:s12+$0x6770]  }
0x4c9: {  	v22 =	vmax.f32 v53, $0.0e+00;
	v25 =	vadd.f32 v40, v33;
	v58 =	vld [tilespmem:s25+$0x2B00]  }
0x4ca: {  	v22 =	vmul.f32 v22, v15;
	v18 =	vadd.f32 v18, v14;
	v60 =	vld [tilespmem:s19+$0x6700]  }
0x4cb: {  	v19 =	vadd.f32 v43, v41;
	v25 =	vmax.f32 v25, $0.0e+00;
	v61 =	vld [tilespmem:s25+$0x2B10]  }
0x4cc: {  	v59 =	vmul.f32 v25, v13;
	v18 =	vadd.f32 v22, v18;
	v62 =	vld [tilespmem:s19+$0x6710]  }
0x4cd: {  	v20 =	vadd.f32 v47, v45;
	v19 =	vmax.f32 v19, $0.0e+00;
	v63 =	vld [tilespmem:s25+$0x2B20]  }
0x4ce: {  	v19 =	vmul.f32 v19, v12;
	v18 =	vadd.f32 v59, v18;
	v33 =	vld [tilespmem:s19+$0x6720]  }
0x4cf: {  	v20 =	vmax.f32 v20, $0.0e+00;
	v17 =	vadd.f32 v51, v50;
	v34 =	vld [tilespmem:s25+$0x2B30]  }
0x4d0: {  	v32 =	vmul.f32 v20, v11;
	v18 =	vadd.f32 v19, v18;
	v35 =	vld [tilespmem:s19+$0x6730]  }
0x4d1: {  	v24 =	vadd.f32 v55, v54;
	v17 =	vmax.f32 v17, $0.0e+00;
	v36 =	vld [tilespmem:s25+$0x2B40]  }
0x4d2: {  	v17 =	vmul.f32 v17, v9;
	v18 =	vadd.f32 v32, v18;
	v39 =	vld [tilespmem:s19+$0x6740]  }
0x4d3: {  	v24 =	vmax.f32 v24, $0.0e+00;
	v40 =	vld [tilespmem:s25+$0x2B50];
	v25 =	vadd.f32 v60, v58  }
0x4d4: {  	v37 =	vmul.f32 v24, v8;
	v43 =	vld [tilespmem:s19+$0x6750];
	v17 =	vadd.f32 v17, v18;
	v38 =	vadd.f32 v57, v56  }
0x4d5: {  	s14 =	sadd.s32 $0x8, s7;
	v44 =	vld [tilespmem:s25+$0x2B60];
	v21 =	vadd.f32 v62, v61;
	v25 =	vmax.f32 v25, $0.0e+00  }
0x4d6: {  	s15 =	sshll.u32 s14, $0x8;
	v45 =	vld [tilespmem:s19+$0x6760];
	v17 =	vadd.f32 v37, v17;
	v41 =	vmax.f32 v38, $0.0e+00;
	v42 =	vmul.f32 v25, v16  }
0x4d7: {  	s16 =	sand.u32 $0x7800, s15;
	v47 =	vld [tilespmem:s25+$0x2B70];
	v20 =	vadd.f32 v33, v63;
	v21 =	vmax.f32 v21, $0.0e+00;
	v18 =	vmul.f32 v41, v10  }
0x4d8: {  	s2 =	sor.u32 s9, s16;
	v48 =	vld [tilespmem:s19+$0x6770];
	v21 =	vmul.f32 v21, v15;
	v24 =	vadd.f32 v42, v14  }
0x4d9: {  	s26 =	sshll.u32 s14, $0x7;
	v50 =	vld [tilespmem:s2+$0x2B00];
	v19 =	vadd.f32 v35, v34;
	v46 =	vmax.f32 v20, $0.0e+00;
	v17 =	vadd.f32 v18, v17  }
0x4da: {  	v51 =	vld [tilespmem:s26+$0x6700];
	v18 =	vmul.f32 v46, v13;
	v21 =	vadd.f32 v21, v24  }
0x4db: {  	v53 =	vld [tilespmem:s2+$0x2B10];
	v27 =	vadd.f32 v39, v36;
	v19 =	vmax.f32 v19, $0.0e+00;
	v49 =	vperm.xlane v17, v4  }
0x4dc: {  	v55 =	vld [tilespmem:s26+$0x6710];
	v22 =	vadd.f32 v43, v40;
	v19 =	vmul.f32 v19, v12;
	v18 =	vadd.f32 v18, v21  }
0x4dd: {  	v23 =	vadd.f32 v45, v44;
	v52 =	vmax.f32 v27, $0.0e+00;
	v17 =	vadd.f32 v17, v49  }
0x4de: {  	v59 =	vld [tilespmem:s26+$0x6720];
	v22 =	vmax.f32 v22, $0.0e+00;
	v54 =	vmul.f32 v52, v11;
	v18 =	vadd.f32 v19, v18  }
0x4df: {  	v57 =	vld [tilespmem:s2+$0x2B20];
	v23 =	vmax.f32 v23, $0.0e+00;
	v20 =	vadd.f32 v48, v47;
	v56 =	vperm.xlane v17, v5  }
0x4e0: {  	v60 =	vld [tilespmem:s2+$0x2B30];
	v58 =	vmul.f32 v22, v9;
	v21 =	vadd.f32 v51, v50;
	v18 =	vadd.f32 v54, v18  }
0x4e1: {  	v62 =	vld [tilespmem:s26+$0x6730];
	v61 =	vmul.f32 v23, v8;
	v25 =	vadd.f32 v55, v53;
	v17 =	vadd.f32 v17, v56  }
0x4e2: {  	v32 =	vld [tilespmem:s2+$0x2B40];
	v33 =	vmax.f32 v20, $0.0e+00;
	v21 =	vmax.f32 v21, $0.0e+00;
	v18 =	vadd.f32 v58, v18  }
0x4e3: {  	v35 =	vld [tilespmem:s26+$0x6740];
	v25 =	vmax.f32 v25, $0.0e+00;
	v34 =	vmul.f32 v21, v16;
	v63 =	vperm.xlane v17, v6  }
0x4e4: {  	v36 =	vld [tilespmem:s2+$0x2B50];
	v22 =	vadd.f32 v59, v57;
	v19 =	vmul.f32 v33, v10;
	v18 =	vadd.f32 v61, v18  }
0x4e5: {  	v38 =	vld [tilespmem:s26+$0x6750];
	v37 =	vmul.f32 v25, v15;
	v20 =	vadd.f32 v34, v14;
	v17 =	vadd.f32 v17, v63  }
0x4e6: {  	v43 =	vld [tilespmem:s26+$0x6760];
	v40 =	vadd.f32 v62, v60;
	v39 =	vmax.f32 v22, $0.0e+00;
	v18 =	vadd.f32 v19, v18  }
0x4e7: {  	v41 =	vld [tilespmem:s2+$0x2B60];
	v20 =	vadd.f32 v37, v20;
	v42 =	vperm.xlane v17, v7;
	v19 =	vmul.f32 v39, v13  }
0x4e8: {  	v45 =	vld [tilespmem:s2+$0x2B70];
	v22 =	vmax.f32 v40, $0.0e+00;
	v21 =	vadd.f32 v35, v32;
	v44 =	vperm.xlane v18, v4  }
0x4e9: {  	v47 =	vld [tilespmem:s26+$0x6770];
	v46 =	vmul.f32 v22, v12;
	v17 =	vadd.f32 v17, v42;
	v19 =	vadd.f32 v19, v20  }
0x4ea: {  	v25 =	vadd.f32 v38, v36;
	v21 =	vmax.f32 v21, $0.0e+00;
	v18 =	vadd.f32 v18, v44  }
0x4eb: {  	v48 =	vmul.f32 v21, v11;
	v17 =	vsub.f32 $0.0e+00, v17;
	v19 =	vadd.f32 v46, v19  }
0x4ec: {  	v23 =	vadd.f32 v43, v41;
	v25 =	vmax.f32 v25, $0.0e+00;
	v49 =	vperm.xlane v18, v5  }
0x4ed: {  	v50 =	vmul.f32 v25, v9;
	v17 =	vmul.f32 $1.442695020e+00, v17;
	v19 =	vadd.f32 v48, v19  }
0x4ee: {  	v22 =	vadd.f32 v47, v45;
	v51 =	vmax.f32 v23, $0.0e+00;
	v18 =	vadd.f32 v18, v49  }
0x4ef: {  	v53 =	vmul.f32 v51, v8;
	(erf) = vpow2.f32 v17;
	v52 =	vadd.f32 v50, v19  }
0x4f0: {  	v55 =	vmax.f32 v22, $0.0e+00;
	v54 =	vperm.xlane v18, v6  }
0x4f1: {  	v56 =	vmul.f32 v55, v10;
	v17 =	vadd.f32 v53, v52  }
0x4f2: {  	v18 =	vadd.f32 v18, v54  }
0x4f3: {  	v17 =	vadd.f32 v56, v17  }
0x4f4: {  	s17 =	sadd.s32 $0x9, s7;
	v57 =	vperm.xlane v18, v7  }
0x4f5: {  	s18 =	sshll.u32 s17, $0x8;
	s2 =	sshll.u32 s17, $0x7;
	v58 =	vperm.xlane v17, v4  }
0x4f6: {  	s0 =	sand.u32 $0x7800, s18;
	s21 =	sand.u32 $0x280, s2;
	v29 =	vld [tilespmem:s2+$0x6700];
	v18 =	vadd.f32 v18, v57  }
0x4f7: {  	v62 =	vld [tilespmem:s13+$0x2F00];
	s11 =	sor.u32 s21, s0;
	v17 =	vadd.f32 v17, v58  }
0x4f8: {  	v28 =	vld [tilespmem:s11+$0x2B00];
	v59 =	vpop (erf);
	v18 =	vsub.f32 $0.0e+00, v18  }
0x4f9: {  	v31 =	vld [tilespmem:s11+$0x2B10];
	v19 =	vadd.f32 $1.000000000e+00, v59;
	v20 =	vperm.xlane v17, v5  }
0x4fa: {  	v36 =	vld [tilespmem:s2+$0x6730];
	v18 =	vmul.f32 $1.442695020e+00, v18  }
0x4fb: {  	v38 =	vld [tilespmem:s2+$0x6740];
	(erf) = vrcp.f32 v19;
	v17 =	vadd.f32 v17, v20  }
0x4fc: {  	v40 =	vld [tilespmem:s2+$0x6750];
	(erf) = vpow2.f32 v18  }
0x4fd: {  	v41 =	vld [tilespmem:s11+$0x2B60];
	v60 =	vperm.xlane v17, v6  }
0x4fe: {  	s22 =	sadd.s32 $0xA, s7;
	v43 =	vld [tilespmem:s2+$0x6760]  }
0x4ff: {  	s24 =	sshll.u32 s22, $0x8;
	s18 =	sshll.u32 s22, $0x7;
	v45 =	vld [tilespmem:s2+$0x6770];
	v17 =	vadd.f32 v17, v60  }
0x500: {  	s28 =	sand.u32 $0x7800, s24;
	s29 =	sand.u32 $0x300, s18;
	v32 =	vld [tilespmem:s2+$0x6710]  }
0x501: {  	s16 =	sor.u32 s29, s28;
	v33 =	vld [tilespmem:s11+$0x2B20];
	v18 =	vperm.xlane v17, v7  }
0x502: {  	v51 =	vld [tilespmem:s16+$0x2B00]  }
0x503: {  	v35 =	vld [tilespmem:s11+$0x2B30];
	v21 =	vadd.f32 v29, v28;
	v18 =	vadd.f32 v17, v18  }
0x504: {  	v34 =	vld [tilespmem:s2+$0x6720];
	v17 =	vpop (erf)  }
0x505: {  	s3 =	sor.u32 s9, s15;
	v28 =	vld [tilespmem:s25+$0x2F00];
	v21 =	vmax.f32 v21, $0.0e+00;
	v24 =	vadd.f32 v32, v31;
	v18 =	vsub.f32 $0.0e+00, v18;
	v61 =	vpop (erf)  }
0x506: {  	s20 =	sor.u32 $0x400, s3;
	v37 =	vld [tilespmem:s11+$0x2B40];
	v21 =	vmul.f32 v21, v16;
	v19 =	vadd.f32 $1.000000000e+00, v61  }
0x507: {  	v63 =	vld [tilespmem:s20+$0x2B00];
	v24 =	vmax.f32 v24, $0.0e+00;
	v18 =	vmul.f32 $1.442695020e+00, v18  }
0x508: {  	v39 =	vld [tilespmem:s11+$0x2B50];
	v21 =	vadd.f32 v21, v14;
	v24 =	vmul.f32 v24, v15;
	(erf) = vrcp.f32 v19  }
0x509: {  	v22 =	vadd.f32 v36, v35;
	v36 =	vld [tilespmem:s16+$0x2B60];
	(erf) = vpow2.f32 v18  }
0x50a: {  	v21 =	vadd.f32 v24, v21;
	v24 =	vadd.f32 v43, v41;
	v41 =	vld [tilespmem:s18+$0x6760]  }
0x50b: {  	v43 =	vld [tilespmem:s18+$0x6770]  }
0x50c: {  	s6 =	sadd.s32 $0xC, s7;
	v44 =	vld [tilespmem:s11+$0x2B70]  }
0x50d: {  	s28 =	sshll.u32 s6, $0x7;
	v26 =	vadd.f32 v40, v39;
	v40 =	vld [tilespmem:s18+$0x6750]  }
0x50e: {  	s30 =	sadd.s32 $0xB, s7;
	v39 =	vld [tilespmem:s28+$0x6730]  }
0x50f: {  	s31 =	sshll.u32 s30, $0x8;
	s14 =	sshll.u32 s30, $0x7;
	v48 =	vmax.f32 v26, $0.0e+00;
	v26 =	vld [tilespmem:s11+$0x2F00]  }
0x510: {  	s5 =	sand.u32 $0x380, s14;
	s4 =	sand.u32 $0x7800, s31;
	v49 =	vmul.f32 v48, v9;
	v48 =	vld [tilespmem:s14+$0x6710]  }
0x511: {  	s5 =	sor.u32 s5, s4;
	v50 =	vmax.f32 v24, $0.0e+00;
	v53 =	vld [tilespmem:s18+$0x6700];
	v18 =	vpop (erf)  }
0x512: {  	v52 =	vmul.f32 v50, v8;
	v50 =	vld [tilespmem:s5+$0x2B20];
	v30 =	vpop (erf)  }
0x513: {  	v54 =	vld [tilespmem:s16+$0x2B10];
	v23 =	vadd.f32 $1.000000000e+00, v30  }
0x514: {  	v56 =	vld [tilespmem:s18+$0x6710]  }
0x515: {  	v57 =	vld [tilespmem:s16+$0x2B20];
	(erf) = vrcp.f32 v23  }
0x516: {  	v59 =	vld [tilespmem:s16+$0x2B30]  }
0x517: {  	v61 =	vld [tilespmem:s18+$0x6730];
	v23 =	vadd.f32 v34, v33  }
0x518: {  	v58 =	vld [tilespmem:s18+$0x6720];
	v42 =	vmul.f32 v17, v62  }
0x519: {  	v62 =	vld [tilespmem:s18+$0x6740];
	v23 =	vmax.f32 v23, $0.0e+00  }
0x51a: {  	[tilespmem:s12+$0x8F00] =	vst v42;
	v42 =	vld [tilespmem:s16+$0x2B70];
	v23 =	vmul.f32 v23, v13  }
0x51b: {  	v22 =	vmax.f32 v22, $0.0e+00;
	v25 =	vadd.f32 v38, v37;
	v29 =	vld [tilespmem:s13+$0x2F10]  }
0x51c: {  	v22 =	vmul.f32 v22, v12;
	v31 =	vadd.f32 v61, v59;
	v61 =	vld [tilespmem:s14+$0x6750];
	v21 =	vadd.f32 v23, v21  }
0x51d: {  	v25 =	vmax.f32 v25, $0.0e+00;
	v30 =	vadd.f32 v41, v36;
	v41 =	vld [tilespmem:s14+$0x6760];
	v23 =	vadd.f32 v45, v44  }
0x51e: {  	v47 =	vmul.f32 v25, v11;
	v34 =	vld [tilespmem:s16+$0x2B40];
	v46 =	vadd.f32 v22, v21;
	v19 =	vpop (erf)  }
0x51f: {  	v44 =	vld [tilespmem:s5+$0x2B00];
	v23 =	vmax.f32 v23, $0.0e+00;
	v22 =	vadd.f32 v53, v51;
	v20 =	vmul.f32 v19, v63  }
0x520: {  	v45 =	vld [tilespmem:s14+$0x6700];
	v55 =	vmul.f32 v23, v10  }
0x521: {  	v51 =	vld [tilespmem:s14+$0x6720];
	v23 =	vadd.f32 v56, v54;
	v22 =	vmax.f32 v22, $0.0e+00;
	[tilespmem:s26+$0x8F00] =	vst v20;
	v20 =	vadd.f32 v47, v46  }
0x522: {  	v53 =	vld [tilespmem:s5+$0x2B30];
	v22 =	vmul.f32 v22, v16  }
0x523: {  	v21 =	vadd.f32 v58, v57;
	v57 =	vld [tilespmem:s5+$0x2B40];
	v23 =	vmax.f32 v23, $0.0e+00;
	v20 =	vadd.f32 v49, v20  }
0x524: {  	v63 =	vld [tilespmem:s16+$0x2B50];
	v23 =	vmul.f32 v23, v15;
	v22 =	vadd.f32 v22, v14  }
0x525: {  	s8 =	sshll.u32 s6, $0x8;
	v58 =	vld [tilespmem:s14+$0x6740];
	v21 =	vmax.f32 v21, $0.0e+00;
	v20 =	vadd.f32 v52, v20  }
0x526: {  	s10 =	sand.u32 $0x7800, s8;
	s15 =	sand.u32 $0x200, s28;
	v54 =	vld [tilespmem:s14+$0x6730];
	v56 =	vadd.f32 v43, v42;
	v21 =	vmul.f32 v21, v13;
	v22 =	vadd.f32 v23, v22  }
0x527: {  	s0 =	sor.u32 s15, s10;
	v31 =	vmax.f32 v31, $0.0e+00;
	v24 =	vadd.f32 v62, v34;
	v42 =	vld [tilespmem:s5+$0x2B70];
	v20 =	vadd.f32 v55, v20  }
0x528: {  	v59 =	vmax.f32 v56, $0.0e+00;
	v56 =	vld [tilespmem:s0+$0x2B30];
	v46 =	vmul.f32 v31, v12;
	v21 =	vadd.f32 v21, v22  }
0x529: {  	s23 =	sor.u32 $0x410, s3;
	v24 =	vmax.f32 v24, $0.0e+00;
	v47 =	vld [tilespmem:s5+$0x2B10];
	v25 =	vadd.f32 v40, v63;
	v60 =	vperm.xlane v20, v4  }
0x52a: {  	v27 =	vld [tilespmem:s23+$0x2B00];
	v49 =	vmul.f32 v24, v11;
	v21 =	vadd.f32 v46, v21  }
0x52b: {  	v23 =	vadd.f32 v45, v44;
	v44 =	vld [tilespmem:s14+$0x6770];
	v25 =	vmax.f32 v25, $0.0e+00;
	v20 =	vadd.f32 v20, v60  }
0x52c: {  	v24 =	vadd.f32 v51, v50;
	v50 =	vld [tilespmem:s28+$0x6710];
	v52 =	vmul.f32 v25, v9;
	v21 =	vadd.f32 v49, v21  }
0x52d: {  	v30 =	vmax.f32 v30, $0.0e+00;
	v63 =	vld [tilespmem:s5+$0x2B60];
	v35 =	vperm.xlane v20, v5  }
0x52e: {  	v22 =	vmul.f32 v59, v10;
	v59 =	vld [tilespmem:s0+$0x2B40];
	v55 =	vmul.f32 v30, v8;
	v21 =	vadd.f32 v52, v21  }
0x52f: {  	v31 =	vadd.f32 v48, v47;
	v47 =	vld [tilespmem:s28+$0x6700];
	v20 =	vadd.f32 v20, v35  }
0x530: {  	v46 =	vld [tilespmem:s0+$0x2B00];
	v21 =	vadd.f32 v55, v21  }
0x531: {  	v25 =	vadd.f32 v54, v53;
	v53 =	vld [tilespmem:s28+$0x6720];
	v37 =	vperm.xlane v20, v6  }
0x532: {  	v33 =	vadd.f32 v58, v57;
	v23 =	vmax.f32 v23, $0.0e+00;
	v49 =	vld [tilespmem:s0+$0x2B10];
	v21 =	vadd.f32 v22, v21  }
0x533: {  	v24 =	vmax.f32 v24, $0.0e+00;
	v62 =	vmul.f32 v23, v16;
	v60 =	vld [tilespmem:s5+$0x2B50];
	v20 =	vadd.f32 v20, v37  }
0x534: {  	v45 =	vmul.f32 v24, v13;
	v58 =	vadd.f32 v44, v42;
	v44 =	vld [tilespmem:s28+$0x6760];
	v43 =	vperm.xlane v21, v4  }
0x535: {  	v23 =	vadd.f32 v41, v63;
	v63 =	vld [tilespmem:s28+$0x6750];
	v24 =	vadd.f32 v47, v46;
	v37 =	vperm.xlane v20, v7  }
0x536: {  	v40 =	vmax.f32 v31, $0.0e+00;
	v25 =	vmax.f32 v25, $0.0e+00;
	v52 =	vld [tilespmem:s0+$0x2B20];
	v21 =	vadd.f32 v21, v43  }
0x537: {  	v41 =	vld [tilespmem:s0+$0x2B60];
	v48 =	vmul.f32 v25, v12;
	v24 =	vmax.f32 v24, $0.0e+00;
	v20 =	vadd.f32 v20, v37  }
0x538: {  	v25 =	vadd.f32 v50, v49;
	v30 =	vadd.f32 v61, v60;
	v60 =	vld [tilespmem:s28+$0x6740];
	v36 =	vperm.xlane v21, v5  }
0x539: {  	s17 =	sadd.s32 $0xD, s7;
	v47 =	vld [tilespmem:s28+$0x6770];
	v22 =	vmul.f32 v40, v15;
	v16 =	vmul.f32 v24, v16;
	v20 =	vsub.f32 $0.0e+00, v20  }
0x53a: {  	s24 =	sshll.u32 s17, $0x7;
	v24 =	vld [tilespmem:$0xA350];
	v42 =	vmax.f32 v25, $0.0e+00;
	v30 =	vmax.f32 v30, $0.0e+00;
	v21 =	vadd.f32 v21, v36  }
0x53b: {  	v55 =	vmul.f32 v30, v9;
	v43 =	vadd.f32 v53, v52;
	v52 =	vld [tilespmem:s24+$0x6700];
	v20 =	vmul.f32 $1.442695020e+00, v20  }
0x53c: {  	s30 =	sadd.s32 $0xF, s7;
	v30 =	vadd.f32 v39, v56;
	v56 =	vadd.f32 v44, v41;
	v41 =	vld [tilespmem:s24+$0x6730];
	v38 =	vperm.xlane v21, v6  }
0x53d: {  	s31 =	sshll.u32 s30, $0x8;
	s30 =	sshll.u32 s30, $0x7;
	v50 =	vadd.f32 v60, v59;
	v60 =	vld [tilespmem:s24+$0x6720];
	(erf) = vpow2.f32 v20;
	v20 =	vadd.f32 v62, v14  }
0x53e: {  	v15 =	vmul.f32 v42, v15;
	v21 =	vadd.f32 v21, v38;
	v38 =	vld [tilespmem:s30+$0x6770];
	v14 =	vadd.f32 v16, v14  }
0x53f: {  	v37 =	vmul.f32 v19, v27;
	v62 =	vld [tilespmem:s0+$0x2B50];
	v20 =	vadd.f32 v22, v20  }
0x540: {  	s20 =	sshll.u32 s17, $0x8;
	v28 =	vmul.f32 v18, v28;
	v14 =	vadd.f32 v15, v14;
	v15 =	vld [tilespmem:$0xA300]  }
0x541: {  	v33 =	vmax.f32 v33, $0.0e+00;
	[tilespmem:s26+$0x8F10] =	vst v37;
	v20 =	vadd.f32 v45, v20;
	v45 =	vld [tilespmem:s0+$0x2B70];
	s0 =	sand.u32 $0x7800, s20;
	s20 =	sor.u32 $0x420, s3  }
0x542: {  	s1 =	sand.u32 $0x280, s24;
	[tilespmem:s19+$0x8F00] =	vst v28;
	v51 =	vmul.f32 v33, v11;
	v25 =	vmax.f32 v43, $0.0e+00;
	v28 =	vld [tilespmem:s20+$0x2B00]  }
0x543: {  	v23 =	vmax.f32 v23, $0.0e+00;
	s4 =	sor.u32 s1, s0;
	v20 =	vadd.f32 v48, v20;
	v48 =	vmul.f32 v25, v13;
	v13 =	vld [tilespmem:$0xA380]  }
0x544: {  	v57 =	vmul.f32 v23, v8;
	v59 =	vld [tilespmem:s4+$0x2B20]  }
0x545: {  	v40 =	vperm.xlane v21, v7;
	v23 =	vadd.f32 v63, v62;
	v63 =	vld [tilespmem:s4+$0x2B30];
	v20 =	vadd.f32 v51, v20  }
0x546: {  	v61 =	vmax.f32 v58, $0.0e+00;
	v42 =	vld [tilespmem:s4+$0x2B40]  }
0x547: {  	v21 =	vadd.f32 v21, v40;
	v25 =	vmax.f32 v50, $0.0e+00;
	v50 =	vld [tilespmem:s4+$0x2B60];
	v20 =	vadd.f32 v55, v20  }
0x548: {  	v49 =	vmax.f32 v30, $0.0e+00;
	v22 =	vmul.f32 v61, v10;
	v51 =	vld [tilespmem:s4+$0x2B00]  }
0x549: {  	v21 =	vsub.f32 $0.0e+00, v21;
	v11 =	vmul.f32 v25, v11;
	v25 =	vld [tilespmem:$0xA370];
	v54 =	vpop (erf);
	v20 =	vadd.f32 v57, v20  }
0x54a: {  	s21 =	sadd.s32 $0xE, s7;
	v12 =	vmul.f32 v49, v12;
	v14 =	vadd.f32 v48, v14;
	v36 =	vadd.f32 $1.000000000e+00, v54;
	v54 =	vld [tilespmem:s4+$0x2B10]  }
0x54b: {  	s22 =	sshll.u32 s21, $0x8;
	s17 =	sshll.u32 s21, $0x7;
	v55 =	vmax.f32 v23, $0.0e+00;
	v23 =	vld [tilespmem:$0xA340];
	v20 =	vadd.f32 v22, v20  }
0x54c: {  	s29 =	sand.u32 $0x300, s17;
	s23 =	sand.u32 $0x7800, s22;
	v21 =	vmul.f32 $1.442695020e+00, v21;
	v12 =	vadd.f32 v12, v14;
	v9 =	vmul.f32 v55, v9;
	v57 =	vld [tilespmem:s24+$0x6710]  }
0x54d: {  	s6 =	sor.u32 s29, s23;
	(erf) = vrcp.f32 v36;
	v30 =	vadd.f32 v52, v51;
	v51 =	vld [tilespmem:s24+$0x6760];
	v46 =	vperm.xlane v20, v4  }
0x54e: {  	v11 =	vadd.f32 v11, v12;
	(erf) = vpow2.f32 v21;
	v21 =	vmax.f32 v56, $0.0e+00;
	v56 =	vld [tilespmem:s6+$0x2B00]  }
0x54f: {  	v22 =	vadd.f32 v47, v45;
	v45 =	vld [tilespmem:s24+$0x6740];
	v16 =	vadd.f32 v20, v46  }
0x550: {  	v9 =	vadd.f32 v9, v11;
	v8 =	vmul.f32 v21, v8;
	v47 =	vld [tilespmem:s24+$0x6750]  }
0x551: {  	v11 =	vadd.f32 v60, v59;
	v60 =	vld [tilespmem:s6+$0x2B10];
	v53 =	vperm.xlane v16, v5  }
0x552: {  	v61 =	vmax.f32 v22, $0.0e+00;
	v22 =	vld [tilespmem:$0xA320];
	v8 =	vadd.f32 v8, v9  }
0x553: {  	v62 =	vmul.f32 v61, v10;
	v14 =	vadd.f32 v57, v54;
	v54 =	vld [tilespmem:s24+$0x6770];
	v20 =	vadd.f32 v16, v53  }
0x554: {  	v10 =	vadd.f32 v41, v63;
	v41 =	vld [tilespmem:s6+$0x2B20]  }
0x555: {  	v46 =	vld [tilespmem:s4+$0x2B50];
	v9 =	vadd.f32 v62, v8;
	v58 =	vperm.xlane v20, v6  }
0x556: {  	v62 =	vld [tilespmem:s17+$0x6710]  }
0x557: {  	v32 =	vadd.f32 v45, v42;
	v42 =	vld [tilespmem:s17+$0x6720];
	v8 =	vpop (erf);
	v44 =	vperm.xlane v9, v4;
	v12 =	vadd.f32 v20, v58  }
0x558: {  	v45 =	vld [tilespmem:s17+$0x6730];
	v43 =	vpop (erf)  }
0x559: {  	v16 =	vld [tilespmem:$0xA310];
	v21 =	vadd.f32 $1.000000000e+00, v43;
	v9 =	vadd.f32 v9, v44;
	v40 =	vperm.xlane v12, v7  }
0x55a: {  	v30 =	vmax.f32 v30, $0.0e+00;
	v44 =	vld [tilespmem:s6+$0x2B30]  }
0x55b: {  	[smem:$0x7E5] =	sst s8;
	s8 =	sand.u32 $0x7800, s31;
	s10 =	sand.u32 $0x380, s30;
	(erf) = vrcp.f32 v21;
	v48 =	vperm.xlane v9, v5;
	v21 =	vld [tilespmem:$0xA360];
	v12 =	vadd.f32 v12, v40  }
0x55c: {  	s0 =	sor.u32 s10, s8;
	v49 =	vmul.f32 v30, v15;
	v30 =	vadd.f32 v51, v50;
	v53 =	vld [tilespmem:s4+$0x2B70];
	v31 =	vadd.f32 v42, v41  }
0x55d: {  	v42 =	vld [tilespmem:s0+$0x2B10];
	v9 =	vadd.f32 v9, v48;
	v12 =	vsub.f32 $0.0e+00, v12  }
0x55e: {  	v11 =	vmax.f32 v11, $0.0e+00;
	v14 =	vmax.f32 v14, $0.0e+00;
	v58 =	vld [tilespmem:s17+$0x6700]  }
0x55f: {  	v30 =	vmax.f32 v30, $0.0e+00;
	v20 =	vld [tilespmem:$0xA330];
	v52 =	vperm.xlane v9, v6;
	v12 =	vmul.f32 $1.442695020e+00, v12  }
0x560: {  	v14 =	vmul.f32 v14, v16;
	v48 =	vld [tilespmem:s6+$0x2B40];
	v43 =	vmul.f32 v30, v21;
	v30 =	vadd.f32 v45, v44  }
0x561: {  	v44 =	vld [tilespmem:s0+$0x2B20];
	v9 =	vadd.f32 v9, v52;
	(erf) = vpow2.f32 v12;
	v12 =	vadd.f32 v49, v13  }
0x562: {  	v11 =	vmul.f32 v11, v22;
	v33 =	vadd.f32 v47, v46;
	v52 =	vld [tilespmem:s6+$0x2B50]  }
0x563: {  	v47 =	vadd.f32 v58, v56;
	v56 =	vld [tilespmem:s17+$0x6760];
	v57 =	vperm.xlane v9, v7;
	v12 =	vadd.f32 v14, v12  }
0x564: {  	v10 =	vmax.f32 v10, $0.0e+00;
	v32 =	vmax.f32 v32, $0.0e+00;
	v14 =	vadd.f32 v54, v53;
	v53 =	vld [tilespmem:s17+$0x6750]  }
0x565: {  	v55 =	vmul.f32 v10, v20;
	v9 =	vadd.f32 v9, v57;
	v57 =	vld [tilespmem:s6+$0x2B70];
	v11 =	vadd.f32 v11, v12  }
0x566: {  	v59 =	vmul.f32 v32, v23;
	v51 =	vadd.f32 v62, v60;
	v33 =	vmax.f32 v33, $0.0e+00;
	v49 =	vld [tilespmem:s17+$0x6740]  }
0x567: {  	v31 =	vmax.f32 v31, $0.0e+00;
	v50 =	vmax.f32 v47, $0.0e+00;
	v11 =	vadd.f32 v55, v11;
	v55 =	vld [tilespmem:s6+$0x2B60]  }
0x568: {  	v40 =	vmul.f32 v33, v24;
	v9 =	vsub.f32 $0.0e+00, v9;
	v12 =	vmul.f32 v50, v15;
	v50 =	vld [tilespmem:s30+$0x6730]  }
0x569: {  	v10 =	vpop (erf);
	v14 =	vmax.f32 v14, $0.0e+00;
	v32 =	vadd.f32 v53, v52;
	v52 =	vld [tilespmem:s0+$0x2B40];
	v11 =	vadd.f32 v59, v11  }
0x56a: {  	v46 =	vmul.f32 v14, v25;
	v14 =	vmax.f32 v51, $0.0e+00;
	v12 =	vadd.f32 v12, v13;
	v59 =	vld [tilespmem:s17+$0x6770];
	v61 =	vpop (erf)  }
0x56b: {  	v14 =	vmul.f32 v14, v16;
	v63 =	vadd.f32 $1.000000000e+00, v61;
	v11 =	vadd.f32 v40, v11;
	v61 =	vld [tilespmem:s0+$0x2B00]  }
0x56c: {  	v58 =	vmul.f32 v31, v22;
	v30 =	vmax.f32 v30, $0.0e+00;
	v33 =	vadd.f32 v56, v55;
	v55 =	vld [tilespmem:s0+$0x2B50]  }
0x56d: {  	v9 =	vmul.f32 $1.442695020e+00, v9;
	v14 =	vadd.f32 v14, v12;
	v56 =	vld [tilespmem:s30+$0x6750];
	v11 =	vadd.f32 v43, v11  }
0x56e: {  	v62 =	vmul.f32 v30, v20;
	(erf) = vrcp.f32 v63;
	v63 =	vld [tilespmem:s30+$0x6700]  }
0x56f: {  	v14 =	vadd.f32 v58, v14;
	v43 =	vld [tilespmem:s30+$0x6710];
	(erf) = vpow2.f32 v9;
	v11 =	vadd.f32 v46, v11  }
0x570: {  	v29 =	vmul.f32 v17, v29;
	v9 =	vadd.f32 v49, v48;
	v48 =	vld [tilespmem:s0+$0x2B30]  }
0x571: {  	s21 =	sadd.s32 $0x10, s7;
	v32 =	vmax.f32 v32, $0.0e+00;
	v14 =	vadd.f32 v62, v14;
	v62 =	vld [tilespmem:s0+$0x2B70];
	v54 =	vperm.xlane v11, v4  }
0x572: {  	s31 =	sshll.u32 s21, $0x8;
	v40 =	vmul.f32 v8, v26;
	v45 =	vmul.f32 v32, v24;
	v31 =	vadd.f32 v59, v57;
	v59 =	vld [tilespmem:s0+$0x2B60]  }
0x573: {  	s22 =	sand.u32 $0x7800, s31;
	v9 =	vmax.f32 v9, $0.0e+00;
	v27 =	vadd.f32 v63, v61;
	v11 =	vadd.f32 v11, v54;
	v54 =	vld [tilespmem:s30+$0x6740]  }
0x574: {  	s1 =	sor.u32 s9, s22;
	v47 =	vmax.f32 v33, $0.0e+00;
	v46 =	vld [tilespmem:s30+$0x6720];
	v9 =	vmul.f32 v9, v23;
	v26 =	vadd.f32 v43, v42  }
0x575: {  	s10 =	sshll.u32 s21, $0x7;
	v58 =	vadd.f32 v50, v48;
	v48 =	vld [tilespmem:s1+$0x2B00];
	v27 =	vmax.f32 v27, $0.0e+00;
	v60 =	vperm.xlane v11, v5  }
0x576: {  	v49 =	vmul.f32 v47, v21;
	v53 =	vmax.f32 v31, $0.0e+00;
	v50 =	vld [tilespmem:s10+$0x6700];
	v27 =	vmul.f32 v27, v15  }
0x577: {  	v9 =	vadd.f32 v9, v14;
	v26 =	vmax.f32 v26, $0.0e+00;
	v12 =	vpop (erf);
	v11 =	vadd.f32 v11, v60;
	v60 =	vld [tilespmem:s30+$0x6760]  }
0x578: {  	v26 =	vmul.f32 v26, v16;
	v41 =	vpop (erf);
	v27 =	vadd.f32 v27, v13;
	v31 =	vadd.f32 v54, v52;
	v52 =	vld [tilespmem:s10+$0x6710]  }
0x579: {  	[tilespmem:s12+$0x8F10] =	vst v29;
	v14 =	vmul.f32 v53, v25;
	v9 =	vadd.f32 v45, v9;
	v30 =	vadd.f32 $1.000000000e+00, v41;
	v54 =	vld [tilespmem:s1+$0x2B20]  }
0x57a: {  	s23 =	sadd.s32 $0x11, s7;
	v41 =	vadd.f32 v56, v55;
	v39 =	vperm.xlane v11, v6;
	v26 =	vadd.f32 v26, v27;
	v27 =	vld [tilespmem:s13+$0x2F20]  }
0x57b: {  	s20 =	sshll.u32 s23, $0x7;
	v9 =	vadd.f32 v49, v9;
	(erf) = vrcp.f32 v30;
	v30 =	vadd.f32 v46, v44;
	v46 =	vld [tilespmem:s16+$0x2F00]  }
0x57c: {  	v11 =	vadd.f32 v11, v39;
	v39 =	vmax.f32 v31, $0.0e+00;
	v31 =	vmax.f32 v41, $0.0e+00;
	v41 =	vld [tilespmem:s20+$0x6720]  }
0x57d: {  	v9 =	vadd.f32 v14, v9;
	v57 =	vmax.f32 v30, $0.0e+00;
	v30 =	vmax.f32 v58, $0.0e+00;
	v58 =	vld [tilespmem:s1+$0x2B30]  }
0x57e: {  	v32 =	vadd.f32 v60, v59;
	v59 =	vld [tilespmem:s10+$0x6730]  }
0x57f: {  	v61 =	vperm.xlane v9, v4;
	v60 =	vld [tilespmem:s1+$0x2B40];
	v51 =	vperm.xlane v11, v7  }
0x580: {  	v14 =	vmul.f32 v57, v22;
	v57 =	vld [tilespmem:s10+$0x6720]  }
0x581: {  	v28 =	vmul.f32 v19, v28;
	v9 =	vadd.f32 v9, v61;
	v61 =	vld [tilespmem:s10+$0x6740];
	v11 =	vadd.f32 v11, v51  }
0x582: {  	v43 =	vmul.f32 v39, v23;
	v63 =	vmul.f32 v30, v20;
	v30 =	vadd.f32 v38, v62;
	v62 =	vld [tilespmem:s1+$0x2B50]  }
0x583: {  	v31 =	vmul.f32 v31, v24;
	v14 =	vadd.f32 v14, v26;
	v26 =	vld [tilespmem:s25+$0x2F10];
	v11 =	vsub.f32 $0.0e+00, v11  }
0x584: {  	s29 =	sshll.u32 s23, $0x8;
	v45 =	vmax.f32 v32, $0.0e+00;
	v44 =	vperm.xlane v9, v5;
	v30 =	vmax.f32 v30, $0.0e+00;
	v51 =	vld [tilespmem:s1+$0x2B10]  }
0x585: {  	s21 =	sand.u32 $0x7800, s29;
	s22 =	sand.u32 $0x280, s20;
	v32 =	vmul.f32 v10, v46;
	v46 =	vld [tilespmem:s1+$0x2B70];
	v42 =	vadd.f32 v63, v14;
	v11 =	vmul.f32 $1.442695020e+00, v11  }
0x586: {  	s21 =	sor.u32 s22, s21;
	v49 =	vmul.f32 v30, v25;
	v30 =	vadd.f32 v50, v48;
	v48 =	vld [tilespmem:s10+$0x6770];
	v9 =	vadd.f32 v9, v44  }
0x587: {  	[tilespmem:s2+$0x8F00] =	vst v40;
	v29 =	vmul.f32 v45, v21;
	v50 =	vld [tilespmem:s21+$0x2B00];
	(erf) = vpow2.f32 v11;
	v11 =	vadd.f32 v43, v42  }
0x588: {  	v14 =	vld [tilespmem:s11+$0x2F10];
	v33 =	vadd.f32 v59, v58;
	v36 =	vadd.f32 v57, v54;
	v47 =	vperm.xlane v9, v6  }
0x589: {  	v63 =	vld [tilespmem:s10+$0x6750];
	v30 =	vmax.f32 v30, $0.0e+00;
	v34 =	vadd.f32 v61, v60;
	v11 =	vadd.f32 v31, v11  }
0x58a: {  	v59 =	vld [tilespmem:s21+$0x2B30];
	v30 =	vmul.f32 v30, v15;
	v33 =	vmax.f32 v33, $0.0e+00;
	v31 =	vadd.f32 v9, v47  }
0x58b: {  	v60 =	vld [tilespmem:s20+$0x6730];
	v36 =	vmax.f32 v36, $0.0e+00;
	v34 =	vmax.f32 v34, $0.0e+00;
	v11 =	vadd.f32 v29, v11  }
0x58c: {  	v44 =	vld [tilespmem:s10+$0x6760];
	v30 =	vadd.f32 v30, v13;
	v53 =	vperm.xlane v31, v7;
	v29 =	vadd.f32 v52, v51  }
0x58d: {  	s23 =	sadd.s32 $0x12, s7;
	[tilespmem:s18+$0x8F00] =	vst v32;
	v26 =	vmul.f32 v18, v26;
	v32 =	vadd.f32 v48, v46;
	v51 =	vld [tilespmem:s20+$0x6700];
	v11 =	vadd.f32 v49, v11  }
0x58e: {  	s29 =	sshll.u32 s23, $0x8;
	s22 =	sshll.u32 s23, $0x7;
	v57 =	vld [tilespmem:s21+$0x2B20];
	v45 =	vmul.f32 v36, v22;
	v31 =	vadd.f32 v31, v53;
	v29 =	vmax.f32 v29, $0.0e+00  }
0x58f: {  	s8 =	sand.u32 $0x7800, s29;
	s23 =	sand.u32 $0x300, s22;
	v42 =	vld [tilespmem:s1+$0x2B60];
	v32 =	vmax.f32 v32, $0.0e+00;
	v29 =	vmul.f32 v29, v16;
	v56 =	vperm.xlane v11, v4  }
0x590: {  	v36 =	vld [tilespmem:s16+$0x2F10];
	s1 =	sor.u32 s23, s8;
	v9 =	vpop (erf);
	v58 =	vmul.f32 v32, v25;
	v32 =	vadd.f32 v60, v59;
	v31 =	vsub.f32 $0.0e+00, v31  }
0x591: {  	v46 =	vld [tilespmem:s1+$0x2B30];
	v47 =	vmul.f32 v33, v20;
	v55 =	vpop (erf);
	v29 =	vadd.f32 v29, v30;
	v11 =	vadd.f32 v11, v56  }
0x592: {  	v32 =	vmax.f32 v32, $0.0e+00;
	v53 =	vld [tilespmem:s21+$0x2B10];
	v61 =	vadd.f32 v51, v50;
	v37 =	vadd.f32 $1.000000000e+00, v55  }
0x593: {  	v49 =	vmul.f32 v34, v23;
	v55 =	vld [tilespmem:s20+$0x6710];
	v29 =	vadd.f32 v45, v29;
	v38 =	vperm.xlane v11, v5  }
0x594: {  	v60 =	vld [tilespmem:s22+$0x6710];
	v31 =	vmul.f32 $1.442695020e+00, v31;
	v30 =	vmax.f32 v61, $0.0e+00;
	(erf) = vrcp.f32 v37  }
0x595: {  	v37 =	vld [tilespmem:s5+$0x2F00];
	v30 =	vmul.f32 v30, v15;
	v29 =	vadd.f32 v47, v29;
	v11 =	vadd.f32 v11, v38  }
0x596: {  	(erf) = vpow2.f32 v31;
	v31 =	vadd.f32 v44, v42;
	v38 =	vadd.f32 v63, v62;
	v62 =	vld [tilespmem:s21+$0x2B40]  }
0x597: {  	v44 =	vmul.f32 v8, v14;
	v63 =	vld [tilespmem:s20+$0x6740];
	v30 =	vadd.f32 v30, v13;
	v43 =	vperm.xlane v11, v6  }
0x598: {  	v42 =	vld [tilespmem:s20+$0x6750];
	v29 =	vadd.f32 v49, v29;
	v33 =	vadd.f32 v55, v53;
	v38 =	vmax.f32 v38, $0.0e+00  }
0x599: {  	v31 =	vmax.f32 v31, $0.0e+00;
	v49 =	vld [tilespmem:s21+$0x2B50];
	v52 =	vmul.f32 v38, v24;
	v11 =	vadd.f32 v11, v43  }
0x59a: {  	v50 =	vld [tilespmem:s21+$0x2B60];
	v56 =	vmul.f32 v31, v21;
	v31 =	vadd.f32 v41, v57;
	v33 =	vmax.f32 v33, $0.0e+00  }
0x59b: {  	v51 =	vld [tilespmem:s20+$0x6760];
	v37 =	vmul.f32 v12, v37;
	v29 =	vadd.f32 v52, v29;
	v39 =	vperm.xlane v11, v7  }
0x59c: {  	v45 =	vld [tilespmem:s22+$0x6720];
	v33 =	vmul.f32 v33, v16;
	v31 =	vmax.f32 v31, $0.0e+00;
	v34 =	vadd.f32 v63, v62  }
0x59d: {  	v53 =	vld [tilespmem:s20+$0x6770];
	v31 =	vmul.f32 v31, v22;
	v29 =	vadd.f32 v56, v29;
	v39 =	vadd.f32 v11, v39  }
0x59e: {  	v55 =	vld [tilespmem:s1+$0x2B00];
	v30 =	vadd.f32 v33, v30;
	v38 =	vadd.f32 v42, v49;
	v56 =	vmul.f32 v32, v20;
	v11 =	vpop (erf)  }
0x59f: {  	v57 =	vld [tilespmem:s22+$0x6700];
	v34 =	vmax.f32 v34, $0.0e+00;
	v54 =	vpop (erf);
	v29 =	vadd.f32 v58, v29;
	v39 =	vsub.f32 $0.0e+00, v39  }
0x5a0: {  	v52 =	vld [tilespmem:s21+$0x2B70];
	v30 =	vadd.f32 v31, v30;
	v59 =	vmul.f32 v34, v23;
	v40 =	vadd.f32 $1.000000000e+00, v54  }
0x5a1: {  	v62 =	vld [tilespmem:s1+$0x2B20];
	[tilespmem:s14+$0x8F00] =	vst v37;
	v48 =	vperm.xlane v29, v4;
	v39 =	vmul.f32 $1.442695020e+00, v39  }
0x5a2: {  	v37 =	vld [tilespmem:s5+$0x2F10];
	v38 =	vmax.f32 v38, $0.0e+00;
	v30 =	vadd.f32 v56, v30;
	(erf) = vrcp.f32 v40  }
0x5a3: {  	v58 =	vld [tilespmem:s1+$0x2B10];
	v40 =	vadd.f32 v51, v50;
	v29 =	vadd.f32 v29, v48;
	(erf) = vpow2.f32 v39  }
0x5a4: {  	v32 =	vadd.f32 v57, v55;
	v57 =	vld [tilespmem:s22+$0x6760];
	v63 =	vmul.f32 v38, v24;
	v30 =	vadd.f32 v59, v30  }
0x5a5: {  	v33 =	vadd.f32 v53, v52;
	v52 =	vld [tilespmem:s22+$0x6740];
	v40 =	vmax.f32 v40, $0.0e+00;
	v43 =	vperm.xlane v29, v5  }
0x5a6: {  	v32 =	vmax.f32 v32, $0.0e+00;
	v50 =	vld [tilespmem:s1+$0x2B40];
	v30 =	vadd.f32 v63, v30;
	v47 =	vmul.f32 v40, v21  }
0x5a7: {  	v32 =	vmul.f32 v32, v15;
	v51 =	vmax.f32 v33, $0.0e+00;
	v48 =	vld [tilespmem:s22+$0x6730];
	v29 =	vadd.f32 v29, v43  }
0x5a8: {  	s29 =	sadd.s32 $0x13, s7;
	v53 =	vld [tilespmem:s1+$0x2B50];
	v31 =	vmul.f32 v51, v25;
	v34 =	vadd.f32 v60, v58;
	v30 =	vadd.f32 v47, v30  }
0x5a9: {  	s23 =	sshll.u32 s29, $0x8;
	s8 =	sshll.u32 s29, $0x7;
	v36 =	vmul.f32 v10, v36;
	v38 =	vadd.f32 v45, v62;
	v56 =	vld [tilespmem:s1+$0x2B60];
	v61 =	vperm.xlane v29, v6  }
0x5aa: {  	s23 =	sand.u32 $0x7800, s23;
	s29 =	sand.u32 $0x380, s8;
	[tilespmem:s2+$0x8F10] =	vst v44;
	v32 =	vadd.f32 v32, v13;
	v59 =	vld [tilespmem:s1+$0x2B70];
	v34 =	vmax.f32 v34, $0.0e+00;
	v30 =	vadd.f32 v31, v30  }
0x5ab: {  	s23 =	sor.u32 s29, s23;
	v55 =	vmax.f32 v38, $0.0e+00;
	v40 =	vld [tilespmem:s11+$0x2F20];
	v34 =	vmul.f32 v34, v16;
	v14 =	vpop (erf);
	v29 =	vadd.f32 v29, v61  }
0x5ac: {  	v51 =	vld [tilespmem:s23+$0x2B00];
	v33 =	vadd.f32 v52, v50;
	v35 =	vadd.f32 v48, v46;
	v58 =	vperm.xlane v30, v4;
	v54 =	vpop (erf)  }
0x5ad: {  	v32 =	vadd.f32 v34, v32;
	v49 =	vperm.xlane v29, v7;
	v43 =	vadd.f32 $1.000000000e+00, v54;
	v54 =	vld [tilespmem:s22+$0x6750]  }
0x5ae: {  	v63 =	vld [tilespmem:s22+$0x6770];
	v31 =	vmul.f32 v55, v22;
	v33 =	vmax.f32 v33, $0.0e+00;
	v30 =	vadd.f32 v30, v58  }
0x5af: {  	v34 =	vadd.f32 v57, v56;
	v55 =	vld [tilespmem:s23+$0x2B10];
	v46 =	vmul.f32 v33, v23;
	v29 =	vadd.f32 v29, v49  }
0x5b0: {  	v56 =	vld [tilespmem:s8+$0x6710];
	v35 =	vmax.f32 v35, $0.0e+00;
	v42 =	vmul.f32 v8, v40;
	v47 =	vperm.xlane v30, v5  }
0x5b1: {  	v57 =	vld [tilespmem:s23+$0x2B20];
	v61 =	vadd.f32 v31, v32;
	v62 =	vmul.f32 v35, v20;
	v29 =	vsub.f32 $0.0e+00, v29  }
0x5b2: {  	[tilespmem:s19+$0x8F10] =	vst v26;
	v50 =	vmax.f32 v34, $0.0e+00;
	v30 =	vadd.f32 v30, v47;
	v44 =	vadd.f32 v54, v53;
	v53 =	vld [tilespmem:s8+$0x6700]  }
0x5b3: {  	v35 =	vld [tilespmem:s25+$0x2F20];
	v32 =	vadd.f32 v63, v59;
	v52 =	vmul.f32 v50, v21;
	v45 =	vadd.f32 v62, v61  }
0x5b4: {  	v63 =	vld [tilespmem:s8+$0x6730];
	v60 =	vmul.f32 $1.442695020e+00, v29;
	v54 =	vperm.xlane v30, v6;
	v48 =	vmax.f32 v44, $0.0e+00  }
0x5b5: {  	v61 =	vld [tilespmem:s23+$0x2B30];
	v26 =	vadd.f32 v46, v45;
	(erf) = vrcp.f32 v43;
	v49 =	vmul.f32 v48, v24  }
0x5b6: {  	[tilespmem:s18+$0x8F10] =	vst v36;
	v58 =	vld [tilespmem:s8+$0x6720];
	v38 =	vadd.f32 v56, v55;
	(erf) = vpow2.f32 v60;
	v30 =	vadd.f32 v30, v54  }
0x5b7: {  	v31 =	vld [tilespmem:s16+$0x2F20];
	v32 =	vmax.f32 v32, $0.0e+00;
	v26 =	vadd.f32 v49, v26;
	v33 =	vadd.f32 v53, v51  }
0x5b8: {  	v50 =	vld [tilespmem:s23+$0x2B50];
	v32 =	vmul.f32 v32, v25;
	v38 =	vmax.f32 v38, $0.0e+00;
	v60 =	vperm.xlane v30, v7  }
0x5b9: {  	v16 =	vmul.f32 v38, v16;
	v48 =	vld [tilespmem:s23+$0x2B40];
	v29 =	vadd.f32 v52, v26;
	v33 =	vmax.f32 v33, $0.0e+00  }
0x5ba: {  	v34 =	vadd.f32 v63, v61;
	v49 =	vld [tilespmem:s8+$0x6740];
	v30 =	vadd.f32 v30, v60;
	v15 =	vmul.f32 v33, v15  }
0x5bb: {  	v55 =	vld [tilespmem:s8+$0x6760];
	v61 =	vmul.f32 v17, v27;
	v29 =	vadd.f32 v32, v29;
	v32 =	vadd.f32 v58, v57  }
0x5bc: {  	v56 =	vmax.f32 v34, $0.0e+00;
	v51 =	vmul.f32 v12, v37;
	v52 =	vld [tilespmem:s8+$0x6750];
	v13 =	vadd.f32 v15, v13  }
0x5bd: {  	v44 =	vmul.f32 v10, v31;
	v53 =	vld [tilespmem:s23+$0x2B60];
	v30 =	vsub.f32 $0.0e+00, v30;
	v32 =	vmax.f32 v32, $0.0e+00  }
0x5be: {  	v37 =	vmul.f32 v18, v35;
	v60 =	vld [tilespmem:s8+$0x6770];
	[tilespmem:s14+$0x8F10] =	vst v51;
	v26 =	vpop (erf);
	v13 =	vadd.f32 v16, v13;
	v22 =	vmul.f32 v32, v22  }
0x5bf: {  	v63 =	vld [tilespmem:s5+$0x2F20];
	v30 =	vmul.f32 $1.442695020e+00, v30;
	v33 =	vadd.f32 v49, v48;
	v59 =	vpop (erf);
	v62 =	vperm.xlane v29, v4  }
0x5c0: {  	v57 =	vld [tilespmem:s23+$0x2B70];
	v41 =	vadd.f32 $1.000000000e+00, v59;
	v59 =	vmul.f32 v56, v20;
	v13 =	vadd.f32 v22, v13  }
0x5c1: {  	[tilespmem:s12+$0x8F20] =	vst v61;
	v33 =	vmax.f32 v33, $0.0e+00;
	v29 =	vadd.f32 v29, v62;
	v62 =	vadd.f32 v52, v50  }
0x5c2: {  	v36 =	vmul.f32 v33, v23;
	(erf) = vrcp.f32 v41;
	v41 =	vld [tilespmem:s13+$0x2F30];
	v13 =	vadd.f32 v59, v13  }
0x5c3: {  	v38 =	vadd.f32 v55, v53;
	v54 =	vperm.xlane v29, v5;
	v27 =	vmax.f32 v62, $0.0e+00  }
0x5c4: {  	[tilespmem:s2+$0x8F20] =	vst v42;
	v46 =	vmul.f32 v12, v63;
	v39 =	vmul.f32 v27, v24;
	v13 =	vadd.f32 v36, v13  }
0x5c5: {  	v47 =	vld [tilespmem:s11+$0x2F30];
	[tilespmem:s19+$0x8F20] =	vst v37;
	v22 =	vmax.f32 v38, $0.0e+00;
	v20 =	vadd.f32 v60, v57;
	v58 =	vadd.f32 v29, v54  }
0x5c6: {  	[tilespmem:s18+$0x8F20] =	vst v44;
	v43 =	vld [tilespmem:s25+$0x2F30];
	(erf) = vpow2.f32 v30;
	v21 =	vmul.f32 v22, v21;
	v13 =	vadd.f32 v39, v13  }
0x5c7: {  	[tilespmem:s26+$0x8F20] =	vst v28;
	s29 =	sor.u32 $0x430, s3;
	v49 =	vld [tilespmem:s16+$0x2F30];
	v20 =	vmax.f32 v20, $0.0e+00;
	v48 =	vperm.xlane v58, v6;
	v50 =	vmul.f32 v17, v41  }
0x5c8: {  	v45 =	vld [tilespmem:s29+$0x2B00];
	[tilespmem:s14+$0x8F20] =	vst v46;
	v20 =	vmul.f32 v20, v25;
	v13 =	vadd.f32 v21, v13  }
0x5c9: {  	v51 =	vld [tilespmem:s5+$0x2F30];
	v15 =	vadd.f32 v58, v48;
	[tilespmem:s12+$0x8F30] =	vst v50  }
0x5ca: {  	v22 =	vmul.f32 v8, v47;
	v55 =	vld [tilespmem:s13+$0x2F40];
	v20 =	vadd.f32 v20, v13  }
0x5cb: {  	v52 =	vmul.f32 v18, v43;
	v54 =	vperm.xlane v15, v7  }
0x5cc: {  	v16 =	vmul.f32 v10, v49;
	[tilespmem:s2+$0x8F30] =	vst v22;
	v56 =	vperm.xlane v20, v4  }
0x5cd: {  	v53 =	vmul.f32 v19, v45;
	[tilespmem:s19+$0x8F30] =	vst v52;
	v60 =	vld [tilespmem:s11+$0x2F40];
	v15 =	vadd.f32 v15, v54  }
0x5ce: {  	v57 =	vld [tilespmem:s25+$0x2F40];
	[tilespmem:s18+$0x8F30] =	vst v16;
	v59 =	vmul.f32 v12, v51;
	v13 =	vpop (erf);
	v20 =	vadd.f32 v20, v56  }
0x5cf: {  	s29 =	sor.u32 $0x440, s3;
	[tilespmem:s26+$0x8F30] =	vst v53;
	v62 =	vld [tilespmem:s16+$0x2F40];
	v61 =	vpop (erf);
	v15 =	vsub.f32 $0.0e+00, v15;
	v25 =	vmul.f32 v17, v55  }
0x5d0: {  	v58 =	vld [tilespmem:s29+$0x2B00];
	[tilespmem:s14+$0x8F30] =	vst v59;
	v16 =	vadd.f32 $1.000000000e+00, v61;
	v63 =	vperm.xlane v20, v5  }
0x5d1: {  	v32 =	vld [tilespmem:s5+$0x2F40];
	v15 =	vmul.f32 $1.442695020e+00, v15;
	[tilespmem:s12+$0x8F40] =	vst v25  }
0x5d2: {  	v35 =	vmul.f32 v8, v60;
	(erf) = vrcp.f32 v16;
	v34 =	vld [tilespmem:s13+$0x2F50];
	v20 =	vadd.f32 v20, v63  }
0x5d3: {  	(erf) = vpow2.f32 v15  }
0x5d4: {  	v33 =	vmul.f32 v18, v57;
	[tilespmem:s2+$0x8F40] =	vst v35;
	v22 =	vperm.xlane v20, v6  }
0x5d5: {  	v37 =	vmul.f32 v10, v62;
	v40 =	vld [tilespmem:s11+$0x2F50]  }
0x5d6: {  	[tilespmem:s19+$0x8F40] =	vst v33;
	v21 =	vmul.f32 v19, v58;
	v20 =	vadd.f32 v20, v22  }
0x5d7: {  	v31 =	vld [tilespmem:s0+$0x2F00];
	[tilespmem:s18+$0x8F40] =	vst v37;
	v39 =	vmul.f32 v12, v32;
	v15 =	vmul.f32 v34, v17  }
0x5d8: {  	v36 =	vld [tilespmem:s25+$0x2F50];
	[tilespmem:s26+$0x8F40] =	vst v21;
	v41 =	vperm.xlane v20, v7  }
0x5d9: {  	v21 =	vld [tilespmem:s16+$0x2F50];
	[tilespmem:s14+$0x8F40] =	vst v39  }
0x5da: {  	v42 =	vld [tilespmem:s5+$0x2F50];
	v22 =	vmul.f32 v40, v8;
	v16 =	vadd.f32 v20, v41  }
0x5db: {  	v30 =	vld [tilespmem:s6+$0x2F00];
	s29 =	sor.u32 $0x450, s3;
	[tilespmem:s12+$0x8F50] =	vst v15;
	v15 =	vpop (erf)  }
0x5dc: {  	v38 =	vld [tilespmem:s29+$0x2B00];
	[tilespmem:s2+$0x8F50] =	vst v22;
	v45 =	vpop (erf);
	v16 =	vsub.f32 $0.0e+00, v16  }
0x5dd: {  	v23 =	vmul.f32 v36, v18;
	v51 =	vld [tilespmem:s11+$0x2F60];
	v48 =	vadd.f32 $1.000000000e+00, v45  }
0x5de: {  	v29 =	vld [tilespmem:s4+$0x2F00];
	v47 =	vmul.f32 v21, v10;
	v16 =	vmul.f32 $1.442695020e+00, v16  }
0x5df: {  	v33 =	vld [tilespmem:s21+$0x2F00];
	[tilespmem:s19+$0x8F50] =	vst v23;
	v50 =	vmul.f32 v42, v12;
	(erf) = vrcp.f32 v48  }
0x5e0: {  	v46 =	vld [tilespmem:s25+$0x2F60];
	[tilespmem:s18+$0x8F50] =	vst v47;
	(erf) = vpow2.f32 v16  }
0x5e1: {  	v43 =	vmul.f32 v38, v19;
	[tilespmem:s14+$0x8F50] =	vst v50;
	v20 =	vld [tilespmem:s16+$0x2F60]  }
0x5e2: {  	v53 =	vld [tilespmem:s5+$0x2F60];
	v57 =	vmul.f32 v51, v8  }
0x5e3: {  	v35 =	vld [tilespmem:s1+$0x2F00];
	s29 =	sor.u32 $0x460, s3;
	v39 =	vmul.f32 v26, v31;
	[tilespmem:s26+$0x8F50] =	vst v43  }
0x5e4: {  	v49 =	vld [tilespmem:s29+$0x2B00];
	[tilespmem:s2+$0x8F60] =	vst v57  }
0x5e5: {  	[tilespmem:s30+$0x8F00] =	vst v39;
	v54 =	vmul.f32 v46, v18;
	v22 =	vld [tilespmem:s11+$0x2F70]  }
0x5e6: {  	v42 =	vld [tilespmem:s0+$0x2F10];
	v59 =	vmul.f32 v20, v10  }
0x5e7: {  	v44 =	vld [tilespmem:s13+$0x2F60];
	[tilespmem:s19+$0x8F60] =	vst v54;
	v21 =	vmul.f32 v53, v12  }
0x5e8: {  	v58 =	vld [tilespmem:s25+$0x2F70];
	v41 =	vmul.f32 v15, v33;
	[tilespmem:s18+$0x8F60] =	vst v59;
	v16 =	vpop (erf)  }
0x5e9: {  	v55 =	vmul.f32 v49, v19;
	[tilespmem:s14+$0x8F60] =	vst v21;
	v61 =	vld [tilespmem:s16+$0x2F70];
	v62 =	vpop (erf)  }
0x5ea: {  	[tilespmem:s20+$0x8F00] =	vst v41;
	s16 =	sld [smem:$0x7E5];
	v21 =	vld [tilespmem:s5+$0x2F70];
	s5 =	sor.u32 s9, s31;
	v8 =	vmul.f32 v22, v8;
	v23 =	vadd.f32 $1.000000000e+00, v62  }
0x5eb: {  	v36 =	vmul.f32 v14, v30;
	v46 =	vld [tilespmem:s21+$0x2F10];
	[tilespmem:s26+$0x8F60] =	vst v55;
	s9 =	sor.u32 $0x400, s5  }
0x5ec: {  	s3 =	sor.u32 $0x470, s3;
	v34 =	vmul.f32 v11, v29;
	[tilespmem:s2+$0x8F70] =	vst v8;
	v8 =	vld [tilespmem:s9+$0x2B00];
	(erf) = vrcp.f32 v23  }
0x5ed: {  	[tilespmem:s17+$0x8F00] =	vst v36;
	v52 =	vmul.f32 v44, v17;
	v60 =	vld [tilespmem:s3+$0x2B00];
	s3 =	sor.u32 s16, s15  }
0x5ee: {  	[tilespmem:s24+$0x8F00] =	vst v34;
	v47 =	vmul.f32 v26, v42;
	s25 =	sor.u32 $0x400, s3  }
0x5ef: {  	[tilespmem:s12+$0x8F60] =	vst v52;
	v18 =	vmul.f32 v58, v18;
	v63 =	vld [tilespmem:s25+$0x2B00]  }
0x5f0: {  	[tilespmem:s30+$0x8F10] =	vst v47;
	v56 =	vld [tilespmem:s13+$0x2F70];
	v51 =	vmul.f32 v15, v46  }
0x5f1: {  	v37 =	vld [tilespmem:s23+$0x2F00];
	[tilespmem:s19+$0x8F70] =	vst v18;
	v10 =	vmul.f32 v61, v10;
	v8 =	vmul.f32 v13, v8  }
0x5f2: {  	v28 =	vmul.f32 v60, v19;
	[tilespmem:s20+$0x8F10] =	vst v51;
	v19 =	vmul.f32 v16, v35  }
0x5f3: {  	v40 =	vld [tilespmem:s4+$0x2F10];
	[tilespmem:s18+$0x8F70] =	vst v10  }
0x5f4: {  	[tilespmem:s22+$0x8F00] =	vst v19;
	v32 =	vmul.f32 v9, v63  }
0x5f5: {  	v17 =	vmul.f32 v56, v17;
	v10 =	vld [tilespmem:s6+$0x2F10];
	[tilespmem:s10+$0x8F00] =	vst v8;
	v8 =	vpop (erf)  }
0x5f6: {  	s29 =	sor.u32 $0x410, s3;
	v19 =	vld [tilespmem:s1+$0x2F10];
	[tilespmem:s28+$0x8F00] =	vst v32;
	v44 =	vmul.f32 v8, v37  }
0x5f7: {  	s31 =	sor.u32 $0x410, s5;
	[tilespmem:s12+$0x8F70] =	vst v17;
	v12 =	vmul.f32 v21, v12;
	v38 =	vld [tilespmem:s29+$0x2B00]  }
0x5f8: {  	v17 =	vmul.f32 v11, v40;
	v43 =	vld [tilespmem:s31+$0x2B00];
	[tilespmem:s8+$0x8F00] =	vst v44  }
0x5f9: {  	[tilespmem:s14+$0x8F70] =	vst v12;
	v12 =	vld [tilespmem:s23+$0x2F10]  }
0x5fa: {  	v56 =	vld [tilespmem:s21+$0x2F20];
	[tilespmem:s24+$0x8F10] =	vst v17;
	v10 =	vmul.f32 v14, v10  }
0x5fb: {  	[tilespmem:s26+$0x8F70] =	vst v28;
	v48 =	vld [tilespmem:s4+$0x2F20];
	v53 =	vmul.f32 v16, v19  }
0x5fc: {  	v52 =	vld [tilespmem:s0+$0x2F20];
	[tilespmem:s17+$0x8F10] =	vst v10;
	v45 =	vmul.f32 v9, v38  }
0x5fd: {  	v50 =	vld [tilespmem:s6+$0x2F20];
	[tilespmem:s22+$0x8F10] =	vst v53;
	v49 =	vmul.f32 v13, v43  }
0x5fe: {  	s9 =	sor.u32 $0x420, s3;
	v58 =	vld [tilespmem:s1+$0x2F20];
	[tilespmem:s28+$0x8F10] =	vst v45;
	v12 =	vmul.f32 v8, v12  }
0x5ff: {  	s11 =	sor.u32 $0x420, s5;
	v27 =	vmul.f32 v15, v56;
	v18 =	vld [tilespmem:s9+$0x2B00];
	[tilespmem:s10+$0x8F10] =	vst v49  }
0x600: {  	v57 =	vmul.f32 v11, v48;
	v54 =	vld [tilespmem:s11+$0x2B00];
	[tilespmem:s8+$0x8F10] =	vst v12  }
0x601: {  	v62 =	vmul.f32 v26, v52;
	[tilespmem:s20+$0x8F20] =	vst v27;
	v60 =	vld [tilespmem:s23+$0x2F20]  }
0x602: {  	v33 =	vld [tilespmem:s21+$0x2F30];
	[tilespmem:s24+$0x8F20] =	vst v57;
	v59 =	vmul.f32 v14, v50  }
0x603: {  	[tilespmem:s30+$0x8F20] =	vst v62;
	v63 =	vld [tilespmem:s4+$0x2F30];
	v29 =	vmul.f32 v16, v58  }
0x604: {  	v28 =	vld [tilespmem:s0+$0x2F30];
	[tilespmem:s17+$0x8F20] =	vst v59;
	v55 =	vmul.f32 v9, v18  }
0x605: {  	v25 =	vld [tilespmem:s6+$0x2F30];
	[tilespmem:s22+$0x8F20] =	vst v29;
	v24 =	vmul.f32 v13, v54  }
0x606: {  	s12 =	sor.u32 $0x430, s3;
	v35 =	vld [tilespmem:s1+$0x2F30];
	[tilespmem:s28+$0x8F20] =	vst v55;
	v31 =	vmul.f32 v8, v60  }
0x607: {  	s13 =	sor.u32 $0x430, s5;
	v43 =	vmul.f32 v15, v33;
	v61 =	vld [tilespmem:s12+$0x2B00];
	[tilespmem:s10+$0x8F20] =	vst v24  }
0x608: {  	v34 =	vmul.f32 v11, v63;
	v30 =	vld [tilespmem:s13+$0x2B00];
	[tilespmem:s8+$0x8F20] =	vst v31  }
0x609: {  	v39 =	vmul.f32 v26, v28;
	[tilespmem:s20+$0x8F30] =	vst v43;
	v37 =	vld [tilespmem:s23+$0x2F30]  }
0x60a: {  	v49 =	vld [tilespmem:s21+$0x2F40];
	[tilespmem:s24+$0x8F30] =	vst v34;
	v36 =	vmul.f32 v14, v25  }
0x60b: {  	[tilespmem:s30+$0x8F30] =	vst v39;
	v40 =	vld [tilespmem:s4+$0x2F40];
	v45 =	vmul.f32 v16, v35  }
0x60c: {  	v44 =	vld [tilespmem:s0+$0x2F40];
	[tilespmem:s17+$0x8F30] =	vst v36;
	v32 =	vmul.f32 v9, v61  }
0x60d: {  	v42 =	vld [tilespmem:s6+$0x2F40];
	[tilespmem:s22+$0x8F30] =	vst v45;
	v41 =	vmul.f32 v13, v30  }
0x60e: {  	s14 =	sor.u32 $0x440, s3;
	v51 =	vld [tilespmem:s1+$0x2F40];
	[tilespmem:s28+$0x8F30] =	vst v32;
	v47 =	vmul.f32 v8, v37  }
0x60f: {  	s15 =	sor.u32 $0x440, s5;
	v59 =	vmul.f32 v15, v49;
	v38 =	vld [tilespmem:s14+$0x2B00];
	[tilespmem:s10+$0x8F30] =	vst v41  }
0x610: {  	v50 =	vmul.f32 v40, v11;
	v46 =	vld [tilespmem:s15+$0x2B00];
	[tilespmem:s8+$0x8F30] =	vst v47  }
0x611: {  	v55 =	vmul.f32 v26, v44;
	[tilespmem:s20+$0x8F40] =	vst v59;
	v53 =	vld [tilespmem:s23+$0x2F40]  }
0x612: {  	v25 =	vld [tilespmem:s21+$0x2F50];
	[tilespmem:s24+$0x8F40] =	vst v50;
	v52 =	vmul.f32 v14, v42  }
0x613: {  	[tilespmem:s30+$0x8F40] =	vst v55;
	v56 =	vld [tilespmem:s4+$0x2F50];
	v61 =	vmul.f32 v16, v51  }
0x614: {  	v60 =	vld [tilespmem:s0+$0x2F50];
	[tilespmem:s17+$0x8F40] =	vst v52;
	v48 =	vmul.f32 v9, v38  }
0x615: {  	v58 =	vld [tilespmem:s6+$0x2F50];
	[tilespmem:s22+$0x8F40] =	vst v61;
	v57 =	vmul.f32 v13, v46  }
0x616: {  	s16 =	sor.u32 $0x450, s3;
	v28 =	vld [tilespmem:s1+$0x2F50];
	[tilespmem:s28+$0x8F40] =	vst v48;
	v63 =	vmul.f32 v8, v53  }
0x617: {  	s18 =	sor.u32 $0x450, s5;
	v36 =	vmul.f32 v25, v15;
	v54 =	vld [tilespmem:s16+$0x2B00];
	[tilespmem:s10+$0x8F40] =	vst v57  }
0x618: {  	v27 =	vmul.f32 v56, v11;
	v62 =	vld [tilespmem:s18+$0x2B00];
	[tilespmem:s8+$0x8F40] =	vst v63  }
0x619: {  	[tilespmem:s20+$0x8F50] =	vst v36;
	v32 =	vmul.f32 v60, v26;
	v30 =	vld [tilespmem:s23+$0x2F50]  }
0x61a: {  	v42 =	vld [tilespmem:s21+$0x2F60];
	[tilespmem:s24+$0x8F50] =	vst v27;
	v29 =	vmul.f32 v58, v14  }
0x61b: {  	v33 =	vld [tilespmem:s4+$0x2F60];
	[tilespmem:s30+$0x8F50] =	vst v32;
	v38 =	vmul.f32 v28, v16  }
0x61c: {  	v37 =	vld [tilespmem:s0+$0x2F60];
	[tilespmem:s17+$0x8F50] =	vst v29;
	v24 =	vmul.f32 v54, v9  }
0x61d: {  	v35 =	vld [tilespmem:s6+$0x2F60];
	[tilespmem:s22+$0x8F50] =	vst v38;
	v34 =	vmul.f32 v62, v13  }
0x61e: {  	s19 =	sor.u32 $0x460, s3;
	v44 =	vld [tilespmem:s1+$0x2F60];
	[tilespmem:s28+$0x8F50] =	vst v24;
	v40 =	vmul.f32 v30, v8  }
0x61f: {  	s25 =	sor.u32 $0x460, s5;
	v52 =	vmul.f32 v42, v15;
	v31 =	vld [tilespmem:s19+$0x2B00];
	[tilespmem:s10+$0x8F50] =	vst v34  }
0x620: {  	v43 =	vmul.f32 v33, v11;
	v39 =	vld [tilespmem:s25+$0x2B00];
	[tilespmem:s8+$0x8F50] =	vst v40  }
0x621: {  	[tilespmem:s20+$0x8F60] =	vst v52;
	v48 =	vmul.f32 v37, v26;
	v46 =	vld [tilespmem:s23+$0x2F60]  }
0x622: {  	v57 =	vld [tilespmem:s21+$0x2F70];
	[tilespmem:s24+$0x8F60] =	vst v43;
	v45 =	vmul.f32 v35, v14  }
0x623: {  	v49 =	vld [tilespmem:s4+$0x2F70];
	[tilespmem:s30+$0x8F60] =	vst v48;
	v54 =	vmul.f32 v44, v16  }
0x624: {  	v53 =	vld [tilespmem:s0+$0x2F70];
	[tilespmem:s17+$0x8F60] =	vst v45;
	v41 =	vmul.f32 v31, v9  }
0x625: {  	v51 =	vld [tilespmem:s6+$0x2F70];
	[tilespmem:s22+$0x8F60] =	vst v54;
	v50 =	vmul.f32 v39, v13  }
0x626: {  	s26 =	sor.u32 $0x470, s3;
	v12 =	vld [tilespmem:s1+$0x2F70];
	[tilespmem:s28+$0x8F60] =	vst v41;
	v56 =	vmul.f32 v46, v8  }
0x627: {  	s29 =	sor.u32 $0x470, s5;
	v62 =	vmul.f32 v57, v15;
	v47 =	vld [tilespmem:s26+$0x2B00];
	[tilespmem:s10+$0x8F60] =	vst v50  }
0x628: {  	v11 =	vmul.f32 v49, v11;
	v55 =	vld [tilespmem:s29+$0x2B00];
	[tilespmem:s8+$0x8F60] =	vst v56  }
0x629: {  	[tilespmem:s20+$0x8F70] =	vst v62;
	v60 =	vmul.f32 v53, v26;
	v58 =	vld [tilespmem:s23+$0x2F70]  }
0x62a: {  	[tilespmem:s24+$0x8F70] =	vst v11;
	v59 =	vmul.f32 v51, v14  }
0x62b: {  	p2 =	slt.u32 s7, $0x14;
	[tilespmem:s30+$0x8F70] =	vst v60;
	v63 =	vmul.f32 v12, v16  }
.Ltmp4:
0x62c: {  	[tilespmem:s17+$0x8F70] =	vst v59;
	v9 =	vmul.f32 v47, v9;
	(pc) =	sbr.rel @p2 .LBB2_7-.Ltmp4, $4  }
0x62d: {  	[tilespmem:s22+$0x8F70] =	vst v63;
	v61 =	vmul.f32 v55, v13  }
0x62e: {  	[tilespmem:s28+$0x8F70] =	vst v9;
	v8 =	vmul.f32 v58, v8  }
0x62f: {  	s31 =	sadd.s32 $0x14, s7;
	[tilespmem:s10+$0x8F70] =	vst v61  }
0x630: {  	s7 =	smov.u32 s31;
	[tilespmem:s8+$0x8F70] =	vst v8  }
.Ltmp5:
0x631: {  	(pc) =	sbr.rel @p1 .LBB2_10-.Ltmp5, $4  }
0x632: {  	_ = 	snop  }
0x633: {  	s0 =	rddreg [dreg:$0x2]  }
0x634: {  	s15 =	simm.s32 $0x28;
	s1 =	simm.s32 $0x280;
	s2 =	simm.s32 $0x8F00  }
0x635: {  	[spmem:s0] =	stream.indirect.scatter.add.f32 [tilespmem:s2], [sflag:$0x6], $0x80, s1, s15, $0xb8;
	[tilespmem:$0x1DC80] =	vst v63  }
0x636: {  	s0 =	simm.s32 $0x8  }
0x637: {  	_ =	swait.ge [sflag:s0], $0x28  }
0x638: {  	[sflag:s0] =	ssyncset.done $0x0  }
0x639: {  	s22 =	simm.s32 $0xA;
	[sflag:s0] =	ssyncadd.s32 $0xFFFFFFD8  }
0x63a: {  	_ =	swait.ge [sflag:s22], $0x28  }
0x63b: {  	[sflag:s22] =	ssyncset.done $0x0  }
0x63c: {  	[sflag:s22] =	ssyncadd.s32 $0xFFFFFFD8  }
0x63d: {  	v8 =	vld [tilespmem:$0x80];
	_ =	sdelay $0x4  }
0x63e: {  	v9 =	vshll.u32 v8, $0x1  }
0x63f: {  	v8 =	vand.u32 $0x7, v8;
	v9 =	vand.u32 $0xFFFFFFF0, v9  }
0x640: {  	v8 =	vor.u32 v8, v9  }
0x641: {  	v9 =	vperm.xlane v8, v1;
	_ =	sdelay $0x1  }
0x642: {  	v8 =	vperm.xlane v8, v3;
	v9 =	vadd.s32 v2, v9;
	_ =	sdelay $0x1  }
0x643: {  	v8 =	vadd.s32 v2, v8;
	_ =	sdelay $0x1  }
0x644: {  	s23 =	simm.s32 $0x0;
	s2 =	simm.s32 $0x2B00;
	s1 =	rddreg [dreg:$0x16]  }
0x645: {  	[tilespmem:s2], [sflag:$0x2] =	stream.indirect_vreg.gather [hbm4b:s1+s23], $0x80, v9, vm0, $0xb8;
	[tilespmem:$0x1DC80] =	vst v63  }
0x646: {  	s24 =	simm.s32 $0x3300  }
0x647: {  	[tilespmem:s24], [sflag:$0x2] =	stream.indirect_vreg.gather [hbm4b:s1+s23], $0x80, v8, vm0, $0xb8;
	[tilespmem:$0x1DC80] =	vst v63  }
0x648: {  	v8 =	vld [tilespmem:$0x90];
	_ =	sdelay $0x4  }
0x649: {  	v62 =	vshll.u32 v8, $0x1  }
0x64a: {  	v8 =	vand.u32 $0x7, v8;
	v9 =	vand.u32 $0xFFFFFFF0, v62  }
0x64b: {  	v8 =	vor.u32 v8, v9  }
0x64c: {  	v9 =	vperm.xlane v8, v1;
	_ =	sdelay $0x1  }
0x64d: {  	v8 =	vperm.xlane v8, v3;
	v9 =	vadd.s32 v2, v9;
	_ =	sdelay $0x1  }
0x64e: {  	v8 =	vadd.s32 v2, v8;
	_ =	sdelay $0x1  }
0x64f: {  	s25 =	simm.s32 $0x3B00  }
0x650: {  	[tilespmem:s25], [sflag:$0x2] =	stream.indirect_vreg.gather [hbm4b:s1+s23], $0x80, v9, vm0, $0xb8;
	[tilespmem:$0x1DC80] =	vst v63  }
0x651: {  	s26 =	simm.s32 $0x4300  }
0x652: {  	[tilespmem:s26], [sflag:$0x2] =	stream.indirect_vreg.gather [hbm4b:s1+s23], $0x80, v8, vm0, $0xb8;
	[tilespmem:$0x1DC80] =	vst v63  }
0x653: {  	v8 =	vld.msk [tilespmem:$0xA0], $0xff;
	_ =	sdelay $0x4  }
0x654: {  	v63 =	vshll.u32 v8, $0x1  }
0x655: {  	v8 =	vand.u32 $0x7, v8;
	v9 =	vand.u32 $0xFFFFFFF0, v63  }
0x656: {  	v8 =	vor.u32 v8, v9  }
0x657: {  	v8 =	vperm.xlane v8, v1;
	_ =	sdelay $0x1  }
0x658: {  	v8 =	vadd.s32 v2, v8;
	_ =	sdelay $0x2  }
.Ltmp6:
0x659: {  	s4 =	sld [smem:$0x7E7];
	(pc) =	sbr.rel .LBB2_4-.Ltmp6, $4  }
0x65a: {  	s28 =	simm.s32 $0x4B00;
	s30 =	simm.s32 $0x180  }
0x65b: {  	[tilespmem:s28], [sflag:$0x2] =	stream.indirect_vreg.gather [hbm4b:s1+s23], $0x80, v8, vm0, $0xb8;
	[tilespmem:$0x1DC80] =	vst v63  }
0x65c: {  	s31 =	simm.s32 $0x6700;
	s29 =	rddreg [dreg:$0x1];
	s4 =	sadd.s32 $0x1, s4  }
0x65d: {  	[tilespmem:s31], [sflag:$0x4] =	stream.indirect.gather [hbm4b:s29+s15], $0x80, s30, s15, $0xb8;
	[tilespmem:$0x1DC80] =	vst v63  }
.LBB2_11:
0x65e: {  	_ =	sfence.sel $0x180000  }
0x65f: {  	[bflag:$0x0] =	sbarrier.arrive $0xFFFF  }
0x660: {  	_ =	strace $0x90000047  }
0x661: {  	s0 =	stileid.u32;
	[bflag:$0x2] =	sbarrier.arrive $0xFFFF  }
0x662: {  	p0 =	sne.s32 s0, $0x0;
	s0 =	rddreg [dreg:$0x3]  }
0x663: {  	s0 =	sadd.s32 @!p0 $0x100000, s0  }
0x664: {  	[sflag:s0] =	ssyncadd.tile.s32 @!p0 $0x1;
	_ =	shalt  }
.Lfunc_end2:
_tile_overlayer_lowered:
.L_overlay_start_2:
0x665: {  	(tag) =	ssettag $0x2  }
0x666: {  	s0 =	rddreg [dreg:$0x0];
	s2 =	stileid.u32  }
0x667: {  	s1 =	rddreg [dreg:$0x1];
	p0 =	sne.s32 s2, $0x0  }
0x668: {  	s3 =	rddreg [dreg:$0x2];
	[bflag:$0x3] =	sbarrier.arrive $0xFFFF;
	s2 =	simm.s32 @!p0 $0x1C0B  }
0x669: {  	[timem:s3], [sflag:s2] =	dma.local @!p0 [hbm:s0], s1  }
0x66a: {  	s0 =	simm.s32 @!p0 $0xB  }
0x66b: {  	_ =	swait.ge @!p0 [sflag:s0], s1  }
0x66c: {  	s1 =	ssub.s32 @!p0 $0x0, s1;
	[sflag:s0] =	ssyncset.done @!p0 $0x0  }
0x66d: {  	[sflag:s0] =	ssyncadd.s32 @!p0 s1  }
0x66e: {  	[bflag:$0x3] =	sbarrier.arrive $0xFFFF  }
0x66f: {  	_ =	shalt  }

</sc_bundles>
